<compile_context>
chip_gen: v7x
topology: tpu7x:2x2x1
jax: 0.10.2.dev20260603
libtpu: 0.0.44.dev20260713+nightly
codegen_flags: <defaults>
</compile_context>

<pallas_src>
import jax
import jax.numpy as jnp
from jax import lax
from jax.experimental import pallas as pl
from jax.experimental.pallas import tpu as pltpu
from jax.experimental.pallas import tpu_sc as plsc

_N_NODES = 100000
_N_EDGES = 6400000
_STEPS = 3

_NC = 2
_NS = 16
_NW = _NC * _NS

_NP = 102400
_NPW = _NP // _NW

_CH = 1024
_EW = 200704
_EP = _EW * _NW
_NCH = _EW // _CH
_NB = 4


def _scatter_body(p_hbm, src_hbm, dst_hbm, probs_hbm, out_hbm,
                  srcb0, srcb1, srcb2, srcb3, dstb0, dstb1, dstb2, dstb3,
                  pb0, pb1, pb2, pb3, gb0, gb1, gb2, gb3, acc, p_sh,
                  lsem0, lsem1, lsem2, lsem3, gsem0, gsem1, gsem2, gsem3,
                  stsem):
  c = lax.axis_index("c")
  s = lax.axis_index("s")
  wid = s * _NC + c
  srcb = (srcb0, srcb1, srcb2, srcb3)
  dstb = (dstb0, dstb1, dstb2, dstb3)
  pb = (pb0, pb1, pb2, pb3)
  gb = (gb0, gb1, gb2, gb3)
  lsems = (lsem0, lsem1, lsem2, lsem3)
  gsems = (gsem0, gsem1, gsem2, gsem3)

  zero16 = jnp.zeros((16,), jnp.float32)

  def zloop(i, carry):
    acc[pl.ds(i * 16, 16)] = zero16
    return carry

  nps = _NP // _NS
  pltpu.async_copy(p_hbm.at[pl.ds(s * nps, nps)],
                   p_sh.at[pl.ds(s * nps, nps)], stsem)
  lax.fori_loop(0, _NP // 16, zloop, 0, unroll=8)
  pltpu.make_async_copy(p_hbm.at[pl.ds(0, nps)],
                        p_sh.at[pl.ds(0, nps)], stsem).wait()
  plsc.subcore_barrier()

  def issue_linear(ci, b):
    base = wid * _EW + ci * _CH
    pltpu.async_copy(src_hbm.at[pl.ds(base, _CH)], srcb[b], lsems[b])
    pltpu.async_copy(probs_hbm.at[pl.ds(base, _CH)], pb[b], lsems[b])
    pltpu.async_copy(dst_hbm.at[pl.ds(base, _CH)], dstb[b], lsems[b])

  def wait_linear(b):
    pltpu.make_async_copy(src_hbm.at[pl.ds(0, _CH)], srcb[b],
                          lsems[b]).wait()
    pltpu.make_async_copy(probs_hbm.at[pl.ds(0, _CH)], pb[b],
                          lsems[b]).wait()
    pltpu.make_async_copy(dst_hbm.at[pl.ds(0, _CH)], dstb[b],
                          lsems[b]).wait()

  def issue_gather(b):
    tab = p_sh
    pltpu.async_copy(tab.at[srcb[b]], gb[b], gsems[b])

  def wait_gather(b):
    tab = p_sh
    pltpu.make_async_copy(tab.at[srcb[b]], gb[b], gsems[b]).wait()

  def compute(b):
    def inner(j, icarry):
      sl = pl.ds(j * 16, 16)
      plsc.addupdate_scatter(acc, [dstb[b][sl]], gb[b][sl] * pb[b][sl])
      return icarry

    lax.fori_loop(0, _CH // 16, inner, 0, unroll=4)

  issue_linear(0, 0)
  issue_linear(1, 1)
  issue_linear(2, 2)
  wait_linear(0)
  issue_gather(0)

  def quad(k, carry):
    for b in range(_NB):
      ci = _NB * k + b

      @pl.when(ci + 3 < _NCH)
      def _():
        issue_linear(ci + 3, (b + 3) % _NB)

      @pl.when(ci + 1 < _NCH)
      def _():
        wait_linear((b + 1) % _NB)
        issue_gather((b + 1) % _NB)

      wait_gather(b)
      compute(b)
    return carry

  lax.fori_loop(0, _NCH // _NB, quad, 0)
  pltpu.sync_copy(acc, out_hbm.at[wid])


def _update_body(partials_hbm, cum_hbm, p_out, cum_out, fin_out,
                 rows, cumb, pbuf, finb):
  c = lax.axis_index("c")
  s = lax.axis_index("s")
  wid = s * _NC + c
  base = wid * _NPW

  pltpu.sync_copy(partials_hbm.at[:, pl.ds(base, _NPW)], rows)
  pltpu.sync_copy(cum_hbm.at[pl.ds(base, _NPW)], cumb)

  def red(j, carry):
    sl = pl.ds(j * 16, 16)
    d = rows[0, sl]
    for r in range(1, _NW):
      d = d + rows[r, sl]
    cm = cumb[sl]
    infl = jnp.exp(-d)
    pt = cm * (1.0 - infl)
    cn = cm * (1.0 - pt)
    pbuf[sl] = pt
    cumb[sl] = cn
    finb[sl] = 1.0 - cn
    return carry

  lax.fori_loop(0, _NPW // 16, red, 0)

  pltpu.sync_copy(pbuf, p_out.at[pl.ds(base, _NPW)])
  pltpu.sync_copy(cumb, cum_out.at[pl.ds(base, _NPW)])
  pltpu.sync_copy(finb, fin_out.at[pl.ds(base, _NPW)])


def _build_kernels():
  mesh = plsc.VectorSubcoreMesh(core_axis_name="c", subcore_axis_name="s")
  f32 = jnp.float32
  scatter = pl.kernel(
      _scatter_body,
      out_type=jax.ShapeDtypeStruct((_NW, _NP), f32),
      mesh=mesh,
      scratch_types=(
          [pltpu.VMEM((_CH,), jnp.int32)] * (2 * _NB)
          + [pltpu.VMEM((_CH,), f32)] * (2 * _NB)
          + [pltpu.VMEM((_NP,), f32)]
          + [pltpu.VMEM_SHARED((_NP,), f32)]
          + [pltpu.SemaphoreType.DMA] * 9
      ),
      compiler_params=pltpu.CompilerParams(needs_layout_passes=False),
      name="icapprox_scatter",
  )
  update = pl.kernel(
      _update_body,
      out_type=(
          jax.ShapeDtypeStruct((_NP,), f32),
          jax.ShapeDtypeStruct((_NP,), f32),
          jax.ShapeDtypeStruct((_NP,), f32),
      ),
      mesh=mesh,
      scratch_types=[
          pltpu.VMEM((_NW, _NPW), f32),
          pltpu.VMEM((_NPW,), f32),
          pltpu.VMEM((_NPW,), f32),
          pltpu.VMEM((_NPW,), f32),
      ],
      name="icapprox_update",
  )
  return scatter, update


def kernel(prior_probs, edge_index, edge_probs):
  pad_e = _EP - _N_EDGES
  src = jnp.pad(edge_index[0], (0, pad_e))
  dst = jnp.pad(edge_index[1], (0, pad_e))
  probs = jnp.pad(edge_probs, (0, pad_e))
  p = jnp.pad(prior_probs, (0, _NP - _N_NODES))
  cum = 1.0 - p
  scatter, update = _build_kernels()
  fin = None
  for _ in range(_STEPS):
    partials = scatter(p, src, dst, probs)
    p, cum, fin = update(partials, cum)
  return fin[:_N_NODES].reshape(-1, 1)

# --- scband reference (transcript-rebuilt; emitter-appended) ---
"""Pipeline reference for scband-icapprox-layer-1176821039626 (READ-ONLY COPY).

The authoritative reference and input builder live on the scoring server;
editing this copy changes nothing except your own understanding.
"""

import jax, jax.numpy as jnp
import numpy as np

NUM_STEPS = 3
NUM_NODES = 100000
NUM_EDGES = 6400000


def setup_inputs(seed: int = 0) -> dict:
    key = jax.random.key(seed)
    k1, k2, k3 = jax.random.split(key, 3)
    prior_probs = jax.random.uniform(k1, (NUM_NODES,), dtype=jnp.float32)
    edge_index = jax.random.randint(k2, (2, NUM_EDGES), 0, NUM_NODES, dtype=jnp.int32)
    edge_probs = jax.random.uniform(k3, (NUM_EDGES,), dtype=jnp.float32)
    return {"prior_probs": prior_probs, "edge_index": edge_index, "edge_probs": edge_probs}


def reference(prior_probs, edge_index, edge_probs):
    # A is a sparse matrix with A[dst, src] = edge_probs (duplicates summed by coalesce);
    # torch.sparse.mm(A, p) == segment_sum(edge_probs * p[src], dst).
    src = edge_index[0]
    dst = edge_index[1]
    # P[0] = prior_probs; cumprod tracks prod_{s<=t}(1 - P[s])
    P_prev = prior_probs
    cumprod = 1.0 - prior_probs
    for t in range(NUM_STEPS):
        gathered = edge_probs * jnp.take(P_prev, src, axis=0)
        delta = jax.ops.segment_sum(gathered, dst, num_segments=NUM_NODES)
        influence_term = jnp.exp(-delta)
        P_t = cumprod * (1.0 - influence_term)
        cumprod = cumprod * (1.0 - P_t)
        P_prev = P_t
    final_probs = 1.0 - cumprod
    return final_probs.reshape(-1, 1)

if __name__ == "__main__":
    import jax
    _d = setup_inputs()
    print(jax.jit(kernel)(*tuple(_d.values())))

</pallas_src>

<mosaic_0001>
#map = affine_map<(d0, d1) -> (0, 0)>
#map1 = affine_map<(d0, d1) -> (0)>
module attributes {stable_mosaic.version = 14 : i64} {
  func.func @icapprox_update(%arg0: i32, %arg1: i32, %arg2: memref<32x102400xf32, #tpu.memory_space<hbm>>, %arg3: memref<102400xf32, #tpu.memory_space<hbm>>, %arg4: memref<102400xf32, #tpu.memory_space<hbm>>, %arg5: memref<102400xf32, #tpu.memory_space<hbm>>, %arg6: memref<102400xf32, #tpu.memory_space<hbm>>, %arg7: memref<32x3200xf32, #tpu.memory_space<vmem>>, %arg8: memref<3200xf32, #tpu.memory_space<vmem>>, %arg9: memref<3200xf32, #tpu.memory_space<vmem>>, %arg10: memref<3200xf32, #tpu.memory_space<vmem>>) attributes {dimension_semantics = [#tpu.dimension_semantics<core_parallel>, #tpu.dimension_semantics<subcore_parallel>], iteration_bounds = array<i64: 2, 16>, scalar_prefetch = 0 : i64, scratch_operands = 4 : i64, tpu.core_type = #tpu.core_type<sc_vector_subcore>, window_params = [{transform_indices = #map}, {transform_indices = #map1}, {transform_indices = #map1}, {transform_indices = #map1}, {transform_indices = #map1}]} {
    %mul3A = arith.constant 2 : i32
    %mul3A_0 = arith.muli %arg1, %mul3A : i32
    %add3A = arith.addi %mul3A_0, %arg0 : i32
    %mul3A_1 = arith.constant 3200 : i32
    %mul3A_2 = arith.muli %add3A, %mul3A_1 : i32
    "tpu.region"() ({
      %run_scoped3A = tpu.sem_alloc : memref<!tpu.dma_semaphore, #tpu.memory_space<semaphore_mem>>
      %dma_start3A = arith.constant 0 : i32
      %dma_start3A_8 = tpu.memref_slice %arg2[%dma_start3A, %mul3A_2] : memref<32x102400xf32, #tpu.memory_space<hbm>> -> memref<32x3200xf32, #tpu.memory_space<hbm>>
      %dma_start3A_9 = arith.constant 0 : i32
      %dma_start3A_10 = tpu.memref_slice %arg2[%dma_start3A_9, %mul3A_2] : memref<32x102400xf32, #tpu.memory_space<hbm>> -> memref<32x3200xf32, #tpu.memory_space<hbm>>
      tpu.enqueue_dma source(%dma_start3A_10 : memref<32x3200xf32, #tpu.memory_space<hbm>>) target(%arg7 : memref<32x3200xf32, #tpu.memory_space<vmem>>) target_semaphore(%run_scoped3A : memref<!tpu.dma_semaphore, #tpu.memory_space<semaphore_mem>>)
      %dma_wait3A = arith.constant 0 : i32
      %dma_wait3A_11 = tpu.memref_slice %arg2[%dma_wait3A, %mul3A_2] : memref<32x102400xf32, #tpu.memory_space<hbm>> -> memref<32x3200xf32, #tpu.memory_space<hbm>>
      %dma_wait3A_12 = arith.constant 0 : i32
      %dma_wait3A_13 = tpu.memref_slice %arg2[%dma_wait3A_12, %mul3A_2] : memref<32x102400xf32, #tpu.memory_space<hbm>> -> memref<32x3200xf32, #tpu.memory_space<hbm>>
      tpu.wait_dma2 semaphore(%run_scoped3A : memref<!tpu.dma_semaphore, #tpu.memory_space<semaphore_mem>>) src(%dma_wait3A_13 : memref<32x3200xf32, #tpu.memory_space<hbm>>) dst(%arg7 : memref<32x3200xf32, #tpu.memory_space<vmem>>)
      tpu.yield
    }) : () -> ()
    "tpu.region"() ({
      %run_scoped3A = tpu.sem_alloc : memref<!tpu.dma_semaphore, #tpu.memory_space<semaphore_mem>>
      %dma_start3A = tpu.memref_slice %arg3[%mul3A_2] : memref<102400xf32, #tpu.memory_space<hbm>> -> memref<3200xf32, #tpu.memory_space<hbm>>
      %dma_start3A_8 = tpu.memref_slice %arg3[%mul3A_2] : memref<102400xf32, #tpu.memory_space<hbm>> -> memref<3200xf32, #tpu.memory_space<hbm>>
      tpu.enqueue_dma source(%dma_start3A_8 : memref<3200xf32, #tpu.memory_space<hbm>>) target(%arg8 : memref<3200xf32, #tpu.memory_space<vmem>>) target_semaphore(%run_scoped3A : memref<!tpu.dma_semaphore, #tpu.memory_space<semaphore_mem>>)
      %dma_wait3A = tpu.memref_slice %arg3[%mul3A_2] : memref<102400xf32, #tpu.memory_space<hbm>> -> memref<3200xf32, #tpu.memory_space<hbm>>
      %dma_wait3A_9 = tpu.memref_slice %arg3[%mul3A_2] : memref<102400xf32, #tpu.memory_space<hbm>> -> memref<3200xf32, #tpu.memory_space<hbm>>
      tpu.wait_dma2 semaphore(%run_scoped3A : memref<!tpu.dma_semaphore, #tpu.memory_space<semaphore_mem>>) src(%dma_wait3A_9 : memref<3200xf32, #tpu.memory_space<hbm>>) dst(%arg8 : memref<3200xf32, #tpu.memory_space<vmem>>)
      tpu.yield
    }) : () -> ()
    %scan3A = arith.constant 0 : i32
    %scan3A_3 = arith.constant 0 : i32
    %scan3A_4 = arith.constant 200 : i32
    %scan3A_5 = arith.addi %scan3A_3, %scan3A_4 : i32
    %scan3A_6 = arith.constant 1 : i32
    scf.for %scan3A_8 = %scan3A_3 to %scan3A_5 step %scan3A_6  : i32 {
      %mul3A_9 = arith.constant 16 : i32
      %mul3A_10 = arith.muli %scan3A_8, %mul3A_9 : i32
      %get3A = arith.constant 0 : i32
      %get3A_11 = arith.index_cast %get3A : i32 to index
      %get3A_12 = arith.index_cast %mul3A_10 : i32 to index
      %get3A_13 = tpu.vector_load %arg7[%get3A_11, %get3A_12] {strides = array<i32>} : memref<32x3200xf32, #tpu.memory_space<vmem>>, vector<1x16xf32>,
      %get3A_14 = vector.shape_cast %get3A_13 : vector<1x16xf32> to vector<16xf32>
      %get3A_15 = arith.constant 1 : i32
      %get3A_16 = arith.index_cast %get3A_15 : i32 to index
      %get3A_17 = arith.index_cast %mul3A_10 : i32 to index
      %get3A_18 = tpu.vector_load %arg7[%get3A_16, %get3A_17] {strides = array<i32>} : memref<32x3200xf32, #tpu.memory_space<vmem>>, vector<1x16xf32>,
      %get3A_19 = vector.shape_cast %get3A_18 : vector<1x16xf32> to vector<16xf32>
      %add3A_20 = arith.addf %get3A_14, %get3A_19 : vector<16xf32>
      %get3A_21 = arith.constant 2 : i32
      %get3A_22 = arith.index_cast %get3A_21 : i32 to index
      %get3A_23 = arith.index_cast %mul3A_10 : i32 to index
      %get3A_24 = tpu.vector_load %arg7[%get3A_22, %get3A_23] {strides = array<i32>} : memref<32x3200xf32, #tpu.memory_space<vmem>>, vector<1x16xf32>,
      %get3A_25 = vector.shape_cast %get3A_24 : vector<1x16xf32> to vector<16xf32>
      %add3A_26 = arith.addf %add3A_20, %get3A_25 : vector<16xf32>
      %get3A_27 = arith.constant 3 : i32
      %get3A_28 = arith.index_cast %get3A_27 : i32 to index
      %get3A_29 = arith.index_cast %mul3A_10 : i32 to index
      %get3A_30 = tpu.vector_load %arg7[%get3A_28, %get3A_29] {strides = array<i32>} : memref<32x3200xf32, #tpu.memory_space<vmem>>, vector<1x16xf32>,
      %get3A_31 = vector.shape_cast %get3A_30 : vector<1x16xf32> to vector<16xf32>
      %add3A_32 = arith.addf %add3A_26, %get3A_31 : vector<16xf32>
      %get3A_33 = arith.constant 4 : i32
      %get3A_34 = arith.index_cast %get3A_33 : i32 to index
      %get3A_35 = arith.index_cast %mul3A_10 : i32 to index
      %get3A_36 = tpu.vector_load %arg7[%get3A_34, %get3A_35] {strides = array<i32>} : memref<32x3200xf32, #tpu.memory_space<vmem>>, vector<1x16xf32>,
      %get3A_37 = vector.shape_cast %get3A_36 : vector<1x16xf32> to vector<16xf32>
      %add3A_38 = arith.addf %add3A_32, %get3A_37 : vector<16xf32>
      %get3A_39 = arith.constant 5 : i32
      %get3A_40 = arith.index_cast %get3A_39 : i32 to index
      %get3A_41 = arith.index_cast %mul3A_10 : i32 to index
      %get3A_42 = tpu.vector_load %arg7[%get3A_40, %get3A_41] {strides = array<i32>} : memref<32x3200xf32, #tpu.memory_space<vmem>>, vector<1x16xf32>,
      %get3A_43 = vector.shape_cast %get3A_42 : vector<1x16xf32> to vector<16xf32>
      %add3A_44 = arith.addf %add3A_38, %get3A_43 : vector<16xf32>
      %get3A_45 = arith.constant 6 : i32
      %get3A_46 = arith.index_cast %get3A_45 : i32 to index
      %get3A_47 = arith.index_cast %mul3A_10 : i32 to index
      %get3A_48 = tpu.vector_load %arg7[%get3A_46, %get3A_47] {strides = array<i32>} : memref<32x3200xf32, #tpu.memory_space<vmem>>, vector<1x16xf32>,
      %get3A_49 = vector.shape_cast %get3A_48 : vector<1x16xf32> to vector<16xf32>
      %add3A_50 = arith.addf %add3A_44, %get3A_49 : vector<16xf32>
      %get3A_51 = arith.constant 7 : i32
      %get3A_52 = arith.index_cast %get3A_51 : i32 to index
      %get3A_53 = arith.index_cast %mul3A_10 : i32 to index
      %get3A_54 = tpu.vector_load %arg7[%get3A_52, %get3A_53] {strides = array<i32>} : memref<32x3200xf32, #tpu.memory_space<vmem>>, vector<1x16xf32>,
      %get3A_55 = vector.shape_cast %get3A_54 : vector<1x16xf32> to vector<16xf32>
      %add3A_56 = arith.addf %add3A_50, %get3A_55 : vector<16xf32>
      %get3A_57 = arith.constant 8 : i32
      %get3A_58 = arith.index_cast %get3A_57 : i32 to index
      %get3A_59 = arith.index_cast %mul3A_10 : i32 to index
      %get3A_60 = tpu.vector_load %arg7[%get3A_58, %get3A_59] {strides = array<i32>} : memref<32x3200xf32, #tpu.memory_space<vmem>>, vector<1x16xf32>,
      %get3A_61 = vector.shape_cast %get3A_60 : vector<1x16xf32> to vector<16xf32>
      %add3A_62 = arith.addf %add3A_56, %get3A_61 : vector<16xf32>
      %get3A_63 = arith.constant 9 : i32
      %get3A_64 = arith.index_cast %get3A_63 : i32 to index
      %get3A_65 = arith.index_cast %mul3A_10 : i32 to index
      %get3A_66 = tpu.vector_load %arg7[%get3A_64, %get3A_65] {strides = array<i32>} : memref<32x3200xf32, #tpu.memory_space<vmem>>, vector<1x16xf32>,
      %get3A_67 = vector.shape_cast %get3A_66 : vector<1x16xf32> to vector<16xf32>
      %add3A_68 = arith.addf %add3A_62, %get3A_67 : vector<16xf32>
      %get3A_69 = arith.constant 10 : i32
      %get3A_70 = arith.index_cast %get3A_69 : i32 to index
      %get3A_71 = arith.index_cast %mul3A_10 : i32 to index
      %get3A_72 = tpu.vector_load %arg7[%get3A_70, %get3A_71] {strides = array<i32>} : memref<32x3200xf32, #tpu.memory_space<vmem>>, vector<1x16xf32>,
      %get3A_73 = vector.shape_cast %get3A_72 : vector<1x16xf32> to vector<16xf32>
      %add3A_74 = arith.addf %add3A_68, %get3A_73 : vector<16xf32>
      %get3A_75 = arith.constant 11 : i32
      %get3A_76 = arith.index_cast %get3A_75 : i32 to index
      %get3A_77 = arith.index_cast %mul3A_10 : i32 to index
      %get3A_78 = tpu.vector_load %arg7[%get3A_76, %get3A_77] {strides = array<i32>} : memref<32x3200xf32, #tpu.memory_space<vmem>>, vector<1x16xf32>,
      %get3A_79 = vector.shape_cast %get3A_78 : vector<1x16xf32> to vector<16xf32>
      %add3A_80 = arith.addf %add3A_74, %get3A_79 : vector<16xf32>
      %get3A_81 = arith.constant 12 : i32
      %get3A_82 = arith.index_cast %get3A_81 : i32 to index
      %get3A_83 = arith.index_cast %mul3A_10 : i32 to index
      %get3A_84 = tpu.vector_load %arg7[%get3A_82, %get3A_83] {strides = array<i32>} : memref<32x3200xf32, #tpu.memory_space<vmem>>, vector<1x16xf32>,
      %get3A_85 = vector.shape_cast %get3A_84 : vector<1x16xf32> to vector<16xf32>
      %add3A_86 = arith.addf %add3A_80, %get3A_85 : vector<16xf32>
      %get3A_87 = arith.constant 13 : i32
      %get3A_88 = arith.index_cast %get3A_87 : i32 to index
      %get3A_89 = arith.index_cast %mul3A_10 : i32 to index
      %get3A_90 = tpu.vector_load %arg7[%get3A_88, %get3A_89] {strides = array<i32>} : memref<32x3200xf32, #tpu.memory_space<vmem>>, vector<1x16xf32>,
      %get3A_91 = vector.shape_cast %get3A_90 : vector<1x16xf32> to vector<16xf32>
      %add3A_92 = arith.addf %add3A_86, %get3A_91 : vector<16xf32>
      %get3A_93 = arith.constant 14 : i32
      %get3A_94 = arith.index_cast %get3A_93 : i32 to index
      %get3A_95 = arith.index_cast %mul3A_10 : i32 to index
      %get3A_96 = tpu.vector_load %arg7[%get3A_94, %get3A_95] {strides = array<i32>} : memref<32x3200xf32, #tpu.memory_space<vmem>>, vector<1x16xf32>,
      %get3A_97 = vector.shape_cast %get3A_96 : vector<1x16xf32> to vector<16xf32>
      %add3A_98 = arith.addf %add3A_92, %get3A_97 : vector<16xf32>
      %get3A_99 = arith.constant 15 : i32
      %get3A_100 = arith.index_cast %get3A_99 : i32 to index
      %get3A_101 = arith.index_cast %mul3A_10 : i32 to index
      %get3A_102 = tpu.vector_load %arg7[%get3A_100, %get3A_101] {strides = array<i32>} : memref<32x3200xf32, #tpu.memory_space<vmem>>, vector<1x16xf32>,
      %get3A_103 = vector.shape_cast %get3A_102 : vector<1x16xf32> to vector<16xf32>
      %add3A_104 = arith.addf %add3A_98, %get3A_103 : vector<16xf32>
      %get3A_105 = arith.constant 16 : i32
      %get3A_106 = arith.index_cast %get3A_105 : i32 to index
      %get3A_107 = arith.index_cast %mul3A_10 : i32 to index
      %get3A_108 = tpu.vector_load %arg7[%get3A_106, %get3A_107] {strides = array<i32>} : memref<32x3200xf32, #tpu.memory_space<vmem>>, vector<1x16xf32>,
      %get3A_109 = vector.shape_cast %get3A_108 : vector<1x16xf32> to vector<16xf32>
      %add3A_110 = arith.addf %add3A_104, %get3A_109 : vector<16xf32>
      %get3A_111 = arith.constant 17 : i32
      %get3A_112 = arith.index_cast %get3A_111 : i32 to index
      %get3A_113 = arith.index_cast %mul3A_10 : i32 to index
      %get3A_114 = tpu.vector_load %arg7[%get3A_112, %get3A_113] {strides = array<i32>} : memref<32x3200xf32, #tpu.memory_space<vmem>>, vector<1x16xf32>,
      %get3A_115 = vector.shape_cast %get3A_114 : vector<1x16xf32> to vector<16xf32>
      %add3A_116 = arith.addf %add3A_110, %get3A_115 : vector<16xf32>
      %get3A_117 = arith.constant 18 : i32
      %get3A_118 = arith.index_cast %get3A_117 : i32 to index
      %get3A_119 = arith.index_cast %mul3A_10 : i32 to index
      %get3A_120 = tpu.vector_load %arg7[%get3A_118, %get3A_119] {strides = array<i32>} : memref<32x3200xf32, #tpu.memory_space<vmem>>, vector<1x16xf32>,
      %get3A_121 = vector.shape_cast %get3A_120 : vector<1x16xf32> to vector<16xf32>
      %add3A_122 = arith.addf %add3A_116, %get3A_121 : vector<16xf32>
      %get3A_123 = arith.constant 19 : i32
      %get3A_124 = arith.index_cast %get3A_123 : i32 to index
      %get3A_125 = arith.index_cast %mul3A_10 : i32 to index
      %get3A_126 = tpu.vector_load %arg7[%get3A_124, %get3A_125] {strides = array<i32>} : memref<32x3200xf32, #tpu.memory_space<vmem>>, vector<1x16xf32>,
      %get3A_127 = vector.shape_cast %get3A_126 : vector<1x16xf32> to vector<16xf32>
      %add3A_128 = arith.addf %add3A_122, %get3A_127 : vector<16xf32>
      %get3A_129 = arith.constant 20 : i32
      %get3A_130 = arith.index_cast %get3A_129 : i32 to index
      %get3A_131 = arith.index_cast %mul3A_10 : i32 to index
      %get3A_132 = tpu.vector_load %arg7[%get3A_130, %get3A_131] {strides = array<i32>} : memref<32x3200xf32, #tpu.memory_space<vmem>>, vector<1x16xf32>,
      %get3A_133 = vector.shape_cast %get3A_132 : vector<1x16xf32> to vector<16xf32>
      %add3A_134 = arith.addf %add3A_128, %get3A_133 : vector<16xf32>
      %get3A_135 = arith.constant 21 : i32
      %get3A_136 = arith.index_cast %get3A_135 : i32 to index
      %get3A_137 = arith.index_cast %mul3A_10 : i32 to index
      %get3A_138 = tpu.vector_load %arg7[%get3A_136, %get3A_137] {strides = array<i32>} : memref<32x3200xf32, #tpu.memory_space<vmem>>, vector<1x16xf32>,
      %get3A_139 = vector.shape_cast %get3A_138 : vector<1x16xf32> to vector<16xf32>
      %add3A_140 = arith.addf %add3A_134, %get3A_139 : vector<16xf32>
      %get3A_141 = arith.constant 22 : i32
      %get3A_142 = arith.index_cast %get3A_141 : i32 to index
      %get3A_143 = arith.index_cast %mul3A_10 : i32 to index
      %get3A_144 = tpu.vector_load %arg7[%get3A_142, %get3A_143] {strides = array<i32>} : memref<32x3200xf32, #tpu.memory_space<vmem>>, vector<1x16xf32>,
      %get3A_145 = vector.shape_cast %get3A_144 : vector<1x16xf32> to vector<16xf32>
      %add3A_146 = arith.addf %add3A_140, %get3A_145 : vector<16xf32>
      %get3A_147 = arith.constant 23 : i32
      %get3A_148 = arith.index_cast %get3A_147 : i32 to index
      %get3A_149 = arith.index_cast %mul3A_10 : i32 to index
      %get3A_150 = tpu.vector_load %arg7[%get3A_148, %get3A_149] {strides = array<i32>} : memref<32x3200xf32, #tpu.memory_space<vmem>>, vector<1x16xf32>,
      %get3A_151 = vector.shape_cast %get3A_150 : vector<1x16xf32> to vector<16xf32>
      %add3A_152 = arith.addf %add3A_146, %get3A_151 : vector<16xf32>
      %get3A_153 = arith.constant 24 : i32
      %get3A_154 = arith.index_cast %get3A_153 : i32 to index
      %get3A_155 = arith.index_cast %mul3A_10 : i32 to index
      %get3A_156 = tpu.vector_load %arg7[%get3A_154, %get3A_155] {strides = array<i32>} : memref<32x3200xf32, #tpu.memory_space<vmem>>, vector<1x16xf32>,
      %get3A_157 = vector.shape_cast %get3A_156 : vector<1x16xf32> to vector<16xf32>
      %add3A_158 = arith.addf %add3A_152, %get3A_157 : vector<16xf32>
      %get3A_159 = arith.constant 25 : i32
      %get3A_160 = arith.index_cast %get3A_159 : i32 to index
      %get3A_161 = arith.index_cast %mul3A_10 : i32 to index
      %get3A_162 = tpu.vector_load %arg7[%get3A_160, %get3A_161] {strides = array<i32>} : memref<32x3200xf32, #tpu.memory_space<vmem>>, vector<1x16xf32>,
      %get3A_163 = vector.shape_cast %get3A_162 : vector<1x16xf32> to vector<16xf32>
      %add3A_164 = arith.addf %add3A_158, %get3A_163 : vector<16xf32>
      %get3A_165 = arith.constant 26 : i32
      %get3A_166 = arith.index_cast %get3A_165 : i32 to index
      %get3A_167 = arith.index_cast %mul3A_10 : i32 to index
      %get3A_168 = tpu.vector_load %arg7[%get3A_166, %get3A_167] {strides = array<i32>} : memref<32x3200xf32, #tpu.memory_space<vmem>>, vector<1x16xf32>,
      %get3A_169 = vector.shape_cast %get3A_168 : vector<1x16xf32> to vector<16xf32>
      %add3A_170 = arith.addf %add3A_164, %get3A_169 : vector<16xf32>
      %get3A_171 = arith.constant 27 : i32
      %get3A_172 = arith.index_cast %get3A_171 : i32 to index
      %get3A_173 = arith.index_cast %mul3A_10 : i32 to index
      %get3A_174 = tpu.vector_load %arg7[%get3A_172, %get3A_173] {strides = array<i32>} : memref<32x3200xf32, #tpu.memory_space<vmem>>, vector<1x16xf32>,
      %get3A_175 = vector.shape_cast %get3A_174 : vector<1x16xf32> to vector<16xf32>
      %add3A_176 = arith.addf %add3A_170, %get3A_175 : vector<16xf32>
      %get3A_177 = arith.constant 28 : i32
      %get3A_178 = arith.index_cast %get3A_177 : i32 to index
      %get3A_179 = arith.index_cast %mul3A_10 : i32 to index
      %get3A_180 = tpu.vector_load %arg7[%get3A_178, %get3A_179] {strides = array<i32>} : memref<32x3200xf32, #tpu.memory_space<vmem>>, vector<1x16xf32>,
      %get3A_181 = vector.shape_cast %get3A_180 : vector<1x16xf32> to vector<16xf32>
      %add3A_182 = arith.addf %add3A_176, %get3A_181 : vector<16xf32>
      %get3A_183 = arith.constant 29 : i32
      %get3A_184 = arith.index_cast %get3A_183 : i32 to index
      %get3A_185 = arith.index_cast %mul3A_10 : i32 to index
      %get3A_186 = tpu.vector_load %arg7[%get3A_184, %get3A_185] {strides = array<i32>} : memref<32x3200xf32, #tpu.memory_space<vmem>>, vector<1x16xf32>,
      %get3A_187 = vector.shape_cast %get3A_186 : vector<1x16xf32> to vector<16xf32>
      %add3A_188 = arith.addf %add3A_182, %get3A_187 : vector<16xf32>
      %get3A_189 = arith.constant 30 : i32
      %get3A_190 = arith.index_cast %get3A_189 : i32 to index
      %get3A_191 = arith.index_cast %mul3A_10 : i32 to index
      %get3A_192 = tpu.vector_load %arg7[%get3A_190, %get3A_191] {strides = array<i32>} : memref<32x3200xf32, #tpu.memory_space<vmem>>, vector<1x16xf32>,
      %get3A_193 = vector.shape_cast %get3A_192 : vector<1x16xf32> to vector<16xf32>
      %add3A_194 = arith.addf %add3A_188, %get3A_193 : vector<16xf32>
      %get3A_195 = arith.constant 31 : i32
      %get3A_196 = arith.index_cast %get3A_195 : i32 to index
      %get3A_197 = arith.index_cast %mul3A_10 : i32 to index
      %get3A_198 = tpu.vector_load %arg7[%get3A_196, %get3A_197] {strides = array<i32>} : memref<32x3200xf32, #tpu.memory_space<vmem>>, vector<1x16xf32>,
      %get3A_199 = vector.shape_cast %get3A_198 : vector<1x16xf32> to vector<16xf32>
      %add3A_200 = arith.addf %add3A_194, %get3A_199 : vector<16xf32>
      %get3A_201 = arith.index_cast %mul3A_10 : i32 to index
      %get3A_202 = tpu.vector_load %arg8[%get3A_201] {strides = array<i32>} : memref<3200xf32, #tpu.memory_space<vmem>>, vector<16xf32>,
      %get3A_203 = vector.shape_cast %get3A_202 : vector<16xf32> to vector<16xf32>
      %neg3A = arith.constant 0.000000e+00 : f32
      %neg3A_204 = vector.broadcast %neg3A : f32 to vector<16xf32>
      %neg3A_205 = arith.subf %neg3A_204, %add3A_200 : vector<16xf32>
      %exp3A = math.exp %neg3A_205 : vector<16xf32>
      %sub3A = arith.constant 1.000000e+00 : f32
      %sub3A_206 = vector.broadcast %sub3A : f32 to vector<16xf32>
      %sub3A_207 = arith.subf %sub3A_206, %exp3A : vector<16xf32>
      %mul3A_208 = arith.mulf %get3A_203, %sub3A_207 : vector<16xf32>
      %sub3A_209 = arith.constant 1.000000e+00 : f32
      %sub3A_210 = vector.broadcast %sub3A_209 : f32 to vector<16xf32>
      %sub3A_211 = arith.subf %sub3A_210, %mul3A_208 : vector<16xf32>
      %mul3A_212 = arith.mulf %get3A_203, %sub3A_211 : vector<16xf32>
      %swap3A = arith.index_cast %mul3A_10 : i32 to index
      %swap3A_213 = tpu.vector_load %arg9[%swap3A] {strides = array<i32>} : memref<3200xf32, #tpu.memory_space<vmem>>, vector<16xf32>,
      %swap3A_214 = vector.shape_cast %swap3A_213 : vector<16xf32> to vector<16xf32>
      %swap3A_215 = vector.shape_cast %mul3A_208 : vector<16xf32> to vector<16xf32>
      tpu.vector_store %arg9[%swap3A], %swap3A_215 {strides = array<i32>} : memref<3200xf32, #tpu.memory_space<vmem>>, vector<16xf32>,
      %swap3A_216 = arith.index_cast %mul3A_10 : i32 to index
      %swap3A_217 = tpu.vector_load %arg8[%swap3A_216] {strides = array<i32>} : memref<3200xf32, #tpu.memory_space<vmem>>, vector<16xf32>,
      %swap3A_218 = vector.shape_cast %swap3A_217 : vector<16xf32> to vector<16xf32>
      %swap3A_219 = vector.shape_cast %mul3A_212 : vector<16xf32> to vector<16xf32>
      tpu.vector_store %arg8[%swap3A_216], %swap3A_219 {strides = array<i32>} : memref<3200xf32, #tpu.memory_space<vmem>>, vector<16xf32>,
      %sub3A_220 = arith.constant 1.000000e+00 : f32
      %sub3A_221 = vector.broadcast %sub3A_220 : f32 to vector<16xf32>
      %sub3A_222 = arith.subf %sub3A_221, %mul3A_212 : vector<16xf32>
      %swap3A_223 = arith.index_cast %mul3A_10 : i32 to index
      %swap3A_224 = tpu.vector_load %arg10[%swap3A_223] {strides = array<i32>} : memref<3200xf32, #tpu.memory_space<vmem>>, vector<16xf32>,
      %swap3A_225 = vector.shape_cast %swap3A_224 : vector<16xf32> to vector<16xf32>
      %swap3A_226 = vector.shape_cast %sub3A_222 : vector<16xf32> to vector<16xf32>
      tpu.vector_store %arg10[%swap3A_223], %swap3A_226 {strides = array<i32>} : memref<3200xf32, #tpu.memory_space<vmem>>, vector<16xf32>,
    }
    %scan3A_7 = arith.constant 200 : i32
    "tpu.region"() ({
      %run_scoped3A = tpu.sem_alloc : memref<!tpu.dma_semaphore, #tpu.memory_space<semaphore_mem>>
      %dma_start3A = tpu.memref_slice %arg4[%mul3A_2] : memref<102400xf32, #tpu.memory_space<hbm>> -> memref<3200xf32, #tpu.memory_space<hbm>>
      %dma_start3A_8 = tpu.memref_slice %arg4[%mul3A_2] : memref<102400xf32, #tpu.memory_space<hbm>> -> memref<3200xf32, #tpu.memory_space<hbm>>
      tpu.enqueue_dma source(%arg9 : memref<3200xf32, #tpu.memory_space<vmem>>) target(%dma_start3A_8 : memref<3200xf32, #tpu.memory_space<hbm>>) target_semaphore(%run_scoped3A : memref<!tpu.dma_semaphore, #tpu.memory_space<semaphore_mem>>)
      %dma_wait3A = tpu.memref_slice %arg4[%mul3A_2] : memref<102400xf32, #tpu.memory_space<hbm>> -> memref<3200xf32, #tpu.memory_space<hbm>>
      %dma_wait3A_9 = tpu.memref_slice %arg4[%mul3A_2] : memref<102400xf32, #tpu.memory_space<hbm>> -> memref<3200xf32, #tpu.memory_space<hbm>>
      tpu.wait_dma2 semaphore(%run_scoped3A : memref<!tpu.dma_semaphore, #tpu.memory_space<semaphore_mem>>) src(%arg9 : memref<3200xf32, #tpu.memory_space<vmem>>) dst(%dma_wait3A_9 : memref<3200xf32, #tpu.memory_space<hbm>>)
      tpu.yield
    }) : () -> ()
    "tpu.region"() ({
      %run_scoped3A = tpu.sem_alloc : memref<!tpu.dma_semaphore, #tpu.memory_space<semaphore_mem>>
      %dma_start3A = tpu.memref_slice %arg5[%mul3A_2] : memref<102400xf32, #tpu.memory_space<hbm>> -> memref<3200xf32, #tpu.memory_space<hbm>>
      %dma_start3A_8 = tpu.memref_slice %arg5[%mul3A_2] : memref<102400xf32, #tpu.memory_space<hbm>> -> memref<3200xf32, #tpu.memory_space<hbm>>
      tpu.enqueue_dma source(%arg8 : memref<3200xf32, #tpu.memory_space<vmem>>) target(%dma_start3A_8 : memref<3200xf32, #tpu.memory_space<hbm>>) target_semaphore(%run_scoped3A : memref<!tpu.dma_semaphore, #tpu.memory_space<semaphore_mem>>)
      %dma_wait3A = tpu.memref_slice %arg5[%mul3A_2] : memref<102400xf32, #tpu.memory_space<hbm>> -> memref<3200xf32, #tpu.memory_space<hbm>>
      %dma_wait3A_9 = tpu.memref_slice %arg5[%mul3A_2] : memref<102400xf32, #tpu.memory_space<hbm>> -> memref<3200xf32, #tpu.memory_space<hbm>>
      tpu.wait_dma2 semaphore(%run_scoped3A : memref<!tpu.dma_semaphore, #tpu.memory_space<semaphore_mem>>) src(%arg8 : memref<3200xf32, #tpu.memory_space<vmem>>) dst(%dma_wait3A_9 : memref<3200xf32, #tpu.memory_space<hbm>>)
      tpu.yield
    }) : () -> ()
    "tpu.region"() ({
      %run_scoped3A = tpu.sem_alloc : memref<!tpu.dma_semaphore, #tpu.memory_space<semaphore_mem>>
      %dma_start3A = tpu.memref_slice %arg6[%mul3A_2] : memref<102400xf32, #tpu.memory_space<hbm>> -> memref<3200xf32, #tpu.memory_space<hbm>>
      %dma_start3A_8 = tpu.memref_slice %arg6[%mul3A_2] : memref<102400xf32, #tpu.memory_space<hbm>> -> memref<3200xf32, #tpu.memory_space<hbm>>
      tpu.enqueue_dma source(%arg10 : memref<3200xf32, #tpu.memory_space<vmem>>) target(%dma_start3A_8 : memref<3200xf32, #tpu.memory_space<hbm>>) target_semaphore(%run_scoped3A : memref<!tpu.dma_semaphore, #tpu.memory_space<semaphore_mem>>)
      %dma_wait3A = tpu.memref_slice %arg6[%mul3A_2] : memref<102400xf32, #tpu.memory_space<hbm>> -> memref<3200xf32, #tpu.memory_space<hbm>>
      %dma_wait3A_9 = tpu.memref_slice %arg6[%mul3A_2] : memref<102400xf32, #tpu.memory_space<hbm>> -> memref<3200xf32, #tpu.memory_space<hbm>>
      tpu.wait_dma2 semaphore(%run_scoped3A : memref<!tpu.dma_semaphore, #tpu.memory_space<semaphore_mem>>) src(%arg10 : memref<3200xf32, #tpu.memory_space<vmem>>) dst(%dma_wait3A_9 : memref<3200xf32, #tpu.memory_space<hbm>>)
      tpu.yield
    }) : () -> ()
    return
  }
}

#map = affine_map<(d0, d1) -> (0, 0)>
#map1 = affine_map<(d0, d1) -> (0)>
module attributes {stable_mosaic.version = 14 : i64} {
  func.func @icapprox_update(%arg0: i32, %arg1: i32, %arg2: memref<32x102400xf32, #tpu.memory_space<hbm>>, %arg3: memref<102400xf32, #tpu.memory_space<hbm>>, %arg4: memref<102400xf32, #tpu.memory_space<hbm>>, %arg5: memref<102400xf32, #tpu.memory_space<hbm>>, %arg6: memref<102400xf32, #tpu.memory_space<hbm>>, %arg7: memref<32x3200xf32, #tpu.memory_space<vmem>>, %arg8: memref<3200xf32, #tpu.memory_space<vmem>>, %arg9: memref<3200xf32, #tpu.memory_space<vmem>>, %arg10: memref<3200xf32, #tpu.memory_space<vmem>>) attributes {dimension_semantics = [#tpu.dimension_semantics<core_parallel>, #tpu.dimension_semantics<subcore_parallel>], iteration_bounds = array<i64: 2, 16>, scalar_prefetch = 0 : i64, scratch_operands = 4 : i64, tpu.core_type = #tpu.core_type<sc_vector_subcore>, window_params = [{transform_indices = #map}, {transform_indices = #map1}, {transform_indices = #map1}, {transform_indices = #map1}, {transform_indices = #map1}]} {
    %mul3A = arith.constant 2 : i32
    %mul3A_0 = arith.muli %arg1, %mul3A : i32
    %add3A = arith.addi %mul3A_0, %arg0 : i32
    %mul3A_1 = arith.constant 3200 : i32
    %mul3A_2 = arith.muli %add3A, %mul3A_1 : i32
    "tpu.region"() ({
      %run_scoped3A = tpu.sem_alloc : memref<!tpu.dma_semaphore, #tpu.memory_space<semaphore_mem>>
      %dma_start3A = arith.constant 0 : i32
      %dma_start3A_8 = tpu.memref_slice %arg2[%dma_start3A, %mul3A_2] : memref<32x102400xf32, #tpu.memory_space<hbm>> -> memref<32x3200xf32, #tpu.memory_space<hbm>>
      %dma_start3A_9 = arith.constant 0 : i32
      %dma_start3A_10 = tpu.memref_slice %arg2[%dma_start3A_9, %mul3A_2] : memref<32x102400xf32, #tpu.memory_space<hbm>> -> memref<32x3200xf32, #tpu.memory_space<hbm>>
      tpu.enqueue_dma source(%dma_start3A_10 : memref<32x3200xf32, #tpu.memory_space<hbm>>) target(%arg7 : memref<32x3200xf32, #tpu.memory_space<vmem>>) target_semaphore(%run_scoped3A : memref<!tpu.dma_semaphore, #tpu.memory_space<semaphore_mem>>)
      %dma_wait3A = arith.constant 0 : i32
      %dma_wait3A_11 = tpu.memref_slice %arg2[%dma_wait3A, %mul3A_2] : memref<32x102400xf32, #tpu.memory_space<hbm>> -> memref<32x3200xf32, #tpu.memory_space<hbm>>
      %dma_wait3A_12 = arith.constant 0 : i32
      %dma_wait3A_13 = tpu.memref_slice %arg2[%dma_wait3A_12, %mul3A_2] : memref<32x102400xf32, #tpu.memory_space<hbm>> -> memref<32x3200xf32, #tpu.memory_space<hbm>>
      tpu.wait_dma2 semaphore(%run_scoped3A : memref<!tpu.dma_semaphore, #tpu.memory_space<semaphore_mem>>) src(%dma_wait3A_13 : memref<32x3200xf32, #tpu.memory_space<hbm>>) dst(%arg7 : memref<32x3200xf32, #tpu.memory_space<vmem>>)
      tpu.yield
    }) : () -> ()
    "tpu.region"() ({
      %run_scoped3A = tpu.sem_alloc : memref<!tpu.dma_semaphore, #tpu.memory_space<semaphore_mem>>
      %dma_start3A = tpu.memref_slice %arg3[%mul3A_2] : memref<102400xf32, #tpu.memory_space<hbm>> -> memref<3200xf32, #tpu.memory_space<hbm>>
      %dma_start3A_8 = tpu.memref_slice %arg3[%mul3A_2] : memref<102400xf32, #tpu.memory_space<hbm>> -> memref<3200xf32, #tpu.memory_space<hbm>>
      tpu.enqueue_dma source(%dma_start3A_8 : memref<3200xf32, #tpu.memory_space<hbm>>) target(%arg8 : memref<3200xf32, #tpu.memory_space<vmem>>) target_semaphore(%run_scoped3A : memref<!tpu.dma_semaphore, #tpu.memory_space<semaphore_mem>>)
      %dma_wait3A = tpu.memref_slice %arg3[%mul3A_2] : memref<102400xf32, #tpu.memory_space<hbm>> -> memref<3200xf32, #tpu.memory_space<hbm>>
      %dma_wait3A_9 = tpu.memref_slice %arg3[%mul3A_2] : memref<102400xf32, #tpu.memory_space<hbm>> -> memref<3200xf32, #tpu.memory_space<hbm>>
      tpu.wait_dma2 semaphore(%run_scoped3A : memref<!tpu.dma_semaphore, #tpu.memory_space<semaphore_mem>>) src(%dma_wait3A_9 : memref<3200xf32, #tpu.memory_space<hbm>>) dst(%arg8 : memref<3200xf32, #tpu.memory_space<vmem>>)
      tpu.yield
    }) : () -> ()
    %scan3A = arith.constant 0 : i32
    %scan3A_3 = arith.constant 0 : i32
    %scan3A_4 = arith.constant 200 : i32
    %scan3A_5 = arith.addi %scan3A_3, %scan3A_4 : i32
    %scan3A_6 = arith.constant 1 : i32
    scf.for %scan3A_8 = %scan3A_3 to %scan3A_5 step %scan3A_6  : i32 {
      %mul3A_9 = arith.constant 16 : i32
      %mul3A_10 = arith.muli %scan3A_8, %mul3A_9 : i32
      %get3A = arith.constant 0 : i32
      %get3A_11 = arith.index_cast %get3A : i32 to index
      %get3A_12 = arith.index_cast %mul3A_10 : i32 to index
      %get3A_13 = tpu.vector_load %arg7[%get3A_11, %get3A_12] {strides = array<i32>} : memref<32x3200xf32, #tpu.memory_space<vmem>>, vector<1x16xf32>,
      %get3A_14 = vector.shape_cast %get3A_13 : vector<1x16xf32> to vector<16xf32>
      %get3A_15 = arith.constant 1 : i32
      %get3A_16 = arith.index_cast %get3A_15 : i32 to index
      %get3A_17 = arith.index_cast %mul3A_10 : i32 to index
      %get3A_18 = tpu.vector_load %arg7[%get3A_16, %get3A_17] {strides = array<i32>} : memref<32x3200xf32, #tpu.memory_space<vmem>>, vector<1x16xf32>,
      %get3A_19 = vector.shape_cast %get3A_18 : vector<1x16xf32> to vector<16xf32>
      %add3A_20 = arith.addf %get3A_14, %get3A_19 : vector<16xf32>
      %get3A_21 = arith.constant 2 : i32
      %get3A_22 = arith.index_cast %get3A_21 : i32 to index
      %get3A_23 = arith.index_cast %mul3A_10 : i32 to index
      %get3A_24 = tpu.vector_load %arg7[%get3A_22, %get3A_23] {strides = array<i32>} : memref<32x3200xf32, #tpu.memory_space<vmem>>, vector<1x16xf32>,
      %get3A_25 = vector.shape_cast %get3A_24 : vector<1x16xf32> to vector<16xf32>
      %add3A_26 = arith.addf %add3A_20, %get3A_25 : vector<16xf32>
      %get3A_27 = arith.constant 3 : i32
      %get3A_28 = arith.index_cast %get3A_27 : i32 to index
      %get3A_29 = arith.index_cast %mul3A_10 : i32 to index
      %get3A_30 = tpu.vector_load %arg7[%get3A_28, %get3A_29] {strides = array<i32>} : memref<32x3200xf32, #tpu.memory_space<vmem>>, vector<1x16xf32>,
      %get3A_31 = vector.shape_cast %get3A_30 : vector<1x16xf32> to vector<16xf32>
      %add3A_32 = arith.addf %add3A_26, %get3A_31 : vector<16xf32>
      %get3A_33 = arith.constant 4 : i32
      %get3A_34 = arith.index_cast %get3A_33 : i32 to index
      %get3A_35 = arith.index_cast %mul3A_10 : i32 to index
      %get3A_36 = tpu.vector_load %arg7[%get3A_34, %get3A_35] {strides = array<i32>} : memref<32x3200xf32, #tpu.memory_space<vmem>>, vector<1x16xf32>,
      %get3A_37 = vector.shape_cast %get3A_36 : vector<1x16xf32> to vector<16xf32>
      %add3A_38 = arith.addf %add3A_32, %get3A_37 : vector<16xf32>
      %get3A_39 = arith.constant 5 : i32
      %get3A_40 = arith.index_cast %get3A_39 : i32 to index
      %get3A_41 = arith.index_cast %mul3A_10 : i32 to index
      %get3A_42 = tpu.vector_load %arg7[%get3A_40, %get3A_41] {strides = array<i32>} : memref<32x3200xf32, #tpu.memory_space<vmem>>, vector<1x16xf32>,
      %get3A_43 = vector.shape_cast %get3A_42 : vector<1x16xf32> to vector<16xf32>
      %add3A_44 = arith.addf %add3A_38, %get3A_43 : vector<16xf32>
      %get3A_45 = arith.constant 6 : i32
      %get3A_46 = arith.index_cast %get3A_45 : i32 to index
      %get3A_47 = arith.index_cast %mul3A_10 : i32 to index
      %get3A_48 = tpu.vector_load %arg7[%get3A_46, %get3A_47] {strides = array<i32>} : memref<32x3200xf32, #tpu.memory_space<vmem>>, vector<1x16xf32>,
      %get3A_49 = vector.shape_cast %get3A_48 : vector<1x16xf32> to vector<16xf32>
      %add3A_50 = arith.addf %add3A_44, %get3A_49 : vector<16xf32>
      %get3A_51 = arith.constant 7 : i32
      %get3A_52 = arith.index_cast %get3A_51 : i32 to index
      %get3A_53 = arith.index_cast %mul3A_10 : i32 to index
      %get3A_54 = tpu.vector_load %arg7[%get3A_52, %get3A_53] {strides = array<i32>} : memref<32x3200xf32, #tpu.memory_space<vmem>>, vector<1x16xf32>,
      %get3A_55 = vector.shape_cast %get3A_54 : vector<1x16xf32> to vector<16xf32>
      %add3A_56 = arith.addf %add3A_50, %get3A_55 : vector<16xf32>
      %get3A_57 = arith.constant 8 : i32
      %get3A_58 = arith.index_cast %get3A_57 : i32 to index
      %get3A_59 = arith.index_cast %mul3A_10 : i32 to index
      %get3A_60 = tpu.vector_load %arg7[%get3A_58, %get3A_59] {strides = array<i32>} : memref<32x3200xf32, #tpu.memory_space<vmem>>, vector<1x16xf32>,
      %get3A_61 = vector.shape_cast %get3A_60 : vector<1x16xf32> to vector<16xf32>
      %add3A_62 = arith.addf %add3A_56, %get3A_61 : vector<16xf32>
      %get3A_63 = arith.constant 9 : i32
      %get3A_64 = arith.index_cast %get3A_63 : i32 to index
      %get3A_65 = arith.index_cast %mul3A_10 : i32 to index
      %get3A_66 = tpu.vector_load %arg7[%get3A_64, %get3A_65] {strides = array<i32>} : memref<32x3200xf32, #tpu.memory_space<vmem>>, vector<1x16xf32>,
      %get3A_67 = vector.shape_cast %get3A_66 : vector<1x16xf32> to vector<16xf32>
      %add3A_68 = arith.addf %add3A_62, %get3A_67 : vector<16xf32>
      %get3A_69 = arith.constant 10 : i32
      %get3A_70 = arith.index_cast %get3A_69 : i32 to index
      %get3A_71 = arith.index_cast %mul3A_10 : i32 to index
      %get3A_72 = tpu.vector_load %arg7[%get3A_70, %get3A_71] {strides = array<i32>} : memref<32x3200xf32, #tpu.memory_space<vmem>>, vector<1x16xf32>,
      %get3A_73 = vector.shape_cast %get3A_72 : vector<1x16xf32> to vector<16xf32>
      %add3A_74 = arith.addf %add3A_68, %get3A_73 : vector<16xf32>
      %get3A_75 = arith.constant 11 : i32
      %get3A_76 = arith.index_cast %get3A_75 : i32 to index
      %get3A_77 = arith.index_cast %mul3A_10 : i32 to index
      %get3A_78 = tpu.vector_load %arg7[%get3A_76, %get3A_77] {strides = array<i32>} : memref<32x3200xf32, #tpu.memory_space<vmem>>, vector<1x16xf32>,
      %get3A_79 = vector.shape_cast %get3A_78 : vector<1x16xf32> to vector<16xf32>
      %add3A_80 = arith.addf %add3A_74, %get3A_79 : vector<16xf32>
      %get3A_81 = arith.constant 12 : i32
      %get3A_82 = arith.index_cast %get3A_81 : i32 to index
      %get3A_83 = arith.index_cast %mul3A_10 : i32 to index
      %get3A_84 = tpu.vector_load %arg7[%get3A_82, %get3A_83] {strides = array<i32>} : memref<32x3200xf32, #tpu.memory_space<vmem>>, vector<1x16xf32>,
      %get3A_85 = vector.shape_cast %get3A_84 : vector<1x16xf32> to vector<16xf32>
      %add3A_86 = arith.addf %add3A_80, %get3A_85 : vector<16xf32>
      %get3A_87 = arith.constant 13 : i32
      %get3A_88 = arith.index_cast %get3A_87 : i32 to index
      %get3A_89 = arith.index_cast %mul3A_10 : i32 to index
      %get3A_90 = tpu.vector_load %arg7[%get3A_88, %get3A_89] {strides = array<i32>} : memref<32x3200xf32, #tpu.memory_space<vmem>>, vector<1x16xf32>,
      %get3A_91 = vector.shape_cast %get3A_90 : vector<1x16xf32> to vector<16xf32>
      %add3A_92 = arith.addf %add3A_86, %get3A_91 : vector<16xf32>
      %get3A_93 = arith.constant 14 : i32
      %get3A_94 = arith.index_cast %get3A_93 : i32 to index
      %get3A_95 = arith.index_cast %mul3A_10 : i32 to index
      %get3A_96 = tpu.vector_load %arg7[%get3A_94, %get3A_95] {strides = array<i32>} : memref<32x3200xf32, #tpu.memory_space<vmem>>, vector<1x16xf32>,
      %get3A_97 = vector.shape_cast %get3A_96 : vector<1x16xf32> to vector<16xf32>
      %add3A_98 = arith.addf %add3A_92, %get3A_97 : vector<16xf32>
      %get3A_99 = arith.constant 15 : i32
      %get3A_100 = arith.index_cast %get3A_99 : i32 to index
      %get3A_101 = arith.index_cast %mul3A_10 : i32 to index
      %get3A_102 = tpu.vector_load %arg7[%get3A_100, %get3A_101] {strides = array<i32>} : memref<32x3200xf32, #tpu.memory_space<vmem>>, vector<1x16xf32>,
      %get3A_103 = vector.shape_cast %get3A_102 : vector<1x16xf32> to vector<16xf32>
      %add3A_104 = arith.addf %add3A_98, %get3A_103 : vector<16xf32>
      %get3A_105 = arith.constant 16 : i32
      %get3A_106 = arith.index_cast %get3A_105 : i32 to index
      %get3A_107 = arith.index_cast %mul3A_10 : i32 to index
      %get3A_108 = tpu.vector_load %arg7[%get3A_106, %get3A_107] {strides = array<i32>} : memref<32x3200xf32, #tpu.memory_space<vmem>>, vector<1x16xf32>,
      %get3A_109 = vector.shape_cast %get3A_108 : vector<1x16xf32> to vector<16xf32>
      %add3A_110 = arith.addf %add3A_104, %get3A_109 : vector<16xf32>
      %get3A_111 = arith.constant 17 : i32
      %get3A_112 = arith.index_cast %get3A_111 : i32 to index
      %get3A_113 = arith.index_cast %mul3A_10 : i32 to index
      %get3A_114 = tpu.vector_load %arg7[%get3A_112, %get3A_113] {strides = array<i32>} : memref<32x3200xf32, #tpu.memory_space<vmem>>, vector<1x16xf32>,
      %get3A_115 = vector.shape_cast %get3A_114 : vector<1x16xf32> to vector<16xf32>
      %add3A_116 = arith.addf %add3A_110, %get3A_115 : vector<16xf32>
      %get3A_117 = arith.constant 18 : i32
      %get3A_118 = arith.index_cast %get3A_117 : i32 to index
      %get3A_119 = arith.index_cast %mul3A_10 : i32 to index
      %get3A_120 = tpu.vector_load %arg7[%get3A_118, %get3A_119] {strides = array<i32>} : memref<32x3200xf32, #tpu.memory_space<vmem>>, vector<1x16xf32>,
      %get3A_121 = vector.shape_cast %get3A_120 : vector<1x16xf32> to vector<16xf32>
      %add3A_122 = arith.addf %add3A_116, %get3A_121 : vector<16xf32>
      %get3A_123 = arith.constant 19 : i32
      %get3A_124 = arith.index_cast %get3A_123 : i32 to index
      %get3A_125 = arith.index_cast %mul3A_10 : i32 to index
      %get3A_126 = tpu.vector_load %arg7[%get3A_124, %get3A_125] {strides = array<i32>} : memref<32x3200xf32, #tpu.memory_space<vmem>>, vector<1x16xf32>,
      %get3A_127 = vector.shape_cast %get3A_126 : vector<1x16xf32> to vector<16xf32>
      %add3A_128 = arith.addf %add3A_122, %get3A_127 : vector<16xf32>
      %get3A_129 = arith.constant 20 : i32
      %get3A_130 = arith.index_cast %get3A_129 : i32 to index
      %get3A_131 = arith.index_cast %mul3A_10 : i32 to index
      %get3A_132 = tpu.vector_load %arg7[%get3A_130, %get3A_131] {strides = array<i32>} : memref<32x3200xf32, #tpu.memory_space<vmem>>, vector<1x16xf32>,
      %get3A_133 = vector.shape_cast %get3A_132 : vector<1x16xf32> to vector<16xf32>
      %add3A_134 = arith.addf %add3A_128, %get3A_133 : vector<16xf32>
      %get3A_135 = arith.constant 21 : i32
      %get3A_136 = arith.index_cast %get3A_135 : i32 to index
      %get3A_137 = arith.index_cast %mul3A_10 : i32 to index
      %get3A_138 = tpu.vector_load %arg7[%get3A_136, %get3A_137] {strides = array<i32>} : memref<32x3200xf32, #tpu.memory_space<vmem>>, vector<1x16xf32>,
      %get3A_139 = vector.shape_cast %get3A_138 : vector<1x16xf32> to vector<16xf32>
      %add3A_140 = arith.addf %add3A_134, %get3A_139 : vector<16xf32>
      %get3A_141 = arith.constant 22 : i32
      %get3A_142 = arith.index_cast %get3A_141 : i32 to index
      %get3A_143 = arith.index_cast %mul3A_10 : i32 to index
      %get3A_144 = tpu.vector_load %arg7[%get3A_142, %get3A_143] {strides = array<i32>} : memref<32x3200xf32, #tpu.memory_space<vmem>>, vector<1x16xf32>,
      %get3A_145 = vector.shape_cast %get3A_144 : vector<1x16xf32> to vector<16xf32>
      %add3A_146 = arith.addf %add3A_140, %get3A_145 : vector<16xf32>
      %get3A_147 = arith.constant 23 : i32
      %get3A_148 = arith.index_cast %get3A_147 : i32 to index
      %get3A_149 = arith.index_cast %mul3A_10 : i32 to index
      %get3A_150 = tpu.vector_load %arg7[%get3A_148, %get3A_149] {strides = array<i32>} : memref<32x3200xf32, #tpu.memory_space<vmem>>, vector<1x16xf32>,
      %get3A_151 = vector.shape_cast %get3A_150 : vector<1x16xf32> to vector<16xf32>
      %add3A_152 = arith.addf %add3A_146, %get3A_151 : vector<16xf32>
      %get3A_153 = arith.constant 24 : i32
      %get3A_154 = arith.index_cast %get3A_153 : i32 to index
      %get3A_155 = arith.index_cast %mul3A_10 : i32 to index
      %get3A_156 = tpu.vector_load %arg7[%get3A_154, %get3A_155] {strides = array<i32>} : memref<32x3200xf32, #tpu.memory_space<vmem>>, vector<1x16xf32>,
      %get3A_157 = vector.shape_cast %get3A_156 : vector<1x16xf32> to vector<16xf32>
      %add3A_158 = arith.addf %add3A_152, %get3A_157 : vector<16xf32>
      %get3A_159 = arith.constant 25 : i32
      %get3A_160 = arith.index_cast %get3A_159 : i32 to index
      %get3A_161 = arith.index_cast %mul3A_10 : i32 to index
      %get3A_162 = tpu.vector_load %arg7[%get3A_160, %get3A_161] {strides = array<i32>} : memref<32x3200xf32, #tpu.memory_space<vmem>>, vector<1x16xf32>,
      %get3A_163 = vector.shape_cast %get3A_162 : vector<1x16xf32> to vector<16xf32>
      %add3A_164 = arith.addf %add3A_158, %get3A_163 : vector<16xf32>
      %get3A_165 = arith.constant 26 : i32
      %get3A_166 = arith.index_cast %get3A_165 : i32 to index
      %get3A_167 = arith.index_cast %mul3A_10 : i32 to index
      %get3A_168 = tpu.vector_load %arg7[%get3A_166, %get3A_167] {strides = array<i32>} : memref<32x3200xf32, #tpu.memory_space<vmem>>, vector<1x16xf32>,
      %get3A_169 = vector.shape_cast %get3A_168 : vector<1x16xf32> to vector<16xf32>
      %add3A_170 = arith.addf %add3A_164, %get3A_169 : vector<16xf32>
      %get3A_171 = arith.constant 27 : i32
      %get3A_172 = arith.index_cast %get3A_171 : i32 to index
      %get3A_173 = arith.index_cast %mul3A_10 : i32 to index
      %get3A_174 = tpu.vector_load %arg7[%get3A_172, %get3A_173] {strides = array<i32>} : memref<32x3200xf32, #tpu.memory_space<vmem>>, vector<1x16xf32>,
      %get3A_175 = vector.shape_cast %get3A_174 : vector<1x16xf32> to vector<16xf32>
      %add3A_176 = arith.addf %add3A_170, %get3A_175 : vector<16xf32>
      %get3A_177 = arith.constant 28 : i32
      %get3A_178 = arith.index_cast %get3A_177 : i32 to index
      %get3A_179 = arith.index_cast %mul3A_10 : i32 to index
      %get3A_180 = tpu.vector_load %arg7[%get3A_178, %get3A_179] {strides = array<i32>} : memref<32x3200xf32, #tpu.memory_space<vmem>>, vector<1x16xf32>,
      %get3A_181 = vector.shape_cast %get3A_180 : vector<1x16xf32> to vector<16xf32>
      %add3A_182 = arith.addf %add3A_176, %get3A_181 : vector<16xf32>
      %get3A_183 = arith.constant 29 : i32
      %get3A_184 = arith.index_cast %get3A_183 : i32 to index
      %get3A_185 = arith.index_cast %mul3A_10 : i32 to index
      %get3A_186 = tpu.vector_load %arg7[%get3A_184, %get3A_185] {strides = array<i32>} : memref<32x3200xf32, #tpu.memory_space<vmem>>, vector<1x16xf32>,
      %get3A_187 = vector.shape_cast %get3A_186 : vector<1x16xf32> to vector<16xf32>
      %add3A_188 = arith.addf %add3A_182, %get3A_187 : vector<16xf32>
      %get3A_189 = arith.constant 30 : i32
      %get3A_190 = arith.index_cast %get3A_189 : i32 to index
      %get3A_191 = arith.index_cast %mul3A_10 : i32 to index
      %get3A_192 = tpu.vector_load %arg7[%get3A_190, %get3A_191] {strides = array<i32>} : memref<32x3200xf32, #tpu.memory_space<vmem>>, vector<1x16xf32>,
      %get3A_193 = vector.shape_cast %get3A_192 : vector<1x16xf32> to vector<16xf32>
      %add3A_194 = arith.addf %add3A_188, %get3A_193 : vector<16xf32>
      %get3A_195 = arith.constant 31 : i32
      %get3A_196 = arith.index_cast %get3A_195 : i32 to index
      %get3A_197 = arith.index_cast %mul3A_10 : i32 to index
      %get3A_198 = tpu.vector_load %arg7[%get3A_196, %get3A_197] {strides = array<i32>} : memref<32x3200xf32, #tpu.memory_space<vmem>>, vector<1x16xf32>,
      %get3A_199 = vector.shape_cast %get3A_198 : vector<1x16xf32> to vector<16xf32>
      %add3A_200 = arith.addf %add3A_194, %get3A_199 : vector<16xf32>
      %get3A_201 = arith.index_cast %mul3A_10 : i32 to index
      %get3A_202 = tpu.vector_load %arg8[%get3A_201] {strides = array<i32>} : memref<3200xf32, #tpu.memory_space<vmem>>, vector<16xf32>,
      %get3A_203 = vector.shape_cast %get3A_202 : vector<16xf32> to vector<16xf32>
      %neg3A = arith.constant 0.000000e+00 : f32
      %neg3A_204 = vector.broadcast %neg3A : f32 to vector<16xf32>
      %neg3A_205 = arith.subf %neg3A_204, %add3A_200 : vector<16xf32>
      %exp3A = math.exp %neg3A_205 : vector<16xf32>
      %sub3A = arith.constant 1.000000e+00 : f32
      %sub3A_206 = vector.broadcast %sub3A : f32 to vector<16xf32>
      %sub3A_207 = arith.subf %sub3A_206, %exp3A : vector<16xf32>
      %mul3A_208 = arith.mulf %get3A_203, %sub3A_207 : vector<16xf32>
      %sub3A_209 = arith.constant 1.000000e+00 : f32
      %sub3A_210 = vector.broadcast %sub3A_209 : f32 to vector<16xf32>
      %sub3A_211 = arith.subf %sub3A_210, %mul3A_208 : vector<16xf32>
      %mul3A_212 = arith.mulf %get3A_203, %sub3A_211 : vector<16xf32>
      %swap3A = arith.index_cast %mul3A_10 : i32 to index
      %swap3A_213 = tpu.vector_load %arg9[%swap3A] {strides = array<i32>} : memref<3200xf32, #tpu.memory_space<vmem>>, vector<16xf32>,
      %swap3A_214 = vector.shape_cast %swap3A_213 : vector<16xf32> to vector<16xf32>
      %swap3A_215 = vector.shape_cast %mul3A_208 : vector<16xf32> to vector<16xf32>
      tpu.vector_store %arg9[%swap3A], %swap3A_215 {strides = array<i32>} : memref<3200xf32, #tpu.memory_space<vmem>>, vector<16xf32>,
      %swap3A_216 = arith.index_cast %mul3A_10 : i32 to index
      %swap3A_217 = tpu.vector_load %arg8[%swap3A_216] {strides = array<i32>} : memref<3200xf32, #tpu.memory_space<vmem>>, vector<16xf32>,
      %swap3A_218 = vector.shape_cast %swap3A_217 : vector<16xf32> to vector<16xf32>
      %swap3A_219 = vector.shape_cast %mul3A_212 : vector<16xf32> to vector<16xf32>
      tpu.vector_store %arg8[%swap3A_216], %swap3A_219 {strides = array<i32>} : memref<3200xf32, #tpu.memory_space<vmem>>, vector<16xf32>,
      %sub3A_220 = arith.constant 1.000000e+00 : f32
      %sub3A_221 = vector.broadcast %sub3A_220 : f32 to vector<16xf32>
      %sub3A_222 = arith.subf %sub3A_221, %mul3A_212 : vector<16xf32>
      %swap3A_223 = arith.index_cast %mul3A_10 : i32 to index
      %swap3A_224 = tpu.vector_load %arg10[%swap3A_223] {strides = array<i32>} : memref<3200xf32, #tpu.memory_space<vmem>>, vector<16xf32>,
      %swap3A_225 = vector.shape_cast %swap3A_224 : vector<16xf32> to vector<16xf32>
      %swap3A_226 = vector.shape_cast %sub3A_222 : vector<16xf32> to vector<16xf32>
      tpu.vector_store %arg10[%swap3A_223], %swap3A_226 {strides = array<i32>} : memref<3200xf32, #tpu.memory_space<vmem>>, vector<16xf32>,
    }
    %scan3A_7 = arith.constant 200 : i32
    "tpu.region"() ({
      %run_scoped3A = tpu.sem_alloc : memref<!tpu.dma_semaphore, #tpu.memory_space<semaphore_mem>>
      %dma_start3A = tpu.memref_slice %arg4[%mul3A_2] : memref<102400xf32, #tpu.memory_space<hbm>> -> memref<3200xf32, #tpu.memory_space<hbm>>
      %dma_start3A_8 = tpu.memref_slice %arg4[%mul3A_2] : memref<102400xf32, #tpu.memory_space<hbm>> -> memref<3200xf32, #tpu.memory_space<hbm>>
      tpu.enqueue_dma source(%arg9 : memref<3200xf32, #tpu.memory_space<vmem>>) target(%dma_start3A_8 : memref<3200xf32, #tpu.memory_space<hbm>>) target_semaphore(%run_scoped3A : memref<!tpu.dma_semaphore, #tpu.memory_space<semaphore_mem>>)
      %dma_wait3A = tpu.memref_slice %arg4[%mul3A_2] : memref<102400xf32, #tpu.memory_space<hbm>> -> memref<3200xf32, #tpu.memory_space<hbm>>
      %dma_wait3A_9 = tpu.memref_slice %arg4[%mul3A_2] : memref<102400xf32, #tpu.memory_space<hbm>> -> memref<3200xf32, #tpu.memory_space<hbm>>
      tpu.wait_dma2 semaphore(%run_scoped3A : memref<!tpu.dma_semaphore, #tpu.memory_space<semaphore_mem>>) src(%arg9 : memref<3200xf32, #tpu.memory_space<vmem>>) dst(%dma_wait3A_9 : memref<3200xf32, #tpu.memory_space<hbm>>)
      tpu.yield
    }) : () -> ()
    "tpu.region"() ({
      %run_scoped3A = tpu.sem_alloc : memref<!tpu.dma_semaphore, #tpu.memory_space<semaphore_mem>>
      %dma_start3A = tpu.memref_slice %arg5[%mul3A_2] : memref<102400xf32, #tpu.memory_space<hbm>> -> memref<3200xf32, #tpu.memory_space<hbm>>
      %dma_start3A_8 = tpu.memref_slice %arg5[%mul3A_2] : memref<102400xf32, #tpu.memory_space<hbm>> -> memref<3200xf32, #tpu.memory_space<hbm>>
      tpu.enqueue_dma source(%arg8 : memref<3200xf32, #tpu.memory_space<vmem>>) target(%dma_start3A_8 : memref<3200xf32, #tpu.memory_space<hbm>>) target_semaphore(%run_scoped3A : memref<!tpu.dma_semaphore, #tpu.memory_space<semaphore_mem>>)
      %dma_wait3A = tpu.memref_slice %arg5[%mul3A_2] : memref<102400xf32, #tpu.memory_space<hbm>> -> memref<3200xf32, #tpu.memory_space<hbm>>
      %dma_wait3A_9 = tpu.memref_slice %arg5[%mul3A_2] : memref<102400xf32, #tpu.memory_space<hbm>> -> memref<3200xf32, #tpu.memory_space<hbm>>
      tpu.wait_dma2 semaphore(%run_scoped3A : memref<!tpu.dma_semaphore, #tpu.memory_space<semaphore_mem>>) src(%arg8 : memref<3200xf32, #tpu.memory_space<vmem>>) dst(%dma_wait3A_9 : memref<3200xf32, #tpu.memory_space<hbm>>)
      tpu.yield
    }) : () -> ()
    "tpu.region"() ({
      %run_scoped3A = tpu.sem_alloc : memref<!tpu.dma_semaphore, #tpu.memory_space<semaphore_mem>>
      %dma_start3A = tpu.memref_slice %arg6[%mul3A_2] : memref<102400xf32, #tpu.memory_space<hbm>> -> memref<3200xf32, #tpu.memory_space<hbm>>
      %dma_start3A_8 = tpu.memref_slice %arg6[%mul3A_2] : memref<102400xf32, #tpu.memory_space<hbm>> -> memref<3200xf32, #tpu.memory_space<hbm>>
      tpu.enqueue_dma source(%arg10 : memref<3200xf32, #tpu.memory_space<vmem>>) target(%dma_start3A_8 : memref<3200xf32, #tpu.memory_space<hbm>>) target_semaphore(%run_scoped3A : memref<!tpu.dma_semaphore, #tpu.memory_space<semaphore_mem>>)
      %dma_wait3A = tpu.memref_slice %arg6[%mul3A_2] : memref<102400xf32, #tpu.memory_space<hbm>> -> memref<3200xf32, #tpu.memory_space<hbm>>
      %dma_wait3A_9 = tpu.memref_slice %arg6[%mul3A_2] : memref<102400xf32, #tpu.memory_space<hbm>> -> memref<3200xf32, #tpu.memory_space<hbm>>
      tpu.wait_dma2 semaphore(%run_scoped3A : memref<!tpu.dma_semaphore, #tpu.memory_space<semaphore_mem>>) src(%arg10 : memref<3200xf32, #tpu.memory_space<vmem>>) dst(%dma_wait3A_9 : memref<3200xf32, #tpu.memory_space<hbm>>)
      tpu.yield
    }) : () -> ()
    return
  }
}

#map = affine_map<(d0, d1) -> (0)>
#map1 = affine_map<(d0, d1) -> (0, 0)>
module attributes {stable_mosaic.version = 14 : i64} {
  func.func @icapprox_scatter(%arg0: i32, %arg1: i32, %arg2: memref<102400xf32, #tpu.memory_space<hbm>>, %arg3: memref<6422528xi32, #tpu.memory_space<hbm>>, %arg4: memref<6422528xi32, #tpu.memory_space<hbm>>, %arg5: memref<6422528xf32, #tpu.memory_space<hbm>>, %arg6: memref<32x102400xf32, #tpu.memory_space<hbm>>, %arg7: memref<1024xi32, #tpu.memory_space<vmem>>, %arg8: memref<1024xi32, #tpu.memory_space<vmem>>, %arg9: memref<1024xi32, #tpu.memory_space<vmem>>, %arg10: memref<1024xi32, #tpu.memory_space<vmem>>, %arg11: memref<1024xi32, #tpu.memory_space<vmem>>, %arg12: memref<1024xi32, #tpu.memory_space<vmem>>, %arg13: memref<1024xi32, #tpu.memory_space<vmem>>, %arg14: memref<1024xi32, #tpu.memory_space<vmem>>, %arg15: memref<1024xf32, #tpu.memory_space<vmem>>, %arg16: memref<1024xf32, #tpu.memory_space<vmem>>, %arg17: memref<1024xf32, #tpu.memory_space<vmem>>, %arg18: memref<1024xf32, #tpu.memory_space<vmem>>, %arg19: memref<1024xf32, #tpu.memory_space<vmem>>, %arg20: memref<1024xf32, #tpu.memory_space<vmem>>, %arg21: memref<1024xf32, #tpu.memory_space<vmem>>, %arg22: memref<1024xf32, #tpu.memory_space<vmem>>, %arg23: memref<102400xf32, #tpu.memory_space<vmem>>, %arg24: memref<102400xf32, #tpu.memory_space<vmem_shared>>, %arg25: memref<!tpu.dma_semaphore, #tpu.memory_space<semaphore_mem>>, %arg26: memref<!tpu.dma_semaphore, #tpu.memory_space<semaphore_mem>>, %arg27: memref<!tpu.dma_semaphore, #tpu.memory_space<semaphore_mem>>, %arg28: memref<!tpu.dma_semaphore, #tpu.memory_space<semaphore_mem>>, %arg29: memref<!tpu.dma_semaphore, #tpu.memory_space<semaphore_mem>>, %arg30: memref<!tpu.dma_semaphore, #tpu.memory_space<semaphore_mem>>, %arg31: memref<!tpu.dma_semaphore, #tpu.memory_space<semaphore_mem>>, %arg32: memref<!tpu.dma_semaphore, #tpu.memory_space<semaphore_mem>>, %arg33: memref<!tpu.dma_semaphore, #tpu.memory_space<semaphore_mem>>) attributes {dimension_semantics = [#tpu.dimension_semantics<core_parallel>, #tpu.dimension_semantics<subcore_parallel>], iteration_bounds = array<i64: 2, 16>, scalar_prefetch = 0 : i64, scratch_operands = 27 : i64, tpu.core_type = #tpu.core_type<sc_vector_subcore>, window_params = [{transform_indices = #map}, {transform_indices = #map}, {transform_indices = #map}, {transform_indices = #map}, {transform_indices = #map1}]} {
    %mul3A = arith.constant 2 : i32
    %mul3A_0 = arith.muli %arg1, %mul3A : i32
    %add3A = arith.addi %mul3A_0, %arg0 : i32
    %broadcast_in_dim3A = arith.constant 0.000000e+00 : f32
    %broadcast_in_dim3A_1 = vector.broadcast %broadcast_in_dim3A : f32 to vector<16xf32>
    %mul3A_2 = arith.constant 6400 : i32
    %mul3A_3 = arith.muli %arg1, %mul3A_2 : i32
    %mul3A_4 = arith.constant 6400 : i32
    %mul3A_5 = arith.muli %arg1, %mul3A_4 : i32
    %dma_start3A = tpu.memref_slice %arg24[%mul3A_5] : memref<102400xf32, #tpu.memory_space<vmem_shared>> -> memref<6400xf32, #tpu.memory_space<vmem_shared>>
    %dma_start3A_6 = tpu.memref_slice %arg2[%mul3A_3] : memref<102400xf32, #tpu.memory_space<hbm>> -> memref<6400xf32, #tpu.memory_space<hbm>>
    tpu.enqueue_dma source(%dma_start3A_6 : memref<6400xf32, #tpu.memory_space<hbm>>) target(%dma_start3A : memref<6400xf32, #tpu.memory_space<vmem_shared>>) target_semaphore(%arg33 : memref<!tpu.dma_semaphore, #tpu.memory_space<semaphore_mem>>)
    %scan3A = arith.constant 0 : i32
    %scan3A_7 = arith.constant 0 : i32
    %scan3A_8 = arith.constant 6400 : i32
    %scan3A_9 = arith.addi %scan3A_7, %scan3A_8 : i32
    %scan3A_10 = arith.constant 8 : i32
    scf.for %scan3A_65 = %scan3A_7 to %scan3A_9 step %scan3A_10  : i32 {
      %mul3A_66 = arith.constant 16 : i32
      %mul3A_67 = arith.muli %scan3A_65, %mul3A_66 : i32
      %swap3A = arith.index_cast %mul3A_67 : i32 to index
      %swap3A_68 = tpu.vector_load %arg23[%swap3A] {strides = array<i32>} : memref<102400xf32, #tpu.memory_space<vmem>>, vector<16xf32>,
      tpu.vector_store %arg23[%swap3A], %broadcast_in_dim3A_1 {strides = array<i32>} : memref<102400xf32, #tpu.memory_space<vmem>>, vector<16xf32>,
      %scan3A_69 = arith.constant 1 : i32
      %scan3A_70 = arith.addi %scan3A_65, %scan3A_69 : i32
      %mul3A_71 = arith.constant 16 : i32
      %mul3A_72 = arith.muli %scan3A_70, %mul3A_71 : i32
      %swap3A_73 = arith.index_cast %mul3A_72 : i32 to index
      %swap3A_74 = tpu.vector_load %arg23[%swap3A_73] {strides = array<i32>} : memref<102400xf32, #tpu.memory_space<vmem>>, vector<16xf32>,
      tpu.vector_store %arg23[%swap3A_73], %broadcast_in_dim3A_1 {strides = array<i32>} : memref<102400xf32, #tpu.memory_space<vmem>>, vector<16xf32>,
      %scan3A_75 = arith.constant 2 : i32
      %scan3A_76 = arith.addi %scan3A_65, %scan3A_75 : i32
      %mul3A_77 = arith.constant 16 : i32
      %mul3A_78 = arith.muli %scan3A_76, %mul3A_77 : i32
      %swap3A_79 = arith.index_cast %mul3A_78 : i32 to index
      %swap3A_80 = tpu.vector_load %arg23[%swap3A_79] {strides = array<i32>} : memref<102400xf32, #tpu.memory_space<vmem>>, vector<16xf32>,
      tpu.vector_store %arg23[%swap3A_79], %broadcast_in_dim3A_1 {strides = array<i32>} : memref<102400xf32, #tpu.memory_space<vmem>>, vector<16xf32>,
      %scan3A_81 = arith.constant 3 : i32
      %scan3A_82 = arith.addi %scan3A_65, %scan3A_81 : i32
      %mul3A_83 = arith.constant 16 : i32
      %mul3A_84 = arith.muli %scan3A_82, %mul3A_83 : i32
      %swap3A_85 = arith.index_cast %mul3A_84 : i32 to index
      %swap3A_86 = tpu.vector_load %arg23[%swap3A_85] {strides = array<i32>} : memref<102400xf32, #tpu.memory_space<vmem>>, vector<16xf32>,
      tpu.vector_store %arg23[%swap3A_85], %broadcast_in_dim3A_1 {strides = array<i32>} : memref<102400xf32, #tpu.memory_space<vmem>>, vector<16xf32>,
      %scan3A_87 = arith.constant 4 : i32
      %scan3A_88 = arith.addi %scan3A_65, %scan3A_87 : i32
      %mul3A_89 = arith.constant 16 : i32
      %mul3A_90 = arith.muli %scan3A_88, %mul3A_89 : i32
      %swap3A_91 = arith.index_cast %mul3A_90 : i32 to index
      %swap3A_92 = tpu.vector_load %arg23[%swap3A_91] {strides = array<i32>} : memref<102400xf32, #tpu.memory_space<vmem>>, vector<16xf32>,
      tpu.vector_store %arg23[%swap3A_91], %broadcast_in_dim3A_1 {strides = array<i32>} : memref<102400xf32, #tpu.memory_space<vmem>>, vector<16xf32>,
      %scan3A_93 = arith.constant 5 : i32
      %scan3A_94 = arith.addi %scan3A_65, %scan3A_93 : i32
      %mul3A_95 = arith.constant 16 : i32
      %mul3A_96 = arith.muli %scan3A_94, %mul3A_95 : i32
      %swap3A_97 = arith.index_cast %mul3A_96 : i32 to index
      %swap3A_98 = tpu.vector_load %arg23[%swap3A_97] {strides = array<i32>} : memref<102400xf32, #tpu.memory_space<vmem>>, vector<16xf32>,
      tpu.vector_store %arg23[%swap3A_97], %broadcast_in_dim3A_1 {strides = array<i32>} : memref<102400xf32, #tpu.memory_space<vmem>>, vector<16xf32>,
      %scan3A_99 = arith.constant 6 : i32
      %scan3A_100 = arith.addi %scan3A_65, %scan3A_99 : i32
      %mul3A_101 = arith.constant 16 : i32
      %mul3A_102 = arith.muli %scan3A_100, %mul3A_101 : i32
      %swap3A_103 = arith.index_cast %mul3A_102 : i32 to index
      %swap3A_104 = tpu.vector_load %arg23[%swap3A_103] {strides = array<i32>} : memref<102400xf32, #tpu.memory_space<vmem>>, vector<16xf32>,
      tpu.vector_store %arg23[%swap3A_103], %broadcast_in_dim3A_1 {strides = array<i32>} : memref<102400xf32, #tpu.memory_space<vmem>>, vector<16xf32>,
      %scan3A_105 = arith.constant 7 : i32
      %scan3A_106 = arith.addi %scan3A_65, %scan3A_105 : i32
      %mul3A_107 = arith.constant 16 : i32
      %mul3A_108 = arith.muli %scan3A_106, %mul3A_107 : i32
      %swap3A_109 = arith.index_cast %mul3A_108 : i32 to index
      %swap3A_110 = tpu.vector_load %arg23[%swap3A_109] {strides = array<i32>} : memref<102400xf32, #tpu.memory_space<vmem>>, vector<16xf32>,
      tpu.vector_store %arg23[%swap3A_109], %broadcast_in_dim3A_1 {strides = array<i32>} : memref<102400xf32, #tpu.memory_space<vmem>>, vector<16xf32>,
    }
    %scan3A_11 = arith.constant 6400 : i32
    %dma_wait3A = arith.constant 0 : i32
    %dma_wait3A_12 = tpu.memref_slice %arg24[%dma_wait3A] : memref<102400xf32, #tpu.memory_space<vmem_shared>> -> memref<6400xf32, #tpu.memory_space<vmem_shared>>
    %dma_wait3A_13 = arith.constant 0 : i32
    %dma_wait3A_14 = tpu.memref_slice %arg2[%dma_wait3A_13] : memref<102400xf32, #tpu.memory_space<hbm>> -> memref<6400xf32, #tpu.memory_space<hbm>>
    tpu.wait_dma2 semaphore(%arg33 : memref<!tpu.dma_semaphore, #tpu.memory_space<semaphore_mem>>) src(%dma_wait3A_14 : memref<6400xf32, #tpu.memory_space<hbm>>) dst(%dma_wait3A_12 : memref<6400xf32, #tpu.memory_space<vmem_shared>>)
    %barrier3A = arith.constant 0 : index
    tpu.barrier barrier_id(%barrier3A)
    %mul3A_15 = arith.constant 200704 : i32
    %mul3A_16 = arith.muli %add3A, %mul3A_15 : i32
    %add3A_17 = arith.constant 0 : i32
    %add3A_18 = arith.addi %mul3A_16, %add3A_17 : i32
    %dma_start3A_19 = tpu.memref_slice %arg3[%add3A_18] : memref<6422528xi32, #tpu.memory_space<hbm>> -> memref<1024xi32, #tpu.memory_space<hbm>>
    %dma_start3A_20 = tpu.memref_slice %arg3[%add3A_18] : memref<6422528xi32, #tpu.memory_space<hbm>> -> memref<1024xi32, #tpu.memory_space<hbm>>
    tpu.enqueue_dma source(%dma_start3A_20 : memref<1024xi32, #tpu.memory_space<hbm>>) target(%arg7 : memref<1024xi32, #tpu.memory_space<vmem>>) target_semaphore(%arg25 : memref<!tpu.dma_semaphore, #tpu.memory_space<semaphore_mem>>)
    %dma_start3A_21 = tpu.memref_slice %arg5[%add3A_18] : memref<6422528xf32, #tpu.memory_space<hbm>> -> memref<1024xf32, #tpu.memory_space<hbm>>
    %dma_start3A_22 = tpu.memref_slice %arg5[%add3A_18] : memref<6422528xf32, #tpu.memory_space<hbm>> -> memref<1024xf32, #tpu.memory_space<hbm>>
    tpu.enqueue_dma source(%dma_start3A_22 : memref<1024xf32, #tpu.memory_space<hbm>>) target(%arg15 : memref<1024xf32, #tpu.memory_space<vmem>>) target_semaphore(%arg25 : memref<!tpu.dma_semaphore, #tpu.memory_space<semaphore_mem>>)
    %dma_start3A_23 = tpu.memref_slice %arg4[%add3A_18] : memref<6422528xi32, #tpu.memory_space<hbm>> -> memref<1024xi32, #tpu.memory_space<hbm>>
    %dma_start3A_24 = tpu.memref_slice %arg4[%add3A_18] : memref<6422528xi32, #tpu.memory_space<hbm>> -> memref<1024xi32, #tpu.memory_space<hbm>>
    tpu.enqueue_dma source(%dma_start3A_24 : memref<1024xi32, #tpu.memory_space<hbm>>) target(%arg11 : memref<1024xi32, #tpu.memory_space<vmem>>) target_semaphore(%arg25 : memref<!tpu.dma_semaphore, #tpu.memory_space<semaphore_mem>>)
    %mul3A_25 = arith.constant 200704 : i32
    %mul3A_26 = arith.muli %add3A, %mul3A_25 : i32
    %add3A_27 = arith.constant 1024 : i32
    %add3A_28 = arith.addi %mul3A_26, %add3A_27 : i32
    %dma_start3A_29 = tpu.memref_slice %arg3[%add3A_28] : memref<6422528xi32, #tpu.memory_space<hbm>> -> memref<1024xi32, #tpu.memory_space<hbm>>
    %dma_start3A_30 = tpu.memref_slice %arg3[%add3A_28] : memref<6422528xi32, #tpu.memory_space<hbm>> -> memref<1024xi32, #tpu.memory_space<hbm>>
    tpu.enqueue_dma source(%dma_start3A_30 : memref<1024xi32, #tpu.memory_space<hbm>>) target(%arg8 : memref<1024xi32, #tpu.memory_space<vmem>>) target_semaphore(%arg26 : memref<!tpu.dma_semaphore, #tpu.memory_space<semaphore_mem>>)
    %dma_start3A_31 = tpu.memref_slice %arg5[%add3A_28] : memref<6422528xf32, #tpu.memory_space<hbm>> -> memref<1024xf32, #tpu.memory_space<hbm>>
    %dma_start3A_32 = tpu.memref_slice %arg5[%add3A_28] : memref<6422528xf32, #tpu.memory_space<hbm>> -> memref<1024xf32, #tpu.memory_space<hbm>>
    tpu.enqueue_dma source(%dma_start3A_32 : memref<1024xf32, #tpu.memory_space<hbm>>) target(%arg16 : memref<1024xf32, #tpu.memory_space<vmem>>) target_semaphore(%arg26 : memref<!tpu.dma_semaphore, #tpu.memory_space<semaphore_mem>>)
    %dma_start3A_33 = tpu.memref_slice %arg4[%add3A_28] : memref<6422528xi32, #tpu.memory_space<hbm>> -> memref<1024xi32, #tpu.memory_space<hbm>>
    %dma_start3A_34 = tpu.memref_slice %arg4[%add3A_28] : memref<6422528xi32, #tpu.memory_space<hbm>> -> memref<1024xi32, #tpu.memory_space<hbm>>
    tpu.enqueue_dma source(%dma_start3A_34 : memref<1024xi32, #tpu.memory_space<hbm>>) target(%arg12 : memref<1024xi32, #tpu.memory_space<vmem>>) target_semaphore(%arg26 : memref<!tpu.dma_semaphore, #tpu.memory_space<semaphore_mem>>)
    %mul3A_35 = arith.constant 200704 : i32
    %mul3A_36 = arith.muli %add3A, %mul3A_35 : i32
    %add3A_37 = arith.constant 2048 : i32
    %add3A_38 = arith.addi %mul3A_36, %add3A_37 : i32
    %dma_start3A_39 = tpu.memref_slice %arg3[%add3A_38] : memref<6422528xi32, #tpu.memory_space<hbm>> -> memref<1024xi32, #tpu.memory_space<hbm>>
    %dma_start3A_40 = tpu.memref_slice %arg3[%add3A_38] : memref<6422528xi32, #tpu.memory_space<hbm>> -> memref<1024xi32, #tpu.memory_space<hbm>>
    tpu.enqueue_dma source(%dma_start3A_40 : memref<1024xi32, #tpu.memory_space<hbm>>) target(%arg9 : memref<1024xi32, #tpu.memory_space<vmem>>) target_semaphore(%arg27 : memref<!tpu.dma_semaphore, #tpu.memory_space<semaphore_mem>>)
    %dma_start3A_41 = tpu.memref_slice %arg5[%add3A_38] : memref<6422528xf32, #tpu.memory_space<hbm>> -> memref<1024xf32, #tpu.memory_space<hbm>>
    %dma_start3A_42 = tpu.memref_slice %arg5[%add3A_38] : memref<6422528xf32, #tpu.memory_space<hbm>> -> memref<1024xf32, #tpu.memory_space<hbm>>
    tpu.enqueue_dma source(%dma_start3A_42 : memref<1024xf32, #tpu.memory_space<hbm>>) target(%arg17 : memref<1024xf32, #tpu.memory_space<vmem>>) target_semaphore(%arg27 : memref<!tpu.dma_semaphore, #tpu.memory_space<semaphore_mem>>)
    %dma_start3A_43 = tpu.memref_slice %arg4[%add3A_38] : memref<6422528xi32, #tpu.memory_space<hbm>> -> memref<1024xi32, #tpu.memory_space<hbm>>
    %dma_start3A_44 = tpu.memref_slice %arg4[%add3A_38] : memref<6422528xi32, #tpu.memory_space<hbm>> -> memref<1024xi32, #tpu.memory_space<hbm>>
    tpu.enqueue_dma source(%dma_start3A_44 : memref<1024xi32, #tpu.memory_space<hbm>>) target(%arg13 : memref<1024xi32, #tpu.memory_space<vmem>>) target_semaphore(%arg27 : memref<!tpu.dma_semaphore, #tpu.memory_space<semaphore_mem>>)
    %dma_wait3A_45 = arith.constant 0 : i32
    %dma_wait3A_46 = tpu.memref_slice %arg3[%dma_wait3A_45] : memref<6422528xi32, #tpu.memory_space<hbm>> -> memref<1024xi32, #tpu.memory_space<hbm>>
    %dma_wait3A_47 = arith.constant 0 : i32
    %dma_wait3A_48 = tpu.memref_slice %arg3[%dma_wait3A_47] : memref<6422528xi32, #tpu.memory_space<hbm>> -> memref<1024xi32, #tpu.memory_space<hbm>>
    tpu.wait_dma2 semaphore(%arg25 : memref<!tpu.dma_semaphore, #tpu.memory_space<semaphore_mem>>) src(%dma_wait3A_48 : memref<1024xi32, #tpu.memory_space<hbm>>) dst(%arg7 : memref<1024xi32, #tpu.memory_space<vmem>>)
    %dma_wait3A_49 = arith.constant 0 : i32
    %dma_wait3A_50 = tpu.memref_slice %arg5[%dma_wait3A_49] : memref<6422528xf32, #tpu.memory_space<hbm>> -> memref<1024xf32, #tpu.memory_space<hbm>>
    %dma_wait3A_51 = arith.constant 0 : i32
    %dma_wait3A_52 = tpu.memref_slice %arg5[%dma_wait3A_51] : memref<6422528xf32, #tpu.memory_space<hbm>> -> memref<1024xf32, #tpu.memory_space<hbm>>
    tpu.wait_dma2 semaphore(%arg25 : memref<!tpu.dma_semaphore, #tpu.memory_space<semaphore_mem>>) src(%dma_wait3A_52 : memref<1024xf32, #tpu.memory_space<hbm>>) dst(%arg15 : memref<1024xf32, #tpu.memory_space<vmem>>)
    %dma_wait3A_53 = arith.constant 0 : i32
    %dma_wait3A_54 = tpu.memref_slice %arg4[%dma_wait3A_53] : memref<6422528xi32, #tpu.memory_space<hbm>> -> memref<1024xi32, #tpu.memory_space<hbm>>
    %dma_wait3A_55 = arith.constant 0 : i32
    %dma_wait3A_56 = tpu.memref_slice %arg4[%dma_wait3A_55] : memref<6422528xi32, #tpu.memory_space<hbm>> -> memref<1024xi32, #tpu.memory_space<hbm>>
    tpu.wait_dma2 semaphore(%arg25 : memref<!tpu.dma_semaphore, #tpu.memory_space<semaphore_mem>>) src(%dma_wait3A_56 : memref<1024xi32, #tpu.memory_space<hbm>>) dst(%arg11 : memref<1024xi32, #tpu.memory_space<vmem>>)
    %dma_start3A_57 = arith.constant 0 : i32
    %dma_start3A_58 = tpu.memref_slice %arg24[%dma_start3A_57] : memref<102400xf32, #tpu.memory_space<vmem_shared>> -> memref<102400xf32, #tpu.memory_space<vmem_shared>>
    tpu.enqueue_indirect_dma source(%dma_start3A_58 : memref<102400xf32, #tpu.memory_space<vmem_shared>>) target(%arg19 : memref<1024xf32, #tpu.memory_space<vmem>>) offsets(%arg7 : memref<1024xi32, #tpu.memory_space<vmem>>) semaphore(%arg29 : memref<!tpu.dma_semaphore, #tpu.memory_space<semaphore_mem>>)
    %scan3A_59 = arith.constant 0 : i32
    %scan3A_60 = arith.constant 0 : i32
    %scan3A_61 = arith.constant 49 : i32
    %scan3A_62 = arith.addi %scan3A_60, %scan3A_61 : i32
    %scan3A_63 = arith.constant 1 : i32
    scf.for %scan3A_65 = %scan3A_60 to %scan3A_62 step %scan3A_63  : i32 {
      %mul3A_66 = arith.constant 4 : i32
      %mul3A_67 = arith.muli %mul3A_66, %scan3A_65 : i32
      %add3A_68 = arith.constant 0 : i32
      %add3A_69 = arith.addi %mul3A_67, %add3A_68 : i32
      %add3A_70 = arith.constant 3 : i32
      %add3A_71 = arith.addi %add3A_69, %add3A_70 : i32
      %lt3A = arith.constant 196 : i32
      %lt3A_72 = arith.cmpi slt, %add3A_71, %lt3A : i32
      %convert_element_type3A = arith.extui %lt3A_72 : i1 to i32
      %cond3A = arith.constant 0 : i32
      %cond3A_73 = arith.cmpi ne, %convert_element_type3A, %cond3A : i32
      scf.if %cond3A_73 {
        %add3A_167 = arith.constant 3 : i32
        %add3A_168 = arith.addi %add3A_69, %add3A_167 : i32
        %mul3A_169 = arith.constant 200704 : i32
        %mul3A_170 = arith.muli %add3A, %mul3A_169 : i32
        %mul3A_171 = arith.constant 1024 : i32
        %mul3A_172 = arith.muli %add3A_168, %mul3A_171 : i32
        %add3A_173 = arith.addi %mul3A_170, %mul3A_172 : i32
        %dma_start3A_174 = tpu.memref_slice %arg3[%add3A_173] : memref<6422528xi32, #tpu.memory_space<hbm>> -> memref<1024xi32, #tpu.memory_space<hbm>>
        %dma_start3A_175 = tpu.memref_slice %arg3[%add3A_173] : memref<6422528xi32, #tpu.memory_space<hbm>> -> memref<1024xi32, #tpu.memory_space<hbm>>
        tpu.enqueue_dma source(%dma_start3A_175 : memref<1024xi32, #tpu.memory_space<hbm>>) target(%arg10 : memref<1024xi32, #tpu.memory_space<vmem>>) target_semaphore(%arg28 : memref<!tpu.dma_semaphore, #tpu.memory_space<semaphore_mem>>)
        %dma_start3A_176 = tpu.memref_slice %arg5[%add3A_173] : memref<6422528xf32, #tpu.memory_space<hbm>> -> memref<1024xf32, #tpu.memory_space<hbm>>
        %dma_start3A_177 = tpu.memref_slice %arg5[%add3A_173] : memref<6422528xf32, #tpu.memory_space<hbm>> -> memref<1024xf32, #tpu.memory_space<hbm>>
        tpu.enqueue_dma source(%dma_start3A_177 : memref<1024xf32, #tpu.memory_space<hbm>>) target(%arg18 : memref<1024xf32, #tpu.memory_space<vmem>>) target_semaphore(%arg28 : memref<!tpu.dma_semaphore, #tpu.memory_space<semaphore_mem>>)
        %dma_start3A_178 = tpu.memref_slice %arg4[%add3A_173] : memref<6422528xi32, #tpu.memory_space<hbm>> -> memref<1024xi32, #tpu.memory_space<hbm>>
        %dma_start3A_179 = tpu.memref_slice %arg4[%add3A_173] : memref<6422528xi32, #tpu.memory_space<hbm>> -> memref<1024xi32, #tpu.memory_space<hbm>>
        tpu.enqueue_dma source(%dma_start3A_179 : memref<1024xi32, #tpu.memory_space<hbm>>) target(%arg14 : memref<1024xi32, #tpu.memory_space<vmem>>) target_semaphore(%arg28 : memref<!tpu.dma_semaphore, #tpu.memory_space<semaphore_mem>>)
      } else {
      }
      %add3A_74 = arith.constant 1 : i32
      %add3A_75 = arith.addi %add3A_69, %add3A_74 : i32
      %lt3A_76 = arith.constant 196 : i32
      %lt3A_77 = arith.cmpi slt, %add3A_75, %lt3A_76 : i32
      %convert_element_type3A_78 = arith.extui %lt3A_77 : i1 to i32
      %cond3A_79 = arith.constant 0 : i32
      %cond3A_80 = arith.cmpi ne, %convert_element_type3A_78, %cond3A_79 : i32
      scf.if %cond3A_80 {
        %dma_wait3A_167 = arith.constant 0 : i32
        %dma_wait3A_168 = tpu.memref_slice %arg3[%dma_wait3A_167] : memref<6422528xi32, #tpu.memory_space<hbm>> -> memref<1024xi32, #tpu.memory_space<hbm>>
        %dma_wait3A_169 = arith.constant 0 : i32
        %dma_wait3A_170 = tpu.memref_slice %arg3[%dma_wait3A_169] : memref<6422528xi32, #tpu.memory_space<hbm>> -> memref<1024xi32, #tpu.memory_space<hbm>>
        tpu.wait_dma2 semaphore(%arg26 : memref<!tpu.dma_semaphore, #tpu.memory_space<semaphore_mem>>) src(%dma_wait3A_170 : memref<1024xi32, #tpu.memory_space<hbm>>) dst(%arg8 : memref<1024xi32, #tpu.memory_space<vmem>>)
        %dma_wait3A_171 = arith.constant 0 : i32
        %dma_wait3A_172 = tpu.memref_slice %arg5[%dma_wait3A_171] : memref<6422528xf32, #tpu.memory_space<hbm>> -> memref<1024xf32, #tpu.memory_space<hbm>>
        %dma_wait3A_173 = arith.constant 0 : i32
        %dma_wait3A_174 = tpu.memref_slice %arg5[%dma_wait3A_173] : memref<6422528xf32, #tpu.memory_space<hbm>> -> memref<1024xf32, #tpu.memory_space<hbm>>
        tpu.wait_dma2 semaphore(%arg26 : memref<!tpu.dma_semaphore, #tpu.memory_space<semaphore_mem>>) src(%dma_wait3A_174 : memref<1024xf32, #tpu.memory_space<hbm>>) dst(%arg16 : memref<1024xf32, #tpu.memory_space<vmem>>)
        %dma_wait3A_175 = arith.constant 0 : i32
        %dma_wait3A_176 = tpu.memref_slice %arg4[%dma_wait3A_175] : memref<6422528xi32, #tpu.memory_space<hbm>> -> memref<1024xi32, #tpu.memory_space<hbm>>
        %dma_wait3A_177 = arith.constant 0 : i32
        %dma_wait3A_178 = tpu.memref_slice %arg4[%dma_wait3A_177] : memref<6422528xi32, #tpu.memory_space<hbm>> -> memref<1024xi32, #tpu.memory_space<hbm>>
        tpu.wait_dma2 semaphore(%arg26 : memref<!tpu.dma_semaphore, #tpu.memory_space<semaphore_mem>>) src(%dma_wait3A_178 : memref<1024xi32, #tpu.memory_space<hbm>>) dst(%arg12 : memref<1024xi32, #tpu.memory_space<vmem>>)
        %dma_start3A_179 = arith.constant 0 : i32
        %dma_start3A_180 = tpu.memref_slice %arg24[%dma_start3A_179] : memref<102400xf32, #tpu.memory_space<vmem_shared>> -> memref<102400xf32, #tpu.memory_space<vmem_shared>>
        tpu.enqueue_indirect_dma source(%dma_start3A_180 : memref<102400xf32, #tpu.memory_space<vmem_shared>>) target(%arg20 : memref<1024xf32, #tpu.memory_space<vmem>>) offsets(%arg8 : memref<1024xi32, #tpu.memory_space<vmem>>) semaphore(%arg30 : memref<!tpu.dma_semaphore, #tpu.memory_space<semaphore_mem>>)
      } else {
      }
      %dma_wait3A_81 = arith.constant 0 : i32
      %dma_wait3A_82 = tpu.memref_slice %arg24[%dma_wait3A_81] : memref<102400xf32, #tpu.memory_space<vmem_shared>> -> memref<102400xf32, #tpu.memory_space<vmem_shared>>
      tpu.wait_indirect_dma semaphore(%arg29 : memref<!tpu.dma_semaphore, #tpu.memory_space<semaphore_mem>>) src(%dma_wait3A_82 : memref<102400xf32, #tpu.memory_space<vmem_shared>>) dst(%arg19 : memref<1024xf32, #tpu.memory_space<vmem>>)
      %scan3A_83 = arith.constant 0 : i32
      %scan3A_84 = arith.constant 0 : i32
      %scan3A_85 = arith.constant 64 : i32
      %scan3A_86 = arith.addi %scan3A_84, %scan3A_85 : i32
      %scan3A_87 = arith.constant 4 : i32
      scf.for %scan3A_167 = %scan3A_84 to %scan3A_86 step %scan3A_87  : i32 {
        %mul3A_168 = arith.constant 16 : i32
        %mul3A_169 = arith.muli %scan3A_167, %mul3A_168 : i32
        %get3A = arith.index_cast %mul3A_169 : i32 to index
        %get3A_170 = tpu.vector_load %arg11[%get3A] {strides = array<i32>} : memref<1024xi32, #tpu.memory_space<vmem>>, vector<16xi32>,
        %get3A_171 = arith.index_cast %mul3A_169 : i32 to index
        %get3A_172 = tpu.vector_load %arg19[%get3A_171] {strides = array<i32>} : memref<1024xf32, #tpu.memory_space<vmem>>, vector<16xf32>,
        %get3A_173 = arith.index_cast %mul3A_169 : i32 to index
        %get3A_174 = tpu.vector_load %arg15[%get3A_173] {strides = array<i32>} : memref<1024xf32, #tpu.memory_space<vmem>>, vector<16xf32>,
        %mul3A_175 = arith.mulf %get3A_172, %get3A_174 : vector<16xf32>
        tpu.vector_store_idx %arg23[%get3A_170], %mul3A_175 {add = true} : memref<102400xf32, #tpu.memory_space<vmem>>[vector<16xi32>], vector<16xf32>,
        %scan3A_176 = arith.constant 1 : i32
        %scan3A_177 = arith.addi %scan3A_167, %scan3A_176 : i32
        %mul3A_178 = arith.constant 16 : i32
        %mul3A_179 = arith.muli %scan3A_177, %mul3A_178 : i32
        %get3A_180 = arith.index_cast %mul3A_179 : i32 to index
        %get3A_181 = tpu.vector_load %arg11[%get3A_180] {strides = array<i32>} : memref<1024xi32, #tpu.memory_space<vmem>>, vector<16xi32>,
        %get3A_182 = arith.index_cast %mul3A_179 : i32 to index
        %get3A_183 = tpu.vector_load %arg19[%get3A_182] {strides = array<i32>} : memref<1024xf32, #tpu.memory_space<vmem>>, vector<16xf32>,
        %get3A_184 = arith.index_cast %mul3A_179 : i32 to index
        %get3A_185 = tpu.vector_load %arg15[%get3A_184] {strides = array<i32>} : memref<1024xf32, #tpu.memory_space<vmem>>, vector<16xf32>,
        %mul3A_186 = arith.mulf %get3A_183, %get3A_185 : vector<16xf32>
        tpu.vector_store_idx %arg23[%get3A_181], %mul3A_186 {add = true} : memref<102400xf32, #tpu.memory_space<vmem>>[vector<16xi32>], vector<16xf32>,
        %scan3A_187 = arith.constant 2 : i32
        %scan3A_188 = arith.addi %scan3A_167, %scan3A_187 : i32
        %mul3A_189 = arith.constant 16 : i32
        %mul3A_190 = arith.muli %scan3A_188, %mul3A_189 : i32
        %get3A_191 = arith.index_cast %mul3A_190 : i32 to index
        %get3A_192 = tpu.vector_load %arg11[%get3A_191] {strides = array<i32>} : memref<1024xi32, #tpu.memory_space<vmem>>, vector<16xi32>,
        %get3A_193 = arith.index_cast %mul3A_190 : i32 to index
        %get3A_194 = tpu.vector_load %arg19[%get3A_193] {strides = array<i32>} : memref<1024xf32, #tpu.memory_space<vmem>>, vector<16xf32>,
        %get3A_195 = arith.index_cast %mul3A_190 : i32 to index
        %get3A_196 = tpu.vector_load %arg15[%get3A_195] {strides = array<i32>} : memref<1024xf32, #tpu.memory_space<vmem>>, vector<16xf32>,
        %mul3A_197 = arith.mulf %get3A_194, %get3A_196 : vector<16xf32>
        tpu.vector_store_idx %arg23[%get3A_192], %mul3A_197 {add = true} : memref<102400xf32, #tpu.memory_space<vmem>>[vector<16xi32>], vector<16xf32>,
        %scan3A_198 = arith.constant 3 : i32
        %scan3A_199 = arith.addi %scan3A_167, %scan3A_198 : i32
        %mul3A_200 = arith.constant 16 : i32
        %mul3A_201 = arith.muli %scan3A_199, %mul3A_200 : i32
        %get3A_202 = arith.index_cast %mul3A_201 : i32 to index
        %get3A_203 = tpu.vector_load %arg11[%get3A_202] {strides = array<i32>} : memref<1024xi32, #tpu.memory_space<vmem>>, vector<16xi32>,
        %get3A_204 = arith.index_cast %mul3A_201 : i32 to index
        %get3A_205 = tpu.vector_load %arg19[%get3A_204] {strides = array<i32>} : memref<1024xf32, #tpu.memory_space<vmem>>, vector<16xf32>,
        %get3A_206 = arith.index_cast %mul3A_201 : i32 to index
        %get3A_207 = tpu.vector_load %arg15[%get3A_206] {strides = array<i32>} : memref<1024xf32, #tpu.memory_space<vmem>>, vector<16xf32>,
        %mul3A_208 = arith.mulf %get3A_205, %get3A_207 : vector<16xf32>
        tpu.vector_store_idx %arg23[%get3A_203], %mul3A_208 {add = true} : memref<102400xf32, #tpu.memory_space<vmem>>[vector<16xi32>], vector<16xf32>,
      }
      %scan3A_88 = arith.constant 64 : i32
      %mul3A_89 = arith.constant 4 : i32
      %mul3A_90 = arith.muli %mul3A_89, %scan3A_65 : i32
      %add3A_91 = arith.constant 1 : i32
      %add3A_92 = arith.addi %mul3A_90, %add3A_91 : i32
      %add3A_93 = arith.constant 3 : i32
      %add3A_94 = arith.addi %add3A_92, %add3A_93 : i32
      %lt3A_95 = arith.constant 196 : i32
      %lt3A_96 = arith.cmpi slt, %add3A_94, %lt3A_95 : i32
      %convert_element_type3A_97 = arith.extui %lt3A_96 : i1 to i32
      %cond3A_98 = arith.constant 0 : i32
      %cond3A_99 = arith.cmpi ne, %convert_element_type3A_97, %cond3A_98 : i32
      scf.if %cond3A_99 {
        %add3A_167 = arith.constant 3 : i32
        %add3A_168 = arith.addi %add3A_92, %add3A_167 : i32
        %mul3A_169 = arith.constant 200704 : i32
        %mul3A_170 = arith.muli %add3A, %mul3A_169 : i32
        %mul3A_171 = arith.constant 1024 : i32
        %mul3A_172 = arith.muli %add3A_168, %mul3A_171 : i32
        %add3A_173 = arith.addi %mul3A_170, %mul3A_172 : i32
        %dma_start3A_174 = tpu.memref_slice %arg3[%add3A_173] : memref<6422528xi32, #tpu.memory_space<hbm>> -> memref<1024xi32, #tpu.memory_space<hbm>>
        %dma_start3A_175 = tpu.memref_slice %arg3[%add3A_173] : memref<6422528xi32, #tpu.memory_space<hbm>> -> memref<1024xi32, #tpu.memory_space<hbm>>
        tpu.enqueue_dma source(%dma_start3A_175 : memref<1024xi32, #tpu.memory_space<hbm>>) target(%arg7 : memref<1024xi32, #tpu.memory_space<vmem>>) target_semaphore(%arg25 : memref<!tpu.dma_semaphore, #tpu.memory_space<semaphore_mem>>)
        %dma_start3A_176 = tpu.memref_slice %arg5[%add3A_173] : memref<6422528xf32, #tpu.memory_space<hbm>> -> memref<1024xf32, #tpu.memory_space<hbm>>
        %dma_start3A_177 = tpu.memref_slice %arg5[%add3A_173] : memref<6422528xf32, #tpu.memory_space<hbm>> -> memref<1024xf32, #tpu.memory_space<hbm>>
        tpu.enqueue_dma source(%dma_start3A_177 : memref<1024xf32, #tpu.memory_space<hbm>>) target(%arg15 : memref<1024xf32, #tpu.memory_space<vmem>>) target_semaphore(%arg25 : memref<!tpu.dma_semaphore, #tpu.memory_space<semaphore_mem>>)
        %dma_start3A_178 = tpu.memref_slice %arg4[%add3A_173] : memref<6422528xi32, #tpu.memory_space<hbm>> -> memref<1024xi32, #tpu.memory_space<hbm>>
        %dma_start3A_179 = tpu.memref_slice %arg4[%add3A_173] : memref<6422528xi32, #tpu.memory_space<hbm>> -> memref<1024xi32, #tpu.memory_space<hbm>>
        tpu.enqueue_dma source(%dma_start3A_179 : memref<1024xi32, #tpu.memory_space<hbm>>) target(%arg11 : memref<1024xi32, #tpu.memory_space<vmem>>) target_semaphore(%arg25 : memref<!tpu.dma_semaphore, #tpu.memory_space<semaphore_mem>>)
      } else {
      }
      %add3A_100 = arith.constant 1 : i32
      %add3A_101 = arith.addi %add3A_92, %add3A_100 : i32
      %lt3A_102 = arith.constant 196 : i32
      %lt3A_103 = arith.cmpi slt, %add3A_101, %lt3A_102 : i32
      %convert_element_type3A_104 = arith.extui %lt3A_103 : i1 to i32
      %cond3A_105 = arith.constant 0 : i32
      %cond3A_106 = arith.cmpi ne, %convert_element_type3A_104, %cond3A_105 : i32
      scf.if %cond3A_106 {
        %dma_wait3A_167 = arith.constant 0 : i32
        %dma_wait3A_168 = tpu.memref_slice %arg3[%dma_wait3A_167] : memref<6422528xi32, #tpu.memory_space<hbm>> -> memref<1024xi32, #tpu.memory_space<hbm>>
        %dma_wait3A_169 = arith.constant 0 : i32
        %dma_wait3A_170 = tpu.memref_slice %arg3[%dma_wait3A_169] : memref<6422528xi32, #tpu.memory_space<hbm>> -> memref<1024xi32, #tpu.memory_space<hbm>>
        tpu.wait_dma2 semaphore(%arg27 : memref<!tpu.dma_semaphore, #tpu.memory_space<semaphore_mem>>) src(%dma_wait3A_170 : memref<1024xi32, #tpu.memory_space<hbm>>) dst(%arg9 : memref<1024xi32, #tpu.memory_space<vmem>>)
        %dma_wait3A_171 = arith.constant 0 : i32
        %dma_wait3A_172 = tpu.memref_slice %arg5[%dma_wait3A_171] : memref<6422528xf32, #tpu.memory_space<hbm>> -> memref<1024xf32, #tpu.memory_space<hbm>>
        %dma_wait3A_173 = arith.constant 0 : i32
        %dma_wait3A_174 = tpu.memref_slice %arg5[%dma_wait3A_173] : memref<6422528xf32, #tpu.memory_space<hbm>> -> memref<1024xf32, #tpu.memory_space<hbm>>
        tpu.wait_dma2 semaphore(%arg27 : memref<!tpu.dma_semaphore, #tpu.memory_space<semaphore_mem>>) src(%dma_wait3A_174 : memref<1024xf32, #tpu.memory_space<hbm>>) dst(%arg17 : memref<1024xf32, #tpu.memory_space<vmem>>)
        %dma_wait3A_175 = arith.constant 0 : i32
        %dma_wait3A_176 = tpu.memref_slice %arg4[%dma_wait3A_175] : memref<6422528xi32, #tpu.memory_space<hbm>> -> memref<1024xi32, #tpu.memory_space<hbm>>
        %dma_wait3A_177 = arith.constant 0 : i32
        %dma_wait3A_178 = tpu.memref_slice %arg4[%dma_wait3A_177] : memref<6422528xi32, #tpu.memory_space<hbm>> -> memref<1024xi32, #tpu.memory_space<hbm>>
        tpu.wait_dma2 semaphore(%arg27 : memref<!tpu.dma_semaphore, #tpu.memory_space<semaphore_mem>>) src(%dma_wait3A_178 : memref<1024xi32, #tpu.memory_space<hbm>>) dst(%arg13 : memref<1024xi32, #tpu.memory_space<vmem>>)
        %dma_start3A_179 = arith.constant 0 : i32
        %dma_start3A_180 = tpu.memref_slice %arg24[%dma_start3A_179] : memref<102400xf32, #tpu.memory_space<vmem_shared>> -> memref<102400xf32, #tpu.memory_space<vmem_shared>>
        tpu.enqueue_indirect_dma source(%dma_start3A_180 : memref<102400xf32, #tpu.memory_space<vmem_shared>>) target(%arg21 : memref<1024xf32, #tpu.memory_space<vmem>>) offsets(%arg9 : memref<1024xi32, #tpu.memory_space<vmem>>) semaphore(%arg31 : memref<!tpu.dma_semaphore, #tpu.memory_space<semaphore_mem>>)
      } else {
      }
      %dma_wait3A_107 = arith.constant 0 : i32
      %dma_wait3A_108 = tpu.memref_slice %arg24[%dma_wait3A_107] : memref<102400xf32, #tpu.memory_space<vmem_shared>> -> memref<102400xf32, #tpu.memory_space<vmem_shared>>
      tpu.wait_indirect_dma semaphore(%arg30 : memref<!tpu.dma_semaphore, #tpu.memory_space<semaphore_mem>>) src(%dma_wait3A_108 : memref<102400xf32, #tpu.memory_space<vmem_shared>>) dst(%arg20 : memref<1024xf32, #tpu.memory_space<vmem>>)
      %scan3A_109 = arith.constant 0 : i32
      %scan3A_110 = arith.constant 0 : i32
      %scan3A_111 = arith.constant 64 : i32
      %scan3A_112 = arith.addi %scan3A_110, %scan3A_111 : i32
      %scan3A_113 = arith.constant 4 : i32
      scf.for %scan3A_167 = %scan3A_110 to %scan3A_112 step %scan3A_113  : i32 {
        %mul3A_168 = arith.constant 16 : i32
        %mul3A_169 = arith.muli %scan3A_167, %mul3A_168 : i32
        %get3A = arith.index_cast %mul3A_169 : i32 to index
        %get3A_170 = tpu.vector_load %arg12[%get3A] {strides = array<i32>} : memref<1024xi32, #tpu.memory_space<vmem>>, vector<16xi32>,
        %get3A_171 = arith.index_cast %mul3A_169 : i32 to index
        %get3A_172 = tpu.vector_load %arg20[%get3A_171] {strides = array<i32>} : memref<1024xf32, #tpu.memory_space<vmem>>, vector<16xf32>,
        %get3A_173 = arith.index_cast %mul3A_169 : i32 to index
        %get3A_174 = tpu.vector_load %arg16[%get3A_173] {strides = array<i32>} : memref<1024xf32, #tpu.memory_space<vmem>>, vector<16xf32>,
        %mul3A_175 = arith.mulf %get3A_172, %get3A_174 : vector<16xf32>
        tpu.vector_store_idx %arg23[%get3A_170], %mul3A_175 {add = true} : memref<102400xf32, #tpu.memory_space<vmem>>[vector<16xi32>], vector<16xf32>,
        %scan3A_176 = arith.constant 1 : i32
        %scan3A_177 = arith.addi %scan3A_167, %scan3A_176 : i32
        %mul3A_178 = arith.constant 16 : i32
        %mul3A_179 = arith.muli %scan3A_177, %mul3A_178 : i32
        %get3A_180 = arith.index_cast %mul3A_179 : i32 to index
        %get3A_181 = tpu.vector_load %arg12[%get3A_180] {strides = array<i32>} : memref<1024xi32, #tpu.memory_space<vmem>>, vector<16xi32>,
        %get3A_182 = arith.index_cast %mul3A_179 : i32 to index
        %get3A_183 = tpu.vector_load %arg20[%get3A_182] {strides = array<i32>} : memref<1024xf32, #tpu.memory_space<vmem>>, vector<16xf32>,
        %get3A_184 = arith.index_cast %mul3A_179 : i32 to index
        %get3A_185 = tpu.vector_load %arg16[%get3A_184] {strides = array<i32>} : memref<1024xf32, #tpu.memory_space<vmem>>, vector<16xf32>,
        %mul3A_186 = arith.mulf %get3A_183, %get3A_185 : vector<16xf32>
        tpu.vector_store_idx %arg23[%get3A_181], %mul3A_186 {add = true} : memref<102400xf32, #tpu.memory_space<vmem>>[vector<16xi32>], vector<16xf32>,
        %scan3A_187 = arith.constant 2 : i32
        %scan3A_188 = arith.addi %scan3A_167, %scan3A_187 : i32
        %mul3A_189 = arith.constant 16 : i32
        %mul3A_190 = arith.muli %scan3A_188, %mul3A_189 : i32
        %get3A_191 = arith.index_cast %mul3A_190 : i32 to index
        %get3A_192 = tpu.vector_load %arg12[%get3A_191] {strides = array<i32>} : memref<1024xi32, #tpu.memory_space<vmem>>, vector<16xi32>,
        %get3A_193 = arith.index_cast %mul3A_190 : i32 to index
        %get3A_194 = tpu.vector_load %arg20[%get3A_193] {strides = array<i32>} : memref<1024xf32, #tpu.memory_space<vmem>>, vector<16xf32>,
        %get3A_195 = arith.index_cast %mul3A_190 : i32 to index
        %get3A_196 = tpu.vector_load %arg16[%get3A_195] {strides = array<i32>} : memref<1024xf32, #tpu.memory_space<vmem>>, vector<16xf32>,
        %mul3A_197 = arith.mulf %get3A_194, %get3A_196 : vector<16xf32>
        tpu.vector_store_idx %arg23[%get3A_192], %mul3A_197 {add = true} : memref<102400xf32, #tpu.memory_space<vmem>>[vector<16xi32>], vector<16xf32>,
        %scan3A_198 = arith.constant 3 : i32
        %scan3A_199 = arith.addi %scan3A_167, %scan3A_198 : i32
        %mul3A_200 = arith.constant 16 : i32
        %mul3A_201 = arith.muli %scan3A_199, %mul3A_200 : i32
        %get3A_202 = arith.index_cast %mul3A_201 : i32 to index
        %get3A_203 = tpu.vector_load %arg12[%get3A_202] {strides = array<i32>} : memref<1024xi32, #tpu.memory_space<vmem>>, vector<16xi32>,
        %get3A_204 = arith.index_cast %mul3A_201 : i32 to index
        %get3A_205 = tpu.vector_load %arg20[%get3A_204] {strides = array<i32>} : memref<1024xf32, #tpu.memory_space<vmem>>, vector<16xf32>,
        %get3A_206 = arith.index_cast %mul3A_201 : i32 to index
        %get3A_207 = tpu.vector_load %arg16[%get3A_206] {strides = array<i32>} : memref<1024xf32, #tpu.memory_space<vmem>>, vector<16xf32>,
        %mul3A_208 = arith.mulf %get3A_205, %get3A_207 : vector<16xf32>
        tpu.vector_store_idx %arg23[%get3A_203], %mul3A_208 {add = true} : memref<102400xf32, #tpu.memory_space<vmem>>[vector<16xi32>], vector<16xf32>,
      }
      %scan3A_114 = arith.constant 64 : i32
      %mul3A_115 = arith.constant 4 : i32
      %mul3A_116 = arith.muli %mul3A_115, %scan3A_65 : i32
      %add3A_117 = arith.constant 2 : i32
      %add3A_118 = arith.addi %mul3A_116, %add3A_117 : i32
      %add3A_119 = arith.constant 3 : i32
      %add3A_120 = arith.addi %add3A_118, %add3A_119 : i32
      %lt3A_121 = arith.constant 196 : i32
      %lt3A_122 = arith.cmpi slt, %add3A_120, %lt3A_121 : i32
      %convert_element_type3A_123 = arith.extui %lt3A_122 : i1 to i32
      %cond3A_124 = arith.constant 0 : i32
      %cond3A_125 = arith.cmpi ne, %convert_element_type3A_123, %cond3A_124 : i32
      scf.if %cond3A_125 {
        %add3A_167 = arith.constant 3 : i32
        %add3A_168 = arith.addi %add3A_118, %add3A_167 : i32
        %mul3A_169 = arith.constant 200704 : i32
        %mul3A_170 = arith.muli %add3A, %mul3A_169 : i32
        %mul3A_171 = arith.constant 1024 : i32
        %mul3A_172 = arith.muli %add3A_168, %mul3A_171 : i32
        %add3A_173 = arith.addi %mul3A_170, %mul3A_172 : i32
        %dma_start3A_174 = tpu.memref_slice %arg3[%add3A_173] : memref<6422528xi32, #tpu.memory_space<hbm>> -> memref<1024xi32, #tpu.memory_space<hbm>>
        %dma_start3A_175 = tpu.memref_slice %arg3[%add3A_173] : memref<6422528xi32, #tpu.memory_space<hbm>> -> memref<1024xi32, #tpu.memory_space<hbm>>
        tpu.enqueue_dma source(%dma_start3A_175 : memref<1024xi32, #tpu.memory_space<hbm>>) target(%arg8 : memref<1024xi32, #tpu.memory_space<vmem>>) target_semaphore(%arg26 : memref<!tpu.dma_semaphore, #tpu.memory_space<semaphore_mem>>)
        %dma_start3A_176 = tpu.memref_slice %arg5[%add3A_173] : memref<6422528xf32, #tpu.memory_space<hbm>> -> memref<1024xf32, #tpu.memory_space<hbm>>
        %dma_start3A_177 = tpu.memref_slice %arg5[%add3A_173] : memref<6422528xf32, #tpu.memory_space<hbm>> -> memref<1024xf32, #tpu.memory_space<hbm>>
        tpu.enqueue_dma source(%dma_start3A_177 : memref<1024xf32, #tpu.memory_space<hbm>>) target(%arg16 : memref<1024xf32, #tpu.memory_space<vmem>>) target_semaphore(%arg26 : memref<!tpu.dma_semaphore, #tpu.memory_space<semaphore_mem>>)
        %dma_start3A_178 = tpu.memref_slice %arg4[%add3A_173] : memref<6422528xi32, #tpu.memory_space<hbm>> -> memref<1024xi32, #tpu.memory_space<hbm>>
        %dma_start3A_179 = tpu.memref_slice %arg4[%add3A_173] : memref<6422528xi32, #tpu.memory_space<hbm>> -> memref<1024xi32, #tpu.memory_space<hbm>>
        tpu.enqueue_dma source(%dma_start3A_179 : memref<1024xi32, #tpu.memory_space<hbm>>) target(%arg12 : memref<1024xi32, #tpu.memory_space<vmem>>) target_semaphore(%arg26 : memref<!tpu.dma_semaphore, #tpu.memory_space<semaphore_mem>>)
      } else {
      }
      %add3A_126 = arith.constant 1 : i32
      %add3A_127 = arith.addi %add3A_118, %add3A_126 : i32
      %lt3A_128 = arith.constant 196 : i32
      %lt3A_129 = arith.cmpi slt, %add3A_127, %lt3A_128 : i32
      %convert_element_type3A_130 = arith.extui %lt3A_129 : i1 to i32
      %cond3A_131 = arith.constant 0 : i32
      %cond3A_132 = arith.cmpi ne, %convert_element_type3A_130, %cond3A_131 : i32
      scf.if %cond3A_132 {
        %dma_wait3A_167 = arith.constant 0 : i32
        %dma_wait3A_168 = tpu.memref_slice %arg3[%dma_wait3A_167] : memref<6422528xi32, #tpu.memory_space<hbm>> -> memref<1024xi32, #tpu.memory_space<hbm>>
        %dma_wait3A_169 = arith.constant 0 : i32
        %dma_wait3A_170 = tpu.memref_slice %arg3[%dma_wait3A_169] : memref<6422528xi32, #tpu.memory_space<hbm>> -> memref<1024xi32, #tpu.memory_space<hbm>>
        tpu.wait_dma2 semaphore(%arg28 : memref<!tpu.dma_semaphore, #tpu.memory_space<semaphore_mem>>) src(%dma_wait3A_170 : memref<1024xi32, #tpu.memory_space<hbm>>) dst(%arg10 : memref<1024xi32, #tpu.memory_space<vmem>>)
        %dma_wait3A_171 = arith.constant 0 : i32
        %dma_wait3A_172 = tpu.memref_slice %arg5[%dma_wait3A_171] : memref<6422528xf32, #tpu.memory_space<hbm>> -> memref<1024xf32, #tpu.memory_space<hbm>>
        %dma_wait3A_173 = arith.constant 0 : i32
        %dma_wait3A_174 = tpu.memref_slice %arg5[%dma_wait3A_173] : memref<6422528xf32, #tpu.memory_space<hbm>> -> memref<1024xf32, #tpu.memory_space<hbm>>
        tpu.wait_dma2 semaphore(%arg28 : memref<!tpu.dma_semaphore, #tpu.memory_space<semaphore_mem>>) src(%dma_wait3A_174 : memref<1024xf32, #tpu.memory_space<hbm>>) dst(%arg18 : memref<1024xf32, #tpu.memory_space<vmem>>)
        %dma_wait3A_175 = arith.constant 0 : i32
        %dma_wait3A_176 = tpu.memref_slice %arg4[%dma_wait3A_175] : memref<6422528xi32, #tpu.memory_space<hbm>> -> memref<1024xi32, #tpu.memory_space<hbm>>
        %dma_wait3A_177 = arith.constant 0 : i32
        %dma_wait3A_178 = tpu.memref_slice %arg4[%dma_wait3A_177] : memref<6422528xi32, #tpu.memory_space<hbm>> -> memref<1024xi32, #tpu.memory_space<hbm>>
        tpu.wait_dma2 semaphore(%arg28 : memref<!tpu.dma_semaphore, #tpu.memory_space<semaphore_mem>>) src(%dma_wait3A_178 : memref<1024xi32, #tpu.memory_space<hbm>>) dst(%arg14 : memref<1024xi32, #tpu.memory_space<vmem>>)
        %dma_start3A_179 = arith.constant 0 : i32
        %dma_start3A_180 = tpu.memref_slice %arg24[%dma_start3A_179] : memref<102400xf32, #tpu.memory_space<vmem_shared>> -> memref<102400xf32, #tpu.memory_space<vmem_shared>>
        tpu.enqueue_indirect_dma source(%dma_start3A_180 : memref<102400xf32, #tpu.memory_space<vmem_shared>>) target(%arg22 : memref<1024xf32, #tpu.memory_space<vmem>>) offsets(%arg10 : memref<1024xi32, #tpu.memory_space<vmem>>) semaphore(%arg32 : memref<!tpu.dma_semaphore, #tpu.memory_space<semaphore_mem>>)
      } else {
      }
      %dma_wait3A_133 = arith.constant 0 : i32
      %dma_wait3A_134 = tpu.memref_slice %arg24[%dma_wait3A_133] : memref<102400xf32, #tpu.memory_space<vmem_shared>> -> memref<102400xf32, #tpu.memory_space<vmem_shared>>
      tpu.wait_indirect_dma semaphore(%arg31 : memref<!tpu.dma_semaphore, #tpu.memory_space<semaphore_mem>>) src(%dma_wait3A_134 : memref<102400xf32, #tpu.memory_space<vmem_shared>>) dst(%arg21 : memref<1024xf32, #tpu.memory_space<vmem>>)
      %scan3A_135 = arith.constant 0 : i32
      %scan3A_136 = arith.constant 0 : i32
      %scan3A_137 = arith.constant 64 : i32
      %scan3A_138 = arith.addi %scan3A_136, %scan3A_137 : i32
      %scan3A_139 = arith.constant 4 : i32
      scf.for %scan3A_167 = %scan3A_136 to %scan3A_138 step %scan3A_139  : i32 {
        %mul3A_168 = arith.constant 16 : i32
        %mul3A_169 = arith.muli %scan3A_167, %mul3A_168 : i32
        %get3A = arith.index_cast %mul3A_169 : i32 to index
        %get3A_170 = tpu.vector_load %arg13[%get3A] {strides = array<i32>} : memref<1024xi32, #tpu.memory_space<vmem>>, vector<16xi32>,
        %get3A_171 = arith.index_cast %mul3A_169 : i32 to index
        %get3A_172 = tpu.vector_load %arg21[%get3A_171] {strides = array<i32>} : memref<1024xf32, #tpu.memory_space<vmem>>, vector<16xf32>,
        %get3A_173 = arith.index_cast %mul3A_169 : i32 to index
        %get3A_174 = tpu.vector_load %arg17[%get3A_173] {strides = array<i32>} : memref<1024xf32, #tpu.memory_space<vmem>>, vector<16xf32>,
        %mul3A_175 = arith.mulf %get3A_172, %get3A_174 : vector<16xf32>
        tpu.vector_store_idx %arg23[%get3A_170], %mul3A_175 {add = true} : memref<102400xf32, #tpu.memory_space<vmem>>[vector<16xi32>], vector<16xf32>,
        %scan3A_176 = arith.constant 1 : i32
        %scan3A_177 = arith.addi %scan3A_167, %scan3A_176 : i32
        %mul3A_178 = arith.constant 16 : i32
        %mul3A_179 = arith.muli %scan3A_177, %mul3A_178 : i32
        %get3A_180 = arith.index_cast %mul3A_179 : i32 to index
        %get3A_181 = tpu.vector_load %arg13[%get3A_180] {strides = array<i32>} : memref<1024xi32, #tpu.memory_space<vmem>>, vector<16xi32>,
        %get3A_182 = arith.index_cast %mul3A_179 : i32 to index
        %get3A_183 = tpu.vector_load %arg21[%get3A_182] {strides = array<i32>} : memref<1024xf32, #tpu.memory_space<vmem>>, vector<16xf32>,
        %get3A_184 = arith.index_cast %mul3A_179 : i32 to index
        %get3A_185 = tpu.vector_load %arg17[%get3A_184] {strides = array<i32>} : memref<1024xf32, #tpu.memory_space<vmem>>, vector<16xf32>,
        %mul3A_186 = arith.mulf %get3A_183, %get3A_185 : vector<16xf32>
        tpu.vector_store_idx %arg23[%get3A_181], %mul3A_186 {add = true} : memref<102400xf32, #tpu.memory_space<vmem>>[vector<16xi32>], vector<16xf32>,
        %scan3A_187 = arith.constant 2 : i32
        %scan3A_188 = arith.addi %scan3A_167, %scan3A_187 : i32
        %mul3A_189 = arith.constant 16 : i32
        %mul3A_190 = arith.muli %scan3A_188, %mul3A_189 : i32
        %get3A_191 = arith.index_cast %mul3A_190 : i32 to index
        %get3A_192 = tpu.vector_load %arg13[%get3A_191] {strides = array<i32>} : memref<1024xi32, #tpu.memory_space<vmem>>, vector<16xi32>,
        %get3A_193 = arith.index_cast %mul3A_190 : i32 to index
        %get3A_194 = tpu.vector_load %arg21[%get3A_193] {strides = array<i32>} : memref<1024xf32, #tpu.memory_space<vmem>>, vector<16xf32>,
        %get3A_195 = arith.index_cast %mul3A_190 : i32 to index
        %get3A_196 = tpu.vector_load %arg17[%get3A_195] {strides = array<i32>} : memref<1024xf32, #tpu.memory_space<vmem>>, vector<16xf32>,
        %mul3A_197 = arith.mulf %get3A_194, %get3A_196 : vector<16xf32>
        tpu.vector_store_idx %arg23[%get3A_192], %mul3A_197 {add = true} : memref<102400xf32, #tpu.memory_space<vmem>>[vector<16xi32>], vector<16xf32>,
        %scan3A_198 = arith.constant 3 : i32
        %scan3A_199 = arith.addi %scan3A_167, %scan3A_198 : i32
        %mul3A_200 = arith.constant 16 : i32
        %mul3A_201 = arith.muli %scan3A_199, %mul3A_200 : i32
        %get3A_202 = arith.index_cast %mul3A_201 : i32 to index
        %get3A_203 = tpu.vector_load %arg13[%get3A_202] {strides = array<i32>} : memref<1024xi32, #tpu.memory_space<vmem>>, vector<16xi32>,
        %get3A_204 = arith.index_cast %mul3A_201 : i32 to index
        %get3A_205 = tpu.vector_load %arg21[%get3A_204] {strides = array<i32>} : memref<1024xf32, #tpu.memory_space<vmem>>, vector<16xf32>,
        %get3A_206 = arith.index_cast %mul3A_201 : i32 to index
        %get3A_207 = tpu.vector_load %arg17[%get3A_206] {strides = array<i32>} : memref<1024xf32, #tpu.memory_space<vmem>>, vector<16xf32>,
        %mul3A_208 = arith.mulf %get3A_205, %get3A_207 : vector<16xf32>
        tpu.vector_store_idx %arg23[%get3A_203], %mul3A_208 {add = true} : memref<102400xf32, #tpu.memory_space<vmem>>[vector<16xi32>], vector<16xf32>,
      }
      %scan3A_140 = arith.constant 64 : i32
      %mul3A_141 = arith.constant 4 : i32
      %mul3A_142 = arith.muli %mul3A_141, %scan3A_65 : i32
      %add3A_143 = arith.constant 3 : i32
      %add3A_144 = arith.addi %mul3A_142, %add3A_143 : i32
      %add3A_145 = arith.constant 3 : i32
      %add3A_146 = arith.addi %add3A_144, %add3A_145 : i32
      %lt3A_147 = arith.constant 196 : i32
      %lt3A_148 = arith.cmpi slt, %add3A_146, %lt3A_147 : i32
      %convert_element_type3A_149 = arith.extui %lt3A_148 : i1 to i32
      %cond3A_150 = arith.constant 0 : i32
      %cond3A_151 = arith.cmpi ne, %convert_element_type3A_149, %cond3A_150 : i32
      scf.if %cond3A_151 {
        %add3A_167 = arith.constant 3 : i32
        %add3A_168 = arith.addi %add3A_144, %add3A_167 : i32
        %mul3A_169 = arith.constant 200704 : i32
        %mul3A_170 = arith.muli %add3A, %mul3A_169 : i32
        %mul3A_171 = arith.constant 1024 : i32
        %mul3A_172 = arith.muli %add3A_168, %mul3A_171 : i32
        %add3A_173 = arith.addi %mul3A_170, %mul3A_172 : i32
        %dma_start3A_174 = tpu.memref_slice %arg3[%add3A_173] : memref<6422528xi32, #tpu.memory_space<hbm>> -> memref<1024xi32, #tpu.memory_space<hbm>>
        %dma_start3A_175 = tpu.memref_slice %arg3[%add3A_173] : memref<6422528xi32, #tpu.memory_space<hbm>> -> memref<1024xi32, #tpu.memory_space<hbm>>
        tpu.enqueue_dma source(%dma_start3A_175 : memref<1024xi32, #tpu.memory_space<hbm>>) target(%arg9 : memref<1024xi32, #tpu.memory_space<vmem>>) target_semaphore(%arg27 : memref<!tpu.dma_semaphore, #tpu.memory_space<semaphore_mem>>)
        %dma_start3A_176 = tpu.memref_slice %arg5[%add3A_173] : memref<6422528xf32, #tpu.memory_space<hbm>> -> memref<1024xf32, #tpu.memory_space<hbm>>
        %dma_start3A_177 = tpu.memref_slice %arg5[%add3A_173] : memref<6422528xf32, #tpu.memory_space<hbm>> -> memref<1024xf32, #tpu.memory_space<hbm>>
        tpu.enqueue_dma source(%dma_start3A_177 : memref<1024xf32, #tpu.memory_space<hbm>>) target(%arg17 : memref<1024xf32, #tpu.memory_space<vmem>>) target_semaphore(%arg27 : memref<!tpu.dma_semaphore, #tpu.memory_space<semaphore_mem>>)
        %dma_start3A_178 = tpu.memref_slice %arg4[%add3A_173] : memref<6422528xi32, #tpu.memory_space<hbm>> -> memref<1024xi32, #tpu.memory_space<hbm>>
        %dma_start3A_179 = tpu.memref_slice %arg4[%add3A_173] : memref<6422528xi32, #tpu.memory_space<hbm>> -> memref<1024xi32, #tpu.memory_space<hbm>>
        tpu.enqueue_dma source(%dma_start3A_179 : memref<1024xi32, #tpu.memory_space<hbm>>) target(%arg13 : memref<1024xi32, #tpu.memory_space<vmem>>) target_semaphore(%arg27 : memref<!tpu.dma_semaphore, #tpu.memory_space<semaphore_mem>>)
      } else {
      }
      %add3A_152 = arith.constant 1 : i32
      %add3A_153 = arith.addi %add3A_144, %add3A_152 : i32
      %lt3A_154 = arith.constant 196 : i32
      %lt3A_155 = arith.cmpi slt, %add3A_153, %lt3A_154 : i32
      %convert_element_type3A_156 = arith.extui %lt3A_155 : i1 to i32
      %cond3A_157 = arith.constant 0 : i32
      %cond3A_158 = arith.cmpi ne, %convert_element_type3A_156, %cond3A_157 : i32
      scf.if %cond3A_158 {
        %dma_wait3A_167 = arith.constant 0 : i32
        %dma_wait3A_168 = tpu.memref_slice %arg3[%dma_wait3A_167] : memref<6422528xi32, #tpu.memory_space<hbm>> -> memref<1024xi32, #tpu.memory_space<hbm>>
        %dma_wait3A_169 = arith.constant 0 : i32
        %dma_wait3A_170 = tpu.memref_slice %arg3[%dma_wait3A_169] : memref<6422528xi32, #tpu.memory_space<hbm>> -> memref<1024xi32, #tpu.memory_space<hbm>>
        tpu.wait_dma2 semaphore(%arg25 : memref<!tpu.dma_semaphore, #tpu.memory_space<semaphore_mem>>) src(%dma_wait3A_170 : memref<1024xi32, #tpu.memory_space<hbm>>) dst(%arg7 : memref<1024xi32, #tpu.memory_space<vmem>>)
        %dma_wait3A_171 = arith.constant 0 : i32
        %dma_wait3A_172 = tpu.memref_slice %arg5[%dma_wait3A_171] : memref<6422528xf32, #tpu.memory_space<hbm>> -> memref<1024xf32, #tpu.memory_space<hbm>>
        %dma_wait3A_173 = arith.constant 0 : i32
        %dma_wait3A_174 = tpu.memref_slice %arg5[%dma_wait3A_173] : memref<6422528xf32, #tpu.memory_space<hbm>> -> memref<1024xf32, #tpu.memory_space<hbm>>
        tpu.wait_dma2 semaphore(%arg25 : memref<!tpu.dma_semaphore, #tpu.memory_space<semaphore_mem>>) src(%dma_wait3A_174 : memref<1024xf32, #tpu.memory_space<hbm>>) dst(%arg15 : memref<1024xf32, #tpu.memory_space<vmem>>)
        %dma_wait3A_175 = arith.constant 0 : i32
        %dma_wait3A_176 = tpu.memref_slice %arg4[%dma_wait3A_175] : memref<6422528xi32, #tpu.memory_space<hbm>> -> memref<1024xi32, #tpu.memory_space<hbm>>
        %dma_wait3A_177 = arith.constant 0 : i32
        %dma_wait3A_178 = tpu.memref_slice %arg4[%dma_wait3A_177] : memref<6422528xi32, #tpu.memory_space<hbm>> -> memref<1024xi32, #tpu.memory_space<hbm>>
        tpu.wait_dma2 semaphore(%arg25 : memref<!tpu.dma_semaphore, #tpu.memory_space<semaphore_mem>>) src(%dma_wait3A_178 : memref<1024xi32, #tpu.memory_space<hbm>>) dst(%arg11 : memref<1024xi32, #tpu.memory_space<vmem>>)
        %dma_start3A_179 = arith.constant 0 : i32
        %dma_start3A_180 = tpu.memref_slice %arg24[%dma_start3A_179] : memref<102400xf32, #tpu.memory_space<vmem_shared>> -> memref<102400xf32, #tpu.memory_space<vmem_shared>>
        tpu.enqueue_indirect_dma source(%dma_start3A_180 : memref<102400xf32, #tpu.memory_space<vmem_shared>>) target(%arg19 : memref<1024xf32, #tpu.memory_space<vmem>>) offsets(%arg7 : memref<1024xi32, #tpu.memory_space<vmem>>) semaphore(%arg29 : memref<!tpu.dma_semaphore, #tpu.memory_space<semaphore_mem>>)
      } else {
      }
      %dma_wait3A_159 = arith.constant 0 : i32
      %dma_wait3A_160 = tpu.memref_slice %arg24[%dma_wait3A_159] : memref<102400xf32, #tpu.memory_space<vmem_shared>> -> memref<102400xf32, #tpu.memory_space<vmem_shared>>
      tpu.wait_indirect_dma semaphore(%arg32 : memref<!tpu.dma_semaphore, #tpu.memory_space<semaphore_mem>>) src(%dma_wait3A_160 : memref<102400xf32, #tpu.memory_space<vmem_shared>>) dst(%arg22 : memref<1024xf32, #tpu.memory_space<vmem>>)
      %scan3A_161 = arith.constant 0 : i32
      %scan3A_162 = arith.constant 0 : i32
      %scan3A_163 = arith.constant 64 : i32
      %scan3A_164 = arith.addi %scan3A_162, %scan3A_163 : i32
      %scan3A_165 = arith.constant 4 : i32
      scf.for %scan3A_167 = %scan3A_162 to %scan3A_164 step %scan3A_165  : i32 {
        %mul3A_168 = arith.constant 16 : i32
        %mul3A_169 = arith.muli %scan3A_167, %mul3A_168 : i32
        %get3A = arith.index_cast %mul3A_169 : i32 to index
        %get3A_170 = tpu.vector_load %arg14[%get3A] {strides = array<i32>} : memref<1024xi32, #tpu.memory_space<vmem>>, vector<16xi32>,
        %get3A_171 = arith.index_cast %mul3A_169 : i32 to index
        %get3A_172 = tpu.vector_load %arg22[%get3A_171] {strides = array<i32>} : memref<1024xf32, #tpu.memory_space<vmem>>, vector<16xf32>,
        %get3A_173 = arith.index_cast %mul3A_169 : i32 to index
        %get3A_174 = tpu.vector_load %arg18[%get3A_173] {strides = array<i32>} : memref<1024xf32, #tpu.memory_space<vmem>>, vector<16xf32>,
        %mul3A_175 = arith.mulf %get3A_172, %get3A_174 : vector<16xf32>
        tpu.vector_store_idx %arg23[%get3A_170], %mul3A_175 {add = true} : memref<102400xf32, #tpu.memory_space<vmem>>[vector<16xi32>], vector<16xf32>,
        %scan3A_176 = arith.constant 1 : i32
        %scan3A_177 = arith.addi %scan3A_167, %scan3A_176 : i32
        %mul3A_178 = arith.constant 16 : i32
        %mul3A_179 = arith.muli %scan3A_177, %mul3A_178 : i32
        %get3A_180 = arith.index_cast %mul3A_179 : i32 to index
        %get3A_181 = tpu.vector_load %arg14[%get3A_180] {strides = array<i32>} : memref<1024xi32, #tpu.memory_space<vmem>>, vector<16xi32>,
        %get3A_182 = arith.index_cast %mul3A_179 : i32 to index
        %get3A_183 = tpu.vector_load %arg22[%get3A_182] {strides = array<i32>} : memref<1024xf32, #tpu.memory_space<vmem>>, vector<16xf32>,
        %get3A_184 = arith.index_cast %mul3A_179 : i32 to index
        %get3A_185 = tpu.vector_load %arg18[%get3A_184] {strides = array<i32>} : memref<1024xf32, #tpu.memory_space<vmem>>, vector<16xf32>,
        %mul3A_186 = arith.mulf %get3A_183, %get3A_185 : vector<16xf32>
        tpu.vector_store_idx %arg23[%get3A_181], %mul3A_186 {add = true} : memref<102400xf32, #tpu.memory_space<vmem>>[vector<16xi32>], vector<16xf32>,
        %scan3A_187 = arith.constant 2 : i32
        %scan3A_188 = arith.addi %scan3A_167, %scan3A_187 : i32
        %mul3A_189 = arith.constant 16 : i32
        %mul3A_190 = arith.muli %scan3A_188, %mul3A_189 : i32
        %get3A_191 = arith.index_cast %mul3A_190 : i32 to index
        %get3A_192 = tpu.vector_load %arg14[%get3A_191] {strides = array<i32>} : memref<1024xi32, #tpu.memory_space<vmem>>, vector<16xi32>,
        %get3A_193 = arith.index_cast %mul3A_190 : i32 to index
        %get3A_194 = tpu.vector_load %arg22[%get3A_193] {strides = array<i32>} : memref<1024xf32, #tpu.memory_space<vmem>>, vector<16xf32>,
        %get3A_195 = arith.index_cast %mul3A_190 : i32 to index
        %get3A_196 = tpu.vector_load %arg18[%get3A_195] {strides = array<i32>} : memref<1024xf32, #tpu.memory_space<vmem>>, vector<16xf32>,
        %mul3A_197 = arith.mulf %get3A_194, %get3A_196 : vector<16xf32>
        tpu.vector_store_idx %arg23[%get3A_192], %mul3A_197 {add = true} : memref<102400xf32, #tpu.memory_space<vmem>>[vector<16xi32>], vector<16xf32>,
        %scan3A_198 = arith.constant 3 : i32
        %scan3A_199 = arith.addi %scan3A_167, %scan3A_198 : i32
        %mul3A_200 = arith.constant 16 : i32
        %mul3A_201 = arith.muli %scan3A_199, %mul3A_200 : i32
        %get3A_202 = arith.index_cast %mul3A_201 : i32 to index
        %get3A_203 = tpu.vector_load %arg14[%get3A_202] {strides = array<i32>} : memref<1024xi32, #tpu.memory_space<vmem>>, vector<16xi32>,
        %get3A_204 = arith.index_cast %mul3A_201 : i32 to index
        %get3A_205 = tpu.vector_load %arg22[%get3A_204] {strides = array<i32>} : memref<1024xf32, #tpu.memory_space<vmem>>, vector<16xf32>,
        %get3A_206 = arith.index_cast %mul3A_201 : i32 to index
        %get3A_207 = tpu.vector_load %arg18[%get3A_206] {strides = array<i32>} : memref<1024xf32, #tpu.memory_space<vmem>>, vector<16xf32>,
        %mul3A_208 = arith.mulf %get3A_205, %get3A_207 : vector<16xf32>
        tpu.vector_store_idx %arg23[%get3A_203], %mul3A_208 {add = true} : memref<102400xf32, #tpu.memory_space<vmem>>[vector<16xi32>], vector<16xf32>,
      }
      %scan3A_166 = arith.constant 64 : i32
    }
    %scan3A_64 = arith.constant 49 : i32
    "tpu.region"() ({
      %run_scoped3A = tpu.sem_alloc : memref<!tpu.dma_semaphore, #tpu.memory_space<semaphore_mem>>
      %dma_start3A_65 = arith.constant 0 : i32
      %dma_start3A_66 = tpu.memref_slice %arg6[%add3A, %dma_start3A_65] : memref<32x102400xf32, #tpu.memory_space<hbm>> -> memref<1x102400xf32, #tpu.memory_space<hbm>>
      %dma_start3A_67 = tpu.memref_squeeze %dma_start3A_66 : memref<1x102400xf32, #tpu.memory_space<hbm>> -> memref<102400xf32, #tpu.memory_space<hbm>>
      %dma_start3A_68 = arith.constant 0 : i32
      %dma_start3A_69 = tpu.memref_slice %arg6[%add3A, %dma_start3A_68] : memref<32x102400xf32, #tpu.memory_space<hbm>> -> memref<1x102400xf32, #tpu.memory_space<hbm>>
      %dma_start3A_70 = tpu.memref_squeeze %dma_start3A_69 : memref<1x102400xf32, #tpu.memory_space<hbm>> -> memref<102400xf32, #tpu.memory_space<hbm>>
      tpu.enqueue_dma source(%arg23 : memref<102400xf32, #tpu.memory_space<vmem>>) target(%dma_start3A_70 : memref<102400xf32, #tpu.memory_space<hbm>>) target_semaphore(%run_scoped3A : memref<!tpu.dma_semaphore, #tpu.memory_space<semaphore_mem>>)
      %dma_wait3A_71 = arith.constant 0 : i32
      %dma_wait3A_72 = tpu.memref_slice %arg6[%add3A, %dma_wait3A_71] : memref<32x102400xf32, #tpu.memory_space<hbm>> -> memref<1x102400xf32, #tpu.memory_space<hbm>>
      %dma_wait3A_73 = tpu.memref_squeeze %dma_wait3A_72 : memref<1x102400xf32, #tpu.memory_space<hbm>> -> memref<102400xf32, #tpu.memory_space<hbm>>
      %dma_wait3A_74 = arith.constant 0 : i32
      %dma_wait3A_75 = tpu.memref_slice %arg6[%add3A, %dma_wait3A_74] : memref<32x102400xf32, #tpu.memory_space<hbm>> -> memref<1x102400xf32, #tpu.memory_space<hbm>>
      %dma_wait3A_76 = tpu.memref_squeeze %dma_wait3A_75 : memref<1x102400xf32, #tpu.memory_space<hbm>> -> memref<102400xf32, #tpu.memory_space<hbm>>
      tpu.wait_dma2 semaphore(%run_scoped3A : memref<!tpu.dma_semaphore, #tpu.memory_space<semaphore_mem>>) src(%arg23 : memref<102400xf32, #tpu.memory_space<vmem>>) dst(%dma_wait3A_76 : memref<102400xf32, #tpu.memory_space<hbm>>)
      tpu.yield
    }) : () -> ()
    return
  }
}

#map = affine_map<(d0, d1) -> (0)>
#map1 = affine_map<(d0, d1) -> (0, 0)>
module attributes {stable_mosaic.version = 14 : i64} {
  func.func @icapprox_scatter(%arg0: i32, %arg1: i32, %arg2: memref<102400xf32, #tpu.memory_space<hbm>>, %arg3: memref<6422528xi32, #tpu.memory_space<hbm>>, %arg4: memref<6422528xi32, #tpu.memory_space<hbm>>, %arg5: memref<6422528xf32, #tpu.memory_space<hbm>>, %arg6: memref<32x102400xf32, #tpu.memory_space<hbm>>, %arg7: memref<1024xi32, #tpu.memory_space<vmem>>, %arg8: memref<1024xi32, #tpu.memory_space<vmem>>, %arg9: memref<1024xi32, #tpu.memory_space<vmem>>, %arg10: memref<1024xi32, #tpu.memory_space<vmem>>, %arg11: memref<1024xi32, #tpu.memory_space<vmem>>, %arg12: memref<1024xi32, #tpu.memory_space<vmem>>, %arg13: memref<1024xi32, #tpu.memory_space<vmem>>, %arg14: memref<1024xi32, #tpu.memory_space<vmem>>, %arg15: memref<1024xf32, #tpu.memory_space<vmem>>, %arg16: memref<1024xf32, #tpu.memory_space<vmem>>, %arg17: memref<1024xf32, #tpu.memory_space<vmem>>, %arg18: memref<1024xf32, #tpu.memory_space<vmem>>, %arg19: memref<1024xf32, #tpu.memory_space<vmem>>, %arg20: memref<1024xf32, #tpu.memory_space<vmem>>, %arg21: memref<1024xf32, #tpu.memory_space<vmem>>, %arg22: memref<1024xf32, #tpu.memory_space<vmem>>, %arg23: memref<102400xf32, #tpu.memory_space<vmem>>, %arg24: memref<102400xf32, #tpu.memory_space<vmem_shared>>, %arg25: memref<!tpu.dma_semaphore, #tpu.memory_space<semaphore_mem>>, %arg26: memref<!tpu.dma_semaphore, #tpu.memory_space<semaphore_mem>>, %arg27: memref<!tpu.dma_semaphore, #tpu.memory_space<semaphore_mem>>, %arg28: memref<!tpu.dma_semaphore, #tpu.memory_space<semaphore_mem>>, %arg29: memref<!tpu.dma_semaphore, #tpu.memory_space<semaphore_mem>>, %arg30: memref<!tpu.dma_semaphore, #tpu.memory_space<semaphore_mem>>, %arg31: memref<!tpu.dma_semaphore, #tpu.memory_space<semaphore_mem>>, %arg32: memref<!tpu.dma_semaphore, #tpu.memory_space<semaphore_mem>>, %arg33: memref<!tpu.dma_semaphore, #tpu.memory_space<semaphore_mem>>) attributes {dimension_semantics = [#tpu.dimension_semantics<core_parallel>, #tpu.dimension_semantics<subcore_parallel>], iteration_bounds = array<i64: 2, 16>, scalar_prefetch = 0 : i64, scratch_operands = 27 : i64, tpu.core_type = #tpu.core_type<sc_vector_subcore>, window_params = [{transform_indices = #map}, {transform_indices = #map}, {transform_indices = #map}, {transform_indices = #map}, {transform_indices = #map1}]} {
    %mul3A = arith.constant 2 : i32
    %mul3A_0 = arith.muli %arg1, %mul3A : i32
    %add3A = arith.addi %mul3A_0, %arg0 : i32
    %broadcast_in_dim3A = arith.constant 0.000000e+00 : f32
    %broadcast_in_dim3A_1 = vector.broadcast %broadcast_in_dim3A : f32 to vector<16xf32>
    %mul3A_2 = arith.constant 6400 : i32
    %mul3A_3 = arith.muli %arg1, %mul3A_2 : i32
    %mul3A_4 = arith.constant 6400 : i32
    %mul3A_5 = arith.muli %arg1, %mul3A_4 : i32
    %dma_start3A = tpu.memref_slice %arg24[%mul3A_5] : memref<102400xf32, #tpu.memory_space<vmem_shared>> -> memref<6400xf32, #tpu.memory_space<vmem_shared>>
    %dma_start3A_6 = tpu.memref_slice %arg2[%mul3A_3] : memref<102400xf32, #tpu.memory_space<hbm>> -> memref<6400xf32, #tpu.memory_space<hbm>>
    tpu.enqueue_dma source(%dma_start3A_6 : memref<6400xf32, #tpu.memory_space<hbm>>) target(%dma_start3A : memref<6400xf32, #tpu.memory_space<vmem_shared>>) target_semaphore(%arg33 : memref<!tpu.dma_semaphore, #tpu.memory_space<semaphore_mem>>)
    %scan3A = arith.constant 0 : i32
    %scan3A_7 = arith.constant 0 : i32
    %scan3A_8 = arith.constant 6400 : i32
    %scan3A_9 = arith.addi %scan3A_7, %scan3A_8 : i32
    %scan3A_10 = arith.constant 8 : i32
    scf.for %scan3A_65 = %scan3A_7 to %scan3A_9 step %scan3A_10  : i32 {
      %mul3A_66 = arith.constant 16 : i32
      %mul3A_67 = arith.muli %scan3A_65, %mul3A_66 : i32
      %swap3A = arith.index_cast %mul3A_67 : i32 to index
      %swap3A_68 = tpu.vector_load %arg23[%swap3A] {strides = array<i32>} : memref<102400xf32, #tpu.memory_space<vmem>>, vector<16xf32>,
      tpu.vector_store %arg23[%swap3A], %broadcast_in_dim3A_1 {strides = array<i32>} : memref<102400xf32, #tpu.memory_space<vmem>>, vector<16xf32>,
      %scan3A_69 = arith.constant 1 : i32
      %scan3A_70 = arith.addi %scan3A_65, %scan3A_69 : i32
      %mul3A_71 = arith.constant 16 : i32
      %mul3A_72 = arith.muli %scan3A_70, %mul3A_71 : i32
      %swap3A_73 = arith.index_cast %mul3A_72 : i32 to index
      %swap3A_74 = tpu.vector_load %arg23[%swap3A_73] {strides = array<i32>} : memref<102400xf32, #tpu.memory_space<vmem>>, vector<16xf32>,
      tpu.vector_store %arg23[%swap3A_73], %broadcast_in_dim3A_1 {strides = array<i32>} : memref<102400xf32, #tpu.memory_space<vmem>>, vector<16xf32>,
      %scan3A_75 = arith.constant 2 : i32
      %scan3A_76 = arith.addi %scan3A_65, %scan3A_75 : i32
      %mul3A_77 = arith.constant 16 : i32
      %mul3A_78 = arith.muli %scan3A_76, %mul3A_77 : i32
      %swap3A_79 = arith.index_cast %mul3A_78 : i32 to index
      %swap3A_80 = tpu.vector_load %arg23[%swap3A_79] {strides = array<i32>} : memref<102400xf32, #tpu.memory_space<vmem>>, vector<16xf32>,
      tpu.vector_store %arg23[%swap3A_79], %broadcast_in_dim3A_1 {strides = array<i32>} : memref<102400xf32, #tpu.memory_space<vmem>>, vector<16xf32>,
      %scan3A_81 = arith.constant 3 : i32
      %scan3A_82 = arith.addi %scan3A_65, %scan3A_81 : i32
      %mul3A_83 = arith.constant 16 : i32
      %mul3A_84 = arith.muli %scan3A_82, %mul3A_83 : i32
      %swap3A_85 = arith.index_cast %mul3A_84 : i32 to index
      %swap3A_86 = tpu.vector_load %arg23[%swap3A_85] {strides = array<i32>} : memref<102400xf32, #tpu.memory_space<vmem>>, vector<16xf32>,
      tpu.vector_store %arg23[%swap3A_85], %broadcast_in_dim3A_1 {strides = array<i32>} : memref<102400xf32, #tpu.memory_space<vmem>>, vector<16xf32>,
      %scan3A_87 = arith.constant 4 : i32
      %scan3A_88 = arith.addi %scan3A_65, %scan3A_87 : i32
      %mul3A_89 = arith.constant 16 : i32
      %mul3A_90 = arith.muli %scan3A_88, %mul3A_89 : i32
      %swap3A_91 = arith.index_cast %mul3A_90 : i32 to index
      %swap3A_92 = tpu.vector_load %arg23[%swap3A_91] {strides = array<i32>} : memref<102400xf32, #tpu.memory_space<vmem>>, vector<16xf32>,
      tpu.vector_store %arg23[%swap3A_91], %broadcast_in_dim3A_1 {strides = array<i32>} : memref<102400xf32, #tpu.memory_space<vmem>>, vector<16xf32>,
      %scan3A_93 = arith.constant 5 : i32
      %scan3A_94 = arith.addi %scan3A_65, %scan3A_93 : i32
      %mul3A_95 = arith.constant 16 : i32
      %mul3A_96 = arith.muli %scan3A_94, %mul3A_95 : i32
      %swap3A_97 = arith.index_cast %mul3A_96 : i32 to index
      %swap3A_98 = tpu.vector_load %arg23[%swap3A_97] {strides = array<i32>} : memref<102400xf32, #tpu.memory_space<vmem>>, vector<16xf32>,
      tpu.vector_store %arg23[%swap3A_97], %broadcast_in_dim3A_1 {strides = array<i32>} : memref<102400xf32, #tpu.memory_space<vmem>>, vector<16xf32>,
      %scan3A_99 = arith.constant 6 : i32
      %scan3A_100 = arith.addi %scan3A_65, %scan3A_99 : i32
      %mul3A_101 = arith.constant 16 : i32
      %mul3A_102 = arith.muli %scan3A_100, %mul3A_101 : i32
      %swap3A_103 = arith.index_cast %mul3A_102 : i32 to index
      %swap3A_104 = tpu.vector_load %arg23[%swap3A_103] {strides = array<i32>} : memref<102400xf32, #tpu.memory_space<vmem>>, vector<16xf32>,
      tpu.vector_store %arg23[%swap3A_103], %broadcast_in_dim3A_1 {strides = array<i32>} : memref<102400xf32, #tpu.memory_space<vmem>>, vector<16xf32>,
      %scan3A_105 = arith.constant 7 : i32
      %scan3A_106 = arith.addi %scan3A_65, %scan3A_105 : i32
      %mul3A_107 = arith.constant 16 : i32
      %mul3A_108 = arith.muli %scan3A_106, %mul3A_107 : i32
      %swap3A_109 = arith.index_cast %mul3A_108 : i32 to index
      %swap3A_110 = tpu.vector_load %arg23[%swap3A_109] {strides = array<i32>} : memref<102400xf32, #tpu.memory_space<vmem>>, vector<16xf32>,
      tpu.vector_store %arg23[%swap3A_109], %broadcast_in_dim3A_1 {strides = array<i32>} : memref<102400xf32, #tpu.memory_space<vmem>>, vector<16xf32>,
    }
    %scan3A_11 = arith.constant 6400 : i32
    %dma_wait3A = arith.constant 0 : i32
    %dma_wait3A_12 = tpu.memref_slice %arg24[%dma_wait3A] : memref<102400xf32, #tpu.memory_space<vmem_shared>> -> memref<6400xf32, #tpu.memory_space<vmem_shared>>
    %dma_wait3A_13 = arith.constant 0 : i32
    %dma_wait3A_14 = tpu.memref_slice %arg2[%dma_wait3A_13] : memref<102400xf32, #tpu.memory_space<hbm>> -> memref<6400xf32, #tpu.memory_space<hbm>>
    tpu.wait_dma2 semaphore(%arg33 : memref<!tpu.dma_semaphore, #tpu.memory_space<semaphore_mem>>) src(%dma_wait3A_14 : memref<6400xf32, #tpu.memory_space<hbm>>) dst(%dma_wait3A_12 : memref<6400xf32, #tpu.memory_space<vmem_shared>>)
    %barrier3A = arith.constant 0 : index
    tpu.barrier barrier_id(%barrier3A)
    %mul3A_15 = arith.constant 200704 : i32
    %mul3A_16 = arith.muli %add3A, %mul3A_15 : i32
    %add3A_17 = arith.constant 0 : i32
    %add3A_18 = arith.addi %mul3A_16, %add3A_17 : i32
    %dma_start3A_19 = tpu.memref_slice %arg3[%add3A_18] : memref<6422528xi32, #tpu.memory_space<hbm>> -> memref<1024xi32, #tpu.memory_space<hbm>>
    %dma_start3A_20 = tpu.memref_slice %arg3[%add3A_18] : memref<6422528xi32, #tpu.memory_space<hbm>> -> memref<1024xi32, #tpu.memory_space<hbm>>
    tpu.enqueue_dma source(%dma_start3A_20 : memref<1024xi32, #tpu.memory_space<hbm>>) target(%arg7 : memref<1024xi32, #tpu.memory_space<vmem>>) target_semaphore(%arg25 : memref<!tpu.dma_semaphore, #tpu.memory_space<semaphore_mem>>)
    %dma_start3A_21 = tpu.memref_slice %arg5[%add3A_18] : memref<6422528xf32, #tpu.memory_space<hbm>> -> memref<1024xf32, #tpu.memory_space<hbm>>
    %dma_start3A_22 = tpu.memref_slice %arg5[%add3A_18] : memref<6422528xf32, #tpu.memory_space<hbm>> -> memref<1024xf32, #tpu.memory_space<hbm>>
    tpu.enqueue_dma source(%dma_start3A_22 : memref<1024xf32, #tpu.memory_space<hbm>>) target(%arg15 : memref<1024xf32, #tpu.memory_space<vmem>>) target_semaphore(%arg25 : memref<!tpu.dma_semaphore, #tpu.memory_space<semaphore_mem>>)
    %dma_start3A_23 = tpu.memref_slice %arg4[%add3A_18] : memref<6422528xi32, #tpu.memory_space<hbm>> -> memref<1024xi32, #tpu.memory_space<hbm>>
    %dma_start3A_24 = tpu.memref_slice %arg4[%add3A_18] : memref<6422528xi32, #tpu.memory_space<hbm>> -> memref<1024xi32, #tpu.memory_space<hbm>>
    tpu.enqueue_dma source(%dma_start3A_24 : memref<1024xi32, #tpu.memory_space<hbm>>) target(%arg11 : memref<1024xi32, #tpu.memory_space<vmem>>) target_semaphore(%arg25 : memref<!tpu.dma_semaphore, #tpu.memory_space<semaphore_mem>>)
    %mul3A_25 = arith.constant 200704 : i32
    %mul3A_26 = arith.muli %add3A, %mul3A_25 : i32
    %add3A_27 = arith.constant 1024 : i32
    %add3A_28 = arith.addi %mul3A_26, %add3A_27 : i32
    %dma_start3A_29 = tpu.memref_slice %arg3[%add3A_28] : memref<6422528xi32, #tpu.memory_space<hbm>> -> memref<1024xi32, #tpu.memory_space<hbm>>
    %dma_start3A_30 = tpu.memref_slice %arg3[%add3A_28] : memref<6422528xi32, #tpu.memory_space<hbm>> -> memref<1024xi32, #tpu.memory_space<hbm>>
    tpu.enqueue_dma source(%dma_start3A_30 : memref<1024xi32, #tpu.memory_space<hbm>>) target(%arg8 : memref<1024xi32, #tpu.memory_space<vmem>>) target_semaphore(%arg26 : memref<!tpu.dma_semaphore, #tpu.memory_space<semaphore_mem>>)
    %dma_start3A_31 = tpu.memref_slice %arg5[%add3A_28] : memref<6422528xf32, #tpu.memory_space<hbm>> -> memref<1024xf32, #tpu.memory_space<hbm>>
    %dma_start3A_32 = tpu.memref_slice %arg5[%add3A_28] : memref<6422528xf32, #tpu.memory_space<hbm>> -> memref<1024xf32, #tpu.memory_space<hbm>>
    tpu.enqueue_dma source(%dma_start3A_32 : memref<1024xf32, #tpu.memory_space<hbm>>) target(%arg16 : memref<1024xf32, #tpu.memory_space<vmem>>) target_semaphore(%arg26 : memref<!tpu.dma_semaphore, #tpu.memory_space<semaphore_mem>>)
    %dma_start3A_33 = tpu.memref_slice %arg4[%add3A_28] : memref<6422528xi32, #tpu.memory_space<hbm>> -> memref<1024xi32, #tpu.memory_space<hbm>>
    %dma_start3A_34 = tpu.memref_slice %arg4[%add3A_28] : memref<6422528xi32, #tpu.memory_space<hbm>> -> memref<1024xi32, #tpu.memory_space<hbm>>
    tpu.enqueue_dma source(%dma_start3A_34 : memref<1024xi32, #tpu.memory_space<hbm>>) target(%arg12 : memref<1024xi32, #tpu.memory_space<vmem>>) target_semaphore(%arg26 : memref<!tpu.dma_semaphore, #tpu.memory_space<semaphore_mem>>)
    %mul3A_35 = arith.constant 200704 : i32
    %mul3A_36 = arith.muli %add3A, %mul3A_35 : i32
    %add3A_37 = arith.constant 2048 : i32
    %add3A_38 = arith.addi %mul3A_36, %add3A_37 : i32
    %dma_start3A_39 = tpu.memref_slice %arg3[%add3A_38] : memref<6422528xi32, #tpu.memory_space<hbm>> -> memref<1024xi32, #tpu.memory_space<hbm>>
    %dma_start3A_40 = tpu.memref_slice %arg3[%add3A_38] : memref<6422528xi32, #tpu.memory_space<hbm>> -> memref<1024xi32, #tpu.memory_space<hbm>>
    tpu.enqueue_dma source(%dma_start3A_40 : memref<1024xi32, #tpu.memory_space<hbm>>) target(%arg9 : memref<1024xi32, #tpu.memory_space<vmem>>) target_semaphore(%arg27 : memref<!tpu.dma_semaphore, #tpu.memory_space<semaphore_mem>>)
    %dma_start3A_41 = tpu.memref_slice %arg5[%add3A_38] : memref<6422528xf32, #tpu.memory_space<hbm>> -> memref<1024xf32, #tpu.memory_space<hbm>>
    %dma_start3A_42 = tpu.memref_slice %arg5[%add3A_38] : memref<6422528xf32, #tpu.memory_space<hbm>> -> memref<1024xf32, #tpu.memory_space<hbm>>
    tpu.enqueue_dma source(%dma_start3A_42 : memref<1024xf32, #tpu.memory_space<hbm>>) target(%arg17 : memref<1024xf32, #tpu.memory_space<vmem>>) target_semaphore(%arg27 : memref<!tpu.dma_semaphore, #tpu.memory_space<semaphore_mem>>)
    %dma_start3A_43 = tpu.memref_slice %arg4[%add3A_38] : memref<6422528xi32, #tpu.memory_space<hbm>> -> memref<1024xi32, #tpu.memory_space<hbm>>
    %dma_start3A_44 = tpu.memref_slice %arg4[%add3A_38] : memref<6422528xi32, #tpu.memory_space<hbm>> -> memref<1024xi32, #tpu.memory_space<hbm>>
    tpu.enqueue_dma source(%dma_start3A_44 : memref<1024xi32, #tpu.memory_space<hbm>>) target(%arg13 : memref<1024xi32, #tpu.memory_space<vmem>>) target_semaphore(%arg27 : memref<!tpu.dma_semaphore, #tpu.memory_space<semaphore_mem>>)
    %dma_wait3A_45 = arith.constant 0 : i32
    %dma_wait3A_46 = tpu.memref_slice %arg3[%dma_wait3A_45] : memref<6422528xi32, #tpu.memory_space<hbm>> -> memref<1024xi32, #tpu.memory_space<hbm>>
    %dma_wait3A_47 = arith.constant 0 : i32
    %dma_wait3A_48 = tpu.memref_slice %arg3[%dma_wait3A_47] : memref<6422528xi32, #tpu.memory_space<hbm>> -> memref<1024xi32, #tpu.memory_space<hbm>>
    tpu.wait_dma2 semaphore(%arg25 : memref<!tpu.dma_semaphore, #tpu.memory_space<semaphore_mem>>) src(%dma_wait3A_48 : memref<1024xi32, #tpu.memory_space<hbm>>) dst(%arg7 : memref<1024xi32, #tpu.memory_space<vmem>>)
    %dma_wait3A_49 = arith.constant 0 : i32
    %dma_wait3A_50 = tpu.memref_slice %arg5[%dma_wait3A_49] : memref<6422528xf32, #tpu.memory_space<hbm>> -> memref<1024xf32, #tpu.memory_space<hbm>>
    %dma_wait3A_51 = arith.constant 0 : i32
    %dma_wait3A_52 = tpu.memref_slice %arg5[%dma_wait3A_51] : memref<6422528xf32, #tpu.memory_space<hbm>> -> memref<1024xf32, #tpu.memory_space<hbm>>
    tpu.wait_dma2 semaphore(%arg25 : memref<!tpu.dma_semaphore, #tpu.memory_space<semaphore_mem>>) src(%dma_wait3A_52 : memref<1024xf32, #tpu.memory_space<hbm>>) dst(%arg15 : memref<1024xf32, #tpu.memory_space<vmem>>)
    %dma_wait3A_53 = arith.constant 0 : i32
    %dma_wait3A_54 = tpu.memref_slice %arg4[%dma_wait3A_53] : memref<6422528xi32, #tpu.memory_space<hbm>> -> memref<1024xi32, #tpu.memory_space<hbm>>
    %dma_wait3A_55 = arith.constant 0 : i32
    %dma_wait3A_56 = tpu.memref_slice %arg4[%dma_wait3A_55] : memref<6422528xi32, #tpu.memory_space<hbm>> -> memref<1024xi32, #tpu.memory_space<hbm>>
    tpu.wait_dma2 semaphore(%arg25 : memref<!tpu.dma_semaphore, #tpu.memory_space<semaphore_mem>>) src(%dma_wait3A_56 : memref<1024xi32, #tpu.memory_space<hbm>>) dst(%arg11 : memref<1024xi32, #tpu.memory_space<vmem>>)
    %dma_start3A_57 = arith.constant 0 : i32
    %dma_start3A_58 = tpu.memref_slice %arg24[%dma_start3A_57] : memref<102400xf32, #tpu.memory_space<vmem_shared>> -> memref<102400xf32, #tpu.memory_space<vmem_shared>>
    tpu.enqueue_indirect_dma source(%dma_start3A_58 : memref<102400xf32, #tpu.memory_space<vmem_shared>>) target(%arg19 : memref<1024xf32, #tpu.memory_space<vmem>>) offsets(%arg7 : memref<1024xi32, #tpu.memory_space<vmem>>) semaphore(%arg29 : memref<!tpu.dma_semaphore, #tpu.memory_space<semaphore_mem>>)
    %scan3A_59 = arith.constant 0 : i32
    %scan3A_60 = arith.constant 0 : i32
    %scan3A_61 = arith.constant 49 : i32
    %scan3A_62 = arith.addi %scan3A_60, %scan3A_61 : i32
    %scan3A_63 = arith.constant 1 : i32
    scf.for %scan3A_65 = %scan3A_60 to %scan3A_62 step %scan3A_63  : i32 {
      %mul3A_66 = arith.constant 4 : i32
      %mul3A_67 = arith.muli %mul3A_66, %scan3A_65 : i32
      %add3A_68 = arith.constant 0 : i32
      %add3A_69 = arith.addi %mul3A_67, %add3A_68 : i32
      %add3A_70 = arith.constant 3 : i32
      %add3A_71 = arith.addi %add3A_69, %add3A_70 : i32
      %lt3A = arith.constant 196 : i32
      %lt3A_72 = arith.cmpi slt, %add3A_71, %lt3A : i32
      %convert_element_type3A = arith.extui %lt3A_72 : i1 to i32
      %cond3A = arith.constant 0 : i32
      %cond3A_73 = arith.cmpi ne, %convert_element_type3A, %cond3A : i32
      scf.if %cond3A_73 {
        %add3A_167 = arith.constant 3 : i32
        %add3A_168 = arith.addi %add3A_69, %add3A_167 : i32
        %mul3A_169 = arith.constant 200704 : i32
        %mul3A_170 = arith.muli %add3A, %mul3A_169 : i32
        %mul3A_171 = arith.constant 1024 : i32
        %mul3A_172 = arith.muli %add3A_168, %mul3A_171 : i32
        %add3A_173 = arith.addi %mul3A_170, %mul3A_172 : i32
        %dma_start3A_174 = tpu.memref_slice %arg3[%add3A_173] : memref<6422528xi32, #tpu.memory_space<hbm>> -> memref<1024xi32, #tpu.memory_space<hbm>>
        %dma_start3A_175 = tpu.memref_slice %arg3[%add3A_173] : memref<6422528xi32, #tpu.memory_space<hbm>> -> memref<1024xi32, #tpu.memory_space<hbm>>
        tpu.enqueue_dma source(%dma_start3A_175 : memref<1024xi32, #tpu.memory_space<hbm>>) target(%arg10 : memref<1024xi32, #tpu.memory_space<vmem>>) target_semaphore(%arg28 : memref<!tpu.dma_semaphore, #tpu.memory_space<semaphore_mem>>)
        %dma_start3A_176 = tpu.memref_slice %arg5[%add3A_173] : memref<6422528xf32, #tpu.memory_space<hbm>> -> memref<1024xf32, #tpu.memory_space<hbm>>
        %dma_start3A_177 = tpu.memref_slice %arg5[%add3A_173] : memref<6422528xf32, #tpu.memory_space<hbm>> -> memref<1024xf32, #tpu.memory_space<hbm>>
        tpu.enqueue_dma source(%dma_start3A_177 : memref<1024xf32, #tpu.memory_space<hbm>>) target(%arg18 : memref<1024xf32, #tpu.memory_space<vmem>>) target_semaphore(%arg28 : memref<!tpu.dma_semaphore, #tpu.memory_space<semaphore_mem>>)
        %dma_start3A_178 = tpu.memref_slice %arg4[%add3A_173] : memref<6422528xi32, #tpu.memory_space<hbm>> -> memref<1024xi32, #tpu.memory_space<hbm>>
        %dma_start3A_179 = tpu.memref_slice %arg4[%add3A_173] : memref<6422528xi32, #tpu.memory_space<hbm>> -> memref<1024xi32, #tpu.memory_space<hbm>>
        tpu.enqueue_dma source(%dma_start3A_179 : memref<1024xi32, #tpu.memory_space<hbm>>) target(%arg14 : memref<1024xi32, #tpu.memory_space<vmem>>) target_semaphore(%arg28 : memref<!tpu.dma_semaphore, #tpu.memory_space<semaphore_mem>>)
      } else {
      }
      %add3A_74 = arith.constant 1 : i32
      %add3A_75 = arith.addi %add3A_69, %add3A_74 : i32
      %lt3A_76 = arith.constant 196 : i32
      %lt3A_77 = arith.cmpi slt, %add3A_75, %lt3A_76 : i32
      %convert_element_type3A_78 = arith.extui %lt3A_77 : i1 to i32
      %cond3A_79 = arith.constant 0 : i32
      %cond3A_80 = arith.cmpi ne, %convert_element_type3A_78, %cond3A_79 : i32
      scf.if %cond3A_80 {
        %dma_wait3A_167 = arith.constant 0 : i32
        %dma_wait3A_168 = tpu.memref_slice %arg3[%dma_wait3A_167] : memref<6422528xi32, #tpu.memory_space<hbm>> -> memref<1024xi32, #tpu.memory_space<hbm>>
        %dma_wait3A_169 = arith.constant 0 : i32
        %dma_wait3A_170 = tpu.memref_slice %arg3[%dma_wait3A_169] : memref<6422528xi32, #tpu.memory_space<hbm>> -> memref<1024xi32, #tpu.memory_space<hbm>>
        tpu.wait_dma2 semaphore(%arg26 : memref<!tpu.dma_semaphore, #tpu.memory_space<semaphore_mem>>) src(%dma_wait3A_170 : memref<1024xi32, #tpu.memory_space<hbm>>) dst(%arg8 : memref<1024xi32, #tpu.memory_space<vmem>>)
        %dma_wait3A_171 = arith.constant 0 : i32
        %dma_wait3A_172 = tpu.memref_slice %arg5[%dma_wait3A_171] : memref<6422528xf32, #tpu.memory_space<hbm>> -> memref<1024xf32, #tpu.memory_space<hbm>>
        %dma_wait3A_173 = arith.constant 0 : i32
        %dma_wait3A_174 = tpu.memref_slice %arg5[%dma_wait3A_173] : memref<6422528xf32, #tpu.memory_space<hbm>> -> memref<1024xf32, #tpu.memory_space<hbm>>
        tpu.wait_dma2 semaphore(%arg26 : memref<!tpu.dma_semaphore, #tpu.memory_space<semaphore_mem>>) src(%dma_wait3A_174 : memref<1024xf32, #tpu.memory_space<hbm>>) dst(%arg16 : memref<1024xf32, #tpu.memory_space<vmem>>)
        %dma_wait3A_175 = arith.constant 0 : i32
        %dma_wait3A_176 = tpu.memref_slice %arg4[%dma_wait3A_175] : memref<6422528xi32, #tpu.memory_space<hbm>> -> memref<1024xi32, #tpu.memory_space<hbm>>
        %dma_wait3A_177 = arith.constant 0 : i32
        %dma_wait3A_178 = tpu.memref_slice %arg4[%dma_wait3A_177] : memref<6422528xi32, #tpu.memory_space<hbm>> -> memref<1024xi32, #tpu.memory_space<hbm>>
        tpu.wait_dma2 semaphore(%arg26 : memref<!tpu.dma_semaphore, #tpu.memory_space<semaphore_mem>>) src(%dma_wait3A_178 : memref<1024xi32, #tpu.memory_space<hbm>>) dst(%arg12 : memref<1024xi32, #tpu.memory_space<vmem>>)
        %dma_start3A_179 = arith.constant 0 : i32
        %dma_start3A_180 = tpu.memref_slice %arg24[%dma_start3A_179] : memref<102400xf32, #tpu.memory_space<vmem_shared>> -> memref<102400xf32, #tpu.memory_space<vmem_shared>>
        tpu.enqueue_indirect_dma source(%dma_start3A_180 : memref<102400xf32, #tpu.memory_space<vmem_shared>>) target(%arg20 : memref<1024xf32, #tpu.memory_space<vmem>>) offsets(%arg8 : memref<1024xi32, #tpu.memory_space<vmem>>) semaphore(%arg30 : memref<!tpu.dma_semaphore, #tpu.memory_space<semaphore_mem>>)
      } else {
      }
      %dma_wait3A_81 = arith.constant 0 : i32
      %dma_wait3A_82 = tpu.memref_slice %arg24[%dma_wait3A_81] : memref<102400xf32, #tpu.memory_space<vmem_shared>> -> memref<102400xf32, #tpu.memory_space<vmem_shared>>
      tpu.wait_indirect_dma semaphore(%arg29 : memref<!tpu.dma_semaphore, #tpu.memory_space<semaphore_mem>>) src(%dma_wait3A_82 : memref<102400xf32, #tpu.memory_space<vmem_shared>>) dst(%arg19 : memref<1024xf32, #tpu.memory_space<vmem>>)
      %scan3A_83 = arith.constant 0 : i32
      %scan3A_84 = arith.constant 0 : i32
      %scan3A_85 = arith.constant 64 : i32
      %scan3A_86 = arith.addi %scan3A_84, %scan3A_85 : i32
      %scan3A_87 = arith.constant 4 : i32
      scf.for %scan3A_167 = %scan3A_84 to %scan3A_86 step %scan3A_87  : i32 {
        %mul3A_168 = arith.constant 16 : i32
        %mul3A_169 = arith.muli %scan3A_167, %mul3A_168 : i32
        %get3A = arith.index_cast %mul3A_169 : i32 to index
        %get3A_170 = tpu.vector_load %arg11[%get3A] {strides = array<i32>} : memref<1024xi32, #tpu.memory_space<vmem>>, vector<16xi32>,
        %get3A_171 = arith.index_cast %mul3A_169 : i32 to index
        %get3A_172 = tpu.vector_load %arg19[%get3A_171] {strides = array<i32>} : memref<1024xf32, #tpu.memory_space<vmem>>, vector<16xf32>,
        %get3A_173 = arith.index_cast %mul3A_169 : i32 to index
        %get3A_174 = tpu.vector_load %arg15[%get3A_173] {strides = array<i32>} : memref<1024xf32, #tpu.memory_space<vmem>>, vector<16xf32>,
        %mul3A_175 = arith.mulf %get3A_172, %get3A_174 : vector<16xf32>
        tpu.vector_store_idx %arg23[%get3A_170], %mul3A_175 {add = true} : memref<102400xf32, #tpu.memory_space<vmem>>[vector<16xi32>], vector<16xf32>,
        %scan3A_176 = arith.constant 1 : i32
        %scan3A_177 = arith.addi %scan3A_167, %scan3A_176 : i32
        %mul3A_178 = arith.constant 16 : i32
        %mul3A_179 = arith.muli %scan3A_177, %mul3A_178 : i32
        %get3A_180 = arith.index_cast %mul3A_179 : i32 to index
        %get3A_181 = tpu.vector_load %arg11[%get3A_180] {strides = array<i32>} : memref<1024xi32, #tpu.memory_space<vmem>>, vector<16xi32>,
        %get3A_182 = arith.index_cast %mul3A_179 : i32 to index
        %get3A_183 = tpu.vector_load %arg19[%get3A_182] {strides = array<i32>} : memref<1024xf32, #tpu.memory_space<vmem>>, vector<16xf32>,
        %get3A_184 = arith.index_cast %mul3A_179 : i32 to index
        %get3A_185 = tpu.vector_load %arg15[%get3A_184] {strides = array<i32>} : memref<1024xf32, #tpu.memory_space<vmem>>, vector<16xf32>,
        %mul3A_186 = arith.mulf %get3A_183, %get3A_185 : vector<16xf32>
        tpu.vector_store_idx %arg23[%get3A_181], %mul3A_186 {add = true} : memref<102400xf32, #tpu.memory_space<vmem>>[vector<16xi32>], vector<16xf32>,
        %scan3A_187 = arith.constant 2 : i32
        %scan3A_188 = arith.addi %scan3A_167, %scan3A_187 : i32
        %mul3A_189 = arith.constant 16 : i32
        %mul3A_190 = arith.muli %scan3A_188, %mul3A_189 : i32
        %get3A_191 = arith.index_cast %mul3A_190 : i32 to index
        %get3A_192 = tpu.vector_load %arg11[%get3A_191] {strides = array<i32>} : memref<1024xi32, #tpu.memory_space<vmem>>, vector<16xi32>,
        %get3A_193 = arith.index_cast %mul3A_190 : i32 to index
        %get3A_194 = tpu.vector_load %arg19[%get3A_193] {strides = array<i32>} : memref<1024xf32, #tpu.memory_space<vmem>>, vector<16xf32>,
        %get3A_195 = arith.index_cast %mul3A_190 : i32 to index
        %get3A_196 = tpu.vector_load %arg15[%get3A_195] {strides = array<i32>} : memref<1024xf32, #tpu.memory_space<vmem>>, vector<16xf32>,
        %mul3A_197 = arith.mulf %get3A_194, %get3A_196 : vector<16xf32>
        tpu.vector_store_idx %arg23[%get3A_192], %mul3A_197 {add = true} : memref<102400xf32, #tpu.memory_space<vmem>>[vector<16xi32>], vector<16xf32>,
        %scan3A_198 = arith.constant 3 : i32
        %scan3A_199 = arith.addi %scan3A_167, %scan3A_198 : i32
        %mul3A_200 = arith.constant 16 : i32
        %mul3A_201 = arith.muli %scan3A_199, %mul3A_200 : i32
        %get3A_202 = arith.index_cast %mul3A_201 : i32 to index
        %get3A_203 = tpu.vector_load %arg11[%get3A_202] {strides = array<i32>} : memref<1024xi32, #tpu.memory_space<vmem>>, vector<16xi32>,
        %get3A_204 = arith.index_cast %mul3A_201 : i32 to index
        %get3A_205 = tpu.vector_load %arg19[%get3A_204] {strides = array<i32>} : memref<1024xf32, #tpu.memory_space<vmem>>, vector<16xf32>,
        %get3A_206 = arith.index_cast %mul3A_201 : i32 to index
        %get3A_207 = tpu.vector_load %arg15[%get3A_206] {strides = array<i32>} : memref<1024xf32, #tpu.memory_space<vmem>>, vector<16xf32>,
        %mul3A_208 = arith.mulf %get3A_205, %get3A_207 : vector<16xf32>
        tpu.vector_store_idx %arg23[%get3A_203], %mul3A_208 {add = true} : memref<102400xf32, #tpu.memory_space<vmem>>[vector<16xi32>], vector<16xf32>,
      }
      %scan3A_88 = arith.constant 64 : i32
      %mul3A_89 = arith.constant 4 : i32
      %mul3A_90 = arith.muli %mul3A_89, %scan3A_65 : i32
      %add3A_91 = arith.constant 1 : i32
      %add3A_92 = arith.addi %mul3A_90, %add3A_91 : i32
      %add3A_93 = arith.constant 3 : i32
      %add3A_94 = arith.addi %add3A_92, %add3A_93 : i32
      %lt3A_95 = arith.constant 196 : i32
      %lt3A_96 = arith.cmpi slt, %add3A_94, %lt3A_95 : i32
      %convert_element_type3A_97 = arith.extui %lt3A_96 : i1 to i32
      %cond3A_98 = arith.constant 0 : i32
      %cond3A_99 = arith.cmpi ne, %convert_element_type3A_97, %cond3A_98 : i32
      scf.if %cond3A_99 {
        %add3A_167 = arith.constant 3 : i32
        %add3A_168 = arith.addi %add3A_92, %add3A_167 : i32
        %mul3A_169 = arith.constant 200704 : i32
        %mul3A_170 = arith.muli %add3A, %mul3A_169 : i32
        %mul3A_171 = arith.constant 1024 : i32
        %mul3A_172 = arith.muli %add3A_168, %mul3A_171 : i32
        %add3A_173 = arith.addi %mul3A_170, %mul3A_172 : i32
        %dma_start3A_174 = tpu.memref_slice %arg3[%add3A_173] : memref<6422528xi32, #tpu.memory_space<hbm>> -> memref<1024xi32, #tpu.memory_space<hbm>>
        %dma_start3A_175 = tpu.memref_slice %arg3[%add3A_173] : memref<6422528xi32, #tpu.memory_space<hbm>> -> memref<1024xi32, #tpu.memory_space<hbm>>
        tpu.enqueue_dma source(%dma_start3A_175 : memref<1024xi32, #tpu.memory_space<hbm>>) target(%arg7 : memref<1024xi32, #tpu.memory_space<vmem>>) target_semaphore(%arg25 : memref<!tpu.dma_semaphore, #tpu.memory_space<semaphore_mem>>)
        %dma_start3A_176 = tpu.memref_slice %arg5[%add3A_173] : memref<6422528xf32, #tpu.memory_space<hbm>> -> memref<1024xf32, #tpu.memory_space<hbm>>
        %dma_start3A_177 = tpu.memref_slice %arg5[%add3A_173] : memref<6422528xf32, #tpu.memory_space<hbm>> -> memref<1024xf32, #tpu.memory_space<hbm>>
        tpu.enqueue_dma source(%dma_start3A_177 : memref<1024xf32, #tpu.memory_space<hbm>>) target(%arg15 : memref<1024xf32, #tpu.memory_space<vmem>>) target_semaphore(%arg25 : memref<!tpu.dma_semaphore, #tpu.memory_space<semaphore_mem>>)
        %dma_start3A_178 = tpu.memref_slice %arg4[%add3A_173] : memref<6422528xi32, #tpu.memory_space<hbm>> -> memref<1024xi32, #tpu.memory_space<hbm>>
        %dma_start3A_179 = tpu.memref_slice %arg4[%add3A_173] : memref<6422528xi32, #tpu.memory_space<hbm>> -> memref<1024xi32, #tpu.memory_space<hbm>>
        tpu.enqueue_dma source(%dma_start3A_179 : memref<1024xi32, #tpu.memory_space<hbm>>) target(%arg11 : memref<1024xi32, #tpu.memory_space<vmem>>) target_semaphore(%arg25 : memref<!tpu.dma_semaphore, #tpu.memory_space<semaphore_mem>>)
      } else {
      }
      %add3A_100 = arith.constant 1 : i32
      %add3A_101 = arith.addi %add3A_92, %add3A_100 : i32
      %lt3A_102 = arith.constant 196 : i32
      %lt3A_103 = arith.cmpi slt, %add3A_101, %lt3A_102 : i32
      %convert_element_type3A_104 = arith.extui %lt3A_103 : i1 to i32
      %cond3A_105 = arith.constant 0 : i32
      %cond3A_106 = arith.cmpi ne, %convert_element_type3A_104, %cond3A_105 : i32
      scf.if %cond3A_106 {
        %dma_wait3A_167 = arith.constant 0 : i32
        %dma_wait3A_168 = tpu.memref_slice %arg3[%dma_wait3A_167] : memref<6422528xi32, #tpu.memory_space<hbm>> -> memref<1024xi32, #tpu.memory_space<hbm>>
        %dma_wait3A_169 = arith.constant 0 : i32
        %dma_wait3A_170 = tpu.memref_slice %arg3[%dma_wait3A_169] : memref<6422528xi32, #tpu.memory_space<hbm>> -> memref<1024xi32, #tpu.memory_space<hbm>>
        tpu.wait_dma2 semaphore(%arg27 : memref<!tpu.dma_semaphore, #tpu.memory_space<semaphore_mem>>) src(%dma_wait3A_170 : memref<1024xi32, #tpu.memory_space<hbm>>) dst(%arg9 : memref<1024xi32, #tpu.memory_space<vmem>>)
        %dma_wait3A_171 = arith.constant 0 : i32
        %dma_wait3A_172 = tpu.memref_slice %arg5[%dma_wait3A_171] : memref<6422528xf32, #tpu.memory_space<hbm>> -> memref<1024xf32, #tpu.memory_space<hbm>>
        %dma_wait3A_173 = arith.constant 0 : i32
        %dma_wait3A_174 = tpu.memref_slice %arg5[%dma_wait3A_173] : memref<6422528xf32, #tpu.memory_space<hbm>> -> memref<1024xf32, #tpu.memory_space<hbm>>
        tpu.wait_dma2 semaphore(%arg27 : memref<!tpu.dma_semaphore, #tpu.memory_space<semaphore_mem>>) src(%dma_wait3A_174 : memref<1024xf32, #tpu.memory_space<hbm>>) dst(%arg17 : memref<1024xf32, #tpu.memory_space<vmem>>)
        %dma_wait3A_175 = arith.constant 0 : i32
        %dma_wait3A_176 = tpu.memref_slice %arg4[%dma_wait3A_175] : memref<6422528xi32, #tpu.memory_space<hbm>> -> memref<1024xi32, #tpu.memory_space<hbm>>
        %dma_wait3A_177 = arith.constant 0 : i32
        %dma_wait3A_178 = tpu.memref_slice %arg4[%dma_wait3A_177] : memref<6422528xi32, #tpu.memory_space<hbm>> -> memref<1024xi32, #tpu.memory_space<hbm>>
        tpu.wait_dma2 semaphore(%arg27 : memref<!tpu.dma_semaphore, #tpu.memory_space<semaphore_mem>>) src(%dma_wait3A_178 : memref<1024xi32, #tpu.memory_space<hbm>>) dst(%arg13 : memref<1024xi32, #tpu.memory_space<vmem>>)
        %dma_start3A_179 = arith.constant 0 : i32
        %dma_start3A_180 = tpu.memref_slice %arg24[%dma_start3A_179] : memref<102400xf32, #tpu.memory_space<vmem_shared>> -> memref<102400xf32, #tpu.memory_space<vmem_shared>>
        tpu.enqueue_indirect_dma source(%dma_start3A_180 : memref<102400xf32, #tpu.memory_space<vmem_shared>>) target(%arg21 : memref<1024xf32, #tpu.memory_space<vmem>>) offsets(%arg9 : memref<1024xi32, #tpu.memory_space<vmem>>) semaphore(%arg31 : memref<!tpu.dma_semaphore, #tpu.memory_space<semaphore_mem>>)
      } else {
      }
      %dma_wait3A_107 = arith.constant 0 : i32
      %dma_wait3A_108 = tpu.memref_slice %arg24[%dma_wait3A_107] : memref<102400xf32, #tpu.memory_space<vmem_shared>> -> memref<102400xf32, #tpu.memory_space<vmem_shared>>
      tpu.wait_indirect_dma semaphore(%arg30 : memref<!tpu.dma_semaphore, #tpu.memory_space<semaphore_mem>>) src(%dma_wait3A_108 : memref<102400xf32, #tpu.memory_space<vmem_shared>>) dst(%arg20 : memref<1024xf32, #tpu.memory_space<vmem>>)
      %scan3A_109 = arith.constant 0 : i32
      %scan3A_110 = arith.constant 0 : i32
      %scan3A_111 = arith.constant 64 : i32
      %scan3A_112 = arith.addi %scan3A_110, %scan3A_111 : i32
      %scan3A_113 = arith.constant 4 : i32
      scf.for %scan3A_167 = %scan3A_110 to %scan3A_112 step %scan3A_113  : i32 {
        %mul3A_168 = arith.constant 16 : i32
        %mul3A_169 = arith.muli %scan3A_167, %mul3A_168 : i32
        %get3A = arith.index_cast %mul3A_169 : i32 to index
        %get3A_170 = tpu.vector_load %arg12[%get3A] {strides = array<i32>} : memref<1024xi32, #tpu.memory_space<vmem>>, vector<16xi32>,
        %get3A_171 = arith.index_cast %mul3A_169 : i32 to index
        %get3A_172 = tpu.vector_load %arg20[%get3A_171] {strides = array<i32>} : memref<1024xf32, #tpu.memory_space<vmem>>, vector<16xf32>,
        %get3A_173 = arith.index_cast %mul3A_169 : i32 to index
        %get3A_174 = tpu.vector_load %arg16[%get3A_173] {strides = array<i32>} : memref<1024xf32, #tpu.memory_space<vmem>>, vector<16xf32>,
        %mul3A_175 = arith.mulf %get3A_172, %get3A_174 : vector<16xf32>
        tpu.vector_store_idx %arg23[%get3A_170], %mul3A_175 {add = true} : memref<102400xf32, #tpu.memory_space<vmem>>[vector<16xi32>], vector<16xf32>,
        %scan3A_176 = arith.constant 1 : i32
        %scan3A_177 = arith.addi %scan3A_167, %scan3A_176 : i32
        %mul3A_178 = arith.constant 16 : i32
        %mul3A_179 = arith.muli %scan3A_177, %mul3A_178 : i32
        %get3A_180 = arith.index_cast %mul3A_179 : i32 to index
        %get3A_181 = tpu.vector_load %arg12[%get3A_180] {strides = array<i32>} : memref<1024xi32, #tpu.memory_space<vmem>>, vector<16xi32>,
        %get3A_182 = arith.index_cast %mul3A_179 : i32 to index
        %get3A_183 = tpu.vector_load %arg20[%get3A_182] {strides = array<i32>} : memref<1024xf32, #tpu.memory_space<vmem>>, vector<16xf32>,
        %get3A_184 = arith.index_cast %mul3A_179 : i32 to index
        %get3A_185 = tpu.vector_load %arg16[%get3A_184] {strides = array<i32>} : memref<1024xf32, #tpu.memory_space<vmem>>, vector<16xf32>,
        %mul3A_186 = arith.mulf %get3A_183, %get3A_185 : vector<16xf32>
        tpu.vector_store_idx %arg23[%get3A_181], %mul3A_186 {add = true} : memref<102400xf32, #tpu.memory_space<vmem>>[vector<16xi32>], vector<16xf32>,
        %scan3A_187 = arith.constant 2 : i32
        %scan3A_188 = arith.addi %scan3A_167, %scan3A_187 : i32
        %mul3A_189 = arith.constant 16 : i32
        %mul3A_190 = arith.muli %scan3A_188, %mul3A_189 : i32
        %get3A_191 = arith.index_cast %mul3A_190 : i32 to index
        %get3A_192 = tpu.vector_load %arg12[%get3A_191] {strides = array<i32>} : memref<1024xi32, #tpu.memory_space<vmem>>, vector<16xi32>,
        %get3A_193 = arith.index_cast %mul3A_190 : i32 to index
        %get3A_194 = tpu.vector_load %arg20[%get3A_193] {strides = array<i32>} : memref<1024xf32, #tpu.memory_space<vmem>>, vector<16xf32>,
        %get3A_195 = arith.index_cast %mul3A_190 : i32 to index
        %get3A_196 = tpu.vector_load %arg16[%get3A_195] {strides = array<i32>} : memref<1024xf32, #tpu.memory_space<vmem>>, vector<16xf32>,
        %mul3A_197 = arith.mulf %get3A_194, %get3A_196 : vector<16xf32>
        tpu.vector_store_idx %arg23[%get3A_192], %mul3A_197 {add = true} : memref<102400xf32, #tpu.memory_space<vmem>>[vector<16xi32>], vector<16xf32>,
        %scan3A_198 = arith.constant 3 : i32
        %scan3A_199 = arith.addi %scan3A_167, %scan3A_198 : i32
        %mul3A_200 = arith.constant 16 : i32
        %mul3A_201 = arith.muli %scan3A_199, %mul3A_200 : i32
        %get3A_202 = arith.index_cast %mul3A_201 : i32 to index
        %get3A_203 = tpu.vector_load %arg12[%get3A_202] {strides = array<i32>} : memref<1024xi32, #tpu.memory_space<vmem>>, vector<16xi32>,
        %get3A_204 = arith.index_cast %mul3A_201 : i32 to index
        %get3A_205 = tpu.vector_load %arg20[%get3A_204] {strides = array<i32>} : memref<1024xf32, #tpu.memory_space<vmem>>, vector<16xf32>,
        %get3A_206 = arith.index_cast %mul3A_201 : i32 to index
        %get3A_207 = tpu.vector_load %arg16[%get3A_206] {strides = array<i32>} : memref<1024xf32, #tpu.memory_space<vmem>>, vector<16xf32>,
        %mul3A_208 = arith.mulf %get3A_205, %get3A_207 : vector<16xf32>
        tpu.vector_store_idx %arg23[%get3A_203], %mul3A_208 {add = true} : memref<102400xf32, #tpu.memory_space<vmem>>[vector<16xi32>], vector<16xf32>,
      }
      %scan3A_114 = arith.constant 64 : i32
      %mul3A_115 = arith.constant 4 : i32
      %mul3A_116 = arith.muli %mul3A_115, %scan3A_65 : i32
      %add3A_117 = arith.constant 2 : i32
      %add3A_118 = arith.addi %mul3A_116, %add3A_117 : i32
      %add3A_119 = arith.constant 3 : i32
      %add3A_120 = arith.addi %add3A_118, %add3A_119 : i32
      %lt3A_121 = arith.constant 196 : i32
      %lt3A_122 = arith.cmpi slt, %add3A_120, %lt3A_121 : i32
      %convert_element_type3A_123 = arith.extui %lt3A_122 : i1 to i32
      %cond3A_124 = arith.constant 0 : i32
      %cond3A_125 = arith.cmpi ne, %convert_element_type3A_123, %cond3A_124 : i32
      scf.if %cond3A_125 {
        %add3A_167 = arith.constant 3 : i32
        %add3A_168 = arith.addi %add3A_118, %add3A_167 : i32
        %mul3A_169 = arith.constant 200704 : i32
        %mul3A_170 = arith.muli %add3A, %mul3A_169 : i32
        %mul3A_171 = arith.constant 1024 : i32
        %mul3A_172 = arith.muli %add3A_168, %mul3A_171 : i32
        %add3A_173 = arith.addi %mul3A_170, %mul3A_172 : i32
        %dma_start3A_174 = tpu.memref_slice %arg3[%add3A_173] : memref<6422528xi32, #tpu.memory_space<hbm>> -> memref<1024xi32, #tpu.memory_space<hbm>>
        %dma_start3A_175 = tpu.memref_slice %arg3[%add3A_173] : memref<6422528xi32, #tpu.memory_space<hbm>> -> memref<1024xi32, #tpu.memory_space<hbm>>
        tpu.enqueue_dma source(%dma_start3A_175 : memref<1024xi32, #tpu.memory_space<hbm>>) target(%arg8 : memref<1024xi32, #tpu.memory_space<vmem>>) target_semaphore(%arg26 : memref<!tpu.dma_semaphore, #tpu.memory_space<semaphore_mem>>)
        %dma_start3A_176 = tpu.memref_slice %arg5[%add3A_173] : memref<6422528xf32, #tpu.memory_space<hbm>> -> memref<1024xf32, #tpu.memory_space<hbm>>
        %dma_start3A_177 = tpu.memref_slice %arg5[%add3A_173] : memref<6422528xf32, #tpu.memory_space<hbm>> -> memref<1024xf32, #tpu.memory_space<hbm>>
        tpu.enqueue_dma source(%dma_start3A_177 : memref<1024xf32, #tpu.memory_space<hbm>>) target(%arg16 : memref<1024xf32, #tpu.memory_space<vmem>>) target_semaphore(%arg26 : memref<!tpu.dma_semaphore, #tpu.memory_space<semaphore_mem>>)
        %dma_start3A_178 = tpu.memref_slice %arg4[%add3A_173] : memref<6422528xi32, #tpu.memory_space<hbm>> -> memref<1024xi32, #tpu.memory_space<hbm>>
        %dma_start3A_179 = tpu.memref_slice %arg4[%add3A_173] : memref<6422528xi32, #tpu.memory_space<hbm>> -> memref<1024xi32, #tpu.memory_space<hbm>>
        tpu.enqueue_dma source(%dma_start3A_179 : memref<1024xi32, #tpu.memory_space<hbm>>) target(%arg12 : memref<1024xi32, #tpu.memory_space<vmem>>) target_semaphore(%arg26 : memref<!tpu.dma_semaphore, #tpu.memory_space<semaphore_mem>>)
      } else {
      }
      %add3A_126 = arith.constant 1 : i32
      %add3A_127 = arith.addi %add3A_118, %add3A_126 : i32
      %lt3A_128 = arith.constant 196 : i32
      %lt3A_129 = arith.cmpi slt, %add3A_127, %lt3A_128 : i32
      %convert_element_type3A_130 = arith.extui %lt3A_129 : i1 to i32
      %cond3A_131 = arith.constant 0 : i32
      %cond3A_132 = arith.cmpi ne, %convert_element_type3A_130, %cond3A_131 : i32
      scf.if %cond3A_132 {
        %dma_wait3A_167 = arith.constant 0 : i32
        %dma_wait3A_168 = tpu.memref_slice %arg3[%dma_wait3A_167] : memref<6422528xi32, #tpu.memory_space<hbm>> -> memref<1024xi32, #tpu.memory_space<hbm>>
        %dma_wait3A_169 = arith.constant 0 : i32
        %dma_wait3A_170 = tpu.memref_slice %arg3[%dma_wait3A_169] : memref<6422528xi32, #tpu.memory_space<hbm>> -> memref<1024xi32, #tpu.memory_space<hbm>>
        tpu.wait_dma2 semaphore(%arg28 : memref<!tpu.dma_semaphore, #tpu.memory_space<semaphore_mem>>) src(%dma_wait3A_170 : memref<1024xi32, #tpu.memory_space<hbm>>) dst(%arg10 : memref<1024xi32, #tpu.memory_space<vmem>>)
        %dma_wait3A_171 = arith.constant 0 : i32
        %dma_wait3A_172 = tpu.memref_slice %arg5[%dma_wait3A_171] : memref<6422528xf32, #tpu.memory_space<hbm>> -> memref<1024xf32, #tpu.memory_space<hbm>>
        %dma_wait3A_173 = arith.constant 0 : i32
        %dma_wait3A_174 = tpu.memref_slice %arg5[%dma_wait3A_173] : memref<6422528xf32, #tpu.memory_space<hbm>> -> memref<1024xf32, #tpu.memory_space<hbm>>
        tpu.wait_dma2 semaphore(%arg28 : memref<!tpu.dma_semaphore, #tpu.memory_space<semaphore_mem>>) src(%dma_wait3A_174 : memref<1024xf32, #tpu.memory_space<hbm>>) dst(%arg18 : memref<1024xf32, #tpu.memory_space<vmem>>)
        %dma_wait3A_175 = arith.constant 0 : i32
        %dma_wait3A_176 = tpu.memref_slice %arg4[%dma_wait3A_175] : memref<6422528xi32, #tpu.memory_space<hbm>> -> memref<1024xi32, #tpu.memory_space<hbm>>
        %dma_wait3A_177 = arith.constant 0 : i32
        %dma_wait3A_178 = tpu.memref_slice %arg4[%dma_wait3A_177] : memref<6422528xi32, #tpu.memory_space<hbm>> -> memref<1024xi32, #tpu.memory_space<hbm>>
        tpu.wait_dma2 semaphore(%arg28 : memref<!tpu.dma_semaphore, #tpu.memory_space<semaphore_mem>>) src(%dma_wait3A_178 : memref<1024xi32, #tpu.memory_space<hbm>>) dst(%arg14 : memref<1024xi32, #tpu.memory_space<vmem>>)
        %dma_start3A_179 = arith.constant 0 : i32
        %dma_start3A_180 = tpu.memref_slice %arg24[%dma_start3A_179] : memref<102400xf32, #tpu.memory_space<vmem_shared>> -> memref<102400xf32, #tpu.memory_space<vmem_shared>>
        tpu.enqueue_indirect_dma source(%dma_start3A_180 : memref<102400xf32, #tpu.memory_space<vmem_shared>>) target(%arg22 : memref<1024xf32, #tpu.memory_space<vmem>>) offsets(%arg10 : memref<1024xi32, #tpu.memory_space<vmem>>) semaphore(%arg32 : memref<!tpu.dma_semaphore, #tpu.memory_space<semaphore_mem>>)
      } else {
      }
      %dma_wait3A_133 = arith.constant 0 : i32
      %dma_wait3A_134 = tpu.memref_slice %arg24[%dma_wait3A_133] : memref<102400xf32, #tpu.memory_space<vmem_shared>> -> memref<102400xf32, #tpu.memory_space<vmem_shared>>
      tpu.wait_indirect_dma semaphore(%arg31 : memref<!tpu.dma_semaphore, #tpu.memory_space<semaphore_mem>>) src(%dma_wait3A_134 : memref<102400xf32, #tpu.memory_space<vmem_shared>>) dst(%arg21 : memref<1024xf32, #tpu.memory_space<vmem>>)
      %scan3A_135 = arith.constant 0 : i32
      %scan3A_136 = arith.constant 0 : i32
      %scan3A_137 = arith.constant 64 : i32
      %scan3A_138 = arith.addi %scan3A_136, %scan3A_137 : i32
      %scan3A_139 = arith.constant 4 : i32
      scf.for %scan3A_167 = %scan3A_136 to %scan3A_138 step %scan3A_139  : i32 {
        %mul3A_168 = arith.constant 16 : i32
        %mul3A_169 = arith.muli %scan3A_167, %mul3A_168 : i32
        %get3A = arith.index_cast %mul3A_169 : i32 to index
        %get3A_170 = tpu.vector_load %arg13[%get3A] {strides = array<i32>} : memref<1024xi32, #tpu.memory_space<vmem>>, vector<16xi32>,
        %get3A_171 = arith.index_cast %mul3A_169 : i32 to index
        %get3A_172 = tpu.vector_load %arg21[%get3A_171] {strides = array<i32>} : memref<1024xf32, #tpu.memory_space<vmem>>, vector<16xf32>,
        %get3A_173 = arith.index_cast %mul3A_169 : i32 to index
        %get3A_174 = tpu.vector_load %arg17[%get3A_173] {strides = array<i32>} : memref<1024xf32, #tpu.memory_space<vmem>>, vector<16xf32>,
        %mul3A_175 = arith.mulf %get3A_172, %get3A_174 : vector<16xf32>
        tpu.vector_store_idx %arg23[%get3A_170], %mul3A_175 {add = true} : memref<102400xf32, #tpu.memory_space<vmem>>[vector<16xi32>], vector<16xf32>,
        %scan3A_176 = arith.constant 1 : i32
        %scan3A_177 = arith.addi %scan3A_167, %scan3A_176 : i32
        %mul3A_178 = arith.constant 16 : i32
        %mul3A_179 = arith.muli %scan3A_177, %mul3A_178 : i32
        %get3A_180 = arith.index_cast %mul3A_179 : i32 to index
        %get3A_181 = tpu.vector_load %arg13[%get3A_180] {strides = array<i32>} : memref<1024xi32, #tpu.memory_space<vmem>>, vector<16xi32>,
        %get3A_182 = arith.index_cast %mul3A_179 : i32 to index
        %get3A_183 = tpu.vector_load %arg21[%get3A_182] {strides = array<i32>} : memref<1024xf32, #tpu.memory_space<vmem>>, vector<16xf32>,
        %get3A_184 = arith.index_cast %mul3A_179 : i32 to index
        %get3A_185 = tpu.vector_load %arg17[%get3A_184] {strides = array<i32>} : memref<1024xf32, #tpu.memory_space<vmem>>, vector<16xf32>,
        %mul3A_186 = arith.mulf %get3A_183, %get3A_185 : vector<16xf32>
        tpu.vector_store_idx %arg23[%get3A_181], %mul3A_186 {add = true} : memref<102400xf32, #tpu.memory_space<vmem>>[vector<16xi32>], vector<16xf32>,
        %scan3A_187 = arith.constant 2 : i32
        %scan3A_188 = arith.addi %scan3A_167, %scan3A_187 : i32
        %mul3A_189 = arith.constant 16 : i32
        %mul3A_190 = arith.muli %scan3A_188, %mul3A_189 : i32
        %get3A_191 = arith.index_cast %mul3A_190 : i32 to index
        %get3A_192 = tpu.vector_load %arg13[%get3A_191] {strides = array<i32>} : memref<1024xi32, #tpu.memory_space<vmem>>, vector<16xi32>,
        %get3A_193 = arith.index_cast %mul3A_190 : i32 to index
        %get3A_194 = tpu.vector_load %arg21[%get3A_193] {strides = array<i32>} : memref<1024xf32, #tpu.memory_space<vmem>>, vector<16xf32>,
        %get3A_195 = arith.index_cast %mul3A_190 : i32 to index
        %get3A_196 = tpu.vector_load %arg17[%get3A_195] {strides = array<i32>} : memref<1024xf32, #tpu.memory_space<vmem>>, vector<16xf32>,
        %mul3A_197 = arith.mulf %get3A_194, %get3A_196 : vector<16xf32>
        tpu.vector_store_idx %arg23[%get3A_192], %mul3A_197 {add = true} : memref<102400xf32, #tpu.memory_space<vmem>>[vector<16xi32>], vector<16xf32>,
        %scan3A_198 = arith.constant 3 : i32
        %scan3A_199 = arith.addi %scan3A_167, %scan3A_198 : i32
        %mul3A_200 = arith.constant 16 : i32
        %mul3A_201 = arith.muli %scan3A_199, %mul3A_200 : i32
        %get3A_202 = arith.index_cast %mul3A_201 : i32 to index
        %get3A_203 = tpu.vector_load %arg13[%get3A_202] {strides = array<i32>} : memref<1024xi32, #tpu.memory_space<vmem>>, vector<16xi32>,
        %get3A_204 = arith.index_cast %mul3A_201 : i32 to index
        %get3A_205 = tpu.vector_load %arg21[%get3A_204] {strides = array<i32>} : memref<1024xf32, #tpu.memory_space<vmem>>, vector<16xf32>,
        %get3A_206 = arith.index_cast %mul3A_201 : i32 to index
        %get3A_207 = tpu.vector_load %arg17[%get3A_206] {strides = array<i32>} : memref<1024xf32, #tpu.memory_space<vmem>>, vector<16xf32>,
        %mul3A_208 = arith.mulf %get3A_205, %get3A_207 : vector<16xf32>
        tpu.vector_store_idx %arg23[%get3A_203], %mul3A_208 {add = true} : memref<102400xf32, #tpu.memory_space<vmem>>[vector<16xi32>], vector<16xf32>,
      }
      %scan3A_140 = arith.constant 64 : i32
      %mul3A_141 = arith.constant 4 : i32
      %mul3A_142 = arith.muli %mul3A_141, %scan3A_65 : i32
      %add3A_143 = arith.constant 3 : i32
      %add3A_144 = arith.addi %mul3A_142, %add3A_143 : i32
      %add3A_145 = arith.constant 3 : i32
      %add3A_146 = arith.addi %add3A_144, %add3A_145 : i32
      %lt3A_147 = arith.constant 196 : i32
      %lt3A_148 = arith.cmpi slt, %add3A_146, %lt3A_147 : i32
      %convert_element_type3A_149 = arith.extui %lt3A_148 : i1 to i32
      %cond3A_150 = arith.constant 0 : i32
      %cond3A_151 = arith.cmpi ne, %convert_element_type3A_149, %cond3A_150 : i32
      scf.if %cond3A_151 {
        %add3A_167 = arith.constant 3 : i32
        %add3A_168 = arith.addi %add3A_144, %add3A_167 : i32
        %mul3A_169 = arith.constant 200704 : i32
        %mul3A_170 = arith.muli %add3A, %mul3A_169 : i32
        %mul3A_171 = arith.constant 1024 : i32
        %mul3A_172 = arith.muli %add3A_168, %mul3A_171 : i32
        %add3A_173 = arith.addi %mul3A_170, %mul3A_172 : i32
        %dma_start3A_174 = tpu.memref_slice %arg3[%add3A_173] : memref<6422528xi32, #tpu.memory_space<hbm>> -> memref<1024xi32, #tpu.memory_space<hbm>>
        %dma_start3A_175 = tpu.memref_slice %arg3[%add3A_173] : memref<6422528xi32, #tpu.memory_space<hbm>> -> memref<1024xi32, #tpu.memory_space<hbm>>
        tpu.enqueue_dma source(%dma_start3A_175 : memref<1024xi32, #tpu.memory_space<hbm>>) target(%arg9 : memref<1024xi32, #tpu.memory_space<vmem>>) target_semaphore(%arg27 : memref<!tpu.dma_semaphore, #tpu.memory_space<semaphore_mem>>)
        %dma_start3A_176 = tpu.memref_slice %arg5[%add3A_173] : memref<6422528xf32, #tpu.memory_space<hbm>> -> memref<1024xf32, #tpu.memory_space<hbm>>
        %dma_start3A_177 = tpu.memref_slice %arg5[%add3A_173] : memref<6422528xf32, #tpu.memory_space<hbm>> -> memref<1024xf32, #tpu.memory_space<hbm>>
        tpu.enqueue_dma source(%dma_start3A_177 : memref<1024xf32, #tpu.memory_space<hbm>>) target(%arg17 : memref<1024xf32, #tpu.memory_space<vmem>>) target_semaphore(%arg27 : memref<!tpu.dma_semaphore, #tpu.memory_space<semaphore_mem>>)
        %dma_start3A_178 = tpu.memref_slice %arg4[%add3A_173] : memref<6422528xi32, #tpu.memory_space<hbm>> -> memref<1024xi32, #tpu.memory_space<hbm>>
        %dma_start3A_179 = tpu.memref_slice %arg4[%add3A_173] : memref<6422528xi32, #tpu.memory_space<hbm>> -> memref<1024xi32, #tpu.memory_space<hbm>>
        tpu.enqueue_dma source(%dma_start3A_179 : memref<1024xi32, #tpu.memory_space<hbm>>) target(%arg13 : memref<1024xi32, #tpu.memory_space<vmem>>) target_semaphore(%arg27 : memref<!tpu.dma_semaphore, #tpu.memory_space<semaphore_mem>>)
      } else {
      }
      %add3A_152 = arith.constant 1 : i32
      %add3A_153 = arith.addi %add3A_144, %add3A_152 : i32
      %lt3A_154 = arith.constant 196 : i32
      %lt3A_155 = arith.cmpi slt, %add3A_153, %lt3A_154 : i32
      %convert_element_type3A_156 = arith.extui %lt3A_155 : i1 to i32
      %cond3A_157 = arith.constant 0 : i32
      %cond3A_158 = arith.cmpi ne, %convert_element_type3A_156, %cond3A_157 : i32
      scf.if %cond3A_158 {
        %dma_wait3A_167 = arith.constant 0 : i32
        %dma_wait3A_168 = tpu.memref_slice %arg3[%dma_wait3A_167] : memref<6422528xi32, #tpu.memory_space<hbm>> -> memref<1024xi32, #tpu.memory_space<hbm>>
        %dma_wait3A_169 = arith.constant 0 : i32
        %dma_wait3A_170 = tpu.memref_slice %arg3[%dma_wait3A_169] : memref<6422528xi32, #tpu.memory_space<hbm>> -> memref<1024xi32, #tpu.memory_space<hbm>>
        tpu.wait_dma2 semaphore(%arg25 : memref<!tpu.dma_semaphore, #tpu.memory_space<semaphore_mem>>) src(%dma_wait3A_170 : memref<1024xi32, #tpu.memory_space<hbm>>) dst(%arg7 : memref<1024xi32, #tpu.memory_space<vmem>>)
        %dma_wait3A_171 = arith.constant 0 : i32
        %dma_wait3A_172 = tpu.memref_slice %arg5[%dma_wait3A_171] : memref<6422528xf32, #tpu.memory_space<hbm>> -> memref<1024xf32, #tpu.memory_space<hbm>>
        %dma_wait3A_173 = arith.constant 0 : i32
        %dma_wait3A_174 = tpu.memref_slice %arg5[%dma_wait3A_173] : memref<6422528xf32, #tpu.memory_space<hbm>> -> memref<1024xf32, #tpu.memory_space<hbm>>
        tpu.wait_dma2 semaphore(%arg25 : memref<!tpu.dma_semaphore, #tpu.memory_space<semaphore_mem>>) src(%dma_wait3A_174 : memref<1024xf32, #tpu.memory_space<hbm>>) dst(%arg15 : memref<1024xf32, #tpu.memory_space<vmem>>)
        %dma_wait3A_175 = arith.constant 0 : i32
        %dma_wait3A_176 = tpu.memref_slice %arg4[%dma_wait3A_175] : memref<6422528xi32, #tpu.memory_space<hbm>> -> memref<1024xi32, #tpu.memory_space<hbm>>
        %dma_wait3A_177 = arith.constant 0 : i32
        %dma_wait3A_178 = tpu.memref_slice %arg4[%dma_wait3A_177] : memref<6422528xi32, #tpu.memory_space<hbm>> -> memref<1024xi32, #tpu.memory_space<hbm>>
        tpu.wait_dma2 semaphore(%arg25 : memref<!tpu.dma_semaphore, #tpu.memory_space<semaphore_mem>>) src(%dma_wait3A_178 : memref<1024xi32, #tpu.memory_space<hbm>>) dst(%arg11 : memref<1024xi32, #tpu.memory_space<vmem>>)
        %dma_start3A_179 = arith.constant 0 : i32
        %dma_start3A_180 = tpu.memref_slice %arg24[%dma_start3A_179] : memref<102400xf32, #tpu.memory_space<vmem_shared>> -> memref<102400xf32, #tpu.memory_space<vmem_shared>>
        tpu.enqueue_indirect_dma source(%dma_start3A_180 : memref<102400xf32, #tpu.memory_space<vmem_shared>>) target(%arg19 : memref<1024xf32, #tpu.memory_space<vmem>>) offsets(%arg7 : memref<1024xi32, #tpu.memory_space<vmem>>) semaphore(%arg29 : memref<!tpu.dma_semaphore, #tpu.memory_space<semaphore_mem>>)
      } else {
      }
      %dma_wait3A_159 = arith.constant 0 : i32
      %dma_wait3A_160 = tpu.memref_slice %arg24[%dma_wait3A_159] : memref<102400xf32, #tpu.memory_space<vmem_shared>> -> memref<102400xf32, #tpu.memory_space<vmem_shared>>
      tpu.wait_indirect_dma semaphore(%arg32 : memref<!tpu.dma_semaphore, #tpu.memory_space<semaphore_mem>>) src(%dma_wait3A_160 : memref<102400xf32, #tpu.memory_space<vmem_shared>>) dst(%arg22 : memref<1024xf32, #tpu.memory_space<vmem>>)
      %scan3A_161 = arith.constant 0 : i32
      %scan3A_162 = arith.constant 0 : i32
      %scan3A_163 = arith.constant 64 : i32
      %scan3A_164 = arith.addi %scan3A_162, %scan3A_163 : i32
      %scan3A_165 = arith.constant 4 : i32
      scf.for %scan3A_167 = %scan3A_162 to %scan3A_164 step %scan3A_165  : i32 {
        %mul3A_168 = arith.constant 16 : i32
        %mul3A_169 = arith.muli %scan3A_167, %mul3A_168 : i32
        %get3A = arith.index_cast %mul3A_169 : i32 to index
        %get3A_170 = tpu.vector_load %arg14[%get3A] {strides = array<i32>} : memref<1024xi32, #tpu.memory_space<vmem>>, vector<16xi32>,
        %get3A_171 = arith.index_cast %mul3A_169 : i32 to index
        %get3A_172 = tpu.vector_load %arg22[%get3A_171] {strides = array<i32>} : memref<1024xf32, #tpu.memory_space<vmem>>, vector<16xf32>,
        %get3A_173 = arith.index_cast %mul3A_169 : i32 to index
        %get3A_174 = tpu.vector_load %arg18[%get3A_173] {strides = array<i32>} : memref<1024xf32, #tpu.memory_space<vmem>>, vector<16xf32>,
        %mul3A_175 = arith.mulf %get3A_172, %get3A_174 : vector<16xf32>
        tpu.vector_store_idx %arg23[%get3A_170], %mul3A_175 {add = true} : memref<102400xf32, #tpu.memory_space<vmem>>[vector<16xi32>], vector<16xf32>,
        %scan3A_176 = arith.constant 1 : i32
        %scan3A_177 = arith.addi %scan3A_167, %scan3A_176 : i32
        %mul3A_178 = arith.constant 16 : i32
        %mul3A_179 = arith.muli %scan3A_177, %mul3A_178 : i32
        %get3A_180 = arith.index_cast %mul3A_179 : i32 to index
        %get3A_181 = tpu.vector_load %arg14[%get3A_180] {strides = array<i32>} : memref<1024xi32, #tpu.memory_space<vmem>>, vector<16xi32>,
        %get3A_182 = arith.index_cast %mul3A_179 : i32 to index
        %get3A_183 = tpu.vector_load %arg22[%get3A_182] {strides = array<i32>} : memref<1024xf32, #tpu.memory_space<vmem>>, vector<16xf32>,
        %get3A_184 = arith.index_cast %mul3A_179 : i32 to index
        %get3A_185 = tpu.vector_load %arg18[%get3A_184] {strides = array<i32>} : memref<1024xf32, #tpu.memory_space<vmem>>, vector<16xf32>,
        %mul3A_186 = arith.mulf %get3A_183, %get3A_185 : vector<16xf32>
        tpu.vector_store_idx %arg23[%get3A_181], %mul3A_186 {add = true} : memref<102400xf32, #tpu.memory_space<vmem>>[vector<16xi32>], vector<16xf32>,
        %scan3A_187 = arith.constant 2 : i32
        %scan3A_188 = arith.addi %scan3A_167, %scan3A_187 : i32
        %mul3A_189 = arith.constant 16 : i32
        %mul3A_190 = arith.muli %scan3A_188, %mul3A_189 : i32
        %get3A_191 = arith.index_cast %mul3A_190 : i32 to index
        %get3A_192 = tpu.vector_load %arg14[%get3A_191] {strides = array<i32>} : memref<1024xi32, #tpu.memory_space<vmem>>, vector<16xi32>,
        %get3A_193 = arith.index_cast %mul3A_190 : i32 to index
        %get3A_194 = tpu.vector_load %arg22[%get3A_193] {strides = array<i32>} : memref<1024xf32, #tpu.memory_space<vmem>>, vector<16xf32>,
        %get3A_195 = arith.index_cast %mul3A_190 : i32 to index
        %get3A_196 = tpu.vector_load %arg18[%get3A_195] {strides = array<i32>} : memref<1024xf32, #tpu.memory_space<vmem>>, vector<16xf32>,
        %mul3A_197 = arith.mulf %get3A_194, %get3A_196 : vector<16xf32>
        tpu.vector_store_idx %arg23[%get3A_192], %mul3A_197 {add = true} : memref<102400xf32, #tpu.memory_space<vmem>>[vector<16xi32>], vector<16xf32>,
        %scan3A_198 = arith.constant 3 : i32
        %scan3A_199 = arith.addi %scan3A_167, %scan3A_198 : i32
        %mul3A_200 = arith.constant 16 : i32
        %mul3A_201 = arith.muli %scan3A_199, %mul3A_200 : i32
        %get3A_202 = arith.index_cast %mul3A_201 : i32 to index
        %get3A_203 = tpu.vector_load %arg14[%get3A_202] {strides = array<i32>} : memref<1024xi32, #tpu.memory_space<vmem>>, vector<16xi32>,
        %get3A_204 = arith.index_cast %mul3A_201 : i32 to index
        %get3A_205 = tpu.vector_load %arg22[%get3A_204] {strides = array<i32>} : memref<1024xf32, #tpu.memory_space<vmem>>, vector<16xf32>,
        %get3A_206 = arith.index_cast %mul3A_201 : i32 to index
        %get3A_207 = tpu.vector_load %arg18[%get3A_206] {strides = array<i32>} : memref<1024xf32, #tpu.memory_space<vmem>>, vector<16xf32>,
        %mul3A_208 = arith.mulf %get3A_205, %get3A_207 : vector<16xf32>
        tpu.vector_store_idx %arg23[%get3A_203], %mul3A_208 {add = true} : memref<102400xf32, #tpu.memory_space<vmem>>[vector<16xi32>], vector<16xf32>,
      }
      %scan3A_166 = arith.constant 64 : i32
    }
    %scan3A_64 = arith.constant 49 : i32
    "tpu.region"() ({
      %run_scoped3A = tpu.sem_alloc : memref<!tpu.dma_semaphore, #tpu.memory_space<semaphore_mem>>
      %dma_start3A_65 = arith.constant 0 : i32
      %dma_start3A_66 = tpu.memref_slice %arg6[%add3A, %dma_start3A_65] : memref<32x102400xf32, #tpu.memory_space<hbm>> -> memref<1x102400xf32, #tpu.memory_space<hbm>>
      %dma_start3A_67 = tpu.memref_squeeze %dma_start3A_66 : memref<1x102400xf32, #tpu.memory_space<hbm>> -> memref<102400xf32, #tpu.memory_space<hbm>>
      %dma_start3A_68 = arith.constant 0 : i32
      %dma_start3A_69 = tpu.memref_slice %arg6[%add3A, %dma_start3A_68] : memref<32x102400xf32, #tpu.memory_space<hbm>> -> memref<1x102400xf32, #tpu.memory_space<hbm>>
      %dma_start3A_70 = tpu.memref_squeeze %dma_start3A_69 : memref<1x102400xf32, #tpu.memory_space<hbm>> -> memref<102400xf32, #tpu.memory_space<hbm>>
      tpu.enqueue_dma source(%arg23 : memref<102400xf32, #tpu.memory_space<vmem>>) target(%dma_start3A_70 : memref<102400xf32, #tpu.memory_space<hbm>>) target_semaphore(%run_scoped3A : memref<!tpu.dma_semaphore, #tpu.memory_space<semaphore_mem>>)
      %dma_wait3A_71 = arith.constant 0 : i32
      %dma_wait3A_72 = tpu.memref_slice %arg6[%add3A, %dma_wait3A_71] : memref<32x102400xf32, #tpu.memory_space<hbm>> -> memref<1x102400xf32, #tpu.memory_space<hbm>>
      %dma_wait3A_73 = tpu.memref_squeeze %dma_wait3A_72 : memref<1x102400xf32, #tpu.memory_space<hbm>> -> memref<102400xf32, #tpu.memory_space<hbm>>
      %dma_wait3A_74 = arith.constant 0 : i32
      %dma_wait3A_75 = tpu.memref_slice %arg6[%add3A, %dma_wait3A_74] : memref<32x102400xf32, #tpu.memory_space<hbm>> -> memref<1x102400xf32, #tpu.memory_space<hbm>>
      %dma_wait3A_76 = tpu.memref_squeeze %dma_wait3A_75 : memref<1x102400xf32, #tpu.memory_space<hbm>> -> memref<102400xf32, #tpu.memory_space<hbm>>
      tpu.wait_dma2 semaphore(%run_scoped3A : memref<!tpu.dma_semaphore, #tpu.memory_space<semaphore_mem>>) src(%arg23 : memref<102400xf32, #tpu.memory_space<vmem>>) dst(%dma_wait3A_76 : memref<102400xf32, #tpu.memory_space<hbm>>)
      tpu.yield
    }) : () -> ()
    return
  }
}

#map = affine_map<(d0, d1) -> (0)>
#map1 = affine_map<(d0, d1) -> (0, 0)>
module attributes {stable_mosaic.version = 14 : i64} {
  func.func @icapprox_scatter(%arg0: i32, %arg1: i32, %arg2: memref<102400xf32, #tpu.memory_space<hbm>>, %arg3: memref<6422528xi32, #tpu.memory_space<hbm>>, %arg4: memref<6422528xi32, #tpu.memory_space<hbm>>, %arg5: memref<6422528xf32, #tpu.memory_space<hbm>>, %arg6: memref<32x102400xf32, #tpu.memory_space<hbm>>, %arg7: memref<1024xi32, #tpu.memory_space<vmem>>, %arg8: memref<1024xi32, #tpu.memory_space<vmem>>, %arg9: memref<1024xi32, #tpu.memory_space<vmem>>, %arg10: memref<1024xi32, #tpu.memory_space<vmem>>, %arg11: memref<1024xi32, #tpu.memory_space<vmem>>, %arg12: memref<1024xi32, #tpu.memory_space<vmem>>, %arg13: memref<1024xi32, #tpu.memory_space<vmem>>, %arg14: memref<1024xi32, #tpu.memory_space<vmem>>, %arg15: memref<1024xf32, #tpu.memory_space<vmem>>, %arg16: memref<1024xf32, #tpu.memory_space<vmem>>, %arg17: memref<1024xf32, #tpu.memory_space<vmem>>, %arg18: memref<1024xf32, #tpu.memory_space<vmem>>, %arg19: memref<1024xf32, #tpu.memory_space<vmem>>, %arg20: memref<1024xf32, #tpu.memory_space<vmem>>, %arg21: memref<1024xf32, #tpu.memory_space<vmem>>, %arg22: memref<1024xf32, #tpu.memory_space<vmem>>, %arg23: memref<102400xf32, #tpu.memory_space<vmem>>, %arg24: memref<102400xf32, #tpu.memory_space<vmem_shared>>, %arg25: memref<!tpu.dma_semaphore, #tpu.memory_space<semaphore_mem>>, %arg26: memref<!tpu.dma_semaphore, #tpu.memory_space<semaphore_mem>>, %arg27: memref<!tpu.dma_semaphore, #tpu.memory_space<semaphore_mem>>, %arg28: memref<!tpu.dma_semaphore, #tpu.memory_space<semaphore_mem>>, %arg29: memref<!tpu.dma_semaphore, #tpu.memory_space<semaphore_mem>>, %arg30: memref<!tpu.dma_semaphore, #tpu.memory_space<semaphore_mem>>, %arg31: memref<!tpu.dma_semaphore, #tpu.memory_space<semaphore_mem>>, %arg32: memref<!tpu.dma_semaphore, #tpu.memory_space<semaphore_mem>>, %arg33: memref<!tpu.dma_semaphore, #tpu.memory_space<semaphore_mem>>) attributes {dimension_semantics = [#tpu.dimension_semantics<core_parallel>, #tpu.dimension_semantics<subcore_parallel>], iteration_bounds = array<i64: 2, 16>, scalar_prefetch = 0 : i64, scratch_operands = 27 : i64, tpu.core_type = #tpu.core_type<sc_vector_subcore>, window_params = [{transform_indices = #map}, {transform_indices = #map}, {transform_indices = #map}, {transform_indices = #map}, {transform_indices = #map1}]} {
    %mul3A = arith.constant 2 : i32
    %mul3A_0 = arith.muli %arg1, %mul3A : i32
    %add3A = arith.addi %mul3A_0, %arg0 : i32
    %broadcast_in_dim3A = arith.constant 0.000000e+00 : f32
    %broadcast_in_dim3A_1 = vector.broadcast %broadcast_in_dim3A : f32 to vector<16xf32>
    %mul3A_2 = arith.constant 6400 : i32
    %mul3A_3 = arith.muli %arg1, %mul3A_2 : i32
    %mul3A_4 = arith.constant 6400 : i32
    %mul3A_5 = arith.muli %arg1, %mul3A_4 : i32
    %dma_start3A = tpu.memref_slice %arg24[%mul3A_5] : memref<102400xf32, #tpu.memory_space<vmem_shared>> -> memref<6400xf32, #tpu.memory_space<vmem_shared>>
    %dma_start3A_6 = tpu.memref_slice %arg2[%mul3A_3] : memref<102400xf32, #tpu.memory_space<hbm>> -> memref<6400xf32, #tpu.memory_space<hbm>>
    tpu.enqueue_dma source(%dma_start3A_6 : memref<6400xf32, #tpu.memory_space<hbm>>) target(%dma_start3A : memref<6400xf32, #tpu.memory_space<vmem_shared>>) target_semaphore(%arg33 : memref<!tpu.dma_semaphore, #tpu.memory_space<semaphore_mem>>)
    %scan3A = arith.constant 0 : i32
    %scan3A_7 = arith.constant 0 : i32
    %scan3A_8 = arith.constant 6400 : i32
    %scan3A_9 = arith.addi %scan3A_7, %scan3A_8 : i32
    %scan3A_10 = arith.constant 8 : i32
    scf.for %scan3A_65 = %scan3A_7 to %scan3A_9 step %scan3A_10  : i32 {
      %mul3A_66 = arith.constant 16 : i32
      %mul3A_67 = arith.muli %scan3A_65, %mul3A_66 : i32
      %swap3A = arith.index_cast %mul3A_67 : i32 to index
      %swap3A_68 = tpu.vector_load %arg23[%swap3A] {strides = array<i32>} : memref<102400xf32, #tpu.memory_space<vmem>>, vector<16xf32>,
      tpu.vector_store %arg23[%swap3A], %broadcast_in_dim3A_1 {strides = array<i32>} : memref<102400xf32, #tpu.memory_space<vmem>>, vector<16xf32>,
      %scan3A_69 = arith.constant 1 : i32
      %scan3A_70 = arith.addi %scan3A_65, %scan3A_69 : i32
      %mul3A_71 = arith.constant 16 : i32
      %mul3A_72 = arith.muli %scan3A_70, %mul3A_71 : i32
      %swap3A_73 = arith.index_cast %mul3A_72 : i32 to index
      %swap3A_74 = tpu.vector_load %arg23[%swap3A_73] {strides = array<i32>} : memref<102400xf32, #tpu.memory_space<vmem>>, vector<16xf32>,
      tpu.vector_store %arg23[%swap3A_73], %broadcast_in_dim3A_1 {strides = array<i32>} : memref<102400xf32, #tpu.memory_space<vmem>>, vector<16xf32>,
      %scan3A_75 = arith.constant 2 : i32
      %scan3A_76 = arith.addi %scan3A_65, %scan3A_75 : i32
      %mul3A_77 = arith.constant 16 : i32
      %mul3A_78 = arith.muli %scan3A_76, %mul3A_77 : i32
      %swap3A_79 = arith.index_cast %mul3A_78 : i32 to index
      %swap3A_80 = tpu.vector_load %arg23[%swap3A_79] {strides = array<i32>} : memref<102400xf32, #tpu.memory_space<vmem>>, vector<16xf32>,
      tpu.vector_store %arg23[%swap3A_79], %broadcast_in_dim3A_1 {strides = array<i32>} : memref<102400xf32, #tpu.memory_space<vmem>>, vector<16xf32>,
      %scan3A_81 = arith.constant 3 : i32
      %scan3A_82 = arith.addi %scan3A_65, %scan3A_81 : i32
      %mul3A_83 = arith.constant 16 : i32
      %mul3A_84 = arith.muli %scan3A_82, %mul3A_83 : i32
      %swap3A_85 = arith.index_cast %mul3A_84 : i32 to index
      %swap3A_86 = tpu.vector_load %arg23[%swap3A_85] {strides = array<i32>} : memref<102400xf32, #tpu.memory_space<vmem>>, vector<16xf32>,
      tpu.vector_store %arg23[%swap3A_85], %broadcast_in_dim3A_1 {strides = array<i32>} : memref<102400xf32, #tpu.memory_space<vmem>>, vector<16xf32>,
      %scan3A_87 = arith.constant 4 : i32
      %scan3A_88 = arith.addi %scan3A_65, %scan3A_87 : i32
      %mul3A_89 = arith.constant 16 : i32
      %mul3A_90 = arith.muli %scan3A_88, %mul3A_89 : i32
      %swap3A_91 = arith.index_cast %mul3A_90 : i32 to index
      %swap3A_92 = tpu.vector_load %arg23[%swap3A_91] {strides = array<i32>} : memref<102400xf32, #tpu.memory_space<vmem>>, vector<16xf32>,
      tpu.vector_store %arg23[%swap3A_91], %broadcast_in_dim3A_1 {strides = array<i32>} : memref<102400xf32, #tpu.memory_space<vmem>>, vector<16xf32>,
      %scan3A_93 = arith.constant 5 : i32
      %scan3A_94 = arith.addi %scan3A_65, %scan3A_93 : i32
      %mul3A_95 = arith.constant 16 : i32
      %mul3A_96 = arith.muli %scan3A_94, %mul3A_95 : i32
      %swap3A_97 = arith.index_cast %mul3A_96 : i32 to index
      %swap3A_98 = tpu.vector_load %arg23[%swap3A_97] {strides = array<i32>} : memref<102400xf32, #tpu.memory_space<vmem>>, vector<16xf32>,
      tpu.vector_store %arg23[%swap3A_97], %broadcast_in_dim3A_1 {strides = array<i32>} : memref<102400xf32, #tpu.memory_space<vmem>>, vector<16xf32>,
      %scan3A_99 = arith.constant 6 : i32
      %scan3A_100 = arith.addi %scan3A_65, %scan3A_99 : i32
      %mul3A_101 = arith.constant 16 : i32
      %mul3A_102 = arith.muli %scan3A_100, %mul3A_101 : i32
      %swap3A_103 = arith.index_cast %mul3A_102 : i32 to index
      %swap3A_104 = tpu.vector_load %arg23[%swap3A_103] {strides = array<i32>} : memref<102400xf32, #tpu.memory_space<vmem>>, vector<16xf32>,
      tpu.vector_store %arg23[%swap3A_103], %broadcast_in_dim3A_1 {strides = array<i32>} : memref<102400xf32, #tpu.memory_space<vmem>>, vector<16xf32>,
      %scan3A_105 = arith.constant 7 : i32
      %scan3A_106 = arith.addi %scan3A_65, %scan3A_105 : i32
      %mul3A_107 = arith.constant 16 : i32
      %mul3A_108 = arith.muli %scan3A_106, %mul3A_107 : i32
      %swap3A_109 = arith.index_cast %mul3A_108 : i32 to index
      %swap3A_110 = tpu.vector_load %arg23[%swap3A_109] {strides = array<i32>} : memref<102400xf32, #tpu.memory_space<vmem>>, vector<16xf32>,
      tpu.vector_store %arg23[%swap3A_109], %broadcast_in_dim3A_1 {strides = array<i32>} : memref<102400xf32, #tpu.memory_space<vmem>>, vector<16xf32>,
    }
    %scan3A_11 = arith.constant 6400 : i32
    %dma_wait3A = arith.constant 0 : i32
    %dma_wait3A_12 = tpu.memref_slice %arg24[%dma_wait3A] : memref<102400xf32, #tpu.memory_space<vmem_shared>> -> memref<6400xf32, #tpu.memory_space<vmem_shared>>
    %dma_wait3A_13 = arith.constant 0 : i32
    %dma_wait3A_14 = tpu.memref_slice %arg2[%dma_wait3A_13] : memref<102400xf32, #tpu.memory_space<hbm>> -> memref<6400xf32, #tpu.memory_space<hbm>>
    tpu.wait_dma2 semaphore(%arg33 : memref<!tpu.dma_semaphore, #tpu.memory_space<semaphore_mem>>) src(%dma_wait3A_14 : memref<6400xf32, #tpu.memory_space<hbm>>) dst(%dma_wait3A_12 : memref<6400xf32, #tpu.memory_space<vmem_shared>>)
    %barrier3A = arith.constant 0 : index
    tpu.barrier barrier_id(%barrier3A)
    %mul3A_15 = arith.constant 200704 : i32
    %mul3A_16 = arith.muli %add3A, %mul3A_15 : i32
    %add3A_17 = arith.constant 0 : i32
    %add3A_18 = arith.addi %mul3A_16, %add3A_17 : i32
    %dma_start3A_19 = tpu.memref_slice %arg3[%add3A_18] : memref<6422528xi32, #tpu.memory_space<hbm>> -> memref<1024xi32, #tpu.memory_space<hbm>>
    %dma_start3A_20 = tpu.memref_slice %arg3[%add3A_18] : memref<6422528xi32, #tpu.memory_space<hbm>> -> memref<1024xi32, #tpu.memory_space<hbm>>
    tpu.enqueue_dma source(%dma_start3A_20 : memref<1024xi32, #tpu.memory_space<hbm>>) target(%arg7 : memref<1024xi32, #tpu.memory_space<vmem>>) target_semaphore(%arg25 : memref<!tpu.dma_semaphore, #tpu.memory_space<semaphore_mem>>)
    %dma_start3A_21 = tpu.memref_slice %arg5[%add3A_18] : memref<6422528xf32, #tpu.memory_space<hbm>> -> memref<1024xf32, #tpu.memory_space<hbm>>
    %dma_start3A_22 = tpu.memref_slice %arg5[%add3A_18] : memref<6422528xf32, #tpu.memory_space<hbm>> -> memref<1024xf32, #tpu.memory_space<hbm>>
    tpu.enqueue_dma source(%dma_start3A_22 : memref<1024xf32, #tpu.memory_space<hbm>>) target(%arg15 : memref<1024xf32, #tpu.memory_space<vmem>>) target_semaphore(%arg25 : memref<!tpu.dma_semaphore, #tpu.memory_space<semaphore_mem>>)
    %dma_start3A_23 = tpu.memref_slice %arg4[%add3A_18] : memref<6422528xi32, #tpu.memory_space<hbm>> -> memref<1024xi32, #tpu.memory_space<hbm>>
    %dma_start3A_24 = tpu.memref_slice %arg4[%add3A_18] : memref<6422528xi32, #tpu.memory_space<hbm>> -> memref<1024xi32, #tpu.memory_space<hbm>>
    tpu.enqueue_dma source(%dma_start3A_24 : memref<1024xi32, #tpu.memory_space<hbm>>) target(%arg11 : memref<1024xi32, #tpu.memory_space<vmem>>) target_semaphore(%arg25 : memref<!tpu.dma_semaphore, #tpu.memory_space<semaphore_mem>>)
    %mul3A_25 = arith.constant 200704 : i32
    %mul3A_26 = arith.muli %add3A, %mul3A_25 : i32
    %add3A_27 = arith.constant 1024 : i32
    %add3A_28 = arith.addi %mul3A_26, %add3A_27 : i32
    %dma_start3A_29 = tpu.memref_slice %arg3[%add3A_28] : memref<6422528xi32, #tpu.memory_space<hbm>> -> memref<1024xi32, #tpu.memory_space<hbm>>
    %dma_start3A_30 = tpu.memref_slice %arg3[%add3A_28] : memref<6422528xi32, #tpu.memory_space<hbm>> -> memref<1024xi32, #tpu.memory_space<hbm>>
    tpu.enqueue_dma source(%dma_start3A_30 : memref<1024xi32, #tpu.memory_space<hbm>>) target(%arg8 : memref<1024xi32, #tpu.memory_space<vmem>>) target_semaphore(%arg26 : memref<!tpu.dma_semaphore, #tpu.memory_space<semaphore_mem>>)
    %dma_start3A_31 = tpu.memref_slice %arg5[%add3A_28] : memref<6422528xf32, #tpu.memory_space<hbm>> -> memref<1024xf32, #tpu.memory_space<hbm>>
    %dma_start3A_32 = tpu.memref_slice %arg5[%add3A_28] : memref<6422528xf32, #tpu.memory_space<hbm>> -> memref<1024xf32, #tpu.memory_space<hbm>>
    tpu.enqueue_dma source(%dma_start3A_32 : memref<1024xf32, #tpu.memory_space<hbm>>) target(%arg16 : memref<1024xf32, #tpu.memory_space<vmem>>) target_semaphore(%arg26 : memref<!tpu.dma_semaphore, #tpu.memory_space<semaphore_mem>>)
    %dma_start3A_33 = tpu.memref_slice %arg4[%add3A_28] : memref<6422528xi32, #tpu.memory_space<hbm>> -> memref<1024xi32, #tpu.memory_space<hbm>>
    %dma_start3A_34 = tpu.memref_slice %arg4[%add3A_28] : memref<6422528xi32, #tpu.memory_space<hbm>> -> memref<1024xi32, #tpu.memory_space<hbm>>
    tpu.enqueue_dma source(%dma_start3A_34 : memref<1024xi32, #tpu.memory_space<hbm>>) target(%arg12 : memref<1024xi32, #tpu.memory_space<vmem>>) target_semaphore(%arg26 : memref<!tpu.dma_semaphore, #tpu.memory_space<semaphore_mem>>)
    %mul3A_35 = arith.constant 200704 : i32
    %mul3A_36 = arith.muli %add3A, %mul3A_35 : i32
    %add3A_37 = arith.constant 2048 : i32
    %add3A_38 = arith.addi %mul3A_36, %add3A_37 : i32
    %dma_start3A_39 = tpu.memref_slice %arg3[%add3A_38] : memref<6422528xi32, #tpu.memory_space<hbm>> -> memref<1024xi32, #tpu.memory_space<hbm>>
    %dma_start3A_40 = tpu.memref_slice %arg3[%add3A_38] : memref<6422528xi32, #tpu.memory_space<hbm>> -> memref<1024xi32, #tpu.memory_space<hbm>>
    tpu.enqueue_dma source(%dma_start3A_40 : memref<1024xi32, #tpu.memory_space<hbm>>) target(%arg9 : memref<1024xi32, #tpu.memory_space<vmem>>) target_semaphore(%arg27 : memref<!tpu.dma_semaphore, #tpu.memory_space<semaphore_mem>>)
    %dma_start3A_41 = tpu.memref_slice %arg5[%add3A_38] : memref<6422528xf32, #tpu.memory_space<hbm>> -> memref<1024xf32, #tpu.memory_space<hbm>>
    %dma_start3A_42 = tpu.memref_slice %arg5[%add3A_38] : memref<6422528xf32, #tpu.memory_space<hbm>> -> memref<1024xf32, #tpu.memory_space<hbm>>
    tpu.enqueue_dma source(%dma_start3A_42 : memref<1024xf32, #tpu.memory_space<hbm>>) target(%arg17 : memref<1024xf32, #tpu.memory_space<vmem>>) target_semaphore(%arg27 : memref<!tpu.dma_semaphore, #tpu.memory_space<semaphore_mem>>)
    %dma_start3A_43 = tpu.memref_slice %arg4[%add3A_38] : memref<6422528xi32, #tpu.memory_space<hbm>> -> memref<1024xi32, #tpu.memory_space<hbm>>
    %dma_start3A_44 = tpu.memref_slice %arg4[%add3A_38] : memref<6422528xi32, #tpu.memory_space<hbm>> -> memref<1024xi32, #tpu.memory_space<hbm>>
    tpu.enqueue_dma source(%dma_start3A_44 : memref<1024xi32, #tpu.memory_space<hbm>>) target(%arg13 : memref<1024xi32, #tpu.memory_space<vmem>>) target_semaphore(%arg27 : memref<!tpu.dma_semaphore, #tpu.memory_space<semaphore_mem>>)
    %dma_wait3A_45 = arith.constant 0 : i32
    %dma_wait3A_46 = tpu.memref_slice %arg3[%dma_wait3A_45] : memref<6422528xi32, #tpu.memory_space<hbm>> -> memref<1024xi32, #tpu.memory_space<hbm>>
    %dma_wait3A_47 = arith.constant 0 : i32
    %dma_wait3A_48 = tpu.memref_slice %arg3[%dma_wait3A_47] : memref<6422528xi32, #tpu.memory_space<hbm>> -> memref<1024xi32, #tpu.memory_space<hbm>>
    tpu.wait_dma2 semaphore(%arg25 : memref<!tpu.dma_semaphore, #tpu.memory_space<semaphore_mem>>) src(%dma_wait3A_48 : memref<1024xi32, #tpu.memory_space<hbm>>) dst(%arg7 : memref<1024xi32, #tpu.memory_space<vmem>>)
    %dma_wait3A_49 = arith.constant 0 : i32
    %dma_wait3A_50 = tpu.memref_slice %arg5[%dma_wait3A_49] : memref<6422528xf32, #tpu.memory_space<hbm>> -> memref<1024xf32, #tpu.memory_space<hbm>>
    %dma_wait3A_51 = arith.constant 0 : i32
    %dma_wait3A_52 = tpu.memref_slice %arg5[%dma_wait3A_51] : memref<6422528xf32, #tpu.memory_space<hbm>> -> memref<1024xf32, #tpu.memory_space<hbm>>
    tpu.wait_dma2 semaphore(%arg25 : memref<!tpu.dma_semaphore, #tpu.memory_space<semaphore_mem>>) src(%dma_wait3A_52 : memref<1024xf32, #tpu.memory_space<hbm>>) dst(%arg15 : memref<1024xf32, #tpu.memory_space<vmem>>)
    %dma_wait3A_53 = arith.constant 0 : i32
    %dma_wait3A_54 = tpu.memref_slice %arg4[%dma_wait3A_53] : memref<6422528xi32, #tpu.memory_space<hbm>> -> memref<1024xi32, #tpu.memory_space<hbm>>
    %dma_wait3A_55 = arith.constant 0 : i32
    %dma_wait3A_56 = tpu.memref_slice %arg4[%dma_wait3A_55] : memref<6422528xi32, #tpu.memory_space<hbm>> -> memref<1024xi32, #tpu.memory_space<hbm>>
    tpu.wait_dma2 semaphore(%arg25 : memref<!tpu.dma_semaphore, #tpu.memory_space<semaphore_mem>>) src(%dma_wait3A_56 : memref<1024xi32, #tpu.memory_space<hbm>>) dst(%arg11 : memref<1024xi32, #tpu.memory_space<vmem>>)
    %dma_start3A_57 = arith.constant 0 : i32
    %dma_start3A_58 = tpu.memref_slice %arg24[%dma_start3A_57] : memref<102400xf32, #tpu.memory_space<vmem_shared>> -> memref<102400xf32, #tpu.memory_space<vmem_shared>>
    tpu.enqueue_indirect_dma source(%dma_start3A_58 : memref<102400xf32, #tpu.memory_space<vmem_shared>>) target(%arg19 : memref<1024xf32, #tpu.memory_space<vmem>>) offsets(%arg7 : memref<1024xi32, #tpu.memory_space<vmem>>) semaphore(%arg29 : memref<!tpu.dma_semaphore, #tpu.memory_space<semaphore_mem>>)
    %scan3A_59 = arith.constant 0 : i32
    %scan3A_60 = arith.constant 0 : i32
    %scan3A_61 = arith.constant 49 : i32
    %scan3A_62 = arith.addi %scan3A_60, %scan3A_61 : i32
    %scan3A_63 = arith.constant 1 : i32
    scf.for %scan3A_65 = %scan3A_60 to %scan3A_62 step %scan3A_63  : i32 {
      %mul3A_66 = arith.constant 4 : i32
      %mul3A_67 = arith.muli %mul3A_66, %scan3A_65 : i32
      %add3A_68 = arith.constant 0 : i32
      %add3A_69 = arith.addi %mul3A_67, %add3A_68 : i32
      %add3A_70 = arith.constant 3 : i32
      %add3A_71 = arith.addi %add3A_69, %add3A_70 : i32
      %lt3A = arith.constant 196 : i32
      %lt3A_72 = arith.cmpi slt, %add3A_71, %lt3A : i32
      %convert_element_type3A = arith.extui %lt3A_72 : i1 to i32
      %cond3A = arith.constant 0 : i32
      %cond3A_73 = arith.cmpi ne, %convert_element_type3A, %cond3A : i32
      scf.if %cond3A_73 {
        %add3A_167 = arith.constant 3 : i32
        %add3A_168 = arith.addi %add3A_69, %add3A_167 : i32
        %mul3A_169 = arith.constant 200704 : i32
        %mul3A_170 = arith.muli %add3A, %mul3A_169 : i32
        %mul3A_171 = arith.constant 1024 : i32
        %mul3A_172 = arith.muli %add3A_168, %mul3A_171 : i32
        %add3A_173 = arith.addi %mul3A_170, %mul3A_172 : i32
        %dma_start3A_174 = tpu.memref_slice %arg3[%add3A_173] : memref<6422528xi32, #tpu.memory_space<hbm>> -> memref<1024xi32, #tpu.memory_space<hbm>>
        %dma_start3A_175 = tpu.memref_slice %arg3[%add3A_173] : memref<6422528xi32, #tpu.memory_space<hbm>> -> memref<1024xi32, #tpu.memory_space<hbm>>
        tpu.enqueue_dma source(%dma_start3A_175 : memref<1024xi32, #tpu.memory_space<hbm>>) target(%arg10 : memref<1024xi32, #tpu.memory_space<vmem>>) target_semaphore(%arg28 : memref<!tpu.dma_semaphore, #tpu.memory_space<semaphore_mem>>)
        %dma_start3A_176 = tpu.memref_slice %arg5[%add3A_173] : memref<6422528xf32, #tpu.memory_space<hbm>> -> memref<1024xf32, #tpu.memory_space<hbm>>
        %dma_start3A_177 = tpu.memref_slice %arg5[%add3A_173] : memref<6422528xf32, #tpu.memory_space<hbm>> -> memref<1024xf32, #tpu.memory_space<hbm>>
        tpu.enqueue_dma source(%dma_start3A_177 : memref<1024xf32, #tpu.memory_space<hbm>>) target(%arg18 : memref<1024xf32, #tpu.memory_space<vmem>>) target_semaphore(%arg28 : memref<!tpu.dma_semaphore, #tpu.memory_space<semaphore_mem>>)
        %dma_start3A_178 = tpu.memref_slice %arg4[%add3A_173] : memref<6422528xi32, #tpu.memory_space<hbm>> -> memref<1024xi32, #tpu.memory_space<hbm>>
        %dma_start3A_179 = tpu.memref_slice %arg4[%add3A_173] : memref<6422528xi32, #tpu.memory_space<hbm>> -> memref<1024xi32, #tpu.memory_space<hbm>>
        tpu.enqueue_dma source(%dma_start3A_179 : memref<1024xi32, #tpu.memory_space<hbm>>) target(%arg14 : memref<1024xi32, #tpu.memory_space<vmem>>) target_semaphore(%arg28 : memref<!tpu.dma_semaphore, #tpu.memory_space<semaphore_mem>>)
      } else {
      }
      %add3A_74 = arith.constant 1 : i32
      %add3A_75 = arith.addi %add3A_69, %add3A_74 : i32
      %lt3A_76 = arith.constant 196 : i32
      %lt3A_77 = arith.cmpi slt, %add3A_75, %lt3A_76 : i32
      %convert_element_type3A_78 = arith.extui %lt3A_77 : i1 to i32
      %cond3A_79 = arith.constant 0 : i32
      %cond3A_80 = arith.cmpi ne, %convert_element_type3A_78, %cond3A_79 : i32
      scf.if %cond3A_80 {
        %dma_wait3A_167 = arith.constant 0 : i32
        %dma_wait3A_168 = tpu.memref_slice %arg3[%dma_wait3A_167] : memref<6422528xi32, #tpu.memory_space<hbm>> -> memref<1024xi32, #tpu.memory_space<hbm>>
        %dma_wait3A_169 = arith.constant 0 : i32
        %dma_wait3A_170 = tpu.memref_slice %arg3[%dma_wait3A_169] : memref<6422528xi32, #tpu.memory_space<hbm>> -> memref<1024xi32, #tpu.memory_space<hbm>>
        tpu.wait_dma2 semaphore(%arg26 : memref<!tpu.dma_semaphore, #tpu.memory_space<semaphore_mem>>) src(%dma_wait3A_170 : memref<1024xi32, #tpu.memory_space<hbm>>) dst(%arg8 : memref<1024xi32, #tpu.memory_space<vmem>>)
        %dma_wait3A_171 = arith.constant 0 : i32
        %dma_wait3A_172 = tpu.memref_slice %arg5[%dma_wait3A_171] : memref<6422528xf32, #tpu.memory_space<hbm>> -> memref<1024xf32, #tpu.memory_space<hbm>>
        %dma_wait3A_173 = arith.constant 0 : i32
        %dma_wait3A_174 = tpu.memref_slice %arg5[%dma_wait3A_173] : memref<6422528xf32, #tpu.memory_space<hbm>> -> memref<1024xf32, #tpu.memory_space<hbm>>
        tpu.wait_dma2 semaphore(%arg26 : memref<!tpu.dma_semaphore, #tpu.memory_space<semaphore_mem>>) src(%dma_wait3A_174 : memref<1024xf32, #tpu.memory_space<hbm>>) dst(%arg16 : memref<1024xf32, #tpu.memory_space<vmem>>)
        %dma_wait3A_175 = arith.constant 0 : i32
        %dma_wait3A_176 = tpu.memref_slice %arg4[%dma_wait3A_175] : memref<6422528xi32, #tpu.memory_space<hbm>> -> memref<1024xi32, #tpu.memory_space<hbm>>
        %dma_wait3A_177 = arith.constant 0 : i32
        %dma_wait3A_178 = tpu.memref_slice %arg4[%dma_wait3A_177] : memref<6422528xi32, #tpu.memory_space<hbm>> -> memref<1024xi32, #tpu.memory_space<hbm>>
        tpu.wait_dma2 semaphore(%arg26 : memref<!tpu.dma_semaphore, #tpu.memory_space<semaphore_mem>>) src(%dma_wait3A_178 : memref<1024xi32, #tpu.memory_space<hbm>>) dst(%arg12 : memref<1024xi32, #tpu.memory_space<vmem>>)
        %dma_start3A_179 = arith.constant 0 : i32
        %dma_start3A_180 = tpu.memref_slice %arg24[%dma_start3A_179] : memref<102400xf32, #tpu.memory_space<vmem_shared>> -> memref<102400xf32, #tpu.memory_space<vmem_shared>>
        tpu.enqueue_indirect_dma source(%dma_start3A_180 : memref<102400xf32, #tpu.memory_space<vmem_shared>>) target(%arg20 : memref<1024xf32, #tpu.memory_space<vmem>>) offsets(%arg8 : memref<1024xi32, #tpu.memory_space<vmem>>) semaphore(%arg30 : memref<!tpu.dma_semaphore, #tpu.memory_space<semaphore_mem>>)
      } else {
      }
      %dma_wait3A_81 = arith.constant 0 : i32
      %dma_wait3A_82 = tpu.memref_slice %arg24[%dma_wait3A_81] : memref<102400xf32, #tpu.memory_space<vmem_shared>> -> memref<102400xf32, #tpu.memory_space<vmem_shared>>
      tpu.wait_indirect_dma semaphore(%arg29 : memref<!tpu.dma_semaphore, #tpu.memory_space<semaphore_mem>>) src(%dma_wait3A_82 : memref<102400xf32, #tpu.memory_space<vmem_shared>>) dst(%arg19 : memref<1024xf32, #tpu.memory_space<vmem>>)
      %scan3A_83 = arith.constant 0 : i32
      %scan3A_84 = arith.constant 0 : i32
      %scan3A_85 = arith.constant 64 : i32
      %scan3A_86 = arith.addi %scan3A_84, %scan3A_85 : i32
      %scan3A_87 = arith.constant 4 : i32
      scf.for %scan3A_167 = %scan3A_84 to %scan3A_86 step %scan3A_87  : i32 {
        %mul3A_168 = arith.constant 16 : i32
        %mul3A_169 = arith.muli %scan3A_167, %mul3A_168 : i32
        %get3A = arith.index_cast %mul3A_169 : i32 to index
        %get3A_170 = tpu.vector_load %arg11[%get3A] {strides = array<i32>} : memref<1024xi32, #tpu.memory_space<vmem>>, vector<16xi32>,
        %get3A_171 = arith.index_cast %mul3A_169 : i32 to index
        %get3A_172 = tpu.vector_load %arg19[%get3A_171] {strides = array<i32>} : memref<1024xf32, #tpu.memory_space<vmem>>, vector<16xf32>,
        %get3A_173 = arith.index_cast %mul3A_169 : i32 to index
        %get3A_174 = tpu.vector_load %arg15[%get3A_173] {strides = array<i32>} : memref<1024xf32, #tpu.memory_space<vmem>>, vector<16xf32>,
        %mul3A_175 = arith.mulf %get3A_172, %get3A_174 : vector<16xf32>
        tpu.vector_store_idx %arg23[%get3A_170], %mul3A_175 {add = true} : memref<102400xf32, #tpu.memory_space<vmem>>[vector<16xi32>], vector<16xf32>,
        %scan3A_176 = arith.constant 1 : i32
        %scan3A_177 = arith.addi %scan3A_167, %scan3A_176 : i32
        %mul3A_178 = arith.constant 16 : i32
        %mul3A_179 = arith.muli %scan3A_177, %mul3A_178 : i32
        %get3A_180 = arith.index_cast %mul3A_179 : i32 to index
        %get3A_181 = tpu.vector_load %arg11[%get3A_180] {strides = array<i32>} : memref<1024xi32, #tpu.memory_space<vmem>>, vector<16xi32>,
        %get3A_182 = arith.index_cast %mul3A_179 : i32 to index
        %get3A_183 = tpu.vector_load %arg19[%get3A_182] {strides = array<i32>} : memref<1024xf32, #tpu.memory_space<vmem>>, vector<16xf32>,
        %get3A_184 = arith.index_cast %mul3A_179 : i32 to index
        %get3A_185 = tpu.vector_load %arg15[%get3A_184] {strides = array<i32>} : memref<1024xf32, #tpu.memory_space<vmem>>, vector<16xf32>,
        %mul3A_186 = arith.mulf %get3A_183, %get3A_185 : vector<16xf32>
        tpu.vector_store_idx %arg23[%get3A_181], %mul3A_186 {add = true} : memref<102400xf32, #tpu.memory_space<vmem>>[vector<16xi32>], vector<16xf32>,
        %scan3A_187 = arith.constant 2 : i32
        %scan3A_188 = arith.addi %scan3A_167, %scan3A_187 : i32
        %mul3A_189 = arith.constant 16 : i32
        %mul3A_190 = arith.muli %scan3A_188, %mul3A_189 : i32
        %get3A_191 = arith.index_cast %mul3A_190 : i32 to index
        %get3A_192 = tpu.vector_load %arg11[%get3A_191] {strides = array<i32>} : memref<1024xi32, #tpu.memory_space<vmem>>, vector<16xi32>,
        %get3A_193 = arith.index_cast %mul3A_190 : i32 to index
        %get3A_194 = tpu.vector_load %arg19[%get3A_193] {strides = array<i32>} : memref<1024xf32, #tpu.memory_space<vmem>>, vector<16xf32>,
        %get3A_195 = arith.index_cast %mul3A_190 : i32 to index
        %get3A_196 = tpu.vector_load %arg15[%get3A_195] {strides = array<i32>} : memref<1024xf32, #tpu.memory_space<vmem>>, vector<16xf32>,
        %mul3A_197 = arith.mulf %get3A_194, %get3A_196 : vector<16xf32>
        tpu.vector_store_idx %arg23[%get3A_192], %mul3A_197 {add = true} : memref<102400xf32, #tpu.memory_space<vmem>>[vector<16xi32>], vector<16xf32>,
        %scan3A_198 = arith.constant 3 : i32
        %scan3A_199 = arith.addi %scan3A_167, %scan3A_198 : i32
        %mul3A_200 = arith.constant 16 : i32
        %mul3A_201 = arith.muli %scan3A_199, %mul3A_200 : i32
        %get3A_202 = arith.index_cast %mul3A_201 : i32 to index
        %get3A_203 = tpu.vector_load %arg11[%get3A_202] {strides = array<i32>} : memref<1024xi32, #tpu.memory_space<vmem>>, vector<16xi32>,
        %get3A_204 = arith.index_cast %mul3A_201 : i32 to index
        %get3A_205 = tpu.vector_load %arg19[%get3A_204] {strides = array<i32>} : memref<1024xf32, #tpu.memory_space<vmem>>, vector<16xf32>,
        %get3A_206 = arith.index_cast %mul3A_201 : i32 to index
        %get3A_207 = tpu.vector_load %arg15[%get3A_206] {strides = array<i32>} : memref<1024xf32, #tpu.memory_space<vmem>>, vector<16xf32>,
        %mul3A_208 = arith.mulf %get3A_205, %get3A_207 : vector<16xf32>
        tpu.vector_store_idx %arg23[%get3A_203], %mul3A_208 {add = true} : memref<102400xf32, #tpu.memory_space<vmem>>[vector<16xi32>], vector<16xf32>,
      }
      %scan3A_88 = arith.constant 64 : i32
      %mul3A_89 = arith.constant 4 : i32
      %mul3A_90 = arith.muli %mul3A_89, %scan3A_65 : i32
      %add3A_91 = arith.constant 1 : i32
      %add3A_92 = arith.addi %mul3A_90, %add3A_91 : i32
      %add3A_93 = arith.constant 3 : i32
      %add3A_94 = arith.addi %add3A_92, %add3A_93 : i32
      %lt3A_95 = arith.constant 196 : i32
      %lt3A_96 = arith.cmpi slt, %add3A_94, %lt3A_95 : i32
      %convert_element_type3A_97 = arith.extui %lt3A_96 : i1 to i32
      %cond3A_98 = arith.constant 0 : i32
      %cond3A_99 = arith.cmpi ne, %convert_element_type3A_97, %cond3A_98 : i32
      scf.if %cond3A_99 {
        %add3A_167 = arith.constant 3 : i32
        %add3A_168 = arith.addi %add3A_92, %add3A_167 : i32
        %mul3A_169 = arith.constant 200704 : i32
        %mul3A_170 = arith.muli %add3A, %mul3A_169 : i32
        %mul3A_171 = arith.constant 1024 : i32
        %mul3A_172 = arith.muli %add3A_168, %mul3A_171 : i32
        %add3A_173 = arith.addi %mul3A_170, %mul3A_172 : i32
        %dma_start3A_174 = tpu.memref_slice %arg3[%add3A_173] : memref<6422528xi32, #tpu.memory_space<hbm>> -> memref<1024xi32, #tpu.memory_space<hbm>>
        %dma_start3A_175 = tpu.memref_slice %arg3[%add3A_173] : memref<6422528xi32, #tpu.memory_space<hbm>> -> memref<1024xi32, #tpu.memory_space<hbm>>
        tpu.enqueue_dma source(%dma_start3A_175 : memref<1024xi32, #tpu.memory_space<hbm>>) target(%arg7 : memref<1024xi32, #tpu.memory_space<vmem>>) target_semaphore(%arg25 : memref<!tpu.dma_semaphore, #tpu.memory_space<semaphore_mem>>)
        %dma_start3A_176 = tpu.memref_slice %arg5[%add3A_173] : memref<6422528xf32, #tpu.memory_space<hbm>> -> memref<1024xf32, #tpu.memory_space<hbm>>
        %dma_start3A_177 = tpu.memref_slice %arg5[%add3A_173] : memref<6422528xf32, #tpu.memory_space<hbm>> -> memref<1024xf32, #tpu.memory_space<hbm>>
        tpu.enqueue_dma source(%dma_start3A_177 : memref<1024xf32, #tpu.memory_space<hbm>>) target(%arg15 : memref<1024xf32, #tpu.memory_space<vmem>>) target_semaphore(%arg25 : memref<!tpu.dma_semaphore, #tpu.memory_space<semaphore_mem>>)
        %dma_start3A_178 = tpu.memref_slice %arg4[%add3A_173] : memref<6422528xi32, #tpu.memory_space<hbm>> -> memref<1024xi32, #tpu.memory_space<hbm>>
        %dma_start3A_179 = tpu.memref_slice %arg4[%add3A_173] : memref<6422528xi32, #tpu.memory_space<hbm>> -> memref<1024xi32, #tpu.memory_space<hbm>>
        tpu.enqueue_dma source(%dma_start3A_179 : memref<1024xi32, #tpu.memory_space<hbm>>) target(%arg11 : memref<1024xi32, #tpu.memory_space<vmem>>) target_semaphore(%arg25 : memref<!tpu.dma_semaphore, #tpu.memory_space<semaphore_mem>>)
      } else {
      }
      %add3A_100 = arith.constant 1 : i32
      %add3A_101 = arith.addi %add3A_92, %add3A_100 : i32
      %lt3A_102 = arith.constant 196 : i32
      %lt3A_103 = arith.cmpi slt, %add3A_101, %lt3A_102 : i32
      %convert_element_type3A_104 = arith.extui %lt3A_103 : i1 to i32
      %cond3A_105 = arith.constant 0 : i32
      %cond3A_106 = arith.cmpi ne, %convert_element_type3A_104, %cond3A_105 : i32
      scf.if %cond3A_106 {
        %dma_wait3A_167 = arith.constant 0 : i32
        %dma_wait3A_168 = tpu.memref_slice %arg3[%dma_wait3A_167] : memref<6422528xi32, #tpu.memory_space<hbm>> -> memref<1024xi32, #tpu.memory_space<hbm>>
        %dma_wait3A_169 = arith.constant 0 : i32
        %dma_wait3A_170 = tpu.memref_slice %arg3[%dma_wait3A_169] : memref<6422528xi32, #tpu.memory_space<hbm>> -> memref<1024xi32, #tpu.memory_space<hbm>>
        tpu.wait_dma2 semaphore(%arg27 : memref<!tpu.dma_semaphore, #tpu.memory_space<semaphore_mem>>) src(%dma_wait3A_170 : memref<1024xi32, #tpu.memory_space<hbm>>) dst(%arg9 : memref<1024xi32, #tpu.memory_space<vmem>>)
        %dma_wait3A_171 = arith.constant 0 : i32
        %dma_wait3A_172 = tpu.memref_slice %arg5[%dma_wait3A_171] : memref<6422528xf32, #tpu.memory_space<hbm>> -> memref<1024xf32, #tpu.memory_space<hbm>>
        %dma_wait3A_173 = arith.constant 0 : i32
        %dma_wait3A_174 = tpu.memref_slice %arg5[%dma_wait3A_173] : memref<6422528xf32, #tpu.memory_space<hbm>> -> memref<1024xf32, #tpu.memory_space<hbm>>
        tpu.wait_dma2 semaphore(%arg27 : memref<!tpu.dma_semaphore, #tpu.memory_space<semaphore_mem>>) src(%dma_wait3A_174 : memref<1024xf32, #tpu.memory_space<hbm>>) dst(%arg17 : memref<1024xf32, #tpu.memory_space<vmem>>)
        %dma_wait3A_175 = arith.constant 0 : i32
        %dma_wait3A_176 = tpu.memref_slice %arg4[%dma_wait3A_175] : memref<6422528xi32, #tpu.memory_space<hbm>> -> memref<1024xi32, #tpu.memory_space<hbm>>
        %dma_wait3A_177 = arith.constant 0 : i32
        %dma_wait3A_178 = tpu.memref_slice %arg4[%dma_wait3A_177] : memref<6422528xi32, #tpu.memory_space<hbm>> -> memref<1024xi32, #tpu.memory_space<hbm>>
        tpu.wait_dma2 semaphore(%arg27 : memref<!tpu.dma_semaphore, #tpu.memory_space<semaphore_mem>>) src(%dma_wait3A_178 : memref<1024xi32, #tpu.memory_space<hbm>>) dst(%arg13 : memref<1024xi32, #tpu.memory_space<vmem>>)
        %dma_start3A_179 = arith.constant 0 : i32
        %dma_start3A_180 = tpu.memref_slice %arg24[%dma_start3A_179] : memref<102400xf32, #tpu.memory_space<vmem_shared>> -> memref<102400xf32, #tpu.memory_space<vmem_shared>>
        tpu.enqueue_indirect_dma source(%dma_start3A_180 : memref<102400xf32, #tpu.memory_space<vmem_shared>>) target(%arg21 : memref<1024xf32, #tpu.memory_space<vmem>>) offsets(%arg9 : memref<1024xi32, #tpu.memory_space<vmem>>) semaphore(%arg31 : memref<!tpu.dma_semaphore, #tpu.memory_space<semaphore_mem>>)
      } else {
      }
      %dma_wait3A_107 = arith.constant 0 : i32
      %dma_wait3A_108 = tpu.memref_slice %arg24[%dma_wait3A_107] : memref<102400xf32, #tpu.memory_space<vmem_shared>> -> memref<102400xf32, #tpu.memory_space<vmem_shared>>
      tpu.wait_indirect_dma semaphore(%arg30 : memref<!tpu.dma_semaphore, #tpu.memory_space<semaphore_mem>>) src(%dma_wait3A_108 : memref<102400xf32, #tpu.memory_space<vmem_shared>>) dst(%arg20 : memref<1024xf32, #tpu.memory_space<vmem>>)
      %scan3A_109 = arith.constant 0 : i32
      %scan3A_110 = arith.constant 0 : i32
      %scan3A_111 = arith.constant 64 : i32
      %scan3A_112 = arith.addi %scan3A_110, %scan3A_111 : i32
      %scan3A_113 = arith.constant 4 : i32
      scf.for %scan3A_167 = %scan3A_110 to %scan3A_112 step %scan3A_113  : i32 {
        %mul3A_168 = arith.constant 16 : i32
        %mul3A_169 = arith.muli %scan3A_167, %mul3A_168 : i32
        %get3A = arith.index_cast %mul3A_169 : i32 to index
        %get3A_170 = tpu.vector_load %arg12[%get3A] {strides = array<i32>} : memref<1024xi32, #tpu.memory_space<vmem>>, vector<16xi32>,
        %get3A_171 = arith.index_cast %mul3A_169 : i32 to index
        %get3A_172 = tpu.vector_load %arg20[%get3A_171] {strides = array<i32>} : memref<1024xf32, #tpu.memory_space<vmem>>, vector<16xf32>,
        %get3A_173 = arith.index_cast %mul3A_169 : i32 to index
        %get3A_174 = tpu.vector_load %arg16[%get3A_173] {strides = array<i32>} : memref<1024xf32, #tpu.memory_space<vmem>>, vector<16xf32>,
        %mul3A_175 = arith.mulf %get3A_172, %get3A_174 : vector<16xf32>
        tpu.vector_store_idx %arg23[%get3A_170], %mul3A_175 {add = true} : memref<102400xf32, #tpu.memory_space<vmem>>[vector<16xi32>], vector<16xf32>,
        %scan3A_176 = arith.constant 1 : i32
        %scan3A_177 = arith.addi %scan3A_167, %scan3A_176 : i32
        %mul3A_178 = arith.constant 16 : i32
        %mul3A_179 = arith.muli %scan3A_177, %mul3A_178 : i32
        %get3A_180 = arith.index_cast %mul3A_179 : i32 to index
        %get3A_181 = tpu.vector_load %arg12[%get3A_180] {strides = array<i32>} : memref<1024xi32, #tpu.memory_space<vmem>>, vector<16xi32>,
        %get3A_182 = arith.index_cast %mul3A_179 : i32 to index
        %get3A_183 = tpu.vector_load %arg20[%get3A_182] {strides = array<i32>} : memref<1024xf32, #tpu.memory_space<vmem>>, vector<16xf32>,
        %get3A_184 = arith.index_cast %mul3A_179 : i32 to index
        %get3A_185 = tpu.vector_load %arg16[%get3A_184] {strides = array<i32>} : memref<1024xf32, #tpu.memory_space<vmem>>, vector<16xf32>,
        %mul3A_186 = arith.mulf %get3A_183, %get3A_185 : vector<16xf32>
        tpu.vector_store_idx %arg23[%get3A_181], %mul3A_186 {add = true} : memref<102400xf32, #tpu.memory_space<vmem>>[vector<16xi32>], vector<16xf32>,
        %scan3A_187 = arith.constant 2 : i32
        %scan3A_188 = arith.addi %scan3A_167, %scan3A_187 : i32
        %mul3A_189 = arith.constant 16 : i32
        %mul3A_190 = arith.muli %scan3A_188, %mul3A_189 : i32
        %get3A_191 = arith.index_cast %mul3A_190 : i32 to index
        %get3A_192 = tpu.vector_load %arg12[%get3A_191] {strides = array<i32>} : memref<1024xi32, #tpu.memory_space<vmem>>, vector<16xi32>,
        %get3A_193 = arith.index_cast %mul3A_190 : i32 to index
        %get3A_194 = tpu.vector_load %arg20[%get3A_193] {strides = array<i32>} : memref<1024xf32, #tpu.memory_space<vmem>>, vector<16xf32>,
        %get3A_195 = arith.index_cast %mul3A_190 : i32 to index
        %get3A_196 = tpu.vector_load %arg16[%get3A_195] {strides = array<i32>} : memref<1024xf32, #tpu.memory_space<vmem>>, vector<16xf32>,
        %mul3A_197 = arith.mulf %get3A_194, %get3A_196 : vector<16xf32>
        tpu.vector_store_idx %arg23[%get3A_192], %mul3A_197 {add = true} : memref<102400xf32, #tpu.memory_space<vmem>>[vector<16xi32>], vector<16xf32>,
        %scan3A_198 = arith.constant 3 : i32
        %scan3A_199 = arith.addi %scan3A_167, %scan3A_198 : i32
        %mul3A_200 = arith.constant 16 : i32
        %mul3A_201 = arith.muli %scan3A_199, %mul3A_200 : i32
        %get3A_202 = arith.index_cast %mul3A_201 : i32 to index
        %get3A_203 = tpu.vector_load %arg12[%get3A_202] {strides = array<i32>} : memref<1024xi32, #tpu.memory_space<vmem>>, vector<16xi32>,
        %get3A_204 = arith.index_cast %mul3A_201 : i32 to index
        %get3A_205 = tpu.vector_load %arg20[%get3A_204] {strides = array<i32>} : memref<1024xf32, #tpu.memory_space<vmem>>, vector<16xf32>,
        %get3A_206 = arith.index_cast %mul3A_201 : i32 to index
        %get3A_207 = tpu.vector_load %arg16[%get3A_206] {strides = array<i32>} : memref<1024xf32, #tpu.memory_space<vmem>>, vector<16xf32>,
        %mul3A_208 = arith.mulf %get3A_205, %get3A_207 : vector<16xf32>
        tpu.vector_store_idx %arg23[%get3A_203], %mul3A_208 {add = true} : memref<102400xf32, #tpu.memory_space<vmem>>[vector<16xi32>], vector<16xf32>,
      }
      %scan3A_114 = arith.constant 64 : i32
      %mul3A_115 = arith.constant 4 : i32
      %mul3A_116 = arith.muli %mul3A_115, %scan3A_65 : i32
      %add3A_117 = arith.constant 2 : i32
      %add3A_118 = arith.addi %mul3A_116, %add3A_117 : i32
      %add3A_119 = arith.constant 3 : i32
      %add3A_120 = arith.addi %add3A_118, %add3A_119 : i32
      %lt3A_121 = arith.constant 196 : i32
      %lt3A_122 = arith.cmpi slt, %add3A_120, %lt3A_121 : i32
      %convert_element_type3A_123 = arith.extui %lt3A_122 : i1 to i32
      %cond3A_124 = arith.constant 0 : i32
      %cond3A_125 = arith.cmpi ne, %convert_element_type3A_123, %cond3A_124 : i32
      scf.if %cond3A_125 {
        %add3A_167 = arith.constant 3 : i32
        %add3A_168 = arith.addi %add3A_118, %add3A_167 : i32
        %mul3A_169 = arith.constant 200704 : i32
        %mul3A_170 = arith.muli %add3A, %mul3A_169 : i32
        %mul3A_171 = arith.constant 1024 : i32
        %mul3A_172 = arith.muli %add3A_168, %mul3A_171 : i32
        %add3A_173 = arith.addi %mul3A_170, %mul3A_172 : i32
        %dma_start3A_174 = tpu.memref_slice %arg3[%add3A_173] : memref<6422528xi32, #tpu.memory_space<hbm>> -> memref<1024xi32, #tpu.memory_space<hbm>>
        %dma_start3A_175 = tpu.memref_slice %arg3[%add3A_173] : memref<6422528xi32, #tpu.memory_space<hbm>> -> memref<1024xi32, #tpu.memory_space<hbm>>
        tpu.enqueue_dma source(%dma_start3A_175 : memref<1024xi32, #tpu.memory_space<hbm>>) target(%arg8 : memref<1024xi32, #tpu.memory_space<vmem>>) target_semaphore(%arg26 : memref<!tpu.dma_semaphore, #tpu.memory_space<semaphore_mem>>)
        %dma_start3A_176 = tpu.memref_slice %arg5[%add3A_173] : memref<6422528xf32, #tpu.memory_space<hbm>> -> memref<1024xf32, #tpu.memory_space<hbm>>
        %dma_start3A_177 = tpu.memref_slice %arg5[%add3A_173] : memref<6422528xf32, #tpu.memory_space<hbm>> -> memref<1024xf32, #tpu.memory_space<hbm>>
        tpu.enqueue_dma source(%dma_start3A_177 : memref<1024xf32, #tpu.memory_space<hbm>>) target(%arg16 : memref<1024xf32, #tpu.memory_space<vmem>>) target_semaphore(%arg26 : memref<!tpu.dma_semaphore, #tpu.memory_space<semaphore_mem>>)
        %dma_start3A_178 = tpu.memref_slice %arg4[%add3A_173] : memref<6422528xi32, #tpu.memory_space<hbm>> -> memref<1024xi32, #tpu.memory_space<hbm>>
        %dma_start3A_179 = tpu.memref_slice %arg4[%add3A_173] : memref<6422528xi32, #tpu.memory_space<hbm>> -> memref<1024xi32, #tpu.memory_space<hbm>>
        tpu.enqueue_dma source(%dma_start3A_179 : memref<1024xi32, #tpu.memory_space<hbm>>) target(%arg12 : memref<1024xi32, #tpu.memory_space<vmem>>) target_semaphore(%arg26 : memref<!tpu.dma_semaphore, #tpu.memory_space<semaphore_mem>>)
      } else {
      }
      %add3A_126 = arith.constant 1 : i32
      %add3A_127 = arith.addi %add3A_118, %add3A_126 : i32
      %lt3A_128 = arith.constant 196 : i32
      %lt3A_129 = arith.cmpi slt, %add3A_127, %lt3A_128 : i32
      %convert_element_type3A_130 = arith.extui %lt3A_129 : i1 to i32
      %cond3A_131 = arith.constant 0 : i32
      %cond3A_132 = arith.cmpi ne, %convert_element_type3A_130, %cond3A_131 : i32
      scf.if %cond3A_132 {
        %dma_wait3A_167 = arith.constant 0 : i32
        %dma_wait3A_168 = tpu.memref_slice %arg3[%dma_wait3A_167] : memref<6422528xi32, #tpu.memory_space<hbm>> -> memref<1024xi32, #tpu.memory_space<hbm>>
        %dma_wait3A_169 = arith.constant 0 : i32
        %dma_wait3A_170 = tpu.memref_slice %arg3[%dma_wait3A_169] : memref<6422528xi32, #tpu.memory_space<hbm>> -> memref<1024xi32, #tpu.memory_space<hbm>>
        tpu.wait_dma2 semaphore(%arg28 : memref<!tpu.dma_semaphore, #tpu.memory_space<semaphore_mem>>) src(%dma_wait3A_170 : memref<1024xi32, #tpu.memory_space<hbm>>) dst(%arg10 : memref<1024xi32, #tpu.memory_space<vmem>>)
        %dma_wait3A_171 = arith.constant 0 : i32
        %dma_wait3A_172 = tpu.memref_slice %arg5[%dma_wait3A_171] : memref<6422528xf32, #tpu.memory_space<hbm>> -> memref<1024xf32, #tpu.memory_space<hbm>>
        %dma_wait3A_173 = arith.constant 0 : i32
        %dma_wait3A_174 = tpu.memref_slice %arg5[%dma_wait3A_173] : memref<6422528xf32, #tpu.memory_space<hbm>> -> memref<1024xf32, #tpu.memory_space<hbm>>
        tpu.wait_dma2 semaphore(%arg28 : memref<!tpu.dma_semaphore, #tpu.memory_space<semaphore_mem>>) src(%dma_wait3A_174 : memref<1024xf32, #tpu.memory_space<hbm>>) dst(%arg18 : memref<1024xf32, #tpu.memory_space<vmem>>)
        %dma_wait3A_175 = arith.constant 0 : i32
        %dma_wait3A_176 = tpu.memref_slice %arg4[%dma_wait3A_175] : memref<6422528xi32, #tpu.memory_space<hbm>> -> memref<1024xi32, #tpu.memory_space<hbm>>
        %dma_wait3A_177 = arith.constant 0 : i32
        %dma_wait3A_178 = tpu.memref_slice %arg4[%dma_wait3A_177] : memref<6422528xi32, #tpu.memory_space<hbm>> -> memref<1024xi32, #tpu.memory_space<hbm>>
        tpu.wait_dma2 semaphore(%arg28 : memref<!tpu.dma_semaphore, #tpu.memory_space<semaphore_mem>>) src(%dma_wait3A_178 : memref<1024xi32, #tpu.memory_space<hbm>>) dst(%arg14 : memref<1024xi32, #tpu.memory_space<vmem>>)
        %dma_start3A_179 = arith.constant 0 : i32
        %dma_start3A_180 = tpu.memref_slice %arg24[%dma_start3A_179] : memref<102400xf32, #tpu.memory_space<vmem_shared>> -> memref<102400xf32, #tpu.memory_space<vmem_shared>>
        tpu.enqueue_indirect_dma source(%dma_start3A_180 : memref<102400xf32, #tpu.memory_space<vmem_shared>>) target(%arg22 : memref<1024xf32, #tpu.memory_space<vmem>>) offsets(%arg10 : memref<1024xi32, #tpu.memory_space<vmem>>) semaphore(%arg32 : memref<!tpu.dma_semaphore, #tpu.memory_space<semaphore_mem>>)
      } else {
      }
      %dma_wait3A_133 = arith.constant 0 : i32
      %dma_wait3A_134 = tpu.memref_slice %arg24[%dma_wait3A_133] : memref<102400xf32, #tpu.memory_space<vmem_shared>> -> memref<102400xf32, #tpu.memory_space<vmem_shared>>
      tpu.wait_indirect_dma semaphore(%arg31 : memref<!tpu.dma_semaphore, #tpu.memory_space<semaphore_mem>>) src(%dma_wait3A_134 : memref<102400xf32, #tpu.memory_space<vmem_shared>>) dst(%arg21 : memref<1024xf32, #tpu.memory_space<vmem>>)
      %scan3A_135 = arith.constant 0 : i32
      %scan3A_136 = arith.constant 0 : i32
      %scan3A_137 = arith.constant 64 : i32
      %scan3A_138 = arith.addi %scan3A_136, %scan3A_137 : i32
      %scan3A_139 = arith.constant 4 : i32
      scf.for %scan3A_167 = %scan3A_136 to %scan3A_138 step %scan3A_139  : i32 {
        %mul3A_168 = arith.constant 16 : i32
        %mul3A_169 = arith.muli %scan3A_167, %mul3A_168 : i32
        %get3A = arith.index_cast %mul3A_169 : i32 to index
        %get3A_170 = tpu.vector_load %arg13[%get3A] {strides = array<i32>} : memref<1024xi32, #tpu.memory_space<vmem>>, vector<16xi32>,
        %get3A_171 = arith.index_cast %mul3A_169 : i32 to index
        %get3A_172 = tpu.vector_load %arg21[%get3A_171] {strides = array<i32>} : memref<1024xf32, #tpu.memory_space<vmem>>, vector<16xf32>,
        %get3A_173 = arith.index_cast %mul3A_169 : i32 to index
        %get3A_174 = tpu.vector_load %arg17[%get3A_173] {strides = array<i32>} : memref<1024xf32, #tpu.memory_space<vmem>>, vector<16xf32>,
        %mul3A_175 = arith.mulf %get3A_172, %get3A_174 : vector<16xf32>
        tpu.vector_store_idx %arg23[%get3A_170], %mul3A_175 {add = true} : memref<102400xf32, #tpu.memory_space<vmem>>[vector<16xi32>], vector<16xf32>,
        %scan3A_176 = arith.constant 1 : i32
        %scan3A_177 = arith.addi %scan3A_167, %scan3A_176 : i32
        %mul3A_178 = arith.constant 16 : i32
        %mul3A_179 = arith.muli %scan3A_177, %mul3A_178 : i32
        %get3A_180 = arith.index_cast %mul3A_179 : i32 to index
        %get3A_181 = tpu.vector_load %arg13[%get3A_180] {strides = array<i32>} : memref<1024xi32, #tpu.memory_space<vmem>>, vector<16xi32>,
        %get3A_182 = arith.index_cast %mul3A_179 : i32 to index
        %get3A_183 = tpu.vector_load %arg21[%get3A_182] {strides = array<i32>} : memref<1024xf32, #tpu.memory_space<vmem>>, vector<16xf32>,
        %get3A_184 = arith.index_cast %mul3A_179 : i32 to index
        %get3A_185 = tpu.vector_load %arg17[%get3A_184] {strides = array<i32>} : memref<1024xf32, #tpu.memory_space<vmem>>, vector<16xf32>,
        %mul3A_186 = arith.mulf %get3A_183, %get3A_185 : vector<16xf32>
        tpu.vector_store_idx %arg23[%get3A_181], %mul3A_186 {add = true} : memref<102400xf32, #tpu.memory_space<vmem>>[vector<16xi32>], vector<16xf32>,
        %scan3A_187 = arith.constant 2 : i32
        %scan3A_188 = arith.addi %scan3A_167, %scan3A_187 : i32
        %mul3A_189 = arith.constant 16 : i32
        %mul3A_190 = arith.muli %scan3A_188, %mul3A_189 : i32
        %get3A_191 = arith.index_cast %mul3A_190 : i32 to index
        %get3A_192 = tpu.vector_load %arg13[%get3A_191] {strides = array<i32>} : memref<1024xi32, #tpu.memory_space<vmem>>, vector<16xi32>,
        %get3A_193 = arith.index_cast %mul3A_190 : i32 to index
        %get3A_194 = tpu.vector_load %arg21[%get3A_193] {strides = array<i32>} : memref<1024xf32, #tpu.memory_space<vmem>>, vector<16xf32>,
        %get3A_195 = arith.index_cast %mul3A_190 : i32 to index
        %get3A_196 = tpu.vector_load %arg17[%get3A_195] {strides = array<i32>} : memref<1024xf32, #tpu.memory_space<vmem>>, vector<16xf32>,
        %mul3A_197 = arith.mulf %get3A_194, %get3A_196 : vector<16xf32>
        tpu.vector_store_idx %arg23[%get3A_192], %mul3A_197 {add = true} : memref<102400xf32, #tpu.memory_space<vmem>>[vector<16xi32>], vector<16xf32>,
        %scan3A_198 = arith.constant 3 : i32
        %scan3A_199 = arith.addi %scan3A_167, %scan3A_198 : i32
        %mul3A_200 = arith.constant 16 : i32
        %mul3A_201 = arith.muli %scan3A_199, %mul3A_200 : i32
        %get3A_202 = arith.index_cast %mul3A_201 : i32 to index
        %get3A_203 = tpu.vector_load %arg13[%get3A_202] {strides = array<i32>} : memref<1024xi32, #tpu.memory_space<vmem>>, vector<16xi32>,
        %get3A_204 = arith.index_cast %mul3A_201 : i32 to index
        %get3A_205 = tpu.vector_load %arg21[%get3A_204] {strides = array<i32>} : memref<1024xf32, #tpu.memory_space<vmem>>, vector<16xf32>,
        %get3A_206 = arith.index_cast %mul3A_201 : i32 to index
        %get3A_207 = tpu.vector_load %arg17[%get3A_206] {strides = array<i32>} : memref<1024xf32, #tpu.memory_space<vmem>>, vector<16xf32>,
        %mul3A_208 = arith.mulf %get3A_205, %get3A_207 : vector<16xf32>
        tpu.vector_store_idx %arg23[%get3A_203], %mul3A_208 {add = true} : memref<102400xf32, #tpu.memory_space<vmem>>[vector<16xi32>], vector<16xf32>,
      }
      %scan3A_140 = arith.constant 64 : i32
      %mul3A_141 = arith.constant 4 : i32
      %mul3A_142 = arith.muli %mul3A_141, %scan3A_65 : i32
      %add3A_143 = arith.constant 3 : i32
      %add3A_144 = arith.addi %mul3A_142, %add3A_143 : i32
      %add3A_145 = arith.constant 3 : i32
      %add3A_146 = arith.addi %add3A_144, %add3A_145 : i32
      %lt3A_147 = arith.constant 196 : i32
      %lt3A_148 = arith.cmpi slt, %add3A_146, %lt3A_147 : i32
      %convert_element_type3A_149 = arith.extui %lt3A_148 : i1 to i32
      %cond3A_150 = arith.constant 0 : i32
      %cond3A_151 = arith.cmpi ne, %convert_element_type3A_149, %cond3A_150 : i32
      scf.if %cond3A_151 {
        %add3A_167 = arith.constant 3 : i32
        %add3A_168 = arith.addi %add3A_144, %add3A_167 : i32
        %mul3A_169 = arith.constant 200704 : i32
        %mul3A_170 = arith.muli %add3A, %mul3A_169 : i32
        %mul3A_171 = arith.constant 1024 : i32
        %mul3A_172 = arith.muli %add3A_168, %mul3A_171 : i32
        %add3A_173 = arith.addi %mul3A_170, %mul3A_172 : i32
        %dma_start3A_174 = tpu.memref_slice %arg3[%add3A_173] : memref<6422528xi32, #tpu.memory_space<hbm>> -> memref<1024xi32, #tpu.memory_space<hbm>>
        %dma_start3A_175 = tpu.memref_slice %arg3[%add3A_173] : memref<6422528xi32, #tpu.memory_space<hbm>> -> memref<1024xi32, #tpu.memory_space<hbm>>
        tpu.enqueue_dma source(%dma_start3A_175 : memref<1024xi32, #tpu.memory_space<hbm>>) target(%arg9 : memref<1024xi32, #tpu.memory_space<vmem>>) target_semaphore(%arg27 : memref<!tpu.dma_semaphore, #tpu.memory_space<semaphore_mem>>)
        %dma_start3A_176 = tpu.memref_slice %arg5[%add3A_173] : memref<6422528xf32, #tpu.memory_space<hbm>> -> memref<1024xf32, #tpu.memory_space<hbm>>
        %dma_start3A_177 = tpu.memref_slice %arg5[%add3A_173] : memref<6422528xf32, #tpu.memory_space<hbm>> -> memref<1024xf32, #tpu.memory_space<hbm>>
        tpu.enqueue_dma source(%dma_start3A_177 : memref<1024xf32, #tpu.memory_space<hbm>>) target(%arg17 : memref<1024xf32, #tpu.memory_space<vmem>>) target_semaphore(%arg27 : memref<!tpu.dma_semaphore, #tpu.memory_space<semaphore_mem>>)
        %dma_start3A_178 = tpu.memref_slice %arg4[%add3A_173] : memref<6422528xi32, #tpu.memory_space<hbm>> -> memref<1024xi32, #tpu.memory_space<hbm>>
        %dma_start3A_179 = tpu.memref_slice %arg4[%add3A_173] : memref<6422528xi32, #tpu.memory_space<hbm>> -> memref<1024xi32, #tpu.memory_space<hbm>>
        tpu.enqueue_dma source(%dma_start3A_179 : memref<1024xi32, #tpu.memory_space<hbm>>) target(%arg13 : memref<1024xi32, #tpu.memory_space<vmem>>) target_semaphore(%arg27 : memref<!tpu.dma_semaphore, #tpu.memory_space<semaphore_mem>>)
      } else {
      }
      %add3A_152 = arith.constant 1 : i32
      %add3A_153 = arith.addi %add3A_144, %add3A_152 : i32
      %lt3A_154 = arith.constant 196 : i32
      %lt3A_155 = arith.cmpi slt, %add3A_153, %lt3A_154 : i32
      %convert_element_type3A_156 = arith.extui %lt3A_155 : i1 to i32
      %cond3A_157 = arith.constant 0 : i32
      %cond3A_158 = arith.cmpi ne, %convert_element_type3A_156, %cond3A_157 : i32
      scf.if %cond3A_158 {
        %dma_wait3A_167 = arith.constant 0 : i32
        %dma_wait3A_168 = tpu.memref_slice %arg3[%dma_wait3A_167] : memref<6422528xi32, #tpu.memory_space<hbm>> -> memref<1024xi32, #tpu.memory_space<hbm>>
        %dma_wait3A_169 = arith.constant 0 : i32
        %dma_wait3A_170 = tpu.memref_slice %arg3[%dma_wait3A_169] : memref<6422528xi32, #tpu.memory_space<hbm>> -> memref<1024xi32, #tpu.memory_space<hbm>>
        tpu.wait_dma2 semaphore(%arg25 : memref<!tpu.dma_semaphore, #tpu.memory_space<semaphore_mem>>) src(%dma_wait3A_170 : memref<1024xi32, #tpu.memory_space<hbm>>) dst(%arg7 : memref<1024xi32, #tpu.memory_space<vmem>>)
        %dma_wait3A_171 = arith.constant 0 : i32
        %dma_wait3A_172 = tpu.memref_slice %arg5[%dma_wait3A_171] : memref<6422528xf32, #tpu.memory_space<hbm>> -> memref<1024xf32, #tpu.memory_space<hbm>>
        %dma_wait3A_173 = arith.constant 0 : i32
        %dma_wait3A_174 = tpu.memref_slice %arg5[%dma_wait3A_173] : memref<6422528xf32, #tpu.memory_space<hbm>> -> memref<1024xf32, #tpu.memory_space<hbm>>
        tpu.wait_dma2 semaphore(%arg25 : memref<!tpu.dma_semaphore, #tpu.memory_space<semaphore_mem>>) src(%dma_wait3A_174 : memref<1024xf32, #tpu.memory_space<hbm>>) dst(%arg15 : memref<1024xf32, #tpu.memory_space<vmem>>)
        %dma_wait3A_175 = arith.constant 0 : i32
        %dma_wait3A_176 = tpu.memref_slice %arg4[%dma_wait3A_175] : memref<6422528xi32, #tpu.memory_space<hbm>> -> memref<1024xi32, #tpu.memory_space<hbm>>
        %dma_wait3A_177 = arith.constant 0 : i32
        %dma_wait3A_178 = tpu.memref_slice %arg4[%dma_wait3A_177] : memref<6422528xi32, #tpu.memory_space<hbm>> -> memref<1024xi32, #tpu.memory_space<hbm>>
        tpu.wait_dma2 semaphore(%arg25 : memref<!tpu.dma_semaphore, #tpu.memory_space<semaphore_mem>>) src(%dma_wait3A_178 : memref<1024xi32, #tpu.memory_space<hbm>>) dst(%arg11 : memref<1024xi32, #tpu.memory_space<vmem>>)
        %dma_start3A_179 = arith.constant 0 : i32
        %dma_start3A_180 = tpu.memref_slice %arg24[%dma_start3A_179] : memref<102400xf32, #tpu.memory_space<vmem_shared>> -> memref<102400xf32, #tpu.memory_space<vmem_shared>>
        tpu.enqueue_indirect_dma source(%dma_start3A_180 : memref<102400xf32, #tpu.memory_space<vmem_shared>>) target(%arg19 : memref<1024xf32, #tpu.memory_space<vmem>>) offsets(%arg7 : memref<1024xi32, #tpu.memory_space<vmem>>) semaphore(%arg29 : memref<!tpu.dma_semaphore, #tpu.memory_space<semaphore_mem>>)
      } else {
      }
      %dma_wait3A_159 = arith.constant 0 : i32
      %dma_wait3A_160 = tpu.memref_slice %arg24[%dma_wait3A_159] : memref<102400xf32, #tpu.memory_space<vmem_shared>> -> memref<102400xf32, #tpu.memory_space<vmem_shared>>
      tpu.wait_indirect_dma semaphore(%arg32 : memref<!tpu.dma_semaphore, #tpu.memory_space<semaphore_mem>>) src(%dma_wait3A_160 : memref<102400xf32, #tpu.memory_space<vmem_shared>>) dst(%arg22 : memref<1024xf32, #tpu.memory_space<vmem>>)
      %scan3A_161 = arith.constant 0 : i32
      %scan3A_162 = arith.constant 0 : i32
      %scan3A_163 = arith.constant 64 : i32
      %scan3A_164 = arith.addi %scan3A_162, %scan3A_163 : i32
      %scan3A_165 = arith.constant 4 : i32
      scf.for %scan3A_167 = %scan3A_162 to %scan3A_164 step %scan3A_165  : i32 {
        %mul3A_168 = arith.constant 16 : i32
        %mul3A_169 = arith.muli %scan3A_167, %mul3A_168 : i32
        %get3A = arith.index_cast %mul3A_169 : i32 to index
        %get3A_170 = tpu.vector_load %arg14[%get3A] {strides = array<i32>} : memref<1024xi32, #tpu.memory_space<vmem>>, vector<16xi32>,
        %get3A_171 = arith.index_cast %mul3A_169 : i32 to index
        %get3A_172 = tpu.vector_load %arg22[%get3A_171] {strides = array<i32>} : memref<1024xf32, #tpu.memory_space<vmem>>, vector<16xf32>,
        %get3A_173 = arith.index_cast %mul3A_169 : i32 to index
        %get3A_174 = tpu.vector_load %arg18[%get3A_173] {strides = array<i32>} : memref<1024xf32, #tpu.memory_space<vmem>>, vector<16xf32>,
        %mul3A_175 = arith.mulf %get3A_172, %get3A_174 : vector<16xf32>
        tpu.vector_store_idx %arg23[%get3A_170], %mul3A_175 {add = true} : memref<102400xf32, #tpu.memory_space<vmem>>[vector<16xi32>], vector<16xf32>,
        %scan3A_176 = arith.constant 1 : i32
        %scan3A_177 = arith.addi %scan3A_167, %scan3A_176 : i32
        %mul3A_178 = arith.constant 16 : i32
        %mul3A_179 = arith.muli %scan3A_177, %mul3A_178 : i32
        %get3A_180 = arith.index_cast %mul3A_179 : i32 to index
        %get3A_181 = tpu.vector_load %arg14[%get3A_180] {strides = array<i32>} : memref<1024xi32, #tpu.memory_space<vmem>>, vector<16xi32>,
        %get3A_182 = arith.index_cast %mul3A_179 : i32 to index
        %get3A_183 = tpu.vector_load %arg22[%get3A_182] {strides = array<i32>} : memref<1024xf32, #tpu.memory_space<vmem>>, vector<16xf32>,
        %get3A_184 = arith.index_cast %mul3A_179 : i32 to index
        %get3A_185 = tpu.vector_load %arg18[%get3A_184] {strides = array<i32>} : memref<1024xf32, #tpu.memory_space<vmem>>, vector<16xf32>,
        %mul3A_186 = arith.mulf %get3A_183, %get3A_185 : vector<16xf32>
        tpu.vector_store_idx %arg23[%get3A_181], %mul3A_186 {add = true} : memref<102400xf32, #tpu.memory_space<vmem>>[vector<16xi32>], vector<16xf32>,
        %scan3A_187 = arith.constant 2 : i32
        %scan3A_188 = arith.addi %scan3A_167, %scan3A_187 : i32
        %mul3A_189 = arith.constant 16 : i32
        %mul3A_190 = arith.muli %scan3A_188, %mul3A_189 : i32
        %get3A_191 = arith.index_cast %mul3A_190 : i32 to index
        %get3A_192 = tpu.vector_load %arg14[%get3A_191] {strides = array<i32>} : memref<1024xi32, #tpu.memory_space<vmem>>, vector<16xi32>,
        %get3A_193 = arith.index_cast %mul3A_190 : i32 to index
        %get3A_194 = tpu.vector_load %arg22[%get3A_193] {strides = array<i32>} : memref<1024xf32, #tpu.memory_space<vmem>>, vector<16xf32>,
        %get3A_195 = arith.index_cast %mul3A_190 : i32 to index
        %get3A_196 = tpu.vector_load %arg18[%get3A_195] {strides = array<i32>} : memref<1024xf32, #tpu.memory_space<vmem>>, vector<16xf32>,
        %mul3A_197 = arith.mulf %get3A_194, %get3A_196 : vector<16xf32>
        tpu.vector_store_idx %arg23[%get3A_192], %mul3A_197 {add = true} : memref<102400xf32, #tpu.memory_space<vmem>>[vector<16xi32>], vector<16xf32>,
        %scan3A_198 = arith.constant 3 : i32
        %scan3A_199 = arith.addi %scan3A_167, %scan3A_198 : i32
        %mul3A_200 = arith.constant 16 : i32
        %mul3A_201 = arith.muli %scan3A_199, %mul3A_200 : i32
        %get3A_202 = arith.index_cast %mul3A_201 : i32 to index
        %get3A_203 = tpu.vector_load %arg14[%get3A_202] {strides = array<i32>} : memref<1024xi32, #tpu.memory_space<vmem>>, vector<16xi32>,
        %get3A_204 = arith.index_cast %mul3A_201 : i32 to index
        %get3A_205 = tpu.vector_load %arg22[%get3A_204] {strides = array<i32>} : memref<1024xf32, #tpu.memory_space<vmem>>, vector<16xf32>,
        %get3A_206 = arith.index_cast %mul3A_201 : i32 to index
        %get3A_207 = tpu.vector_load %arg18[%get3A_206] {strides = array<i32>} : memref<1024xf32, #tpu.memory_space<vmem>>, vector<16xf32>,
        %mul3A_208 = arith.mulf %get3A_205, %get3A_207 : vector<16xf32>
        tpu.vector_store_idx %arg23[%get3A_203], %mul3A_208 {add = true} : memref<102400xf32, #tpu.memory_space<vmem>>[vector<16xi32>], vector<16xf32>,
      }
      %scan3A_166 = arith.constant 64 : i32
    }
    %scan3A_64 = arith.constant 49 : i32
    "tpu.region"() ({
      %run_scoped3A = tpu.sem_alloc : memref<!tpu.dma_semaphore, #tpu.memory_space<semaphore_mem>>
      %dma_start3A_65 = arith.constant 0 : i32
      %dma_start3A_66 = tpu.memref_slice %arg6[%add3A, %dma_start3A_65] : memref<32x102400xf32, #tpu.memory_space<hbm>> -> memref<1x102400xf32, #tpu.memory_space<hbm>>
      %dma_start3A_67 = tpu.memref_squeeze %dma_start3A_66 : memref<1x102400xf32, #tpu.memory_space<hbm>> -> memref<102400xf32, #tpu.memory_space<hbm>>
      %dma_start3A_68 = arith.constant 0 : i32
      %dma_start3A_69 = tpu.memref_slice %arg6[%add3A, %dma_start3A_68] : memref<32x102400xf32, #tpu.memory_space<hbm>> -> memref<1x102400xf32, #tpu.memory_space<hbm>>
      %dma_start3A_70 = tpu.memref_squeeze %dma_start3A_69 : memref<1x102400xf32, #tpu.memory_space<hbm>> -> memref<102400xf32, #tpu.memory_space<hbm>>
      tpu.enqueue_dma source(%arg23 : memref<102400xf32, #tpu.memory_space<vmem>>) target(%dma_start3A_70 : memref<102400xf32, #tpu.memory_space<hbm>>) target_semaphore(%run_scoped3A : memref<!tpu.dma_semaphore, #tpu.memory_space<semaphore_mem>>)
      %dma_wait3A_71 = arith.constant 0 : i32
      %dma_wait3A_72 = tpu.memref_slice %arg6[%add3A, %dma_wait3A_71] : memref<32x102400xf32, #tpu.memory_space<hbm>> -> memref<1x102400xf32, #tpu.memory_space<hbm>>
      %dma_wait3A_73 = tpu.memref_squeeze %dma_wait3A_72 : memref<1x102400xf32, #tpu.memory_space<hbm>> -> memref<102400xf32, #tpu.memory_space<hbm>>
      %dma_wait3A_74 = arith.constant 0 : i32
      %dma_wait3A_75 = tpu.memref_slice %arg6[%add3A, %dma_wait3A_74] : memref<32x102400xf32, #tpu.memory_space<hbm>> -> memref<1x102400xf32, #tpu.memory_space<hbm>>
      %dma_wait3A_76 = tpu.memref_squeeze %dma_wait3A_75 : memref<1x102400xf32, #tpu.memory_space<hbm>> -> memref<102400xf32, #tpu.memory_space<hbm>>
      tpu.wait_dma2 semaphore(%run_scoped3A : memref<!tpu.dma_semaphore, #tpu.memory_space<semaphore_mem>>) src(%arg23 : memref<102400xf32, #tpu.memory_space<vmem>>) dst(%dma_wait3A_76 : memref<102400xf32, #tpu.memory_space<hbm>>)
      tpu.yield
    }) : () -> ()
    return
  }
}

#map = affine_map<(d0, d1) -> (0, 0)>
#map1 = affine_map<(d0, d1) -> (0)>
module attributes {stable_mosaic.version = 14 : i64} {
  func.func @icapprox_update(%arg0: i32, %arg1: i32, %arg2: memref<32x102400xf32, #tpu.memory_space<hbm>>, %arg3: memref<102400xf32, #tpu.memory_space<hbm>>, %arg4: memref<102400xf32, #tpu.memory_space<hbm>>, %arg5: memref<102400xf32, #tpu.memory_space<hbm>>, %arg6: memref<102400xf32, #tpu.memory_space<hbm>>, %arg7: memref<32x3200xf32, #tpu.memory_space<vmem>>, %arg8: memref<3200xf32, #tpu.memory_space<vmem>>, %arg9: memref<3200xf32, #tpu.memory_space<vmem>>, %arg10: memref<3200xf32, #tpu.memory_space<vmem>>) attributes {dimension_semantics = [#tpu.dimension_semantics<core_parallel>, #tpu.dimension_semantics<subcore_parallel>], iteration_bounds = array<i64: 2, 16>, scalar_prefetch = 0 : i64, scratch_operands = 4 : i64, tpu.core_type = #tpu.core_type<sc_vector_subcore>, window_params = [{transform_indices = #map}, {transform_indices = #map1}, {transform_indices = #map1}, {transform_indices = #map1}, {transform_indices = #map1}]} {
    %mul3A = arith.constant 2 : i32
    %mul3A_0 = arith.muli %arg1, %mul3A : i32
    %add3A = arith.addi %mul3A_0, %arg0 : i32
    %mul3A_1 = arith.constant 3200 : i32
    %mul3A_2 = arith.muli %add3A, %mul3A_1 : i32
    "tpu.region"() ({
      %run_scoped3A = tpu.sem_alloc : memref<!tpu.dma_semaphore, #tpu.memory_space<semaphore_mem>>
      %dma_start3A = arith.constant 0 : i32
      %dma_start3A_8 = tpu.memref_slice %arg2[%dma_start3A, %mul3A_2] : memref<32x102400xf32, #tpu.memory_space<hbm>> -> memref<32x3200xf32, #tpu.memory_space<hbm>>
      %dma_start3A_9 = arith.constant 0 : i32
      %dma_start3A_10 = tpu.memref_slice %arg2[%dma_start3A_9, %mul3A_2] : memref<32x102400xf32, #tpu.memory_space<hbm>> -> memref<32x3200xf32, #tpu.memory_space<hbm>>
      tpu.enqueue_dma source(%dma_start3A_10 : memref<32x3200xf32, #tpu.memory_space<hbm>>) target(%arg7 : memref<32x3200xf32, #tpu.memory_space<vmem>>) target_semaphore(%run_scoped3A : memref<!tpu.dma_semaphore, #tpu.memory_space<semaphore_mem>>)
      %dma_wait3A = arith.constant 0 : i32
      %dma_wait3A_11 = tpu.memref_slice %arg2[%dma_wait3A, %mul3A_2] : memref<32x102400xf32, #tpu.memory_space<hbm>> -> memref<32x3200xf32, #tpu.memory_space<hbm>>
      %dma_wait3A_12 = arith.constant 0 : i32
      %dma_wait3A_13 = tpu.memref_slice %arg2[%dma_wait3A_12, %mul3A_2] : memref<32x102400xf32, #tpu.memory_space<hbm>> -> memref<32x3200xf32, #tpu.memory_space<hbm>>
      tpu.wait_dma2 semaphore(%run_scoped3A : memref<!tpu.dma_semaphore, #tpu.memory_space<semaphore_mem>>) src(%dma_wait3A_13 : memref<32x3200xf32, #tpu.memory_space<hbm>>) dst(%arg7 : memref<32x3200xf32, #tpu.memory_space<vmem>>)
      tpu.yield
    }) : () -> ()
    "tpu.region"() ({
      %run_scoped3A = tpu.sem_alloc : memref<!tpu.dma_semaphore, #tpu.memory_space<semaphore_mem>>
      %dma_start3A = tpu.memref_slice %arg3[%mul3A_2] : memref<102400xf32, #tpu.memory_space<hbm>> -> memref<3200xf32, #tpu.memory_space<hbm>>
      %dma_start3A_8 = tpu.memref_slice %arg3[%mul3A_2] : memref<102400xf32, #tpu.memory_space<hbm>> -> memref<3200xf32, #tpu.memory_space<hbm>>
      tpu.enqueue_dma source(%dma_start3A_8 : memref<3200xf32, #tpu.memory_space<hbm>>) target(%arg8 : memref<3200xf32, #tpu.memory_space<vmem>>) target_semaphore(%run_scoped3A : memref<!tpu.dma_semaphore, #tpu.memory_space<semaphore_mem>>)
      %dma_wait3A = tpu.memref_slice %arg3[%mul3A_2] : memref<102400xf32, #tpu.memory_space<hbm>> -> memref<3200xf32, #tpu.memory_space<hbm>>
      %dma_wait3A_9 = tpu.memref_slice %arg3[%mul3A_2] : memref<102400xf32, #tpu.memory_space<hbm>> -> memref<3200xf32, #tpu.memory_space<hbm>>
      tpu.wait_dma2 semaphore(%run_scoped3A : memref<!tpu.dma_semaphore, #tpu.memory_space<semaphore_mem>>) src(%dma_wait3A_9 : memref<3200xf32, #tpu.memory_space<hbm>>) dst(%arg8 : memref<3200xf32, #tpu.memory_space<vmem>>)
      tpu.yield
    }) : () -> ()
    %scan3A = arith.constant 0 : i32
    %scan3A_3 = arith.constant 0 : i32
    %scan3A_4 = arith.constant 200 : i32
    %scan3A_5 = arith.addi %scan3A_3, %scan3A_4 : i32
    %scan3A_6 = arith.constant 1 : i32
    scf.for %scan3A_8 = %scan3A_3 to %scan3A_5 step %scan3A_6  : i32 {
      %mul3A_9 = arith.constant 16 : i32
      %mul3A_10 = arith.muli %scan3A_8, %mul3A_9 : i32
      %get3A = arith.constant 0 : i32
      %get3A_11 = arith.index_cast %get3A : i32 to index
      %get3A_12 = arith.index_cast %mul3A_10 : i32 to index
      %get3A_13 = tpu.vector_load %arg7[%get3A_11, %get3A_12] {strides = array<i32>} : memref<32x3200xf32, #tpu.memory_space<vmem>>, vector<1x16xf32>,
      %get3A_14 = vector.shape_cast %get3A_13 : vector<1x16xf32> to vector<16xf32>
      %get3A_15 = arith.constant 1 : i32
      %get3A_16 = arith.index_cast %get3A_15 : i32 to index
      %get3A_17 = arith.index_cast %mul3A_10 : i32 to index
      %get3A_18 = tpu.vector_load %arg7[%get3A_16, %get3A_17] {strides = array<i32>} : memref<32x3200xf32, #tpu.memory_space<vmem>>, vector<1x16xf32>,
      %get3A_19 = vector.shape_cast %get3A_18 : vector<1x16xf32> to vector<16xf32>
      %add3A_20 = arith.addf %get3A_14, %get3A_19 : vector<16xf32>
      %get3A_21 = arith.constant 2 : i32
      %get3A_22 = arith.index_cast %get3A_21 : i32 to index
      %get3A_23 = arith.index_cast %mul3A_10 : i32 to index
      %get3A_24 = tpu.vector_load %arg7[%get3A_22, %get3A_23] {strides = array<i32>} : memref<32x3200xf32, #tpu.memory_space<vmem>>, vector<1x16xf32>,
      %get3A_25 = vector.shape_cast %get3A_24 : vector<1x16xf32> to vector<16xf32>
      %add3A_26 = arith.addf %add3A_20, %get3A_25 : vector<16xf32>
      %get3A_27 = arith.constant 3 : i32
      %get3A_28 = arith.index_cast %get3A_27 : i32 to index
      %get3A_29 = arith.index_cast %mul3A_10 : i32 to index
      %get3A_30 = tpu.vector_load %arg7[%get3A_28, %get3A_29] {strides = array<i32>} : memref<32x3200xf32, #tpu.memory_space<vmem>>, vector<1x16xf32>,
      %get3A_31 = vector.shape_cast %get3A_30 : vector<1x16xf32> to vector<16xf32>
      %add3A_32 = arith.addf %add3A_26, %get3A_31 : vector<16xf32>
      %get3A_33 = arith.constant 4 : i32
      %get3A_34 = arith.index_cast %get3A_33 : i32 to index
      %get3A_35 = arith.index_cast %mul3A_10 : i32 to index
      %get3A_36 = tpu.vector_load %arg7[%get3A_34, %get3A_35] {strides = array<i32>} : memref<32x3200xf32, #tpu.memory_space<vmem>>, vector<1x16xf32>,
      %get3A_37 = vector.shape_cast %get3A_36 : vector<1x16xf32> to vector<16xf32>
      %add3A_38 = arith.addf %add3A_32, %get3A_37 : vector<16xf32>
      %get3A_39 = arith.constant 5 : i32
      %get3A_40 = arith.index_cast %get3A_39 : i32 to index
      %get3A_41 = arith.index_cast %mul3A_10 : i32 to index
      %get3A_42 = tpu.vector_load %arg7[%get3A_40, %get3A_41] {strides = array<i32>} : memref<32x3200xf32, #tpu.memory_space<vmem>>, vector<1x16xf32>,
      %get3A_43 = vector.shape_cast %get3A_42 : vector<1x16xf32> to vector<16xf32>
      %add3A_44 = arith.addf %add3A_38, %get3A_43 : vector<16xf32>
      %get3A_45 = arith.constant 6 : i32
      %get3A_46 = arith.index_cast %get3A_45 : i32 to index
      %get3A_47 = arith.index_cast %mul3A_10 : i32 to index
      %get3A_48 = tpu.vector_load %arg7[%get3A_46, %get3A_47] {strides = array<i32>} : memref<32x3200xf32, #tpu.memory_space<vmem>>, vector<1x16xf32>,
      %get3A_49 = vector.shape_cast %get3A_48 : vector<1x16xf32> to vector<16xf32>
      %add3A_50 = arith.addf %add3A_44, %get3A_49 : vector<16xf32>
      %get3A_51 = arith.constant 7 : i32
      %get3A_52 = arith.index_cast %get3A_51 : i32 to index
      %get3A_53 = arith.index_cast %mul3A_10 : i32 to index
      %get3A_54 = tpu.vector_load %arg7[%get3A_52, %get3A_53] {strides = array<i32>} : memref<32x3200xf32, #tpu.memory_space<vmem>>, vector<1x16xf32>,
      %get3A_55 = vector.shape_cast %get3A_54 : vector<1x16xf32> to vector<16xf32>
      %add3A_56 = arith.addf %add3A_50, %get3A_55 : vector<16xf32>
      %get3A_57 = arith.constant 8 : i32
      %get3A_58 = arith.index_cast %get3A_57 : i32 to index
      %get3A_59 = arith.index_cast %mul3A_10 : i32 to index
      %get3A_60 = tpu.vector_load %arg7[%get3A_58, %get3A_59] {strides = array<i32>} : memref<32x3200xf32, #tpu.memory_space<vmem>>, vector<1x16xf32>,
      %get3A_61 = vector.shape_cast %get3A_60 : vector<1x16xf32> to vector<16xf32>
      %add3A_62 = arith.addf %add3A_56, %get3A_61 : vector<16xf32>
      %get3A_63 = arith.constant 9 : i32
      %get3A_64 = arith.index_cast %get3A_63 : i32 to index
      %get3A_65 = arith.index_cast %mul3A_10 : i32 to index
      %get3A_66 = tpu.vector_load %arg7[%get3A_64, %get3A_65] {strides = array<i32>} : memref<32x3200xf32, #tpu.memory_space<vmem>>, vector<1x16xf32>,
      %get3A_67 = vector.shape_cast %get3A_66 : vector<1x16xf32> to vector<16xf32>
      %add3A_68 = arith.addf %add3A_62, %get3A_67 : vector<16xf32>
      %get3A_69 = arith.constant 10 : i32
      %get3A_70 = arith.index_cast %get3A_69 : i32 to index
      %get3A_71 = arith.index_cast %mul3A_10 : i32 to index
      %get3A_72 = tpu.vector_load %arg7[%get3A_70, %get3A_71] {strides = array<i32>} : memref<32x3200xf32, #tpu.memory_space<vmem>>, vector<1x16xf32>,
      %get3A_73 = vector.shape_cast %get3A_72 : vector<1x16xf32> to vector<16xf32>
      %add3A_74 = arith.addf %add3A_68, %get3A_73 : vector<16xf32>
      %get3A_75 = arith.constant 11 : i32
      %get3A_76 = arith.index_cast %get3A_75 : i32 to index
      %get3A_77 = arith.index_cast %mul3A_10 : i32 to index
      %get3A_78 = tpu.vector_load %arg7[%get3A_76, %get3A_77] {strides = array<i32>} : memref<32x3200xf32, #tpu.memory_space<vmem>>, vector<1x16xf32>,
      %get3A_79 = vector.shape_cast %get3A_78 : vector<1x16xf32> to vector<16xf32>
      %add3A_80 = arith.addf %add3A_74, %get3A_79 : vector<16xf32>
      %get3A_81 = arith.constant 12 : i32
      %get3A_82 = arith.index_cast %get3A_81 : i32 to index
      %get3A_83 = arith.index_cast %mul3A_10 : i32 to index
      %get3A_84 = tpu.vector_load %arg7[%get3A_82, %get3A_83] {strides = array<i32>} : memref<32x3200xf32, #tpu.memory_space<vmem>>, vector<1x16xf32>,
      %get3A_85 = vector.shape_cast %get3A_84 : vector<1x16xf32> to vector<16xf32>
      %add3A_86 = arith.addf %add3A_80, %get3A_85 : vector<16xf32>
      %get3A_87 = arith.constant 13 : i32
      %get3A_88 = arith.index_cast %get3A_87 : i32 to index
      %get3A_89 = arith.index_cast %mul3A_10 : i32 to index
      %get3A_90 = tpu.vector_load %arg7[%get3A_88, %get3A_89] {strides = array<i32>} : memref<32x3200xf32, #tpu.memory_space<vmem>>, vector<1x16xf32>,
      %get3A_91 = vector.shape_cast %get3A_90 : vector<1x16xf32> to vector<16xf32>
      %add3A_92 = arith.addf %add3A_86, %get3A_91 : vector<16xf32>
      %get3A_93 = arith.constant 14 : i32
      %get3A_94 = arith.index_cast %get3A_93 : i32 to index
      %get3A_95 = arith.index_cast %mul3A_10 : i32 to index
      %get3A_96 = tpu.vector_load %arg7[%get3A_94, %get3A_95] {strides = array<i32>} : memref<32x3200xf32, #tpu.memory_space<vmem>>, vector<1x16xf32>,
      %get3A_97 = vector.shape_cast %get3A_96 : vector<1x16xf32> to vector<16xf32>
      %add3A_98 = arith.addf %add3A_92, %get3A_97 : vector<16xf32>
      %get3A_99 = arith.constant 15 : i32
      %get3A_100 = arith.index_cast %get3A_99 : i32 to index
      %get3A_101 = arith.index_cast %mul3A_10 : i32 to index
      %get3A_102 = tpu.vector_load %arg7[%get3A_100, %get3A_101] {strides = array<i32>} : memref<32x3200xf32, #tpu.memory_space<vmem>>, vector<1x16xf32>,
      %get3A_103 = vector.shape_cast %get3A_102 : vector<1x16xf32> to vector<16xf32>
      %add3A_104 = arith.addf %add3A_98, %get3A_103 : vector<16xf32>
      %get3A_105 = arith.constant 16 : i32
      %get3A_106 = arith.index_cast %get3A_105 : i32 to index
      %get3A_107 = arith.index_cast %mul3A_10 : i32 to index
      %get3A_108 = tpu.vector_load %arg7[%get3A_106, %get3A_107] {strides = array<i32>} : memref<32x3200xf32, #tpu.memory_space<vmem>>, vector<1x16xf32>,
      %get3A_109 = vector.shape_cast %get3A_108 : vector<1x16xf32> to vector<16xf32>
      %add3A_110 = arith.addf %add3A_104, %get3A_109 : vector<16xf32>
      %get3A_111 = arith.constant 17 : i32
      %get3A_112 = arith.index_cast %get3A_111 : i32 to index
      %get3A_113 = arith.index_cast %mul3A_10 : i32 to index
      %get3A_114 = tpu.vector_load %arg7[%get3A_112, %get3A_113] {strides = array<i32>} : memref<32x3200xf32, #tpu.memory_space<vmem>>, vector<1x16xf32>,
      %get3A_115 = vector.shape_cast %get3A_114 : vector<1x16xf32> to vector<16xf32>
      %add3A_116 = arith.addf %add3A_110, %get3A_115 : vector<16xf32>
      %get3A_117 = arith.constant 18 : i32
      %get3A_118 = arith.index_cast %get3A_117 : i32 to index
      %get3A_119 = arith.index_cast %mul3A_10 : i32 to index
      %get3A_120 = tpu.vector_load %arg7[%get3A_118, %get3A_119] {strides = array<i32>} : memref<32x3200xf32, #tpu.memory_space<vmem>>, vector<1x16xf32>,
      %get3A_121 = vector.shape_cast %get3A_120 : vector<1x16xf32> to vector<16xf32>
      %add3A_122 = arith.addf %add3A_116, %get3A_121 : vector<16xf32>
      %get3A_123 = arith.constant 19 : i32
      %get3A_124 = arith.index_cast %get3A_123 : i32 to index
      %get3A_125 = arith.index_cast %mul3A_10 : i32 to index
      %get3A_126 = tpu.vector_load %arg7[%get3A_124, %get3A_125] {strides = array<i32>} : memref<32x3200xf32, #tpu.memory_space<vmem>>, vector<1x16xf32>,
      %get3A_127 = vector.shape_cast %get3A_126 : vector<1x16xf32> to vector<16xf32>
      %add3A_128 = arith.addf %add3A_122, %get3A_127 : vector<16xf32>
      %get3A_129 = arith.constant 20 : i32
      %get3A_130 = arith.index_cast %get3A_129 : i32 to index
      %get3A_131 = arith.index_cast %mul3A_10 : i32 to index
      %get3A_132 = tpu.vector_load %arg7[%get3A_130, %get3A_131] {strides = array<i32>} : memref<32x3200xf32, #tpu.memory_space<vmem>>, vector<1x16xf32>,
      %get3A_133 = vector.shape_cast %get3A_132 : vector<1x16xf32> to vector<16xf32>
      %add3A_134 = arith.addf %add3A_128, %get3A_133 : vector<16xf32>
      %get3A_135 = arith.constant 21 : i32
      %get3A_136 = arith.index_cast %get3A_135 : i32 to index
      %get3A_137 = arith.index_cast %mul3A_10 : i32 to index
      %get3A_138 = tpu.vector_load %arg7[%get3A_136, %get3A_137] {strides = array<i32>} : memref<32x3200xf32, #tpu.memory_space<vmem>>, vector<1x16xf32>,
      %get3A_139 = vector.shape_cast %get3A_138 : vector<1x16xf32> to vector<16xf32>
      %add3A_140 = arith.addf %add3A_134, %get3A_139 : vector<16xf32>
      %get3A_141 = arith.constant 22 : i32
      %get3A_142 = arith.index_cast %get3A_141 : i32 to index
      %get3A_143 = arith.index_cast %mul3A_10 : i32 to index
      %get3A_144 = tpu.vector_load %arg7[%get3A_142, %get3A_143] {strides = array<i32>} : memref<32x3200xf32, #tpu.memory_space<vmem>>, vector<1x16xf32>,
      %get3A_145 = vector.shape_cast %get3A_144 : vector<1x16xf32> to vector<16xf32>
      %add3A_146 = arith.addf %add3A_140, %get3A_145 : vector<16xf32>
      %get3A_147 = arith.constant 23 : i32
      %get3A_148 = arith.index_cast %get3A_147 : i32 to index
      %get3A_149 = arith.index_cast %mul3A_10 : i32 to index
      %get3A_150 = tpu.vector_load %arg7[%get3A_148, %get3A_149] {strides = array<i32>} : memref<32x3200xf32, #tpu.memory_space<vmem>>, vector<1x16xf32>,
      %get3A_151 = vector.shape_cast %get3A_150 : vector<1x16xf32> to vector<16xf32>
      %add3A_152 = arith.addf %add3A_146, %get3A_151 : vector<16xf32>
      %get3A_153 = arith.constant 24 : i32
      %get3A_154 = arith.index_cast %get3A_153 : i32 to index
      %get3A_155 = arith.index_cast %mul3A_10 : i32 to index
      %get3A_156 = tpu.vector_load %arg7[%get3A_154, %get3A_155] {strides = array<i32>} : memref<32x3200xf32, #tpu.memory_space<vmem>>, vector<1x16xf32>,
      %get3A_157 = vector.shape_cast %get3A_156 : vector<1x16xf32> to vector<16xf32>
      %add3A_158 = arith.addf %add3A_152, %get3A_157 : vector<16xf32>
      %get3A_159 = arith.constant 25 : i32
      %get3A_160 = arith.index_cast %get3A_159 : i32 to index
      %get3A_161 = arith.index_cast %mul3A_10 : i32 to index
      %get3A_162 = tpu.vector_load %arg7[%get3A_160, %get3A_161] {strides = array<i32>} : memref<32x3200xf32, #tpu.memory_space<vmem>>, vector<1x16xf32>,
      %get3A_163 = vector.shape_cast %get3A_162 : vector<1x16xf32> to vector<16xf32>
      %add3A_164 = arith.addf %add3A_158, %get3A_163 : vector<16xf32>
      %get3A_165 = arith.constant 26 : i32
      %get3A_166 = arith.index_cast %get3A_165 : i32 to index
      %get3A_167 = arith.index_cast %mul3A_10 : i32 to index
      %get3A_168 = tpu.vector_load %arg7[%get3A_166, %get3A_167] {strides = array<i32>} : memref<32x3200xf32, #tpu.memory_space<vmem>>, vector<1x16xf32>,
      %get3A_169 = vector.shape_cast %get3A_168 : vector<1x16xf32> to vector<16xf32>
      %add3A_170 = arith.addf %add3A_164, %get3A_169 : vector<16xf32>
      %get3A_171 = arith.constant 27 : i32
      %get3A_172 = arith.index_cast %get3A_171 : i32 to index
      %get3A_173 = arith.index_cast %mul3A_10 : i32 to index
      %get3A_174 = tpu.vector_load %arg7[%get3A_172, %get3A_173] {strides = array<i32>} : memref<32x3200xf32, #tpu.memory_space<vmem>>, vector<1x16xf32>,
      %get3A_175 = vector.shape_cast %get3A_174 : vector<1x16xf32> to vector<16xf32>
      %add3A_176 = arith.addf %add3A_170, %get3A_175 : vector<16xf32>
      %get3A_177 = arith.constant 28 : i32
      %get3A_178 = arith.index_cast %get3A_177 : i32 to index
      %get3A_179 = arith.index_cast %mul3A_10 : i32 to index
      %get3A_180 = tpu.vector_load %arg7[%get3A_178, %get3A_179] {strides = array<i32>} : memref<32x3200xf32, #tpu.memory_space<vmem>>, vector<1x16xf32>,
      %get3A_181 = vector.shape_cast %get3A_180 : vector<1x16xf32> to vector<16xf32>
      %add3A_182 = arith.addf %add3A_176, %get3A_181 : vector<16xf32>
      %get3A_183 = arith.constant 29 : i32
      %get3A_184 = arith.index_cast %get3A_183 : i32 to index
      %get3A_185 = arith.index_cast %mul3A_10 : i32 to index
      %get3A_186 = tpu.vector_load %arg7[%get3A_184, %get3A_185] {strides = array<i32>} : memref<32x3200xf32, #tpu.memory_space<vmem>>, vector<1x16xf32>,
      %get3A_187 = vector.shape_cast %get3A_186 : vector<1x16xf32> to vector<16xf32>
      %add3A_188 = arith.addf %add3A_182, %get3A_187 : vector<16xf32>
      %get3A_189 = arith.constant 30 : i32
      %get3A_190 = arith.index_cast %get3A_189 : i32 to index
      %get3A_191 = arith.index_cast %mul3A_10 : i32 to index
      %get3A_192 = tpu.vector_load %arg7[%get3A_190, %get3A_191] {strides = array<i32>} : memref<32x3200xf32, #tpu.memory_space<vmem>>, vector<1x16xf32>,
      %get3A_193 = vector.shape_cast %get3A_192 : vector<1x16xf32> to vector<16xf32>
      %add3A_194 = arith.addf %add3A_188, %get3A_193 : vector<16xf32>
      %get3A_195 = arith.constant 31 : i32
      %get3A_196 = arith.index_cast %get3A_195 : i32 to index
      %get3A_197 = arith.index_cast %mul3A_10 : i32 to index
      %get3A_198 = tpu.vector_load %arg7[%get3A_196, %get3A_197] {strides = array<i32>} : memref<32x3200xf32, #tpu.memory_space<vmem>>, vector<1x16xf32>,
      %get3A_199 = vector.shape_cast %get3A_198 : vector<1x16xf32> to vector<16xf32>
      %add3A_200 = arith.addf %add3A_194, %get3A_199 : vector<16xf32>
      %get3A_201 = arith.index_cast %mul3A_10 : i32 to index
      %get3A_202 = tpu.vector_load %arg8[%get3A_201] {strides = array<i32>} : memref<3200xf32, #tpu.memory_space<vmem>>, vector<16xf32>,
      %get3A_203 = vector.shape_cast %get3A_202 : vector<16xf32> to vector<16xf32>
      %neg3A = arith.constant 0.000000e+00 : f32
      %neg3A_204 = vector.broadcast %neg3A : f32 to vector<16xf32>
      %neg3A_205 = arith.subf %neg3A_204, %add3A_200 : vector<16xf32>
      %exp3A = math.exp %neg3A_205 : vector<16xf32>
      %sub3A = arith.constant 1.000000e+00 : f32
      %sub3A_206 = vector.broadcast %sub3A : f32 to vector<16xf32>
      %sub3A_207 = arith.subf %sub3A_206, %exp3A : vector<16xf32>
      %mul3A_208 = arith.mulf %get3A_203, %sub3A_207 : vector<16xf32>
      %sub3A_209 = arith.constant 1.000000e+00 : f32
      %sub3A_210 = vector.broadcast %sub3A_209 : f32 to vector<16xf32>
      %sub3A_211 = arith.subf %sub3A_210, %mul3A_208 : vector<16xf32>
      %mul3A_212 = arith.mulf %get3A_203, %sub3A_211 : vector<16xf32>
      %swap3A = arith.index_cast %mul3A_10 : i32 to index
      %swap3A_213 = tpu.vector_load %arg9[%swap3A] {strides = array<i32>} : memref<3200xf32, #tpu.memory_space<vmem>>, vector<16xf32>,
      %swap3A_214 = vector.shape_cast %swap3A_213 : vector<16xf32> to vector<16xf32>
      %swap3A_215 = vector.shape_cast %mul3A_208 : vector<16xf32> to vector<16xf32>
      tpu.vector_store %arg9[%swap3A], %swap3A_215 {strides = array<i32>} : memref<3200xf32, #tpu.memory_space<vmem>>, vector<16xf32>,
      %swap3A_216 = arith.index_cast %mul3A_10 : i32 to index
      %swap3A_217 = tpu.vector_load %arg8[%swap3A_216] {strides = array<i32>} : memref<3200xf32, #tpu.memory_space<vmem>>, vector<16xf32>,
      %swap3A_218 = vector.shape_cast %swap3A_217 : vector<16xf32> to vector<16xf32>
      %swap3A_219 = vector.shape_cast %mul3A_212 : vector<16xf32> to vector<16xf32>
      tpu.vector_store %arg8[%swap3A_216], %swap3A_219 {strides = array<i32>} : memref<3200xf32, #tpu.memory_space<vmem>>, vector<16xf32>,
      %sub3A_220 = arith.constant 1.000000e+00 : f32
      %sub3A_221 = vector.broadcast %sub3A_220 : f32 to vector<16xf32>
      %sub3A_222 = arith.subf %sub3A_221, %mul3A_212 : vector<16xf32>
      %swap3A_223 = arith.index_cast %mul3A_10 : i32 to index
      %swap3A_224 = tpu.vector_load %arg10[%swap3A_223] {strides = array<i32>} : memref<3200xf32, #tpu.memory_space<vmem>>, vector<16xf32>,
      %swap3A_225 = vector.shape_cast %swap3A_224 : vector<16xf32> to vector<16xf32>
      %swap3A_226 = vector.shape_cast %sub3A_222 : vector<16xf32> to vector<16xf32>
      tpu.vector_store %arg10[%swap3A_223], %swap3A_226 {strides = array<i32>} : memref<3200xf32, #tpu.memory_space<vmem>>, vector<16xf32>,
    }
    %scan3A_7 = arith.constant 200 : i32
    "tpu.region"() ({
      %run_scoped3A = tpu.sem_alloc : memref<!tpu.dma_semaphore, #tpu.memory_space<semaphore_mem>>
      %dma_start3A = tpu.memref_slice %arg4[%mul3A_2] : memref<102400xf32, #tpu.memory_space<hbm>> -> memref<3200xf32, #tpu.memory_space<hbm>>
      %dma_start3A_8 = tpu.memref_slice %arg4[%mul3A_2] : memref<102400xf32, #tpu.memory_space<hbm>> -> memref<3200xf32, #tpu.memory_space<hbm>>
      tpu.enqueue_dma source(%arg9 : memref<3200xf32, #tpu.memory_space<vmem>>) target(%dma_start3A_8 : memref<3200xf32, #tpu.memory_space<hbm>>) target_semaphore(%run_scoped3A : memref<!tpu.dma_semaphore, #tpu.memory_space<semaphore_mem>>)
      %dma_wait3A = tpu.memref_slice %arg4[%mul3A_2] : memref<102400xf32, #tpu.memory_space<hbm>> -> memref<3200xf32, #tpu.memory_space<hbm>>
      %dma_wait3A_9 = tpu.memref_slice %arg4[%mul3A_2] : memref<102400xf32, #tpu.memory_space<hbm>> -> memref<3200xf32, #tpu.memory_space<hbm>>
      tpu.wait_dma2 semaphore(%run_scoped3A : memref<!tpu.dma_semaphore, #tpu.memory_space<semaphore_mem>>) src(%arg9 : memref<3200xf32, #tpu.memory_space<vmem>>) dst(%dma_wait3A_9 : memref<3200xf32, #tpu.memory_space<hbm>>)
      tpu.yield
    }) : () -> ()
    "tpu.region"() ({
      %run_scoped3A = tpu.sem_alloc : memref<!tpu.dma_semaphore, #tpu.memory_space<semaphore_mem>>
      %dma_start3A = tpu.memref_slice %arg5[%mul3A_2] : memref<102400xf32, #tpu.memory_space<hbm>> -> memref<3200xf32, #tpu.memory_space<hbm>>
      %dma_start3A_8 = tpu.memref_slice %arg5[%mul3A_2] : memref<102400xf32, #tpu.memory_space<hbm>> -> memref<3200xf32, #tpu.memory_space<hbm>>
      tpu.enqueue_dma source(%arg8 : memref<3200xf32, #tpu.memory_space<vmem>>) target(%dma_start3A_8 : memref<3200xf32, #tpu.memory_space<hbm>>) target_semaphore(%run_scoped3A : memref<!tpu.dma_semaphore, #tpu.memory_space<semaphore_mem>>)
      %dma_wait3A = tpu.memref_slice %arg5[%mul3A_2] : memref<102400xf32, #tpu.memory_space<hbm>> -> memref<3200xf32, #tpu.memory_space<hbm>>
      %dma_wait3A_9 = tpu.memref_slice %arg5[%mul3A_2] : memref<102400xf32, #tpu.memory_space<hbm>> -> memref<3200xf32, #tpu.memory_space<hbm>>
      tpu.wait_dma2 semaphore(%run_scoped3A : memref<!tpu.dma_semaphore, #tpu.memory_space<semaphore_mem>>) src(%arg8 : memref<3200xf32, #tpu.memory_space<vmem>>) dst(%dma_wait3A_9 : memref<3200xf32, #tpu.memory_space<hbm>>)
      tpu.yield
    }) : () -> ()
    "tpu.region"() ({
      %run_scoped3A = tpu.sem_alloc : memref<!tpu.dma_semaphore, #tpu.memory_space<semaphore_mem>>
      %dma_start3A = tpu.memref_slice %arg6[%mul3A_2] : memref<102400xf32, #tpu.memory_space<hbm>> -> memref<3200xf32, #tpu.memory_space<hbm>>
      %dma_start3A_8 = tpu.memref_slice %arg6[%mul3A_2] : memref<102400xf32, #tpu.memory_space<hbm>> -> memref<3200xf32, #tpu.memory_space<hbm>>
      tpu.enqueue_dma source(%arg10 : memref<3200xf32, #tpu.memory_space<vmem>>) target(%dma_start3A_8 : memref<3200xf32, #tpu.memory_space<hbm>>) target_semaphore(%run_scoped3A : memref<!tpu.dma_semaphore, #tpu.memory_space<semaphore_mem>>)
      %dma_wait3A = tpu.memref_slice %arg6[%mul3A_2] : memref<102400xf32, #tpu.memory_space<hbm>> -> memref<3200xf32, #tpu.memory_space<hbm>>
      %dma_wait3A_9 = tpu.memref_slice %arg6[%mul3A_2] : memref<102400xf32, #tpu.memory_space<hbm>> -> memref<3200xf32, #tpu.memory_space<hbm>>
      tpu.wait_dma2 semaphore(%run_scoped3A : memref<!tpu.dma_semaphore, #tpu.memory_space<semaphore_mem>>) src(%arg10 : memref<3200xf32, #tpu.memory_space<vmem>>) dst(%dma_wait3A_9 : memref<3200xf32, #tpu.memory_space<hbm>>)
      tpu.yield
    }) : () -> ()
    return
  }
}

</mosaic_0001>

<sc_bundles>
// kernel: icapprox_scatter.11.cloned.1.call-start
scs
__scs_entry_jumppad:
0x0: {  	(pc) =	sbr.rel $0x88, $3  }
0x1: {  	(tag) =	ssettag $0x0;
	lr =	simm.s32 $0x1  }
0x2: {  	[smem:$0x3F9E] =	sst lr;
	_ =	strace $0xD0000000  }
0x3: {  	_ = 	snop  }
0x4: {  	_ = 	snop  }
0x5: {  	_ = 	snop  }
0x6: {  	_ = 	snop  }
0x7: {  	_ = 	snop  }
__scs_overlays_trampoline_lowered:
0x8: {  	[smem:$0x3FAD] =	sst s0  }
0x9: {  	[smem:$0x3FAE] =	sst s1  }
0xa: {  	[smem:$0x3FAF] =	sst s2  }
0xb: {  	[smem:$0x3FB0] =	sst s3  }
0xc: {  	[smem:$0x3FB1] =	sst s4  }
0xd: {  	[smem:$0x3FB2] =	sst s5  }
0xe: {  	[smem:$0x3FB3] =	sst s6  }
0xf: {  	[smem:$0x3FB4] =	sst s7  }
0x10: {  	[smem:$0x3FB5] =	sst s8  }
0x11: {  	[smem:$0x3FB6] =	sst s9;
	s0 =	simm.s32 @!p0 $0x0  }
0x12: {  	s1 =	sld [smem:$0x3F9C];
	s0 =	simm.s32 @p0 $0x1  }
0x13: {  	[smem:$0x3FB7] =	sst s0;
	s0 =	simm.s32 @!p1 $0x0  }
0x14: {  	s2 =	sld [smem:$0x3F9B];
	s0 =	simm.s32 @p1 $0x1  }
0x15: {  	[smem:$0x3FB8] =	sst s0;
	s0 =	simm.s32 @!p2 $0x0  }
0x16: {  	s3 =	sld [smem:$0x3FDB];
	s0 =	simm.s32 @p2 $0x1  }
0x17: {  	s4 =	simm.s32 $0x1BF5;
	[smem:$0x3FBA] =	sst s0  }
0x18: {  	s0 =	sld [smem:$0x3F9D];
	_ =	swait.ge [sflag:s4], $0x0  }
0x19: {  	s7 =	sld [smem:$0x3F9E]  }
0x1a: {  	s8 =	sadd.s32 $0xFFFFE003, lr  }
0x1b: {  	s9 =	sadd.s32 $0xFFFFFEF7, lr;
	s5 =	simm.s32 $0xFFFFFFFF;
	p2 =	slt.u32 s8, $0xFFFFF086  }
0x1c: {  	p1 =	slt.u32 s9, $0xF7A;
	s5 =	simm.s32 @!p2 $0x0  }
0x1d: {  	s5 =	simm.s32 @p1 $0x1;
	p0 =	seq.s32 s7, s2  }
0x1e: {  	s7 =	smul.u32 @!p0 $0xF7A, s2;
	p2 =	seq.s32 @!p0 s5, $0x0  }
0x1f: {  	s9 =	smul.u32 $0xF7A, s1;
	s8 =	simm.s32 @!p0 $0x1BF5;
	p2 =	por !p2, p0  }
0x20: {  	[sflag:s8] =	ssyncset.s32 @!p0 $0xFFFFF086;
	s6 =	sadd.s32 @!p0 s3, s7;
	s7 =	simm.s32 @!p0 $0x108  }
0x21: {  	s3 =	sadd.s32 s3, s9;
	s6 =	sadd.s32 @!p0 $0x88, s6;
	s7 =	simm.s32 @p2 $0x1082  }
0x22: {  	[simem:s7], [sflag:s8] =	dma.local @!p0 [hbm:s6], $0xF7A  }
0x23: {  	s9 =	sor.u32 $0xD0000000, s2;
	s6 =	simm.s32 $0x108;
	_ =	swait.ge @!p0 [sflag:s8], $0x0  }
0x24: {  	s3 =	sadd.s32 $0x88, s3;
	s6 =	simm.s32 @!p1 $0x1082;
	[sflag:s4] =	ssyncset.s32 $0xFFFFF086  }
0x25: {  	[simem:s6], [sflag:s4] =	dma.local [hbm:s3], $0xF7A  }
0x26: {  	[smem:$0x3F9E] =	sst s1;
	(tag) =	ssettag s2;
	_ =	strace s9  }
0x27: {  	s1 =	sld [smem:$0x3FAE]  }
0x28: {  	s2 =	sld [smem:$0x3FAF]  }
0x29: {  	s4 =	sld [smem:$0x3FB1]  }
0x2a: {  	p0 =	seq.s32 s5, $0x0;
	s5 =	sld [smem:$0x3FB2]  }
0x2b: {  	s6 =	sld [smem:$0x3FB3]  }
0x2c: {  	s7 =	sld [smem:$0x3FB4]  }
0x2d: {  	s3 =	simm.s32 $0x108;
	s8 =	sld [smem:$0x3FB5]  }
0x2e: {  	s3 =	simm.s32 @!p0 $0x1082;
	s9 =	sld [smem:$0x3FB6]  }
0x2f: {  	lr =	sadd.s32 s0, s3;
	s0 =	sld [smem:$0x3FAD]  }
0x30: {  	s3 =	sld [smem:$0x3FB0]  }
0x31: {  	[smem:$0x3FB9] =	sst s10  }
0x32: {  	s10 =	sld [smem:$0x3FB7];
	_ =	sdelay $0x3  }
0x33: {  	p0 =	seq.s32 s10, $0x1;
	s10 =	sld [smem:$0x3FB9];
	_ =	sdelay $0x3  }
0x34: {  	[smem:$0x3FB9] =	sst s10  }
0x35: {  	s10 =	sld [smem:$0x3FB8];
	_ =	sdelay $0x3  }
0x36: {  	p1 =	seq.s32 s10, $0x1;
	s10 =	sld [smem:$0x3FB9];
	_ =	sdelay $0x3  }
0x37: {  	[smem:$0x3FB9] =	sst s10  }
0x38: {  	s10 =	sld [smem:$0x3FBA]  }
0x39: {  	_ = 	snop;
	(pc) =	sbr.ind lr, $3  }
0x3a: {  	_ = 	snop  }
0x3b: {  	_ = 	snop  }
0x3c: {  	p2 =	seq.s32 s10, $0x1;
	s10 =	sld [smem:$0x3FB9]  }
0x3d: {  	_ =	shalt  }
0x3e: {  	_ =	shalt  }
0x3f: {  	_ =	shalt  }
0x40: {  	_ =	shalt  }
0x41: {  	_ =	shalt  }
0x42: {  	_ =	shalt  }
0x43: {  	_ =	shalt  }
0x44: {  	_ =	shalt  }
0x45: {  	_ =	shalt  }
0x46: {  	_ =	shalt  }
0x47: {  	_ =	shalt  }
0x48: {  	_ =	shalt  }
0x49: {  	_ =	shalt  }
0x4a: {  	_ =	shalt  }
0x4b: {  	_ =	shalt  }
0x4c: {  	_ =	shalt  }
0x4d: {  	_ =	shalt  }
0x4e: {  	_ =	shalt  }
0x4f: {  	_ =	shalt  }
0x50: {  	_ =	shalt  }
0x51: {  	_ =	shalt  }
0x52: {  	_ =	shalt  }
0x53: {  	_ =	shalt  }
0x54: {  	_ =	shalt  }
0x55: {  	_ =	shalt  }
0x56: {  	_ =	shalt  }
0x57: {  	_ =	shalt  }
0x58: {  	_ =	shalt  }
0x59: {  	_ =	shalt  }
0x5a: {  	_ =	shalt  }
0x5b: {  	_ =	shalt  }
0x5c: {  	_ =	shalt  }
0x5d: {  	_ =	shalt  }
0x5e: {  	_ =	shalt  }
0x5f: {  	_ =	shalt  }
0x60: {  	_ =	shalt  }
0x61: {  	_ =	shalt  }
0x62: {  	_ =	shalt  }
0x63: {  	_ =	shalt  }
0x64: {  	_ =	shalt  }
0x65: {  	_ =	shalt  }
0x66: {  	_ =	shalt  }
0x67: {  	_ =	shalt  }
0x68: {  	_ =	shalt  }
0x69: {  	_ =	shalt  }
0x6a: {  	_ =	shalt  }
0x6b: {  	_ =	shalt  }
0x6c: {  	_ =	shalt  }
0x6d: {  	_ =	shalt  }
0x6e: {  	_ =	shalt  }
0x6f: {  	_ =	shalt  }
0x70: {  	_ =	shalt  }
0x71: {  	_ =	shalt  }
0x72: {  	_ =	shalt  }
0x73: {  	_ =	shalt  }
0x74: {  	_ =	shalt  }
0x75: {  	_ =	shalt  }
0x76: {  	_ =	shalt  }
0x77: {  	_ =	shalt  }
0x78: {  	_ =	shalt  }
0x79: {  	_ =	shalt  }
0x7a: {  	_ =	shalt  }
0x7b: {  	_ =	shalt  }
0x7c: {  	_ =	shalt  }
0x7d: {  	_ =	shalt  }
0x7e: {  	_ =	shalt  }
0x7f: {  	_ =	shalt  }
0x80: {  	_ =	shalt  }
0x81: {  	_ =	shalt  }
0x82: {  	_ =	shalt  }
0x83: {  	_ =	shalt  }
0x84: {  	_ =	shalt  }
0x85: {  	_ =	shalt  }
0x86: {  	_ =	shalt  }
0x87: {  	_ =	shalt  }
.Lfunc_end0:
.L_simem_size_0:
called_computation.4_lowered:
.L_overlay_start_0:
0x88: {  	s2 =	sld [smem:$0x3FD9]  }
0x89: {  	s3 =	sld [smem:$0x3FFE];
	_ =	sdelay $0x1  }
0x8a: {  	s1 =	srdreg.scid  }
0x8b: {  	s0 =	sand.u32 $0x1, s1  }
0x8c: {  	s16 =	sshll.u32 s0, $0xA;
	s2 =	sadd.s32 s3, s2  }
0x8d: {  	s2 =	sadd.s32 s2, s16  }
0x8e: {  	[smem:$0x3FC5] =	sst s2  }
0x8f: {  	_ = 	snop  }
0x90: {  	(tm) =	ssettm $0x1  }
0x91: {  	s17 =	sld [smem:$0x3FFB];
	_ =	sdelay $0x3  }
0x92: {  	_ =	strace s17  }
0x93: {  	s2 =	sld [smem:$0x3FFC];
	_ =	sdelay $0x3  }
0x94: {  	_ =	strace s2  }
0x95: {  	s2 =	sld [smem:$0x3FFD];
	_ =	sdelay $0x3  }
0x96: {  	_ =	strace s2  }
0x97: {  	_ =	strace $0x8FFFFFFF  }
0x98: {  	s18 =	sld [smem:$0x3FDB];
	_ =	sdelay $0x1  }
0x99: {  	s19 =	simm.s32 $_scs_section_size  }
0x9a: {  	s4 =	simm.s32 $_size__tile_overlayer_lowered;
	s5 =	simm.s32 $_tile_overlayer_lowered  }
0x9b: {  	s22 =	simm.s32 $0x1BFF;
	s21 =	sshll.u32 s5, $0x1;
	s2 =	sadd.s32 s19, s18  }
0x9c: {  	s6 =	simm.s32 $0x0;
	s20 =	sshll.u32 s4, $0x1;
	s4 =	sadd.s32 s21, s2  }
0x9d: {  	[timem:s6], [sflag:s22] =	dma.local [hbm:s4], s20  }
0x9e: {  	_ =	swait.ge [sflag:s22], s20  }
0x9f: {  	s3 =	ssub.s32 $0x0, s20;
	[sflag:s22] =	ssyncset.done $0x0  }
0xa0: {  	[sflag:s22] =	ssyncadd.s32 s3;
	_ =	sdelay $0x1  }
0xa1: {  	s23 =	simm.s32 $0x1B8B  }
0xa2: {  	_ =	swait.ge [sflag:s23], $0x1  }
0xa3: {  	[sflag:s23] =	ssyncset.done $0x0  }
0xa4: {  	s25 =	simm.s32 $0x1B8E;
	s24 =	sld [smem:$0x3FFE];
	[sflag:s23] =	ssyncadd.s32 $0xFFFFFFFF  }
0xa5: {  	s26 =	simm.s32 $execute0_lowered;
	[smem:$0x3FD2] =	sst s25  }
0xa6: {  	s4 =	sshll.u32 s26, $0x1;
	_ =	strace $0x80000052;
	[dreg:$0x1] =	wrdreg $0xFFFFFFFF  }
0xa7: {  	s28 =	simm.s32 $_size_execute0_lowered;
	s2 =	sadd.s32 s2, s4;
	[dreg:$0x0] =	wrdreg $0x0  }
0xa8: {  	s4 =	sshll.u32 s28, $0x1;
	[dreg:$0x2] =	wrdreg s2  }
0xa9: {  	[dreg:$0x3] =	wrdreg s4  }
0xaa: {  	[dreg:$0x4] =	wrdreg $0xC0  }
0xab: {  	_ =	task [dreg:s6], $0x5FFFF  }
0xac: {  	[dreg:$0x1] =	wrdreg $0xFFFFFFFF  }
0xad: {  	[dreg:$0x0] =	wrdreg $0x60  }
0xae: {  	[dreg:$0x2] =	wrdreg s24  }
0xaf: {  	[dreg:$0x3] =	wrdreg $0x1D0000  }
0xb0: {  	[dreg:$0x4] =	wrdreg $0x9  }
0xb1: {  	_ =	task.clear_ibuf [dreg:s6], $0x5FFFF;
	_ =	strace $0x90000052  }
0xb2: {  	s29 =	simm.s32 $0x9;
	_ =	strace $0x80000054  }
0xb3: {  	_ =	swait.ge [sflag:s29], $0x1  }
0xb4: {  	[sflag:s29] =	ssyncadd.s32 $0xFFFFFFFF  }
0xb5: {  	_ =	strace $0x90000054  }
0xb6: {  	_ =	sfence  }
0xb7: {  	s30 =	sld [smem:$0x0];
	_ =	sdelay $0x2  }
0xb8: {  	s31 =	sshll.u32 s1, $0xD;
	s1 =	sshrl.u32 s1, $0x2  }
0xb9: {  	s3 =	sand.u32 $0x4000, s31;
	s1 =	sadd.s32 s1, s30  }
0xba: {  	s0 =	sor.u32 s3, s0;
	s1 =	sshll.u32 s1, $0x11  }
0xbb: {  	s0 =	sor.u32 s1, s0  }
0xbc: {  	s0 =	sadd.s32 $0x8F2B, s0  }
0xbd: {  	[sflag:s0] =	ssyncadd.remote.s32 $0x1  }
0xbe: {  	_ =	sfence.sel $0xFFFF  }
0xbf: {  	[dreg:$0x0] =	wrdreg $0xFFFFFFFF;
	(pc) =	sbr.abs _section_cstart, $3  }
0xc0: {  	[dreg:$0x1] =	wrdreg $0xFFFFFFFF  }
0xc1: {  	_ =	task.clear_ibuf [dreg:s6], $0x2FFFF;
	_ =	strace $0x9FFFFFFF  }
0xc2: {  	(tm) =	ssettm $0x7FFFFFFF  }
0xc3: {  	_ =	shalt  }
tec
execute0_lowered:
.L_overlay_start_1:
0x0: {  	(tag) =	ssettag $0x1  }
0x1: {  	s0 =	rddreg [dreg:$0x0]  }
0x2: {  	s2 =	rddreg [dreg:$0x1];
	s3 =	simm.s32 $0x0  }
0x3: {  	s12 =	stileid.u32;
	s1 =	srdreg.scid;
	s29 =	simm.s32 $0x400  }
0x4: {  	s31 =	simm.s32 $0xC00;
	s30 =	simm.s32 $0x2;
	[smem:$0x7FF] =	sst s3  }
0x5: {  	s7 =	smul.u32 $0x1900, s12;
	s1 =	sand.u32 $0x1, s1;
	s4 =	sshll.u32 s12, $0x1  }
0x6: {  	s13 =	sshrl.u32 s12, $0x2;
	s15 =	sshll.u32 s12, $0x6;
	s12 =	simm.s32 $0x6  }
0x7: {  	_ =	strace $0x80000053;
	s6 =	sor.u32 s1, s4;
	s8 =	smul.u32 $0xC8000, s13  }
0x8: {  	s4 =	sadd.s32 $0xC6000, s0;
	s1 =	ssub.s32 $0x2, s1;
	s13 =	simm.s32 $0x4  }
0x9: {  	s5 =	sshrl.u32 s7, $0x3;
	s9 =	sshll.u32 s6, $0x7;
	s14 =	sshrl.u32 s1, $0x1  }
0xa: {  	s11 =	smul.u32 $0x31000, s6;
	s6 =	sadd.s32 $0x24E000, s0;
	s7 =	sadd.s32 s7, s2  }
0xb: {  	s10 =	sadd.s32 s5, s0;
	s9 =	sand.u32 $0x380, s9;
	s5 =	sadd.s32 $0x18A000, s0  }
0xc: {  	s1 =	ssub.s32 s1, s14;
	s28 =	sshrl.u32 s7, $0x3;
	s7 =	simm.s32 $0x3400  }
0xd: {  	s14 =	simm.s32 $0x3C00;
	s8 =	sor.u32 s8, s9;
	s16 =	sshrl.u32 s11, $0x3  }
0xe: {  	s10 =	sadd.s32 $0x69C00, s10;
	s26 =	smax.u32 s1, $0x1;
	[dreg:$0x10] =	wrdreg s28  }
0xf: {  	s1 =	simm.s32 $0x2C00;
	s8 =	sshrl.u32 s8, $0x3;
	[dreg:$0x3] =	wrdreg s10  }
0x10: {  	s17 =	sadd.s32 s4, s16;
	s18 =	sadd.s32 s6, s16;
	[dreg:$0xf] =	wrdreg s26  }
0x11: {  	s19 =	sadd.s32 s5, s16;
	s20 =	sor.u32 $0x80, s16;
	[dreg:$0x5] =	wrdreg s17  }
0x12: {  	s9 =	sor.u32 $0x100, s16;
	s26 =	simm.s32 $0x1C00;
	[dreg:$0x6] =	wrdreg s18  }
0x13: {  	s0 =	sadd.s32 s8, s0;
	s8 =	sor.u32 $0x1C09, s15;
	[dreg:$0x7] =	wrdreg s19  }
0x14: {  	s10 =	simm.s32 $0x3;
	s21 =	sadd.s32 s4, s20;
	[dreg:$0x4] =	wrdreg s8  }
0x15: {  	s16 =	simm.s32 $0x8;
	s22 =	sadd.s32 s6, s20;
	[dreg:$0x8] =	wrdreg s21  }
0x16: {  	s23 =	sadd.s32 s4, s9;
	s24 =	sadd.s32 s6, s9;
	[dreg:$0x9] =	wrdreg s22  }
0x17: {  	s25 =	sadd.s32 s5, s9;
	s18 =	sor.u32 $0xC00, s11;
	[dreg:$0xb] =	wrdreg s23  }
0x18: {  	s19 =	sadd.s32 $0x1000, s11;
	s9 =	simm.s32 $0x4000;
	[dreg:$0xc] =	wrdreg s24  }
0x19: {  	s15 =	simm.s32 $0x7;
	s8 =	sadd.s32 s5, s20;
	[dreg:$0xd] =	wrdreg s25  }
0x1a: {  	s20 =	sadd.s32 $0x1400, s11;
	s21 =	sadd.s32 $0x1800, s11;
	s0 =	sadd.s32 $0x2A00, s0  }
0x1b: {  	s11 =	simm.s32 $0x3800;
	s23 =	simm.s32 $0x0;
	[dreg:$0xa] =	wrdreg s8  }
0x1c: {  	v0 =	vimm.f32 $0.0e+00;
	[dreg:$0xe] =	wrdreg s0;
	s0 =	simm.s32 $0x800;
	s8 =	simm.s32 $0x5  }
.LBB2_1:
0x1d: {  	[dreg:$0x11] =	wrdreg s23  }
0x1e: {  	s17 =	rddreg [dreg:$0x3]  }
0x1f: {  	s22 =	rddreg [dreg:$0x4]  }
0x20: {  	s28 =	rddreg [dreg:$0x10]  }
0x21: {  	[spmem:s28], [sflag:s22] =	dma.local [hbm:s17], $0x320  }
0x22: {  	s17 =	simm.s32 $0x4040  }
0x23: {  	[tilespmem:s17+$0xFFFFFFC0] =	vst v0  }
0x24: {  	[tilespmem:s17+$0x30] =	vst v0  }
0x25: {  	[tilespmem:s17+$0x20] =	vst v0  }
0x26: {  	[tilespmem:s17+$0x10] =	vst v0  }
0x27: {  	[tilespmem:s17+$0x0] =	vst v0  }
0x28: {  	[tilespmem:s17+$0xFFFFFFF0] =	vst v0  }
0x29: {  	s22 =	simm.s32 $0x0;
	[tilespmem:s17+$0xFFFFFFE0] =	vst v0  }
.LBB2_2:
0x2a: {  	s22 =	sadd.s32 $0x8, s22;
	[tilespmem:s17+$0xFFFFFFD0] =	vst v0;
	s17 =	sadd.s32 $0x80, s17  }
0x2b: {  	[tilespmem:s17+$0xFFFFFFC0] =	vst v0;
	p0 =	slt.u32 s22, $0x18F8  }
0x2c: {  	[tilespmem:s17+$0x30] =	vst v0  }
.Ltmp0:
0x2d: {  	[tilespmem:s17+$0x20] =	vst v0;
	(pc) =	sbr.rel @p0 .LBB2_2-.Ltmp0, $4  }
0x2e: {  	[tilespmem:s17+$0x10] =	vst v0  }
0x2f: {  	[tilespmem:s17+$0x0] =	vst v0  }
0x30: {  	[tilespmem:s17+$0xFFFFFFF0] =	vst v0  }
0x31: {  	[tilespmem:s17+$0xFFFFFFE0] =	vst v0  }
0x32: {  	[tilespmem:s17+$0xFFFFFFD0] =	vst v0;
	s24 =	simm.s32 $0x9  }
0x33: {  	_ =	swait.ge [sflag:s24], $0x320  }
0x34: {  	[sflag:s24] =	ssyncset.done $0x0  }
0x35: {  	[sflag:s24] =	ssyncadd.s32 $0xFFFFFCE0  }
0x36: {  	[bflag:$0x0] =	sbarrier.arrive $0xFFFF  }
0x37: {  	s23 =	simm.s32 $0x0;
	s25 =	rddreg [dreg:$0x5]  }
0x38: {  	[tilespmem:s23], [sflag:$0x1] =	stream.linear.gather [hbm4b:s25+s23], $0x400, $0x38;
	[tilespmem:$0x1E900] =	vst v63  }
0x39: {  	s22 =	simm.s32 $0x2000;
	s28 =	rddreg [dreg:$0x6]  }
0x3a: {  	[tilespmem:s22], [sflag:$0x1] =	stream.linear.gather [hbm4b:s28+s23], $0x400, $0x38;
	[tilespmem:$0x1E900] =	vst v63  }
0x3b: {  	s24 =	rddreg [dreg:$0x7];
	s25 =	simm.s32 $0x1000  }
0x3c: {  	[tilespmem:s25], [sflag:$0x1] =	stream.linear.gather [hbm4b:s24+s23], $0x400, $0x38;
	[tilespmem:$0x1E900] =	vst v63  }
0x3d: {  	s28 =	rddreg [dreg:$0x8]  }
0x3e: {  	[tilespmem:s29], [sflag:$0x2] =	stream.linear.gather [hbm4b:s28+s23], $0x400, $0x38;
	[tilespmem:$0x1E900] =	vst v63  }
0x3f: {  	s22 =	rddreg [dreg:$0x9];
	s24 =	simm.s32 $0x2400  }
0x40: {  	[tilespmem:s24], [sflag:$0x2] =	stream.linear.gather [hbm4b:s22+s23], $0x400, $0x38;
	[tilespmem:$0x1E900] =	vst v63  }
0x41: {  	s25 =	rddreg [dreg:$0xa];
	s28 =	simm.s32 $0x1400  }
0x42: {  	[tilespmem:s28], [sflag:$0x2] =	stream.linear.gather [hbm4b:s25+s23], $0x400, $0x38;
	[tilespmem:$0x1E900] =	vst v63  }
0x43: {  	s24 =	rddreg [dreg:$0xb]  }
0x44: {  	[tilespmem:s0], [sflag:$0x3] =	stream.linear.gather [hbm4b:s24+s23], $0x400, $0x38;
	[tilespmem:$0x1E900] =	vst v63  }
0x45: {  	s25 =	rddreg [dreg:$0xc];
	s28 =	simm.s32 $0x2800  }
0x46: {  	[tilespmem:s28], [sflag:$0x3] =	stream.linear.gather [hbm4b:s25+s23], $0x400, $0x38;
	[tilespmem:$0x1E900] =	vst v63  }
0x47: {  	s22 =	rddreg [dreg:$0xd];
	s24 =	simm.s32 $0x1800;
	s25 =	simm.s32 $0x1  }
0x48: {  	[tilespmem:s24], [sflag:$0x3] =	stream.linear.gather [hbm4b:s22+s23], $0x400, $0x38;
	[tilespmem:$0x1E900] =	vst v63  }
0x49: {  	_ =	swait.ge [sflag:s25], $0x400  }
0x4a: {  	[sflag:s25] =	ssyncset.done $0x0  }
0x4b: {  	[sflag:s25] =	ssyncadd.s32 $0xFFFFFC00  }
0x4c: {  	_ =	swait.ge [sflag:s25], $0x400  }
0x4d: {  	[sflag:s25] =	ssyncset.done $0x0  }
0x4e: {  	[sflag:s25] =	ssyncadd.s32 $0xFFFFFC00  }
0x4f: {  	_ =	swait.ge [sflag:s25], $0x400  }
0x50: {  	[sflag:s25] =	ssyncset.done $0x0  }
0x51: {  	s28 =	simm.s32 $0x3000;
	[sflag:s25] =	ssyncadd.s32 $0xFFFFFC00  }
0x52: {  	[tilespmem:s28], [sflag:$0x5] =	stream.indirect.gather [spmem:s2], $0x1, s23, s29, $0xb8;
	[tilespmem:$0x1E900] =	vst v63  }
.LBB2_4:
0x53: {  	s24 =	sshll.u32 s23, $0xC  }
0x54: {  	s17 =	sadd.s32 s24, s18  }
0x55: {  	s17 =	sshrl.u32 s17, $0x3  }
0x56: {  	s22 =	sadd.s32 s4, s17  }
0x57: {  	[tilespmem:s31], [sflag:$0x4] =	stream.linear.gather [hbm4b:s22+s3], $0x400, $0x38;
	[tilespmem:$0x1E900] =	vst v63  }
0x58: {  	s25 =	sadd.s32 s6, s17  }
0x59: {  	[tilespmem:s1], [sflag:$0x4] =	stream.linear.gather [hbm4b:s25+s3], $0x400, $0x38;
	[tilespmem:$0x1E900] =	vst v63  }
0x5a: {  	s17 =	sadd.s32 s5, s17  }
0x5b: {  	[tilespmem:s26], [sflag:$0x4] =	stream.linear.gather [hbm4b:s17+s3], $0x400, $0x38;
	[tilespmem:$0x1E900] =	vst v63  }
0x5c: {  	_ =	swait.ge [sflag:s30], $0x400  }
0x5d: {  	[sflag:s30] =	ssyncset.done $0x0  }
0x5e: {  	[sflag:s30] =	ssyncadd.s32 $0xFFFFFC00  }
0x5f: {  	_ =	swait.ge [sflag:s30], $0x400  }
0x60: {  	[sflag:s30] =	ssyncset.done $0x0  }
0x61: {  	[sflag:s30] =	ssyncadd.s32 $0xFFFFFC00  }
0x62: {  	_ =	swait.ge [sflag:s30], $0x400  }
0x63: {  	[sflag:s30] =	ssyncset.done $0x0  }
0x64: {  	[sflag:s30] =	ssyncadd.s32 $0xFFFFFC00  }
0x65: {  	[tilespmem:s7], [sflag:$0x6] =	stream.indirect.gather [spmem:s2], $0x1, s29, s29, $0xb8;
	[tilespmem:$0x1E900] =	vst v63  }
0x66: {  	_ =	swait.ge [sflag:s8], $0x400  }
0x67: {  	[sflag:s8] =	ssyncset.done $0x0  }
0x68: {  	s22 =	simm.s32 $0x1020;
	[sflag:s8] =	ssyncadd.s32 $0xFFFFFC00  }
0x69: {  	s25 =	simm.s32 $0x2020;
	v1 =	vld [tilespmem:s22+$0xFFFFFFE0]  }
0x6a: {  	s17 =	simm.s32 $0x3020;
	v2 =	vld [tilespmem:s25+$0xFFFFFFE0]  }
0x6b: {  	v3 =	vld [tilespmem:s17+$0xFFFFFFE0];
	_ =	sdelay $0x4  }
0x6c: {  	v2 =	vmul.f32 v2, v3;
	_ =	sdelay $0x1  }
0x6d: {  	[tilespmem:v1+s9+$0x0] =	vst.idx.add.f32.msk $0xffff, v2  }
0x6e: {  	v1 =	vld [tilespmem:s17+$0xFFFFFFF0]  }
0x6f: {  	v2 =	vld [tilespmem:s22+$0xFFFFFFF0]  }
0x70: {  	v3 =	vld [tilespmem:s25+$0xFFFFFFF0];
	_ =	sdelay $0x4  }
0x71: {  	v1 =	vmul.f32 v3, v1;
	_ =	sdelay $0x1  }
0x72: {  	[tilespmem:v2+s9+$0x0] =	vst.idx.add.f32.msk $0xffff, v1  }
0x73: {  	v1 =	vld [tilespmem:s22+$0x0]  }
0x74: {  	v2 =	vld [tilespmem:s25+$0x0]  }
0x75: {  	v3 =	vld [tilespmem:s17+$0x0];
	_ =	sdelay $0x4  }
0x76: {  	v2 =	vmul.f32 v2, v3;
	_ =	sdelay $0x1  }
0x77: {  	[tilespmem:v1+s9+$0x0] =	vst.idx.add.f32.msk $0xffff, v2  }
0x78: {  	v1 =	vld [tilespmem:s22+$0x10]  }
0x79: {  	v2 =	vld [tilespmem:s17+$0x10]  }
0x7a: {  	v3 =	vld [tilespmem:s25+$0x10];
	_ =	sdelay $0x2  }
0x7b: {  	s28 =	simm.s32 $0x0;
	s22 =	simm.s32 $0x1060  }
.LBB2_5:
0x7c: {  	s28 =	sadd.s32 $0x4, s28;
	s25 =	sadd.s32 $0x40, s25;
	s17 =	sadd.s32 $0x40, s17  }
0x7d: {  	p0 =	slt.u32 s28, $0x3C;
	v2 =	vmul.f32 v3, v2;
	_ =	sdelay $0x1  }
0x7e: {  	[tilespmem:v1+s9+$0x0] =	vst.idx.add.f32.msk $0xffff, v2  }
0x7f: {  	v1 =	vld [tilespmem:s22+$0xFFFFFFE0]  }
0x80: {  	v2 =	vld [tilespmem:s25+$0xFFFFFFE0]  }
0x81: {  	v3 =	vld [tilespmem:s17+$0xFFFFFFE0];
	_ =	sdelay $0x4  }
0x82: {  	v2 =	vmul.f32 v2, v3;
	_ =	sdelay $0x1  }
0x83: {  	[tilespmem:v1+s9+$0x0] =	vst.idx.add.f32.msk $0xffff, v2  }
0x84: {  	v1 =	vld [tilespmem:s17+$0xFFFFFFF0]  }
0x85: {  	v2 =	vld [tilespmem:s22+$0xFFFFFFF0]  }
0x86: {  	v3 =	vld [tilespmem:s25+$0xFFFFFFF0];
	_ =	sdelay $0x4  }
0x87: {  	v1 =	vmul.f32 v3, v1;
	_ =	sdelay $0x1  }
0x88: {  	[tilespmem:v2+s9+$0x0] =	vst.idx.add.f32.msk $0xffff, v1  }
0x89: {  	v1 =	vld [tilespmem:s22+$0x0]  }
0x8a: {  	v2 =	vld [tilespmem:s25+$0x0]  }
0x8b: {  	v3 =	vld [tilespmem:s17+$0x0];
	_ =	sdelay $0x4  }
0x8c: {  	v2 =	vmul.f32 v2, v3;
	_ =	sdelay $0x1  }
0x8d: {  	[tilespmem:v1+s9+$0x0] =	vst.idx.add.f32.msk $0xffff, v2  }
0x8e: {  	v1 =	vld [tilespmem:s22+$0x10]  }
.Ltmp1:
0x8f: {  	v2 =	vld [tilespmem:s17+$0x10];
	(pc) =	sbr.rel @p0 .LBB2_5-.Ltmp1, $2  }
0x90: {  	v3 =	vld [tilespmem:s25+$0x10];
	_ =	sdelay $0x2  }
0x91: {  	s22 =	sadd.s32 $0x40, s22  }
0x92: {  	_ = 	snop  }
0x93: {  	p0 =	seq.s32 s23, $0x30  }
0x94: {  	v2 =	vmul.f32 v3, v2;
	s17 =	sadd.s32 @!p0 s24, s19  }
0x95: {  	s17 =	sshrl.u32 @!p0 s17, $0x3  }
0x96: {  	s25 =	simm.s32 @!p0 $0x0;
	[tilespmem:v1+s9+$0x0] =	vst.idx.add.f32.msk $0xffff, v2;
	s22 =	sadd.s32 @!p0 s4, s17  }
0x97: {  	[tilespmem:s25], [sflag:$0x1] =	stream.linear.gather @!p0 [hbm4b:s22+s25], $0x400, $0x38;
	[tilespmem:$0x1E900] =	vst v63  }
0x98: {  	s28 =	simm.s32 @!p0 $0x2000;
	s22 =	sadd.s32 @!p0 s6, s17  }
0x99: {  	[tilespmem:s28], [sflag:$0x1] =	stream.linear.gather @!p0 [hbm4b:s22+s25], $0x400, $0x38;
	[tilespmem:$0x1E900] =	vst v63  }
0x9a: {  	s17 =	sadd.s32 @!p0 s5, s17;
	s22 =	simm.s32 @!p0 $0x1000  }
0x9b: {  	[tilespmem:s22], [sflag:$0x1] =	stream.linear.gather @!p0 [hbm4b:s17+s25], $0x400, $0x38;
	[tilespmem:$0x1E900] =	vst v63  }
0x9c: {  	_ =	swait.ge [sflag:s10], $0x400  }
0x9d: {  	[sflag:s10] =	ssyncset.done $0x0  }
0x9e: {  	[sflag:s10] =	ssyncadd.s32 $0xFFFFFC00  }
0x9f: {  	_ =	swait.ge [sflag:s10], $0x400  }
0xa0: {  	[sflag:s10] =	ssyncset.done $0x0  }
0xa1: {  	[sflag:s10] =	ssyncadd.s32 $0xFFFFFC00  }
0xa2: {  	_ =	swait.ge [sflag:s10], $0x400  }
0xa3: {  	[sflag:s10] =	ssyncset.done $0x0  }
0xa4: {  	[sflag:s10] =	ssyncadd.s32 $0xFFFFFC00  }
0xa5: {  	[tilespmem:s11], [sflag:$0x7] =	stream.indirect.gather [spmem:s2], $0x1, s0, s29, $0xb8;
	[tilespmem:$0x1E900] =	vst v63  }
0xa6: {  	_ =	swait.ge [sflag:s12], $0x400  }
0xa7: {  	[sflag:s12] =	ssyncset.done $0x0  }
0xa8: {  	s22 =	simm.s32 $0x1420;
	[sflag:s12] =	ssyncadd.s32 $0xFFFFFC00  }
0xa9: {  	s25 =	simm.s32 $0x2420;
	v1 =	vld [tilespmem:s22+$0xFFFFFFE0]  }
0xaa: {  	s17 =	simm.s32 $0x3420;
	v2 =	vld [tilespmem:s25+$0xFFFFFFE0]  }
0xab: {  	v3 =	vld [tilespmem:s17+$0xFFFFFFE0];
	_ =	sdelay $0x4  }
0xac: {  	v2 =	vmul.f32 v2, v3;
	_ =	sdelay $0x1  }
0xad: {  	[tilespmem:v1+s9+$0x0] =	vst.idx.add.f32.msk $0xffff, v2  }
0xae: {  	v1 =	vld [tilespmem:s17+$0xFFFFFFF0]  }
0xaf: {  	v2 =	vld [tilespmem:s22+$0xFFFFFFF0]  }
0xb0: {  	v3 =	vld [tilespmem:s25+$0xFFFFFFF0];
	_ =	sdelay $0x4  }
0xb1: {  	v1 =	vmul.f32 v3, v1;
	_ =	sdelay $0x1  }
0xb2: {  	[tilespmem:v2+s9+$0x0] =	vst.idx.add.f32.msk $0xffff, v1  }
0xb3: {  	v1 =	vld [tilespmem:s22+$0x0]  }
0xb4: {  	v2 =	vld [tilespmem:s25+$0x0]  }
0xb5: {  	v3 =	vld [tilespmem:s17+$0x0];
	_ =	sdelay $0x4  }
0xb6: {  	v2 =	vmul.f32 v2, v3;
	_ =	sdelay $0x1  }
0xb7: {  	[tilespmem:v1+s9+$0x0] =	vst.idx.add.f32.msk $0xffff, v2  }
0xb8: {  	v1 =	vld [tilespmem:s22+$0x10]  }
0xb9: {  	v2 =	vld [tilespmem:s17+$0x10]  }
0xba: {  	v3 =	vld [tilespmem:s25+$0x10];
	_ =	sdelay $0x2  }
0xbb: {  	s28 =	simm.s32 $0x0;
	s22 =	simm.s32 $0x1460  }
.LBB2_7:
0xbc: {  	s28 =	sadd.s32 $0x4, s28;
	s25 =	sadd.s32 $0x40, s25;
	s17 =	sadd.s32 $0x40, s17  }
0xbd: {  	p1 =	slt.u32 s28, $0x3C;
	v2 =	vmul.f32 v3, v2;
	_ =	sdelay $0x1  }
0xbe: {  	[tilespmem:v1+s9+$0x0] =	vst.idx.add.f32.msk $0xffff, v2  }
0xbf: {  	v1 =	vld [tilespmem:s22+$0xFFFFFFE0]  }
0xc0: {  	v2 =	vld [tilespmem:s25+$0xFFFFFFE0]  }
0xc1: {  	v3 =	vld [tilespmem:s17+$0xFFFFFFE0];
	_ =	sdelay $0x4  }
0xc2: {  	v2 =	vmul.f32 v2, v3;
	_ =	sdelay $0x1  }
0xc3: {  	[tilespmem:v1+s9+$0x0] =	vst.idx.add.f32.msk $0xffff, v2  }
0xc4: {  	v1 =	vld [tilespmem:s17+$0xFFFFFFF0]  }
0xc5: {  	v2 =	vld [tilespmem:s22+$0xFFFFFFF0]  }
0xc6: {  	v3 =	vld [tilespmem:s25+$0xFFFFFFF0];
	_ =	sdelay $0x4  }
0xc7: {  	v1 =	vmul.f32 v3, v1;
	_ =	sdelay $0x1  }
0xc8: {  	[tilespmem:v2+s9+$0x0] =	vst.idx.add.f32.msk $0xffff, v1  }
0xc9: {  	v1 =	vld [tilespmem:s22+$0x0]  }
0xca: {  	v2 =	vld [tilespmem:s25+$0x0]  }
0xcb: {  	v3 =	vld [tilespmem:s17+$0x0];
	_ =	sdelay $0x4  }
0xcc: {  	v2 =	vmul.f32 v2, v3;
	_ =	sdelay $0x1  }
0xcd: {  	[tilespmem:v1+s9+$0x0] =	vst.idx.add.f32.msk $0xffff, v2  }
0xce: {  	v1 =	vld [tilespmem:s22+$0x10]  }
.Ltmp2:
0xcf: {  	v2 =	vld [tilespmem:s17+$0x10];
	(pc) =	sbr.rel @p1 .LBB2_7-.Ltmp2, $2  }
0xd0: {  	v3 =	vld [tilespmem:s25+$0x10];
	_ =	sdelay $0x2  }
0xd1: {  	s22 =	sadd.s32 $0x40, s22  }
0xd2: {  	_ =	sdelay $0x1  }
0xd3: {  	s17 =	sadd.s32 @!p0 s24, s20;
	v2 =	vmul.f32 v3, v2  }
0xd4: {  	s17 =	sshrl.u32 @!p0 s17, $0x3  }
0xd5: {  	s25 =	simm.s32 @!p0 $0x0;
	s28 =	simm.s32 @!p0 $0x400;
	s22 =	sadd.s32 @!p0 s4, s17;
	[tilespmem:v1+s9+$0x0] =	vst.idx.add.f32.msk $0xffff, v2  }
0xd6: {  	[tilespmem:s28], [sflag:$0x2] =	stream.linear.gather @!p0 [hbm4b:s22+s25], $0x400, $0x38;
	[tilespmem:$0x1E900] =	vst v63  }
0xd7: {  	s22 =	sadd.s32 @!p0 s6, s17;
	s28 =	simm.s32 @!p0 $0x2400  }
0xd8: {  	[tilespmem:s28], [sflag:$0x2] =	stream.linear.gather @!p0 [hbm4b:s22+s25], $0x400, $0x38;
	[tilespmem:$0x1E900] =	vst v63  }
0xd9: {  	s17 =	sadd.s32 @!p0 s5, s17;
	s22 =	simm.s32 @!p0 $0x1400  }
0xda: {  	[tilespmem:s22], [sflag:$0x2] =	stream.linear.gather @!p0 [hbm4b:s17+s25], $0x400, $0x38;
	[tilespmem:$0x1E900] =	vst v63  }
0xdb: {  	_ =	swait.ge [sflag:s13], $0x400  }
0xdc: {  	[sflag:s13] =	ssyncset.done $0x0  }
0xdd: {  	[sflag:s13] =	ssyncadd.s32 $0xFFFFFC00  }
0xde: {  	_ =	swait.ge [sflag:s13], $0x400  }
0xdf: {  	[sflag:s13] =	ssyncset.done $0x0  }
0xe0: {  	[sflag:s13] =	ssyncadd.s32 $0xFFFFFC00  }
0xe1: {  	_ =	swait.ge [sflag:s13], $0x400  }
0xe2: {  	[sflag:s13] =	ssyncset.done $0x0  }
0xe3: {  	[sflag:s13] =	ssyncadd.s32 $0xFFFFFC00  }
0xe4: {  	[tilespmem:s14], [sflag:$0x8] =	stream.indirect.gather [spmem:s2], $0x1, s31, s29, $0xb8;
	[tilespmem:$0x1E900] =	vst v63  }
0xe5: {  	_ =	swait.ge [sflag:s15], $0x400  }
0xe6: {  	[sflag:s15] =	ssyncset.done $0x0  }
0xe7: {  	s22 =	simm.s32 $0x1820;
	[sflag:s15] =	ssyncadd.s32 $0xFFFFFC00  }
0xe8: {  	s25 =	simm.s32 $0x2820;
	v1 =	vld [tilespmem:s22+$0xFFFFFFE0]  }
0xe9: {  	s17 =	simm.s32 $0x3820;
	v2 =	vld [tilespmem:s25+$0xFFFFFFE0]  }
0xea: {  	v3 =	vld [tilespmem:s17+$0xFFFFFFE0];
	_ =	sdelay $0x4  }
0xeb: {  	v2 =	vmul.f32 v2, v3;
	_ =	sdelay $0x1  }
0xec: {  	[tilespmem:v1+s9+$0x0] =	vst.idx.add.f32.msk $0xffff, v2  }
0xed: {  	v1 =	vld [tilespmem:s17+$0xFFFFFFF0]  }
0xee: {  	v2 =	vld [tilespmem:s22+$0xFFFFFFF0]  }
0xef: {  	v3 =	vld [tilespmem:s25+$0xFFFFFFF0];
	_ =	sdelay $0x4  }
0xf0: {  	v1 =	vmul.f32 v3, v1;
	_ =	sdelay $0x1  }
0xf1: {  	[tilespmem:v2+s9+$0x0] =	vst.idx.add.f32.msk $0xffff, v1  }
0xf2: {  	v1 =	vld [tilespmem:s22+$0x0]  }
0xf3: {  	v2 =	vld [tilespmem:s25+$0x0]  }
0xf4: {  	v3 =	vld [tilespmem:s17+$0x0];
	_ =	sdelay $0x4  }
0xf5: {  	v2 =	vmul.f32 v2, v3;
	_ =	sdelay $0x1  }
0xf6: {  	[tilespmem:v1+s9+$0x0] =	vst.idx.add.f32.msk $0xffff, v2  }
0xf7: {  	v1 =	vld [tilespmem:s22+$0x10]  }
0xf8: {  	v2 =	vld [tilespmem:s17+$0x10]  }
0xf9: {  	v3 =	vld [tilespmem:s25+$0x10];
	_ =	sdelay $0x2  }
0xfa: {  	s28 =	simm.s32 $0x0;
	s22 =	simm.s32 $0x1860  }
.LBB2_9:
0xfb: {  	s28 =	sadd.s32 $0x4, s28;
	s25 =	sadd.s32 $0x40, s25;
	s17 =	sadd.s32 $0x40, s17  }
0xfc: {  	p1 =	slt.u32 s28, $0x3C;
	v2 =	vmul.f32 v3, v2;
	_ =	sdelay $0x1  }
0xfd: {  	[tilespmem:v1+s9+$0x0] =	vst.idx.add.f32.msk $0xffff, v2  }
0xfe: {  	v1 =	vld [tilespmem:s22+$0xFFFFFFE0]  }
0xff: {  	v2 =	vld [tilespmem:s25+$0xFFFFFFE0]  }
0x100: {  	v3 =	vld [tilespmem:s17+$0xFFFFFFE0];
	_ =	sdelay $0x4  }
0x101: {  	v2 =	vmul.f32 v2, v3;
	_ =	sdelay $0x1  }
0x102: {  	[tilespmem:v1+s9+$0x0] =	vst.idx.add.f32.msk $0xffff, v2  }
0x103: {  	v1 =	vld [tilespmem:s17+$0xFFFFFFF0]  }
0x104: {  	v2 =	vld [tilespmem:s22+$0xFFFFFFF0]  }
0x105: {  	v3 =	vld [tilespmem:s25+$0xFFFFFFF0];
	_ =	sdelay $0x4  }
0x106: {  	v1 =	vmul.f32 v3, v1;
	_ =	sdelay $0x1  }
0x107: {  	[tilespmem:v2+s9+$0x0] =	vst.idx.add.f32.msk $0xffff, v1  }
0x108: {  	v1 =	vld [tilespmem:s22+$0x0]  }
0x109: {  	v2 =	vld [tilespmem:s25+$0x0]  }
0x10a: {  	v3 =	vld [tilespmem:s17+$0x0];
	_ =	sdelay $0x4  }
0x10b: {  	v2 =	vmul.f32 v2, v3;
	_ =	sdelay $0x1  }
0x10c: {  	[tilespmem:v1+s9+$0x0] =	vst.idx.add.f32.msk $0xffff, v2  }
0x10d: {  	v1 =	vld [tilespmem:s22+$0x10]  }
.Ltmp3:
0x10e: {  	v2 =	vld [tilespmem:s17+$0x10];
	(pc) =	sbr.rel @p1 .LBB2_9-.Ltmp3, $2  }
0x10f: {  	v3 =	vld [tilespmem:s25+$0x10];
	_ =	sdelay $0x2  }
0x110: {  	s22 =	sadd.s32 $0x40, s22  }
0x111: {  	_ =	sdelay $0x1  }
0x112: {  	s17 =	sadd.s32 @!p0 s24, s21;
	v2 =	vmul.f32 v3, v2  }
0x113: {  	s17 =	sshrl.u32 @!p0 s17, $0x3  }
0x114: {  	s24 =	simm.s32 @!p0 $0x0;
	s25 =	simm.s32 @!p0 $0x800;
	s22 =	sadd.s32 @!p0 s4, s17;
	[tilespmem:v1+s9+$0x0] =	vst.idx.add.f32.msk $0xffff, v2  }
0x115: {  	[tilespmem:s25], [sflag:$0x3] =	stream.linear.gather @!p0 [hbm4b:s22+s24], $0x400, $0x38;
	[tilespmem:$0x1E900] =	vst v63  }
0x116: {  	s22 =	sadd.s32 @!p0 s6, s17;
	s25 =	simm.s32 @!p0 $0x2800  }
0x117: {  	[tilespmem:s25], [sflag:$0x3] =	stream.linear.gather @!p0 [hbm4b:s22+s24], $0x400, $0x38;
	[tilespmem:$0x1E900] =	vst v63  }
0x118: {  	s17 =	sadd.s32 @!p0 s5, s17;
	s22 =	simm.s32 @!p0 $0x1800  }
0x119: {  	[tilespmem:s22], [sflag:$0x3] =	stream.linear.gather @!p0 [hbm4b:s17+s24], $0x400, $0x38;
	[tilespmem:$0x1E900] =	vst v63  }
0x11a: {  	s17 =	simm.s32 @!p0 $0x1  }
0x11b: {  	_ =	swait.ge @!p0 [sflag:s17], $0x400  }
0x11c: {  	[sflag:s17] =	ssyncset.done @!p0 $0x0  }
0x11d: {  	[sflag:s17] =	ssyncadd.s32 @!p0 $0xFFFFFC00  }
0x11e: {  	_ =	swait.ge @!p0 [sflag:s17], $0x400  }
0x11f: {  	[sflag:s17] =	ssyncset.done @!p0 $0x0  }
0x120: {  	[sflag:s17] =	ssyncadd.s32 @!p0 $0xFFFFFC00  }
0x121: {  	_ =	swait.ge @!p0 [sflag:s17], $0x400  }
0x122: {  	[sflag:s17] =	ssyncset.done @!p0 $0x0  }
0x123: {  	s22 =	simm.s32 @!p0 $0x3000;
	[sflag:s17] =	ssyncadd.s32 @!p0 $0xFFFFFC00;
	s17 =	simm.s32 @!p0 $0x400  }
0x124: {  	[tilespmem:s22], [sflag:$0x5] =	stream.indirect.gather @!p0 [spmem:s2], $0x1, s24, s17, $0xb8;
	[tilespmem:$0x1E900] =	vst v63  }
0x125: {  	_ =	swait.ge [sflag:s16], $0x400  }
0x126: {  	[sflag:s16] =	ssyncset.done $0x0  }
0x127: {  	s28 =	simm.s32 $0x1C20;
	[sflag:s16] =	ssyncadd.s32 $0xFFFFFC00  }
0x128: {  	s24 =	simm.s32 $0x2C20;
	v1 =	vld [tilespmem:s28+$0xFFFFFFE0]  }
0x129: {  	s17 =	simm.s32 $0x3C20;
	v2 =	vld [tilespmem:s24+$0xFFFFFFE0]  }
0x12a: {  	v3 =	vld [tilespmem:s17+$0xFFFFFFE0];
	_ =	sdelay $0x4  }
0x12b: {  	v2 =	vmul.f32 v2, v3;
	_ =	sdelay $0x1  }
0x12c: {  	[tilespmem:v1+s9+$0x0] =	vst.idx.add.f32.msk $0xffff, v2  }
0x12d: {  	v1 =	vld [tilespmem:s17+$0xFFFFFFF0]  }
0x12e: {  	v2 =	vld [tilespmem:s28+$0xFFFFFFF0]  }
0x12f: {  	v3 =	vld [tilespmem:s24+$0xFFFFFFF0];
	_ =	sdelay $0x4  }
0x130: {  	v1 =	vmul.f32 v3, v1;
	_ =	sdelay $0x1  }
0x131: {  	[tilespmem:v2+s9+$0x0] =	vst.idx.add.f32.msk $0xffff, v1  }
0x132: {  	v1 =	vld [tilespmem:s28+$0x0]  }
0x133: {  	v2 =	vld [tilespmem:s24+$0x0]  }
0x134: {  	v3 =	vld [tilespmem:s17+$0x0];
	_ =	sdelay $0x4  }
0x135: {  	v2 =	vmul.f32 v2, v3;
	_ =	sdelay $0x1  }
0x136: {  	[tilespmem:v1+s9+$0x0] =	vst.idx.add.f32.msk $0xffff, v2  }
0x137: {  	v1 =	vld [tilespmem:s28+$0x10]  }
0x138: {  	v2 =	vld [tilespmem:s17+$0x10]  }
0x139: {  	v3 =	vld [tilespmem:s24+$0x10];
	_ =	sdelay $0x2  }
0x13a: {  	s25 =	simm.s32 $0x0;
	s22 =	simm.s32 $0x1C60  }
.LBB2_11:
0x13b: {  	s25 =	sadd.s32 $0x4, s25;
	s24 =	sadd.s32 $0x40, s24;
	s17 =	sadd.s32 $0x40, s17  }
0x13c: {  	p0 =	slt.u32 s25, $0x3C;
	v2 =	vmul.f32 v3, v2;
	_ =	sdelay $0x1  }
0x13d: {  	[tilespmem:v1+s9+$0x0] =	vst.idx.add.f32.msk $0xffff, v2  }
0x13e: {  	v1 =	vld [tilespmem:s22+$0xFFFFFFE0]  }
0x13f: {  	v2 =	vld [tilespmem:s24+$0xFFFFFFE0]  }
0x140: {  	v3 =	vld [tilespmem:s17+$0xFFFFFFE0];
	_ =	sdelay $0x4  }
0x141: {  	v2 =	vmul.f32 v2, v3;
	_ =	sdelay $0x1  }
0x142: {  	[tilespmem:v1+s9+$0x0] =	vst.idx.add.f32.msk $0xffff, v2  }
0x143: {  	v1 =	vld [tilespmem:s17+$0xFFFFFFF0]  }
0x144: {  	v2 =	vld [tilespmem:s22+$0xFFFFFFF0]  }
0x145: {  	v3 =	vld [tilespmem:s24+$0xFFFFFFF0];
	_ =	sdelay $0x4  }
0x146: {  	v1 =	vmul.f32 v3, v1;
	_ =	sdelay $0x1  }
0x147: {  	[tilespmem:v2+s9+$0x0] =	vst.idx.add.f32.msk $0xffff, v1  }
0x148: {  	v1 =	vld [tilespmem:s22+$0x0]  }
0x149: {  	v2 =	vld [tilespmem:s24+$0x0]  }
0x14a: {  	v3 =	vld [tilespmem:s17+$0x0];
	_ =	sdelay $0x4  }
0x14b: {  	v2 =	vmul.f32 v2, v3;
	_ =	sdelay $0x1  }
0x14c: {  	[tilespmem:v1+s9+$0x0] =	vst.idx.add.f32.msk $0xffff, v2  }
0x14d: {  	v1 =	vld [tilespmem:s22+$0x10]  }
.Ltmp4:
0x14e: {  	v2 =	vld [tilespmem:s17+$0x10];
	(pc) =	sbr.rel @p0 .LBB2_11-.Ltmp4, $2  }
0x14f: {  	v3 =	vld [tilespmem:s24+$0x10];
	_ =	sdelay $0x2  }
0x150: {  	s22 =	sadd.s32 $0x40, s22  }
0x151: {  	s23 =	sadd.s32 $0x1, s23  }
0x152: {  	p0 =	sne.s32 s23, $0x31  }
.Ltmp5:
0x153: {  	_ = 	snop;
	(pc) =	sbr.rel @p0 .LBB2_4-.Ltmp5, $3  }
0x154: {  	_ = 	snop  }
0x155: {  	v2 =	vmul.f32 v3, v2;
	_ =	sdelay $0x1  }
0x156: {  	[tilespmem:v1+s9+$0x0] =	vst.idx.add.f32.msk $0xffff, v2  }
0x157: {  	s17 =	rddreg [dreg:$0xe];
	s22 =	simm.s32 $0x80;
	s25 =	simm.s32 $0xA  }
0x158: {  	[hbm4b:s17+s22] =	stream.strided.scatter [tilespmem:s9], [sflag:$0xA], $0x19000, s29, s22, $0x38;
	[tilespmem:$0x1E900] =	vst v63  }
0x159: {  	_ =	swait.ge [sflag:s25], $0x19000  }
0x15a: {  	s23 =	rddreg [dreg:$0x11]  }
0x15b: {  	s28 =	rddreg [dreg:$0xf];
	s23 =	sadd.s32 $0x1, s23  }
0x15c: {  	p0 =	sne.s32 s23, s28  }
.Ltmp6:
0x15d: {  	_ = 	snop;
	(pc) =	sbr.rel @p0 .LBB2_1-.Ltmp6, $3  }
0x15e: {  	_ =	sdelay $0x1  }
0x15f: {  	[sflag:s25] =	ssyncset.done $0x0  }
0x160: {  	[sflag:s25] =	ssyncadd.s32 $0xFFFE7000  }
0x161: {  	_ =	sfence.sel $0x180000  }
0x162: {  	[bflag:$0x0] =	sbarrier.arrive $0xFFFF  }
0x163: {  	_ =	strace $0x90000053  }
0x164: {  	s0 =	stileid.u32;
	[bflag:$0x2] =	sbarrier.arrive $0xFFFF  }
0x165: {  	p0 =	sne.s32 s0, $0x0;
	s0 =	rddreg [dreg:$0x2]  }
0x166: {  	s0 =	sadd.s32 @!p0 $0x100000, s0  }
0x167: {  	[sflag:s0] =	ssyncadd.tile.s32 @!p0 $0x1;
	_ =	shalt  }
.Lfunc_end2:
_tile_overlayer_lowered:
.L_overlay_start_2:
0x168: {  	(tag) =	ssettag $0x2  }
0x169: {  	s0 =	rddreg [dreg:$0x0];
	s2 =	stileid.u32  }
0x16a: {  	s1 =	rddreg [dreg:$0x1];
	p0 =	sne.s32 s2, $0x0  }
0x16b: {  	s3 =	rddreg [dreg:$0x2];
	[bflag:$0x3] =	sbarrier.arrive $0xFFFF;
	s2 =	simm.s32 @!p0 $0x1C0A  }
0x16c: {  	[timem:s3], [sflag:s2] =	dma.local @!p0 [hbm:s0], s1  }
0x16d: {  	s0 =	simm.s32 @!p0 $0xA  }
0x16e: {  	_ =	swait.ge @!p0 [sflag:s0], s1  }
0x16f: {  	s1 =	ssub.s32 @!p0 $0x0, s1;
	[sflag:s0] =	ssyncset.done @!p0 $0x0  }
0x170: {  	[sflag:s0] =	ssyncadd.s32 @!p0 s1  }
0x171: {  	[bflag:$0x3] =	sbarrier.arrive $0xFFFF  }
0x172: {  	_ =	shalt  }

// kernel: icapprox_scatter.5.cloned.1.call-start
scs
__scs_entry_jumppad:
0x0: {  	(pc) =	sbr.rel $0x88, $3  }
0x1: {  	(tag) =	ssettag $0x0;
	lr =	simm.s32 $0x1  }
0x2: {  	[smem:$0x3F9E] =	sst lr;
	_ =	strace $0xD0000000  }
0x3: {  	_ = 	snop  }
0x4: {  	_ = 	snop  }
0x5: {  	_ = 	snop  }
0x6: {  	_ = 	snop  }
0x7: {  	_ = 	snop  }
__scs_overlays_trampoline_lowered:
0x8: {  	[smem:$0x3FAD] =	sst s0  }
0x9: {  	[smem:$0x3FAE] =	sst s1  }
0xa: {  	[smem:$0x3FAF] =	sst s2  }
0xb: {  	[smem:$0x3FB0] =	sst s3  }
0xc: {  	[smem:$0x3FB1] =	sst s4  }
0xd: {  	[smem:$0x3FB2] =	sst s5  }
0xe: {  	[smem:$0x3FB3] =	sst s6  }
0xf: {  	[smem:$0x3FB4] =	sst s7  }
0x10: {  	[smem:$0x3FB5] =	sst s8  }
0x11: {  	[smem:$0x3FB6] =	sst s9;
	s0 =	simm.s32 @!p0 $0x0  }
0x12: {  	s1 =	sld [smem:$0x3F9C];
	s0 =	simm.s32 @p0 $0x1  }
0x13: {  	[smem:$0x3FB7] =	sst s0;
	s0 =	simm.s32 @!p1 $0x0  }
0x14: {  	s2 =	sld [smem:$0x3F9B];
	s0 =	simm.s32 @p1 $0x1  }
0x15: {  	[smem:$0x3FB8] =	sst s0;
	s0 =	simm.s32 @!p2 $0x0  }
0x16: {  	s3 =	sld [smem:$0x3FDB];
	s0 =	simm.s32 @p2 $0x1  }
0x17: {  	s4 =	simm.s32 $0x1BF5;
	[smem:$0x3FBA] =	sst s0  }
0x18: {  	s0 =	sld [smem:$0x3F9D];
	_ =	swait.ge [sflag:s4], $0x0  }
0x19: {  	s7 =	sld [smem:$0x3F9E]  }
0x1a: {  	s8 =	sadd.s32 $0xFFFFE003, lr  }
0x1b: {  	s9 =	sadd.s32 $0xFFFFFEF7, lr;
	s5 =	simm.s32 $0xFFFFFFFF;
	p2 =	slt.u32 s8, $0xFFFFF086  }
0x1c: {  	p1 =	slt.u32 s9, $0xF7A;
	s5 =	simm.s32 @!p2 $0x0  }
0x1d: {  	s5 =	simm.s32 @p1 $0x1;
	p0 =	seq.s32 s7, s2  }
0x1e: {  	s7 =	smul.u32 @!p0 $0xF7A, s2;
	p2 =	seq.s32 @!p0 s5, $0x0  }
0x1f: {  	s9 =	smul.u32 $0xF7A, s1;
	s8 =	simm.s32 @!p0 $0x1BF5;
	p2 =	por !p2, p0  }
0x20: {  	[sflag:s8] =	ssyncset.s32 @!p0 $0xFFFFF086;
	s6 =	sadd.s32 @!p0 s3, s7;
	s7 =	simm.s32 @!p0 $0x108  }
0x21: {  	s3 =	sadd.s32 s3, s9;
	s6 =	sadd.s32 @!p0 $0x88, s6;
	s7 =	simm.s32 @p2 $0x1082  }
0x22: {  	[simem:s7], [sflag:s8] =	dma.local @!p0 [hbm:s6], $0xF7A  }
0x23: {  	s9 =	sor.u32 $0xD0000000, s2;
	s6 =	simm.s32 $0x108;
	_ =	swait.ge @!p0 [sflag:s8], $0x0  }
0x24: {  	s3 =	sadd.s32 $0x88, s3;
	s6 =	simm.s32 @!p1 $0x1082;
	[sflag:s4] =	ssyncset.s32 $0xFFFFF086  }
0x25: {  	[simem:s6], [sflag:s4] =	dma.local [hbm:s3], $0xF7A  }
0x26: {  	[smem:$0x3F9E] =	sst s1;
	(tag) =	ssettag s2;
	_ =	strace s9  }
0x27: {  	s1 =	sld [smem:$0x3FAE]  }
0x28: {  	s2 =	sld [smem:$0x3FAF]  }
0x29: {  	s4 =	sld [smem:$0x3FB1]  }
0x2a: {  	p0 =	seq.s32 s5, $0x0;
	s5 =	sld [smem:$0x3FB2]  }
0x2b: {  	s6 =	sld [smem:$0x3FB3]  }
0x2c: {  	s7 =	sld [smem:$0x3FB4]  }
0x2d: {  	s3 =	simm.s32 $0x108;
	s8 =	sld [smem:$0x3FB5]  }
0x2e: {  	s3 =	simm.s32 @!p0 $0x1082;
	s9 =	sld [smem:$0x3FB6]  }
0x2f: {  	lr =	sadd.s32 s0, s3;
	s0 =	sld [smem:$0x3FAD]  }
0x30: {  	s3 =	sld [smem:$0x3FB0]  }
0x31: {  	[smem:$0x3FB9] =	sst s10  }
0x32: {  	s10 =	sld [smem:$0x3FB7];
	_ =	sdelay $0x3  }
0x33: {  	p0 =	seq.s32 s10, $0x1;
	s10 =	sld [smem:$0x3FB9];
	_ =	sdelay $0x3  }
0x34: {  	[smem:$0x3FB9] =	sst s10  }
0x35: {  	s10 =	sld [smem:$0x3FB8];
	_ =	sdelay $0x3  }
0x36: {  	p1 =	seq.s32 s10, $0x1;
	s10 =	sld [smem:$0x3FB9];
	_ =	sdelay $0x3  }
0x37: {  	[smem:$0x3FB9] =	sst s10  }
0x38: {  	s10 =	sld [smem:$0x3FBA]  }
0x39: {  	_ = 	snop;
	(pc) =	sbr.ind lr, $3  }
0x3a: {  	_ = 	snop  }
0x3b: {  	_ = 	snop  }
0x3c: {  	p2 =	seq.s32 s10, $0x1;
	s10 =	sld [smem:$0x3FB9]  }
0x3d: {  	_ =	shalt  }
0x3e: {  	_ =	shalt  }
0x3f: {  	_ =	shalt  }
0x40: {  	_ =	shalt  }
0x41: {  	_ =	shalt  }
0x42: {  	_ =	shalt  }
0x43: {  	_ =	shalt  }
0x44: {  	_ =	shalt  }
0x45: {  	_ =	shalt  }
0x46: {  	_ =	shalt  }
0x47: {  	_ =	shalt  }
0x48: {  	_ =	shalt  }
0x49: {  	_ =	shalt  }
0x4a: {  	_ =	shalt  }
0x4b: {  	_ =	shalt  }
0x4c: {  	_ =	shalt  }
0x4d: {  	_ =	shalt  }
0x4e: {  	_ =	shalt  }
0x4f: {  	_ =	shalt  }
0x50: {  	_ =	shalt  }
0x51: {  	_ =	shalt  }
0x52: {  	_ =	shalt  }
0x53: {  	_ =	shalt  }
0x54: {  	_ =	shalt  }
0x55: {  	_ =	shalt  }
0x56: {  	_ =	shalt  }
0x57: {  	_ =	shalt  }
0x58: {  	_ =	shalt  }
0x59: {  	_ =	shalt  }
0x5a: {  	_ =	shalt  }
0x5b: {  	_ =	shalt  }
0x5c: {  	_ =	shalt  }
0x5d: {  	_ =	shalt  }
0x5e: {  	_ =	shalt  }
0x5f: {  	_ =	shalt  }
0x60: {  	_ =	shalt  }
0x61: {  	_ =	shalt  }
0x62: {  	_ =	shalt  }
0x63: {  	_ =	shalt  }
0x64: {  	_ =	shalt  }
0x65: {  	_ =	shalt  }
0x66: {  	_ =	shalt  }
0x67: {  	_ =	shalt  }
0x68: {  	_ =	shalt  }
0x69: {  	_ =	shalt  }
0x6a: {  	_ =	shalt  }
0x6b: {  	_ =	shalt  }
0x6c: {  	_ =	shalt  }
0x6d: {  	_ =	shalt  }
0x6e: {  	_ =	shalt  }
0x6f: {  	_ =	shalt  }
0x70: {  	_ =	shalt  }
0x71: {  	_ =	shalt  }
0x72: {  	_ =	shalt  }
0x73: {  	_ =	shalt  }
0x74: {  	_ =	shalt  }
0x75: {  	_ =	shalt  }
0x76: {  	_ =	shalt  }
0x77: {  	_ =	shalt  }
0x78: {  	_ =	shalt  }
0x79: {  	_ =	shalt  }
0x7a: {  	_ =	shalt  }
0x7b: {  	_ =	shalt  }
0x7c: {  	_ =	shalt  }
0x7d: {  	_ =	shalt  }
0x7e: {  	_ =	shalt  }
0x7f: {  	_ =	shalt  }
0x80: {  	_ =	shalt  }
0x81: {  	_ =	shalt  }
0x82: {  	_ =	shalt  }
0x83: {  	_ =	shalt  }
0x84: {  	_ =	shalt  }
0x85: {  	_ =	shalt  }
0x86: {  	_ =	shalt  }
0x87: {  	_ =	shalt  }
.Lfunc_end0:
.L_simem_size_0:
called_computation_lowered:
.L_overlay_start_0:
0x88: {  	s2 =	sld [smem:$0x3FD9]  }
0x89: {  	s3 =	sld [smem:$0x3FFE];
	_ =	sdelay $0x1  }
0x8a: {  	s1 =	srdreg.scid  }
0x8b: {  	s0 =	sand.u32 $0x1, s1  }
0x8c: {  	s16 =	sshll.u32 s0, $0xA;
	s2 =	sadd.s32 s3, s2  }
0x8d: {  	s2 =	sadd.s32 s2, s16  }
0x8e: {  	[smem:$0x3FC5] =	sst s2  }
0x8f: {  	_ = 	snop  }
0x90: {  	(tm) =	ssettm $0x1  }
0x91: {  	s17 =	sld [smem:$0x3FFB];
	_ =	sdelay $0x3  }
0x92: {  	_ =	strace s17  }
0x93: {  	s2 =	sld [smem:$0x3FFC];
	_ =	sdelay $0x3  }
0x94: {  	_ =	strace s2  }
0x95: {  	s2 =	sld [smem:$0x3FFD];
	_ =	sdelay $0x3  }
0x96: {  	_ =	strace s2  }
0x97: {  	_ =	strace $0x8FFFFFFF  }
0x98: {  	s18 =	sld [smem:$0x3FDB];
	_ =	sdelay $0x1  }
0x99: {  	s19 =	simm.s32 $_scs_section_size  }
0x9a: {  	s4 =	simm.s32 $_size__tile_overlayer_lowered;
	s5 =	simm.s32 $_tile_overlayer_lowered  }
0x9b: {  	s22 =	simm.s32 $0x1BFF;
	s21 =	sshll.u32 s5, $0x1;
	s2 =	sadd.s32 s19, s18  }
0x9c: {  	s6 =	simm.s32 $0x0;
	s20 =	sshll.u32 s4, $0x1;
	s4 =	sadd.s32 s21, s2  }
0x9d: {  	[timem:s6], [sflag:s22] =	dma.local [hbm:s4], s20  }
0x9e: {  	_ =	swait.ge [sflag:s22], s20  }
0x9f: {  	s3 =	ssub.s32 $0x0, s20;
	[sflag:s22] =	ssyncset.done $0x0  }
0xa0: {  	[sflag:s22] =	ssyncadd.s32 s3;
	_ =	sdelay $0x1  }
0xa1: {  	s23 =	simm.s32 $0x1B8B  }
0xa2: {  	_ =	swait.ge [sflag:s23], $0x1  }
0xa3: {  	[sflag:s23] =	ssyncset.done $0x0  }
0xa4: {  	s25 =	simm.s32 $0x1B8E;
	s24 =	sld [smem:$0x3FFE];
	[sflag:s23] =	ssyncadd.s32 $0xFFFFFFFF  }
0xa5: {  	s26 =	simm.s32 $execute0_lowered;
	[smem:$0x3FD2] =	sst s25  }
0xa6: {  	s4 =	sshll.u32 s26, $0x1;
	_ =	strace $0x80000046;
	[dreg:$0x1] =	wrdreg $0xFFFFFFFF  }
0xa7: {  	s28 =	simm.s32 $_size_execute0_lowered;
	s2 =	sadd.s32 s2, s4;
	[dreg:$0x0] =	wrdreg $0x0  }
0xa8: {  	s4 =	sshll.u32 s28, $0x1;
	[dreg:$0x2] =	wrdreg s2  }
0xa9: {  	[dreg:$0x3] =	wrdreg s4  }
0xaa: {  	[dreg:$0x4] =	wrdreg $0xC0  }
0xab: {  	_ =	task [dreg:s6], $0x5FFFF  }
0xac: {  	[dreg:$0x1] =	wrdreg $0xFFFFFFFF  }
0xad: {  	[dreg:$0x0] =	wrdreg $0x60  }
0xae: {  	[dreg:$0x2] =	wrdreg s24  }
0xaf: {  	[dreg:$0x3] =	wrdreg $0x1D0000  }
0xb0: {  	[dreg:$0x4] =	wrdreg $0x9  }
0xb1: {  	_ =	task.clear_ibuf [dreg:s6], $0x5FFFF;
	_ =	strace $0x90000046  }
0xb2: {  	s29 =	simm.s32 $0x9;
	_ =	strace $0x80000048  }
0xb3: {  	_ =	swait.ge [sflag:s29], $0x1  }
0xb4: {  	[sflag:s29] =	ssyncadd.s32 $0xFFFFFFFF  }
0xb5: {  	_ =	strace $0x90000048  }
0xb6: {  	_ =	sfence  }
0xb7: {  	s30 =	sld [smem:$0x0];
	_ =	sdelay $0x2  }
0xb8: {  	s31 =	sshll.u32 s1, $0xD;
	s1 =	sshrl.u32 s1, $0x2  }
0xb9: {  	s3 =	sand.u32 $0x4000, s31;
	s1 =	sadd.s32 s1, s30  }
0xba: {  	s0 =	sor.u32 s3, s0;
	s1 =	sshll.u32 s1, $0x11  }
0xbb: {  	s0 =	sor.u32 s1, s0  }
0xbc: {  	s0 =	sadd.s32 $0x8F2B, s0  }
0xbd: {  	[sflag:s0] =	ssyncadd.remote.s32 $0x1  }
0xbe: {  	_ =	sfence.sel $0xFFFF  }
0xbf: {  	[dreg:$0x0] =	wrdreg $0xFFFFFFFF;
	(pc) =	sbr.abs _section_cstart, $3  }
0xc0: {  	[dreg:$0x1] =	wrdreg $0xFFFFFFFF  }
0xc1: {  	_ =	task.clear_ibuf [dreg:s6], $0x2FFFF;
	_ =	strace $0x9FFFFFFF  }
0xc2: {  	(tm) =	ssettm $0x7FFFFFFF  }
0xc3: {  	_ =	shalt  }
tec
execute0_lowered:
.L_overlay_start_1:
0x0: {  	(tag) =	ssettag $0x1  }
0x1: {  	s0 =	rddreg [dreg:$0x0]  }
0x2: {  	s2 =	rddreg [dreg:$0x1];
	s3 =	simm.s32 $0x0  }
0x3: {  	s12 =	stileid.u32;
	s1 =	srdreg.scid;
	s29 =	simm.s32 $0x400  }
0x4: {  	s31 =	simm.s32 $0xC00;
	s30 =	simm.s32 $0x2;
	[smem:$0x7FF] =	sst s3  }
0x5: {  	s7 =	smul.u32 $0x1900, s12;
	s1 =	sand.u32 $0x1, s1;
	s4 =	sshll.u32 s12, $0x1  }
0x6: {  	s13 =	sshrl.u32 s12, $0x2;
	s15 =	sshll.u32 s12, $0x6;
	s12 =	simm.s32 $0x6  }
0x7: {  	_ =	strace $0x80000047;
	s6 =	sor.u32 s1, s4;
	s8 =	smul.u32 $0xC8000, s13  }
0x8: {  	s4 =	sadd.s32 $0xC6000, s0;
	s1 =	ssub.s32 $0x2, s1;
	s13 =	simm.s32 $0x4  }
0x9: {  	s5 =	sshrl.u32 s7, $0x3;
	s9 =	sshll.u32 s6, $0x7;
	s14 =	sshrl.u32 s1, $0x1  }
0xa: {  	s11 =	smul.u32 $0x31000, s6;
	s6 =	sadd.s32 $0x24E000, s0;
	s7 =	sadd.s32 s7, s2  }
0xb: {  	s10 =	sadd.s32 s5, s0;
	s9 =	sand.u32 $0x380, s9;
	s5 =	sadd.s32 $0x18A000, s0  }
0xc: {  	s1 =	ssub.s32 s1, s14;
	s28 =	sshrl.u32 s7, $0x3;
	s7 =	simm.s32 $0x3400  }
0xd: {  	s14 =	simm.s32 $0x3C00;
	s8 =	sor.u32 s8, s9;
	s16 =	sshrl.u32 s11, $0x3  }
0xe: {  	s10 =	sadd.s32 $0x2A00, s10;
	s26 =	smax.u32 s1, $0x1;
	[dreg:$0x10] =	wrdreg s28  }
0xf: {  	s1 =	simm.s32 $0x2C00;
	s8 =	sshrl.u32 s8, $0x3;
	[dreg:$0x3] =	wrdreg s10  }
0x10: {  	s17 =	sadd.s32 s4, s16;
	s18 =	sadd.s32 s6, s16;
	[dreg:$0xf] =	wrdreg s26  }
0x11: {  	s19 =	sadd.s32 s5, s16;
	s20 =	sor.u32 $0x80, s16;
	[dreg:$0x5] =	wrdreg s17  }
0x12: {  	s9 =	sor.u32 $0x100, s16;
	s26 =	simm.s32 $0x1C00;
	[dreg:$0x6] =	wrdreg s18  }
0x13: {  	s0 =	sadd.s32 s8, s0;
	s8 =	sor.u32 $0x1C09, s15;
	[dreg:$0x7] =	wrdreg s19  }
0x14: {  	s10 =	simm.s32 $0x3;
	s21 =	sadd.s32 s4, s20;
	[dreg:$0x4] =	wrdreg s8  }
0x15: {  	s16 =	simm.s32 $0x8;
	s22 =	sadd.s32 s6, s20;
	[dreg:$0x8] =	wrdreg s21  }
0x16: {  	s23 =	sadd.s32 s4, s9;
	s24 =	sadd.s32 s6, s9;
	[dreg:$0x9] =	wrdreg s22  }
0x17: {  	s25 =	sadd.s32 s5, s9;
	s18 =	sor.u32 $0xC00, s11;
	[dreg:$0xb] =	wrdreg s23  }
0x18: {  	s19 =	sadd.s32 $0x1000, s11;
	s9 =	simm.s32 $0x4000;
	[dreg:$0xc] =	wrdreg s24  }
0x19: {  	s15 =	simm.s32 $0x7;
	s8 =	sadd.s32 s5, s20;
	[dreg:$0xd] =	wrdreg s25  }
0x1a: {  	s20 =	sadd.s32 $0x1400, s11;
	s21 =	sadd.s32 $0x1800, s11;
	s0 =	sadd.s32 $0x8E00, s0  }
0x1b: {  	s11 =	simm.s32 $0x3800;
	s23 =	simm.s32 $0x0;
	[dreg:$0xa] =	wrdreg s8  }
0x1c: {  	v0 =	vimm.f32 $0.0e+00;
	[dreg:$0xe] =	wrdreg s0;
	s0 =	simm.s32 $0x800;
	s8 =	simm.s32 $0x5  }
.LBB2_1:
0x1d: {  	[dreg:$0x11] =	wrdreg s23  }
0x1e: {  	s17 =	rddreg [dreg:$0x3]  }
0x1f: {  	s22 =	rddreg [dreg:$0x4]  }
0x20: {  	s28 =	rddreg [dreg:$0x10]  }
0x21: {  	[spmem:s28], [sflag:s22] =	dma.local [hbm:s17], $0x320  }
0x22: {  	s17 =	simm.s32 $0x4040  }
0x23: {  	[tilespmem:s17+$0xFFFFFFC0] =	vst v0  }
0x24: {  	[tilespmem:s17+$0x30] =	vst v0  }
0x25: {  	[tilespmem:s17+$0x20] =	vst v0  }
0x26: {  	[tilespmem:s17+$0x10] =	vst v0  }
0x27: {  	[tilespmem:s17+$0x0] =	vst v0  }
0x28: {  	[tilespmem:s17+$0xFFFFFFF0] =	vst v0  }
0x29: {  	s22 =	simm.s32 $0x0;
	[tilespmem:s17+$0xFFFFFFE0] =	vst v0  }
.LBB2_2:
0x2a: {  	s22 =	sadd.s32 $0x8, s22;
	[tilespmem:s17+$0xFFFFFFD0] =	vst v0;
	s17 =	sadd.s32 $0x80, s17  }
0x2b: {  	[tilespmem:s17+$0xFFFFFFC0] =	vst v0;
	p0 =	slt.u32 s22, $0x18F8  }
0x2c: {  	[tilespmem:s17+$0x30] =	vst v0  }
.Ltmp0:
0x2d: {  	[tilespmem:s17+$0x20] =	vst v0;
	(pc) =	sbr.rel @p0 .LBB2_2-.Ltmp0, $4  }
0x2e: {  	[tilespmem:s17+$0x10] =	vst v0  }
0x2f: {  	[tilespmem:s17+$0x0] =	vst v0  }
0x30: {  	[tilespmem:s17+$0xFFFFFFF0] =	vst v0  }
0x31: {  	[tilespmem:s17+$0xFFFFFFE0] =	vst v0  }
0x32: {  	[tilespmem:s17+$0xFFFFFFD0] =	vst v0;
	s24 =	simm.s32 $0x9  }
0x33: {  	_ =	swait.ge [sflag:s24], $0x320  }
0x34: {  	[sflag:s24] =	ssyncset.done $0x0  }
0x35: {  	[sflag:s24] =	ssyncadd.s32 $0xFFFFFCE0  }
0x36: {  	[bflag:$0x0] =	sbarrier.arrive $0xFFFF  }
0x37: {  	s23 =	simm.s32 $0x0;
	s25 =	rddreg [dreg:$0x5]  }
0x38: {  	[tilespmem:s23], [sflag:$0x1] =	stream.linear.gather [hbm4b:s25+s23], $0x400, $0x38;
	[tilespmem:$0x1E900] =	vst v63  }
0x39: {  	s22 =	simm.s32 $0x2000;
	s28 =	rddreg [dreg:$0x6]  }
0x3a: {  	[tilespmem:s22], [sflag:$0x1] =	stream.linear.gather [hbm4b:s28+s23], $0x400, $0x38;
	[tilespmem:$0x1E900] =	vst v63  }
0x3b: {  	s24 =	rddreg [dreg:$0x7];
	s25 =	simm.s32 $0x1000  }
0x3c: {  	[tilespmem:s25], [sflag:$0x1] =	stream.linear.gather [hbm4b:s24+s23], $0x400, $0x38;
	[tilespmem:$0x1E900] =	vst v63  }
0x3d: {  	s28 =	rddreg [dreg:$0x8]  }
0x3e: {  	[tilespmem:s29], [sflag:$0x2] =	stream.linear.gather [hbm4b:s28+s23], $0x400, $0x38;
	[tilespmem:$0x1E900] =	vst v63  }
0x3f: {  	s22 =	rddreg [dreg:$0x9];
	s24 =	simm.s32 $0x2400  }
0x40: {  	[tilespmem:s24], [sflag:$0x2] =	stream.linear.gather [hbm4b:s22+s23], $0x400, $0x38;
	[tilespmem:$0x1E900] =	vst v63  }
0x41: {  	s25 =	rddreg [dreg:$0xa];
	s28 =	simm.s32 $0x1400  }
0x42: {  	[tilespmem:s28], [sflag:$0x2] =	stream.linear.gather [hbm4b:s25+s23], $0x400, $0x38;
	[tilespmem:$0x1E900] =	vst v63  }
0x43: {  	s24 =	rddreg [dreg:$0xb]  }
0x44: {  	[tilespmem:s0], [sflag:$0x3] =	stream.linear.gather [hbm4b:s24+s23], $0x400, $0x38;
	[tilespmem:$0x1E900] =	vst v63  }
0x45: {  	s25 =	rddreg [dreg:$0xc];
	s28 =	simm.s32 $0x2800  }
0x46: {  	[tilespmem:s28], [sflag:$0x3] =	stream.linear.gather [hbm4b:s25+s23], $0x400, $0x38;
	[tilespmem:$0x1E900] =	vst v63  }
0x47: {  	s22 =	rddreg [dreg:$0xd];
	s24 =	simm.s32 $0x1800;
	s25 =	simm.s32 $0x1  }
0x48: {  	[tilespmem:s24], [sflag:$0x3] =	stream.linear.gather [hbm4b:s22+s23], $0x400, $0x38;
	[tilespmem:$0x1E900] =	vst v63  }
0x49: {  	_ =	swait.ge [sflag:s25], $0x400  }
0x4a: {  	[sflag:s25] =	ssyncset.done $0x0  }
0x4b: {  	[sflag:s25] =	ssyncadd.s32 $0xFFFFFC00  }
0x4c: {  	_ =	swait.ge [sflag:s25], $0x400  }
0x4d: {  	[sflag:s25] =	ssyncset.done $0x0  }
0x4e: {  	[sflag:s25] =	ssyncadd.s32 $0xFFFFFC00  }
0x4f: {  	_ =	swait.ge [sflag:s25], $0x400  }
0x50: {  	[sflag:s25] =	ssyncset.done $0x0  }
0x51: {  	s28 =	simm.s32 $0x3000;
	[sflag:s25] =	ssyncadd.s32 $0xFFFFFC00  }
0x52: {  	[tilespmem:s28], [sflag:$0x5] =	stream.indirect.gather [spmem:s2], $0x1, s23, s29, $0xb8;
	[tilespmem:$0x1E900] =	vst v63  }
.LBB2_4:
0x53: {  	s24 =	sshll.u32 s23, $0xC  }
0x54: {  	s17 =	sadd.s32 s24, s18  }
0x55: {  	s17 =	sshrl.u32 s17, $0x3  }
0x56: {  	s22 =	sadd.s32 s4, s17  }
0x57: {  	[tilespmem:s31], [sflag:$0x4] =	stream.linear.gather [hbm4b:s22+s3], $0x400, $0x38;
	[tilespmem:$0x1E900] =	vst v63  }
0x58: {  	s25 =	sadd.s32 s6, s17  }
0x59: {  	[tilespmem:s1], [sflag:$0x4] =	stream.linear.gather [hbm4b:s25+s3], $0x400, $0x38;
	[tilespmem:$0x1E900] =	vst v63  }
0x5a: {  	s17 =	sadd.s32 s5, s17  }
0x5b: {  	[tilespmem:s26], [sflag:$0x4] =	stream.linear.gather [hbm4b:s17+s3], $0x400, $0x38;
	[tilespmem:$0x1E900] =	vst v63  }
0x5c: {  	_ =	swait.ge [sflag:s30], $0x400  }
0x5d: {  	[sflag:s30] =	ssyncset.done $0x0  }
0x5e: {  	[sflag:s30] =	ssyncadd.s32 $0xFFFFFC00  }
0x5f: {  	_ =	swait.ge [sflag:s30], $0x400  }
0x60: {  	[sflag:s30] =	ssyncset.done $0x0  }
0x61: {  	[sflag:s30] =	ssyncadd.s32 $0xFFFFFC00  }
0x62: {  	_ =	swait.ge [sflag:s30], $0x400  }
0x63: {  	[sflag:s30] =	ssyncset.done $0x0  }
0x64: {  	[sflag:s30] =	ssyncadd.s32 $0xFFFFFC00  }
0x65: {  	[tilespmem:s7], [sflag:$0x6] =	stream.indirect.gather [spmem:s2], $0x1, s29, s29, $0xb8;
	[tilespmem:$0x1E900] =	vst v63  }
0x66: {  	_ =	swait.ge [sflag:s8], $0x400  }
0x67: {  	[sflag:s8] =	ssyncset.done $0x0  }
0x68: {  	s22 =	simm.s32 $0x1020;
	[sflag:s8] =	ssyncadd.s32 $0xFFFFFC00  }
0x69: {  	s25 =	simm.s32 $0x2020;
	v1 =	vld [tilespmem:s22+$0xFFFFFFE0]  }
0x6a: {  	s17 =	simm.s32 $0x3020;
	v2 =	vld [tilespmem:s25+$0xFFFFFFE0]  }
0x6b: {  	v3 =	vld [tilespmem:s17+$0xFFFFFFE0];
	_ =	sdelay $0x4  }
0x6c: {  	v2 =	vmul.f32 v2, v3;
	_ =	sdelay $0x1  }
0x6d: {  	[tilespmem:v1+s9+$0x0] =	vst.idx.add.f32.msk $0xffff, v2  }
0x6e: {  	v1 =	vld [tilespmem:s17+$0xFFFFFFF0]  }
0x6f: {  	v2 =	vld [tilespmem:s22+$0xFFFFFFF0]  }
0x70: {  	v3 =	vld [tilespmem:s25+$0xFFFFFFF0];
	_ =	sdelay $0x4  }
0x71: {  	v1 =	vmul.f32 v3, v1;
	_ =	sdelay $0x1  }
0x72: {  	[tilespmem:v2+s9+$0x0] =	vst.idx.add.f32.msk $0xffff, v1  }
0x73: {  	v1 =	vld [tilespmem:s22+$0x0]  }
0x74: {  	v2 =	vld [tilespmem:s25+$0x0]  }
0x75: {  	v3 =	vld [tilespmem:s17+$0x0];
	_ =	sdelay $0x4  }
0x76: {  	v2 =	vmul.f32 v2, v3;
	_ =	sdelay $0x1  }
0x77: {  	[tilespmem:v1+s9+$0x0] =	vst.idx.add.f32.msk $0xffff, v2  }
0x78: {  	v1 =	vld [tilespmem:s22+$0x10]  }
0x79: {  	v2 =	vld [tilespmem:s17+$0x10]  }
0x7a: {  	v3 =	vld [tilespmem:s25+$0x10];
	_ =	sdelay $0x2  }
0x7b: {  	s28 =	simm.s32 $0x0;
	s22 =	simm.s32 $0x1060  }
.LBB2_5:
0x7c: {  	s28 =	sadd.s32 $0x4, s28;
	s25 =	sadd.s32 $0x40, s25;
	s17 =	sadd.s32 $0x40, s17  }
0x7d: {  	p0 =	slt.u32 s28, $0x3C;
	v2 =	vmul.f32 v3, v2;
	_ =	sdelay $0x1  }
0x7e: {  	[tilespmem:v1+s9+$0x0] =	vst.idx.add.f32.msk $0xffff, v2  }
0x7f: {  	v1 =	vld [tilespmem:s22+$0xFFFFFFE0]  }
0x80: {  	v2 =	vld [tilespmem:s25+$0xFFFFFFE0]  }
0x81: {  	v3 =	vld [tilespmem:s17+$0xFFFFFFE0];
	_ =	sdelay $0x4  }
0x82: {  	v2 =	vmul.f32 v2, v3;
	_ =	sdelay $0x1  }
0x83: {  	[tilespmem:v1+s9+$0x0] =	vst.idx.add.f32.msk $0xffff, v2  }
0x84: {  	v1 =	vld [tilespmem:s17+$0xFFFFFFF0]  }
0x85: {  	v2 =	vld [tilespmem:s22+$0xFFFFFFF0]  }
0x86: {  	v3 =	vld [tilespmem:s25+$0xFFFFFFF0];
	_ =	sdelay $0x4  }
0x87: {  	v1 =	vmul.f32 v3, v1;
	_ =	sdelay $0x1  }
0x88: {  	[tilespmem:v2+s9+$0x0] =	vst.idx.add.f32.msk $0xffff, v1  }
0x89: {  	v1 =	vld [tilespmem:s22+$0x0]  }
0x8a: {  	v2 =	vld [tilespmem:s25+$0x0]  }
0x8b: {  	v3 =	vld [tilespmem:s17+$0x0];
	_ =	sdelay $0x4  }
0x8c: {  	v2 =	vmul.f32 v2, v3;
	_ =	sdelay $0x1  }
0x8d: {  	[tilespmem:v1+s9+$0x0] =	vst.idx.add.f32.msk $0xffff, v2  }
0x8e: {  	v1 =	vld [tilespmem:s22+$0x10]  }
.Ltmp1:
0x8f: {  	v2 =	vld [tilespmem:s17+$0x10];
	(pc) =	sbr.rel @p0 .LBB2_5-.Ltmp1, $2  }
0x90: {  	v3 =	vld [tilespmem:s25+$0x10];
	_ =	sdelay $0x2  }
0x91: {  	s22 =	sadd.s32 $0x40, s22  }
0x92: {  	_ = 	snop  }
0x93: {  	p0 =	seq.s32 s23, $0x30  }
0x94: {  	v2 =	vmul.f32 v3, v2;
	s17 =	sadd.s32 @!p0 s24, s19  }
0x95: {  	s17 =	sshrl.u32 @!p0 s17, $0x3  }
0x96: {  	s25 =	simm.s32 @!p0 $0x0;
	[tilespmem:v1+s9+$0x0] =	vst.idx.add.f32.msk $0xffff, v2;
	s22 =	sadd.s32 @!p0 s4, s17  }
0x97: {  	[tilespmem:s25], [sflag:$0x1] =	stream.linear.gather @!p0 [hbm4b:s22+s25], $0x400, $0x38;
	[tilespmem:$0x1E900] =	vst v63  }
0x98: {  	s28 =	simm.s32 @!p0 $0x2000;
	s22 =	sadd.s32 @!p0 s6, s17  }
0x99: {  	[tilespmem:s28], [sflag:$0x1] =	stream.linear.gather @!p0 [hbm4b:s22+s25], $0x400, $0x38;
	[tilespmem:$0x1E900] =	vst v63  }
0x9a: {  	s17 =	sadd.s32 @!p0 s5, s17;
	s22 =	simm.s32 @!p0 $0x1000  }
0x9b: {  	[tilespmem:s22], [sflag:$0x1] =	stream.linear.gather @!p0 [hbm4b:s17+s25], $0x400, $0x38;
	[tilespmem:$0x1E900] =	vst v63  }
0x9c: {  	_ =	swait.ge [sflag:s10], $0x400  }
0x9d: {  	[sflag:s10] =	ssyncset.done $0x0  }
0x9e: {  	[sflag:s10] =	ssyncadd.s32 $0xFFFFFC00  }
0x9f: {  	_ =	swait.ge [sflag:s10], $0x400  }
0xa0: {  	[sflag:s10] =	ssyncset.done $0x0  }
0xa1: {  	[sflag:s10] =	ssyncadd.s32 $0xFFFFFC00  }
0xa2: {  	_ =	swait.ge [sflag:s10], $0x400  }
0xa3: {  	[sflag:s10] =	ssyncset.done $0x0  }
0xa4: {  	[sflag:s10] =	ssyncadd.s32 $0xFFFFFC00  }
0xa5: {  	[tilespmem:s11], [sflag:$0x7] =	stream.indirect.gather [spmem:s2], $0x1, s0, s29, $0xb8;
	[tilespmem:$0x1E900] =	vst v63  }
0xa6: {  	_ =	swait.ge [sflag:s12], $0x400  }
0xa7: {  	[sflag:s12] =	ssyncset.done $0x0  }
0xa8: {  	s22 =	simm.s32 $0x1420;
	[sflag:s12] =	ssyncadd.s32 $0xFFFFFC00  }
0xa9: {  	s25 =	simm.s32 $0x2420;
	v1 =	vld [tilespmem:s22+$0xFFFFFFE0]  }
0xaa: {  	s17 =	simm.s32 $0x3420;
	v2 =	vld [tilespmem:s25+$0xFFFFFFE0]  }
0xab: {  	v3 =	vld [tilespmem:s17+$0xFFFFFFE0];
	_ =	sdelay $0x4  }
0xac: {  	v2 =	vmul.f32 v2, v3;
	_ =	sdelay $0x1  }
0xad: {  	[tilespmem:v1+s9+$0x0] =	vst.idx.add.f32.msk $0xffff, v2  }
0xae: {  	v1 =	vld [tilespmem:s17+$0xFFFFFFF0]  }
0xaf: {  	v2 =	vld [tilespmem:s22+$0xFFFFFFF0]  }
0xb0: {  	v3 =	vld [tilespmem:s25+$0xFFFFFFF0];
	_ =	sdelay $0x4  }
0xb1: {  	v1 =	vmul.f32 v3, v1;
	_ =	sdelay $0x1  }
0xb2: {  	[tilespmem:v2+s9+$0x0] =	vst.idx.add.f32.msk $0xffff, v1  }
0xb3: {  	v1 =	vld [tilespmem:s22+$0x0]  }
0xb4: {  	v2 =	vld [tilespmem:s25+$0x0]  }
0xb5: {  	v3 =	vld [tilespmem:s17+$0x0];
	_ =	sdelay $0x4  }
0xb6: {  	v2 =	vmul.f32 v2, v3;
	_ =	sdelay $0x1  }
0xb7: {  	[tilespmem:v1+s9+$0x0] =	vst.idx.add.f32.msk $0xffff, v2  }
0xb8: {  	v1 =	vld [tilespmem:s22+$0x10]  }
0xb9: {  	v2 =	vld [tilespmem:s17+$0x10]  }
0xba: {  	v3 =	vld [tilespmem:s25+$0x10];
	_ =	sdelay $0x2  }
0xbb: {  	s28 =	simm.s32 $0x0;
	s22 =	simm.s32 $0x1460  }
.LBB2_7:
0xbc: {  	s28 =	sadd.s32 $0x4, s28;
	s25 =	sadd.s32 $0x40, s25;
	s17 =	sadd.s32 $0x40, s17  }
0xbd: {  	p1 =	slt.u32 s28, $0x3C;
	v2 =	vmul.f32 v3, v2;
	_ =	sdelay $0x1  }
0xbe: {  	[tilespmem:v1+s9+$0x0] =	vst.idx.add.f32.msk $0xffff, v2  }
0xbf: {  	v1 =	vld [tilespmem:s22+$0xFFFFFFE0]  }
0xc0: {  	v2 =	vld [tilespmem:s25+$0xFFFFFFE0]  }
0xc1: {  	v3 =	vld [tilespmem:s17+$0xFFFFFFE0];
	_ =	sdelay $0x4  }
0xc2: {  	v2 =	vmul.f32 v2, v3;
	_ =	sdelay $0x1  }
0xc3: {  	[tilespmem:v1+s9+$0x0] =	vst.idx.add.f32.msk $0xffff, v2  }
0xc4: {  	v1 =	vld [tilespmem:s17+$0xFFFFFFF0]  }
0xc5: {  	v2 =	vld [tilespmem:s22+$0xFFFFFFF0]  }
0xc6: {  	v3 =	vld [tilespmem:s25+$0xFFFFFFF0];
	_ =	sdelay $0x4  }
0xc7: {  	v1 =	vmul.f32 v3, v1;
	_ =	sdelay $0x1  }
0xc8: {  	[tilespmem:v2+s9+$0x0] =	vst.idx.add.f32.msk $0xffff, v1  }
0xc9: {  	v1 =	vld [tilespmem:s22+$0x0]  }
0xca: {  	v2 =	vld [tilespmem:s25+$0x0]  }
0xcb: {  	v3 =	vld [tilespmem:s17+$0x0];
	_ =	sdelay $0x4  }
0xcc: {  	v2 =	vmul.f32 v2, v3;
	_ =	sdelay $0x1  }
0xcd: {  	[tilespmem:v1+s9+$0x0] =	vst.idx.add.f32.msk $0xffff, v2  }
0xce: {  	v1 =	vld [tilespmem:s22+$0x10]  }
.Ltmp2:
0xcf: {  	v2 =	vld [tilespmem:s17+$0x10];
	(pc) =	sbr.rel @p1 .LBB2_7-.Ltmp2, $2  }
0xd0: {  	v3 =	vld [tilespmem:s25+$0x10];
	_ =	sdelay $0x2  }
0xd1: {  	s22 =	sadd.s32 $0x40, s22  }
0xd2: {  	_ =	sdelay $0x1  }
0xd3: {  	s17 =	sadd.s32 @!p0 s24, s20;
	v2 =	vmul.f32 v3, v2  }
0xd4: {  	s17 =	sshrl.u32 @!p0 s17, $0x3  }
0xd5: {  	s25 =	simm.s32 @!p0 $0x0;
	s28 =	simm.s32 @!p0 $0x400;
	s22 =	sadd.s32 @!p0 s4, s17;
	[tilespmem:v1+s9+$0x0] =	vst.idx.add.f32.msk $0xffff, v2  }
0xd6: {  	[tilespmem:s28], [sflag:$0x2] =	stream.linear.gather @!p0 [hbm4b:s22+s25], $0x400, $0x38;
	[tilespmem:$0x1E900] =	vst v63  }
0xd7: {  	s22 =	sadd.s32 @!p0 s6, s17;
	s28 =	simm.s32 @!p0 $0x2400  }
0xd8: {  	[tilespmem:s28], [sflag:$0x2] =	stream.linear.gather @!p0 [hbm4b:s22+s25], $0x400, $0x38;
	[tilespmem:$0x1E900] =	vst v63  }
0xd9: {  	s17 =	sadd.s32 @!p0 s5, s17;
	s22 =	simm.s32 @!p0 $0x1400  }
0xda: {  	[tilespmem:s22], [sflag:$0x2] =	stream.linear.gather @!p0 [hbm4b:s17+s25], $0x400, $0x38;
	[tilespmem:$0x1E900] =	vst v63  }
0xdb: {  	_ =	swait.ge [sflag:s13], $0x400  }
0xdc: {  	[sflag:s13] =	ssyncset.done $0x0  }
0xdd: {  	[sflag:s13] =	ssyncadd.s32 $0xFFFFFC00  }
0xde: {  	_ =	swait.ge [sflag:s13], $0x400  }
0xdf: {  	[sflag:s13] =	ssyncset.done $0x0  }
0xe0: {  	[sflag:s13] =	ssyncadd.s32 $0xFFFFFC00  }
0xe1: {  	_ =	swait.ge [sflag:s13], $0x400  }
0xe2: {  	[sflag:s13] =	ssyncset.done $0x0  }
0xe3: {  	[sflag:s13] =	ssyncadd.s32 $0xFFFFFC00  }
0xe4: {  	[tilespmem:s14], [sflag:$0x8] =	stream.indirect.gather [spmem:s2], $0x1, s31, s29, $0xb8;
	[tilespmem:$0x1E900] =	vst v63  }
0xe5: {  	_ =	swait.ge [sflag:s15], $0x400  }
0xe6: {  	[sflag:s15] =	ssyncset.done $0x0  }
0xe7: {  	s22 =	simm.s32 $0x1820;
	[sflag:s15] =	ssyncadd.s32 $0xFFFFFC00  }
0xe8: {  	s25 =	simm.s32 $0x2820;
	v1 =	vld [tilespmem:s22+$0xFFFFFFE0]  }
0xe9: {  	s17 =	simm.s32 $0x3820;
	v2 =	vld [tilespmem:s25+$0xFFFFFFE0]  }
0xea: {  	v3 =	vld [tilespmem:s17+$0xFFFFFFE0];
	_ =	sdelay $0x4  }
0xeb: {  	v2 =	vmul.f32 v2, v3;
	_ =	sdelay $0x1  }
0xec: {  	[tilespmem:v1+s9+$0x0] =	vst.idx.add.f32.msk $0xffff, v2  }
0xed: {  	v1 =	vld [tilespmem:s17+$0xFFFFFFF0]  }
0xee: {  	v2 =	vld [tilespmem:s22+$0xFFFFFFF0]  }
0xef: {  	v3 =	vld [tilespmem:s25+$0xFFFFFFF0];
	_ =	sdelay $0x4  }
0xf0: {  	v1 =	vmul.f32 v3, v1;
	_ =	sdelay $0x1  }
0xf1: {  	[tilespmem:v2+s9+$0x0] =	vst.idx.add.f32.msk $0xffff, v1  }
0xf2: {  	v1 =	vld [tilespmem:s22+$0x0]  }
0xf3: {  	v2 =	vld [tilespmem:s25+$0x0]  }
0xf4: {  	v3 =	vld [tilespmem:s17+$0x0];
	_ =	sdelay $0x4  }
0xf5: {  	v2 =	vmul.f32 v2, v3;
	_ =	sdelay $0x1  }
0xf6: {  	[tilespmem:v1+s9+$0x0] =	vst.idx.add.f32.msk $0xffff, v2  }
0xf7: {  	v1 =	vld [tilespmem:s22+$0x10]  }
0xf8: {  	v2 =	vld [tilespmem:s17+$0x10]  }
0xf9: {  	v3 =	vld [tilespmem:s25+$0x10];
	_ =	sdelay $0x2  }
0xfa: {  	s28 =	simm.s32 $0x0;
	s22 =	simm.s32 $0x1860  }
.LBB2_9:
0xfb: {  	s28 =	sadd.s32 $0x4, s28;
	s25 =	sadd.s32 $0x40, s25;
	s17 =	sadd.s32 $0x40, s17  }
0xfc: {  	p1 =	slt.u32 s28, $0x3C;
	v2 =	vmul.f32 v3, v2;
	_ =	sdelay $0x1  }
0xfd: {  	[tilespmem:v1+s9+$0x0] =	vst.idx.add.f32.msk $0xffff, v2  }
0xfe: {  	v1 =	vld [tilespmem:s22+$0xFFFFFFE0]  }
0xff: {  	v2 =	vld [tilespmem:s25+$0xFFFFFFE0]  }
0x100: {  	v3 =	vld [tilespmem:s17+$0xFFFFFFE0];
	_ =	sdelay $0x4  }
0x101: {  	v2 =	vmul.f32 v2, v3;
	_ =	sdelay $0x1  }
0x102: {  	[tilespmem:v1+s9+$0x0] =	vst.idx.add.f32.msk $0xffff, v2  }
0x103: {  	v1 =	vld [tilespmem:s17+$0xFFFFFFF0]  }
0x104: {  	v2 =	vld [tilespmem:s22+$0xFFFFFFF0]  }
0x105: {  	v3 =	vld [tilespmem:s25+$0xFFFFFFF0];
	_ =	sdelay $0x4  }
0x106: {  	v1 =	vmul.f32 v3, v1;
	_ =	sdelay $0x1  }
0x107: {  	[tilespmem:v2+s9+$0x0] =	vst.idx.add.f32.msk $0xffff, v1  }
0x108: {  	v1 =	vld [tilespmem:s22+$0x0]  }
0x109: {  	v2 =	vld [tilespmem:s25+$0x0]  }
0x10a: {  	v3 =	vld [tilespmem:s17+$0x0];
	_ =	sdelay $0x4  }
0x10b: {  	v2 =	vmul.f32 v2, v3;
	_ =	sdelay $0x1  }
0x10c: {  	[tilespmem:v1+s9+$0x0] =	vst.idx.add.f32.msk $0xffff, v2  }
0x10d: {  	v1 =	vld [tilespmem:s22+$0x10]  }
.Ltmp3:
0x10e: {  	v2 =	vld [tilespmem:s17+$0x10];
	(pc) =	sbr.rel @p1 .LBB2_9-.Ltmp3, $2  }
0x10f: {  	v3 =	vld [tilespmem:s25+$0x10];
	_ =	sdelay $0x2  }
0x110: {  	s22 =	sadd.s32 $0x40, s22  }
0x111: {  	_ =	sdelay $0x1  }
0x112: {  	s17 =	sadd.s32 @!p0 s24, s21;
	v2 =	vmul.f32 v3, v2  }
0x113: {  	s17 =	sshrl.u32 @!p0 s17, $0x3  }
0x114: {  	s24 =	simm.s32 @!p0 $0x0;
	s25 =	simm.s32 @!p0 $0x800;
	s22 =	sadd.s32 @!p0 s4, s17;
	[tilespmem:v1+s9+$0x0] =	vst.idx.add.f32.msk $0xffff, v2  }
0x115: {  	[tilespmem:s25], [sflag:$0x3] =	stream.linear.gather @!p0 [hbm4b:s22+s24], $0x400, $0x38;
	[tilespmem:$0x1E900] =	vst v63  }
0x116: {  	s22 =	sadd.s32 @!p0 s6, s17;
	s25 =	simm.s32 @!p0 $0x2800  }
0x117: {  	[tilespmem:s25], [sflag:$0x3] =	stream.linear.gather @!p0 [hbm4b:s22+s24], $0x400, $0x38;
	[tilespmem:$0x1E900] =	vst v63  }
0x118: {  	s17 =	sadd.s32 @!p0 s5, s17;
	s22 =	simm.s32 @!p0 $0x1800  }
0x119: {  	[tilespmem:s22], [sflag:$0x3] =	stream.linear.gather @!p0 [hbm4b:s17+s24], $0x400, $0x38;
	[tilespmem:$0x1E900] =	vst v63  }
0x11a: {  	s17 =	simm.s32 @!p0 $0x1  }
0x11b: {  	_ =	swait.ge @!p0 [sflag:s17], $0x400  }
0x11c: {  	[sflag:s17] =	ssyncset.done @!p0 $0x0  }
0x11d: {  	[sflag:s17] =	ssyncadd.s32 @!p0 $0xFFFFFC00  }
0x11e: {  	_ =	swait.ge @!p0 [sflag:s17], $0x400  }
0x11f: {  	[sflag:s17] =	ssyncset.done @!p0 $0x0  }
0x120: {  	[sflag:s17] =	ssyncadd.s32 @!p0 $0xFFFFFC00  }
0x121: {  	_ =	swait.ge @!p0 [sflag:s17], $0x400  }
0x122: {  	[sflag:s17] =	ssyncset.done @!p0 $0x0  }
0x123: {  	s22 =	simm.s32 @!p0 $0x3000;
	[sflag:s17] =	ssyncadd.s32 @!p0 $0xFFFFFC00;
	s17 =	simm.s32 @!p0 $0x400  }
0x124: {  	[tilespmem:s22], [sflag:$0x5] =	stream.indirect.gather @!p0 [spmem:s2], $0x1, s24, s17, $0xb8;
	[tilespmem:$0x1E900] =	vst v63  }
0x125: {  	_ =	swait.ge [sflag:s16], $0x400  }
0x126: {  	[sflag:s16] =	ssyncset.done $0x0  }
0x127: {  	s28 =	simm.s32 $0x1C20;
	[sflag:s16] =	ssyncadd.s32 $0xFFFFFC00  }
0x128: {  	s24 =	simm.s32 $0x2C20;
	v1 =	vld [tilespmem:s28+$0xFFFFFFE0]  }
0x129: {  	s17 =	simm.s32 $0x3C20;
	v2 =	vld [tilespmem:s24+$0xFFFFFFE0]  }
0x12a: {  	v3 =	vld [tilespmem:s17+$0xFFFFFFE0];
	_ =	sdelay $0x4  }
0x12b: {  	v2 =	vmul.f32 v2, v3;
	_ =	sdelay $0x1  }
0x12c: {  	[tilespmem:v1+s9+$0x0] =	vst.idx.add.f32.msk $0xffff, v2  }
0x12d: {  	v1 =	vld [tilespmem:s17+$0xFFFFFFF0]  }
0x12e: {  	v2 =	vld [tilespmem:s28+$0xFFFFFFF0]  }
0x12f: {  	v3 =	vld [tilespmem:s24+$0xFFFFFFF0];
	_ =	sdelay $0x4  }
0x130: {  	v1 =	vmul.f32 v3, v1;
	_ =	sdelay $0x1  }
0x131: {  	[tilespmem:v2+s9+$0x0] =	vst.idx.add.f32.msk $0xffff, v1  }
0x132: {  	v1 =	vld [tilespmem:s28+$0x0]  }
0x133: {  	v2 =	vld [tilespmem:s24+$0x0]  }
0x134: {  	v3 =	vld [tilespmem:s17+$0x0];
	_ =	sdelay $0x4  }
0x135: {  	v2 =	vmul.f32 v2, v3;
	_ =	sdelay $0x1  }
0x136: {  	[tilespmem:v1+s9+$0x0] =	vst.idx.add.f32.msk $0xffff, v2  }
0x137: {  	v1 =	vld [tilespmem:s28+$0x10]  }
0x138: {  	v2 =	vld [tilespmem:s17+$0x10]  }
0x139: {  	v3 =	vld [tilespmem:s24+$0x10];
	_ =	sdelay $0x2  }
0x13a: {  	s25 =	simm.s32 $0x0;
	s22 =	simm.s32 $0x1C60  }
.LBB2_11:
0x13b: {  	s25 =	sadd.s32 $0x4, s25;
	s24 =	sadd.s32 $0x40, s24;
	s17 =	sadd.s32 $0x40, s17  }
0x13c: {  	p0 =	slt.u32 s25, $0x3C;
	v2 =	vmul.f32 v3, v2;
	_ =	sdelay $0x1  }
0x13d: {  	[tilespmem:v1+s9+$0x0] =	vst.idx.add.f32.msk $0xffff, v2  }
0x13e: {  	v1 =	vld [tilespmem:s22+$0xFFFFFFE0]  }
0x13f: {  	v2 =	vld [tilespmem:s24+$0xFFFFFFE0]  }
0x140: {  	v3 =	vld [tilespmem:s17+$0xFFFFFFE0];
	_ =	sdelay $0x4  }
0x141: {  	v2 =	vmul.f32 v2, v3;
	_ =	sdelay $0x1  }
0x142: {  	[tilespmem:v1+s9+$0x0] =	vst.idx.add.f32.msk $0xffff, v2  }
0x143: {  	v1 =	vld [tilespmem:s17+$0xFFFFFFF0]  }
0x144: {  	v2 =	vld [tilespmem:s22+$0xFFFFFFF0]  }
0x145: {  	v3 =	vld [tilespmem:s24+$0xFFFFFFF0];
	_ =	sdelay $0x4  }
0x146: {  	v1 =	vmul.f32 v3, v1;
	_ =	sdelay $0x1  }
0x147: {  	[tilespmem:v2+s9+$0x0] =	vst.idx.add.f32.msk $0xffff, v1  }
0x148: {  	v1 =	vld [tilespmem:s22+$0x0]  }
0x149: {  	v2 =	vld [tilespmem:s24+$0x0]  }
0x14a: {  	v3 =	vld [tilespmem:s17+$0x0];
	_ =	sdelay $0x4  }
0x14b: {  	v2 =	vmul.f32 v2, v3;
	_ =	sdelay $0x1  }
0x14c: {  	[tilespmem:v1+s9+$0x0] =	vst.idx.add.f32.msk $0xffff, v2  }
0x14d: {  	v1 =	vld [tilespmem:s22+$0x10]  }
.Ltmp4:
0x14e: {  	v2 =	vld [tilespmem:s17+$0x10];
	(pc) =	sbr.rel @p0 .LBB2_11-.Ltmp4, $2  }
0x14f: {  	v3 =	vld [tilespmem:s24+$0x10];
	_ =	sdelay $0x2  }
0x150: {  	s22 =	sadd.s32 $0x40, s22  }
0x151: {  	s23 =	sadd.s32 $0x1, s23  }
0x152: {  	p0 =	sne.s32 s23, $0x31  }
.Ltmp5:
0x153: {  	_ = 	snop;
	(pc) =	sbr.rel @p0 .LBB2_4-.Ltmp5, $3  }
0x154: {  	_ = 	snop  }
0x155: {  	v2 =	vmul.f32 v3, v2;
	_ =	sdelay $0x1  }
0x156: {  	[tilespmem:v1+s9+$0x0] =	vst.idx.add.f32.msk $0xffff, v2  }
0x157: {  	s17 =	rddreg [dreg:$0xe];
	s22 =	simm.s32 $0x80;
	s25 =	simm.s32 $0xA  }
0x158: {  	[hbm4b:s17+s22] =	stream.strided.scatter [tilespmem:s9], [sflag:$0xA], $0x19000, s29, s22, $0x38;
	[tilespmem:$0x1E900] =	vst v63  }
0x159: {  	_ =	swait.ge [sflag:s25], $0x19000  }
0x15a: {  	s23 =	rddreg [dreg:$0x11]  }
0x15b: {  	s28 =	rddreg [dreg:$0xf];
	s23 =	sadd.s32 $0x1, s23  }
0x15c: {  	p0 =	sne.s32 s23, s28  }
.Ltmp6:
0x15d: {  	_ = 	snop;
	(pc) =	sbr.rel @p0 .LBB2_1-.Ltmp6, $3  }
0x15e: {  	_ =	sdelay $0x1  }
0x15f: {  	[sflag:s25] =	ssyncset.done $0x0  }
0x160: {  	[sflag:s25] =	ssyncadd.s32 $0xFFFE7000  }
0x161: {  	_ =	sfence.sel $0x180000  }
0x162: {  	[bflag:$0x0] =	sbarrier.arrive $0xFFFF  }
0x163: {  	_ =	strace $0x90000047  }
0x164: {  	s0 =	stileid.u32;
	[bflag:$0x2] =	sbarrier.arrive $0xFFFF  }
0x165: {  	p0 =	sne.s32 s0, $0x0;
	s0 =	rddreg [dreg:$0x2]  }
0x166: {  	s0 =	sadd.s32 @!p0 $0x100000, s0  }
0x167: {  	[sflag:s0] =	ssyncadd.tile.s32 @!p0 $0x1;
	_ =	shalt  }
.Lfunc_end2:
_tile_overlayer_lowered:
.L_overlay_start_2:
0x168: {  	(tag) =	ssettag $0x2  }
0x169: {  	s0 =	rddreg [dreg:$0x0];
	s2 =	stileid.u32  }
0x16a: {  	s1 =	rddreg [dreg:$0x1];
	p0 =	sne.s32 s2, $0x0  }
0x16b: {  	s3 =	rddreg [dreg:$0x2];
	[bflag:$0x3] =	sbarrier.arrive $0xFFFF;
	s2 =	simm.s32 @!p0 $0x1C0A  }
0x16c: {  	[timem:s3], [sflag:s2] =	dma.local @!p0 [hbm:s0], s1  }
0x16d: {  	s0 =	simm.s32 @!p0 $0xA  }
0x16e: {  	_ =	swait.ge @!p0 [sflag:s0], s1  }
0x16f: {  	s1 =	ssub.s32 @!p0 $0x0, s1;
	[sflag:s0] =	ssyncset.done @!p0 $0x0  }
0x170: {  	[sflag:s0] =	ssyncadd.s32 @!p0 s1  }
0x171: {  	[bflag:$0x3] =	sbarrier.arrive $0xFFFF  }
0x172: {  	_ =	shalt  }

// kernel: icapprox_scatter.8.cloned.1.call-start
scs
__scs_entry_jumppad:
0x0: {  	(pc) =	sbr.rel $0x88, $3  }
0x1: {  	(tag) =	ssettag $0x0;
	lr =	simm.s32 $0x1  }
0x2: {  	[smem:$0x3F9E] =	sst lr;
	_ =	strace $0xD0000000  }
0x3: {  	_ = 	snop  }
0x4: {  	_ = 	snop  }
0x5: {  	_ = 	snop  }
0x6: {  	_ = 	snop  }
0x7: {  	_ = 	snop  }
__scs_overlays_trampoline_lowered:
0x8: {  	[smem:$0x3FAD] =	sst s0  }
0x9: {  	[smem:$0x3FAE] =	sst s1  }
0xa: {  	[smem:$0x3FAF] =	sst s2  }
0xb: {  	[smem:$0x3FB0] =	sst s3  }
0xc: {  	[smem:$0x3FB1] =	sst s4  }
0xd: {  	[smem:$0x3FB2] =	sst s5  }
0xe: {  	[smem:$0x3FB3] =	sst s6  }
0xf: {  	[smem:$0x3FB4] =	sst s7  }
0x10: {  	[smem:$0x3FB5] =	sst s8  }
0x11: {  	[smem:$0x3FB6] =	sst s9;
	s0 =	simm.s32 @!p0 $0x0  }
0x12: {  	s1 =	sld [smem:$0x3F9C];
	s0 =	simm.s32 @p0 $0x1  }
0x13: {  	[smem:$0x3FB7] =	sst s0;
	s0 =	simm.s32 @!p1 $0x0  }
0x14: {  	s2 =	sld [smem:$0x3F9B];
	s0 =	simm.s32 @p1 $0x1  }
0x15: {  	[smem:$0x3FB8] =	sst s0;
	s0 =	simm.s32 @!p2 $0x0  }
0x16: {  	s3 =	sld [smem:$0x3FDB];
	s0 =	simm.s32 @p2 $0x1  }
0x17: {  	s4 =	simm.s32 $0x1BF5;
	[smem:$0x3FBA] =	sst s0  }
0x18: {  	s0 =	sld [smem:$0x3F9D];
	_ =	swait.ge [sflag:s4], $0x0  }
0x19: {  	s7 =	sld [smem:$0x3F9E]  }
0x1a: {  	s8 =	sadd.s32 $0xFFFFE003, lr  }
0x1b: {  	s9 =	sadd.s32 $0xFFFFFEF7, lr;
	s5 =	simm.s32 $0xFFFFFFFF;
	p2 =	slt.u32 s8, $0xFFFFF086  }
0x1c: {  	p1 =	slt.u32 s9, $0xF7A;
	s5 =	simm.s32 @!p2 $0x0  }
0x1d: {  	s5 =	simm.s32 @p1 $0x1;
	p0 =	seq.s32 s7, s2  }
0x1e: {  	s7 =	smul.u32 @!p0 $0xF7A, s2;
	p2 =	seq.s32 @!p0 s5, $0x0  }
0x1f: {  	s9 =	smul.u32 $0xF7A, s1;
	s8 =	simm.s32 @!p0 $0x1BF5;
	p2 =	por !p2, p0  }
0x20: {  	[sflag:s8] =	ssyncset.s32 @!p0 $0xFFFFF086;
	s6 =	sadd.s32 @!p0 s3, s7;
	s7 =	simm.s32 @!p0 $0x108  }
0x21: {  	s3 =	sadd.s32 s3, s9;
	s6 =	sadd.s32 @!p0 $0x88, s6;
	s7 =	simm.s32 @p2 $0x1082  }
0x22: {  	[simem:s7], [sflag:s8] =	dma.local @!p0 [hbm:s6], $0xF7A  }
0x23: {  	s9 =	sor.u32 $0xD0000000, s2;
	s6 =	simm.s32 $0x108;
	_ =	swait.ge @!p0 [sflag:s8], $0x0  }
0x24: {  	s3 =	sadd.s32 $0x88, s3;
	s6 =	simm.s32 @!p1 $0x1082;
	[sflag:s4] =	ssyncset.s32 $0xFFFFF086  }
0x25: {  	[simem:s6], [sflag:s4] =	dma.local [hbm:s3], $0xF7A  }
0x26: {  	[smem:$0x3F9E] =	sst s1;
	(tag) =	ssettag s2;
	_ =	strace s9  }
0x27: {  	s1 =	sld [smem:$0x3FAE]  }
0x28: {  	s2 =	sld [smem:$0x3FAF]  }
0x29: {  	s4 =	sld [smem:$0x3FB1]  }
0x2a: {  	p0 =	seq.s32 s5, $0x0;
	s5 =	sld [smem:$0x3FB2]  }
0x2b: {  	s6 =	sld [smem:$0x3FB3]  }
0x2c: {  	s7 =	sld [smem:$0x3FB4]  }
0x2d: {  	s3 =	simm.s32 $0x108;
	s8 =	sld [smem:$0x3FB5]  }
0x2e: {  	s3 =	simm.s32 @!p0 $0x1082;
	s9 =	sld [smem:$0x3FB6]  }
0x2f: {  	lr =	sadd.s32 s0, s3;
	s0 =	sld [smem:$0x3FAD]  }
0x30: {  	s3 =	sld [smem:$0x3FB0]  }
0x31: {  	[smem:$0x3FB9] =	sst s10  }
0x32: {  	s10 =	sld [smem:$0x3FB7];
	_ =	sdelay $0x3  }
0x33: {  	p0 =	seq.s32 s10, $0x1;
	s10 =	sld [smem:$0x3FB9];
	_ =	sdelay $0x3  }
0x34: {  	[smem:$0x3FB9] =	sst s10  }
0x35: {  	s10 =	sld [smem:$0x3FB8];
	_ =	sdelay $0x3  }
0x36: {  	p1 =	seq.s32 s10, $0x1;
	s10 =	sld [smem:$0x3FB9];
	_ =	sdelay $0x3  }
0x37: {  	[smem:$0x3FB9] =	sst s10  }
0x38: {  	s10 =	sld [smem:$0x3FBA]  }
0x39: {  	_ = 	snop;
	(pc) =	sbr.ind lr, $3  }
0x3a: {  	_ = 	snop  }
0x3b: {  	_ = 	snop  }
0x3c: {  	p2 =	seq.s32 s10, $0x1;
	s10 =	sld [smem:$0x3FB9]  }
0x3d: {  	_ =	shalt  }
0x3e: {  	_ =	shalt  }
0x3f: {  	_ =	shalt  }
0x40: {  	_ =	shalt  }
0x41: {  	_ =	shalt  }
0x42: {  	_ =	shalt  }
0x43: {  	_ =	shalt  }
0x44: {  	_ =	shalt  }
0x45: {  	_ =	shalt  }
0x46: {  	_ =	shalt  }
0x47: {  	_ =	shalt  }
0x48: {  	_ =	shalt  }
0x49: {  	_ =	shalt  }
0x4a: {  	_ =	shalt  }
0x4b: {  	_ =	shalt  }
0x4c: {  	_ =	shalt  }
0x4d: {  	_ =	shalt  }
0x4e: {  	_ =	shalt  }
0x4f: {  	_ =	shalt  }
0x50: {  	_ =	shalt  }
0x51: {  	_ =	shalt  }
0x52: {  	_ =	shalt  }
0x53: {  	_ =	shalt  }
0x54: {  	_ =	shalt  }
0x55: {  	_ =	shalt  }
0x56: {  	_ =	shalt  }
0x57: {  	_ =	shalt  }
0x58: {  	_ =	shalt  }
0x59: {  	_ =	shalt  }
0x5a: {  	_ =	shalt  }
0x5b: {  	_ =	shalt  }
0x5c: {  	_ =	shalt  }
0x5d: {  	_ =	shalt  }
0x5e: {  	_ =	shalt  }
0x5f: {  	_ =	shalt  }
0x60: {  	_ =	shalt  }
0x61: {  	_ =	shalt  }
0x62: {  	_ =	shalt  }
0x63: {  	_ =	shalt  }
0x64: {  	_ =	shalt  }
0x65: {  	_ =	shalt  }
0x66: {  	_ =	shalt  }
0x67: {  	_ =	shalt  }
0x68: {  	_ =	shalt  }
0x69: {  	_ =	shalt  }
0x6a: {  	_ =	shalt  }
0x6b: {  	_ =	shalt  }
0x6c: {  	_ =	shalt  }
0x6d: {  	_ =	shalt  }
0x6e: {  	_ =	shalt  }
0x6f: {  	_ =	shalt  }
0x70: {  	_ =	shalt  }
0x71: {  	_ =	shalt  }
0x72: {  	_ =	shalt  }
0x73: {  	_ =	shalt  }
0x74: {  	_ =	shalt  }
0x75: {  	_ =	shalt  }
0x76: {  	_ =	shalt  }
0x77: {  	_ =	shalt  }
0x78: {  	_ =	shalt  }
0x79: {  	_ =	shalt  }
0x7a: {  	_ =	shalt  }
0x7b: {  	_ =	shalt  }
0x7c: {  	_ =	shalt  }
0x7d: {  	_ =	shalt  }
0x7e: {  	_ =	shalt  }
0x7f: {  	_ =	shalt  }
0x80: {  	_ =	shalt  }
0x81: {  	_ =	shalt  }
0x82: {  	_ =	shalt  }
0x83: {  	_ =	shalt  }
0x84: {  	_ =	shalt  }
0x85: {  	_ =	shalt  }
0x86: {  	_ =	shalt  }
0x87: {  	_ =	shalt  }
.Lfunc_end0:
.L_simem_size_0:
called_computation.2_lowered:
.L_overlay_start_0:
0x88: {  	s2 =	sld [smem:$0x3FD9]  }
0x89: {  	s3 =	sld [smem:$0x3FFE];
	_ =	sdelay $0x1  }
0x8a: {  	s1 =	srdreg.scid  }
0x8b: {  	s0 =	sand.u32 $0x1, s1  }
0x8c: {  	s16 =	sshll.u32 s0, $0xA;
	s2 =	sadd.s32 s3, s2  }
0x8d: {  	s2 =	sadd.s32 s2, s16  }
0x8e: {  	[smem:$0x3FC5] =	sst s2  }
0x8f: {  	_ = 	snop  }
0x90: {  	(tm) =	ssettm $0x1  }
0x91: {  	s17 =	sld [smem:$0x3FFB];
	_ =	sdelay $0x3  }
0x92: {  	_ =	strace s17  }
0x93: {  	s2 =	sld [smem:$0x3FFC];
	_ =	sdelay $0x3  }
0x94: {  	_ =	strace s2  }
0x95: {  	s2 =	sld [smem:$0x3FFD];
	_ =	sdelay $0x3  }
0x96: {  	_ =	strace s2  }
0x97: {  	_ =	strace $0x8FFFFFFF  }
0x98: {  	s18 =	sld [smem:$0x3FDB];
	_ =	sdelay $0x1  }
0x99: {  	s19 =	simm.s32 $_scs_section_size  }
0x9a: {  	s4 =	simm.s32 $_size__tile_overlayer_lowered;
	s5 =	simm.s32 $_tile_overlayer_lowered  }
0x9b: {  	s22 =	simm.s32 $0x1BFF;
	s21 =	sshll.u32 s5, $0x1;
	s2 =	sadd.s32 s19, s18  }
0x9c: {  	s6 =	simm.s32 $0x0;
	s20 =	sshll.u32 s4, $0x1;
	s4 =	sadd.s32 s21, s2  }
0x9d: {  	[timem:s6], [sflag:s22] =	dma.local [hbm:s4], s20  }
0x9e: {  	_ =	swait.ge [sflag:s22], s20  }
0x9f: {  	s3 =	ssub.s32 $0x0, s20;
	[sflag:s22] =	ssyncset.done $0x0  }
0xa0: {  	[sflag:s22] =	ssyncadd.s32 s3;
	_ =	sdelay $0x1  }
0xa1: {  	s23 =	simm.s32 $0x1B8B  }
0xa2: {  	_ =	swait.ge [sflag:s23], $0x1  }
0xa3: {  	[sflag:s23] =	ssyncset.done $0x0  }
0xa4: {  	s25 =	simm.s32 $0x1B8E;
	s24 =	sld [smem:$0x3FFE];
	[sflag:s23] =	ssyncadd.s32 $0xFFFFFFFF  }
0xa5: {  	s26 =	simm.s32 $execute0_lowered;
	[smem:$0x3FD2] =	sst s25  }
0xa6: {  	s4 =	sshll.u32 s26, $0x1;
	_ =	strace $0x8000004C;
	[dreg:$0x1] =	wrdreg $0xFFFFFFFF  }
0xa7: {  	s28 =	simm.s32 $_size_execute0_lowered;
	s2 =	sadd.s32 s2, s4;
	[dreg:$0x0] =	wrdreg $0x0  }
0xa8: {  	s4 =	sshll.u32 s28, $0x1;
	[dreg:$0x2] =	wrdreg s2  }
0xa9: {  	[dreg:$0x3] =	wrdreg s4  }
0xaa: {  	[dreg:$0x4] =	wrdreg $0xC0  }
0xab: {  	_ =	task [dreg:s6], $0x5FFFF  }
0xac: {  	[dreg:$0x1] =	wrdreg $0xFFFFFFFF  }
0xad: {  	[dreg:$0x0] =	wrdreg $0x60  }
0xae: {  	[dreg:$0x2] =	wrdreg s24  }
0xaf: {  	[dreg:$0x3] =	wrdreg $0x1D0000  }
0xb0: {  	[dreg:$0x4] =	wrdreg $0x9  }
0xb1: {  	_ =	task.clear_ibuf [dreg:s6], $0x5FFFF;
	_ =	strace $0x9000004C  }
0xb2: {  	s29 =	simm.s32 $0x9;
	_ =	strace $0x8000004E  }
0xb3: {  	_ =	swait.ge [sflag:s29], $0x1  }
0xb4: {  	[sflag:s29] =	ssyncadd.s32 $0xFFFFFFFF  }
0xb5: {  	_ =	strace $0x9000004E  }
0xb6: {  	_ =	sfence  }
0xb7: {  	s30 =	sld [smem:$0x0];
	_ =	sdelay $0x2  }
0xb8: {  	s31 =	sshll.u32 s1, $0xD;
	s1 =	sshrl.u32 s1, $0x2  }
0xb9: {  	s3 =	sand.u32 $0x4000, s31;
	s1 =	sadd.s32 s1, s30  }
0xba: {  	s0 =	sor.u32 s3, s0;
	s1 =	sshll.u32 s1, $0x11  }
0xbb: {  	s0 =	sor.u32 s1, s0  }
0xbc: {  	s0 =	sadd.s32 $0x8F2B, s0  }
0xbd: {  	[sflag:s0] =	ssyncadd.remote.s32 $0x1  }
0xbe: {  	_ =	sfence.sel $0xFFFF  }
0xbf: {  	[dreg:$0x0] =	wrdreg $0xFFFFFFFF;
	(pc) =	sbr.abs _section_cstart, $3  }
0xc0: {  	[dreg:$0x1] =	wrdreg $0xFFFFFFFF  }
0xc1: {  	_ =	task.clear_ibuf [dreg:s6], $0x2FFFF;
	_ =	strace $0x9FFFFFFF  }
0xc2: {  	(tm) =	ssettm $0x7FFFFFFF  }
0xc3: {  	_ =	shalt  }
tec
execute0_lowered:
.L_overlay_start_1:
0x0: {  	(tag) =	ssettag $0x1  }
0x1: {  	s0 =	rddreg [dreg:$0x0]  }
0x2: {  	s2 =	rddreg [dreg:$0x1];
	s3 =	simm.s32 $0x0  }
0x3: {  	s12 =	stileid.u32;
	s1 =	srdreg.scid;
	s29 =	simm.s32 $0x400  }
0x4: {  	s31 =	simm.s32 $0xC00;
	s30 =	simm.s32 $0x2;
	[smem:$0x7FF] =	sst s3  }
0x5: {  	s7 =	smul.u32 $0x1900, s12;
	s1 =	sand.u32 $0x1, s1;
	s4 =	sshll.u32 s12, $0x1  }
0x6: {  	s13 =	sshrl.u32 s12, $0x2;
	s15 =	sshll.u32 s12, $0x6;
	s12 =	simm.s32 $0x6  }
0x7: {  	_ =	strace $0x8000004D;
	s6 =	sor.u32 s1, s4;
	s8 =	smul.u32 $0xC8000, s13  }
0x8: {  	s4 =	sadd.s32 $0xC6000, s0;
	s1 =	ssub.s32 $0x2, s1;
	s13 =	simm.s32 $0x4  }
0x9: {  	s5 =	sshrl.u32 s7, $0x3;
	s9 =	sshll.u32 s6, $0x7;
	s14 =	sshrl.u32 s1, $0x1  }
0xa: {  	s11 =	smul.u32 $0x31000, s6;
	s6 =	sadd.s32 $0x24E000, s0;
	s7 =	sadd.s32 s7, s2  }
0xb: {  	s10 =	sadd.s32 s5, s0;
	s9 =	sand.u32 $0x380, s9;
	s5 =	sadd.s32 $0x18A000, s0  }
0xc: {  	s1 =	ssub.s32 s1, s14;
	s28 =	sshrl.u32 s7, $0x3;
	s7 =	simm.s32 $0x3400  }
0xd: {  	s14 =	simm.s32 $0x3C00;
	s8 =	sor.u32 s8, s9;
	s16 =	sshrl.u32 s11, $0x3  }
0xe: {  	s10 =	sadd.s32 $0x6CE00, s10;
	s26 =	smax.u32 s1, $0x1;
	[dreg:$0x10] =	wrdreg s28  }
0xf: {  	s1 =	simm.s32 $0x2C00;
	s8 =	sshrl.u32 s8, $0x3;
	[dreg:$0x3] =	wrdreg s10  }
0x10: {  	s17 =	sadd.s32 s4, s16;
	s18 =	sadd.s32 s6, s16;
	[dreg:$0xf] =	wrdreg s26  }
0x11: {  	s19 =	sadd.s32 s5, s16;
	s20 =	sor.u32 $0x80, s16;
	[dreg:$0x5] =	wrdreg s17  }
0x12: {  	s9 =	sor.u32 $0x100, s16;
	s26 =	simm.s32 $0x1C00;
	[dreg:$0x6] =	wrdreg s18  }
0x13: {  	s0 =	sadd.s32 s8, s0;
	s8 =	sor.u32 $0x1C09, s15;
	[dreg:$0x7] =	wrdreg s19  }
0x14: {  	s10 =	simm.s32 $0x3;
	s21 =	sadd.s32 s4, s20;
	[dreg:$0x4] =	wrdreg s8  }
0x15: {  	s16 =	simm.s32 $0x8;
	s22 =	sadd.s32 s6, s20;
	[dreg:$0x8] =	wrdreg s21  }
0x16: {  	s23 =	sadd.s32 s4, s9;
	s24 =	sadd.s32 s6, s9;
	[dreg:$0x9] =	wrdreg s22  }
0x17: {  	s25 =	sadd.s32 s5, s9;
	s18 =	sor.u32 $0xC00, s11;
	[dreg:$0xb] =	wrdreg s23  }
0x18: {  	s19 =	sadd.s32 $0x1000, s11;
	s9 =	simm.s32 $0x4000;
	[dreg:$0xc] =	wrdreg s24  }
0x19: {  	s15 =	simm.s32 $0x7;
	s8 =	sadd.s32 s5, s20;
	[dreg:$0xd] =	wrdreg s25  }
0x1a: {  	s20 =	sadd.s32 $0x1400, s11;
	s21 =	sadd.s32 $0x1800, s11;
	s0 =	sadd.s32 $0x2A00, s0  }
0x1b: {  	s11 =	simm.s32 $0x3800;
	s23 =	simm.s32 $0x0;
	[dreg:$0xa] =	wrdreg s8  }
0x1c: {  	v0 =	vimm.f32 $0.0e+00;
	[dreg:$0xe] =	wrdreg s0;
	s0 =	simm.s32 $0x800;
	s8 =	simm.s32 $0x5  }
.LBB2_1:
0x1d: {  	[dreg:$0x11] =	wrdreg s23  }
0x1e: {  	s17 =	rddreg [dreg:$0x3]  }
0x1f: {  	s22 =	rddreg [dreg:$0x4]  }
0x20: {  	s28 =	rddreg [dreg:$0x10]  }
0x21: {  	[spmem:s28], [sflag:s22] =	dma.local [hbm:s17], $0x320  }
0x22: {  	s17 =	simm.s32 $0x4040  }
0x23: {  	[tilespmem:s17+$0xFFFFFFC0] =	vst v0  }
0x24: {  	[tilespmem:s17+$0x30] =	vst v0  }
0x25: {  	[tilespmem:s17+$0x20] =	vst v0  }
0x26: {  	[tilespmem:s17+$0x10] =	vst v0  }
0x27: {  	[tilespmem:s17+$0x0] =	vst v0  }
0x28: {  	[tilespmem:s17+$0xFFFFFFF0] =	vst v0  }
0x29: {  	s22 =	simm.s32 $0x0;
	[tilespmem:s17+$0xFFFFFFE0] =	vst v0  }
.LBB2_2:
0x2a: {  	s22 =	sadd.s32 $0x8, s22;
	[tilespmem:s17+$0xFFFFFFD0] =	vst v0;
	s17 =	sadd.s32 $0x80, s17  }
0x2b: {  	[tilespmem:s17+$0xFFFFFFC0] =	vst v0;
	p0 =	slt.u32 s22, $0x18F8  }
0x2c: {  	[tilespmem:s17+$0x30] =	vst v0  }
.Ltmp0:
0x2d: {  	[tilespmem:s17+$0x20] =	vst v0;
	(pc) =	sbr.rel @p0 .LBB2_2-.Ltmp0, $4  }
0x2e: {  	[tilespmem:s17+$0x10] =	vst v0  }
0x2f: {  	[tilespmem:s17+$0x0] =	vst v0  }
0x30: {  	[tilespmem:s17+$0xFFFFFFF0] =	vst v0  }
0x31: {  	[tilespmem:s17+$0xFFFFFFE0] =	vst v0  }
0x32: {  	[tilespmem:s17+$0xFFFFFFD0] =	vst v0;
	s24 =	simm.s32 $0x9  }
0x33: {  	_ =	swait.ge [sflag:s24], $0x320  }
0x34: {  	[sflag:s24] =	ssyncset.done $0x0  }
0x35: {  	[sflag:s24] =	ssyncadd.s32 $0xFFFFFCE0  }
0x36: {  	[bflag:$0x0] =	sbarrier.arrive $0xFFFF  }
0x37: {  	s23 =	simm.s32 $0x0;
	s25 =	rddreg [dreg:$0x5]  }
0x38: {  	[tilespmem:s23], [sflag:$0x1] =	stream.linear.gather [hbm4b:s25+s23], $0x400, $0x38;
	[tilespmem:$0x1E900] =	vst v63  }
0x39: {  	s22 =	simm.s32 $0x2000;
	s28 =	rddreg [dreg:$0x6]  }
0x3a: {  	[tilespmem:s22], [sflag:$0x1] =	stream.linear.gather [hbm4b:s28+s23], $0x400, $0x38;
	[tilespmem:$0x1E900] =	vst v63  }
0x3b: {  	s24 =	rddreg [dreg:$0x7];
	s25 =	simm.s32 $0x1000  }
0x3c: {  	[tilespmem:s25], [sflag:$0x1] =	stream.linear.gather [hbm4b:s24+s23], $0x400, $0x38;
	[tilespmem:$0x1E900] =	vst v63  }
0x3d: {  	s28 =	rddreg [dreg:$0x8]  }
0x3e: {  	[tilespmem:s29], [sflag:$0x2] =	stream.linear.gather [hbm4b:s28+s23], $0x400, $0x38;
	[tilespmem:$0x1E900] =	vst v63  }
0x3f: {  	s22 =	rddreg [dreg:$0x9];
	s24 =	simm.s32 $0x2400  }
0x40: {  	[tilespmem:s24], [sflag:$0x2] =	stream.linear.gather [hbm4b:s22+s23], $0x400, $0x38;
	[tilespmem:$0x1E900] =	vst v63  }
0x41: {  	s25 =	rddreg [dreg:$0xa];
	s28 =	simm.s32 $0x1400  }
0x42: {  	[tilespmem:s28], [sflag:$0x2] =	stream.linear.gather [hbm4b:s25+s23], $0x400, $0x38;
	[tilespmem:$0x1E900] =	vst v63  }
0x43: {  	s24 =	rddreg [dreg:$0xb]  }
0x44: {  	[tilespmem:s0], [sflag:$0x3] =	stream.linear.gather [hbm4b:s24+s23], $0x400, $0x38;
	[tilespmem:$0x1E900] =	vst v63  }
0x45: {  	s25 =	rddreg [dreg:$0xc];
	s28 =	simm.s32 $0x2800  }
0x46: {  	[tilespmem:s28], [sflag:$0x3] =	stream.linear.gather [hbm4b:s25+s23], $0x400, $0x38;
	[tilespmem:$0x1E900] =	vst v63  }
0x47: {  	s22 =	rddreg [dreg:$0xd];
	s24 =	simm.s32 $0x1800;
	s25 =	simm.s32 $0x1  }
0x48: {  	[tilespmem:s24], [sflag:$0x3] =	stream.linear.gather [hbm4b:s22+s23], $0x400, $0x38;
	[tilespmem:$0x1E900] =	vst v63  }
0x49: {  	_ =	swait.ge [sflag:s25], $0x400  }
0x4a: {  	[sflag:s25] =	ssyncset.done $0x0  }
0x4b: {  	[sflag:s25] =	ssyncadd.s32 $0xFFFFFC00  }
0x4c: {  	_ =	swait.ge [sflag:s25], $0x400  }
0x4d: {  	[sflag:s25] =	ssyncset.done $0x0  }
0x4e: {  	[sflag:s25] =	ssyncadd.s32 $0xFFFFFC00  }
0x4f: {  	_ =	swait.ge [sflag:s25], $0x400  }
0x50: {  	[sflag:s25] =	ssyncset.done $0x0  }
0x51: {  	s28 =	simm.s32 $0x3000;
	[sflag:s25] =	ssyncadd.s32 $0xFFFFFC00  }
0x52: {  	[tilespmem:s28], [sflag:$0x5] =	stream.indirect.gather [spmem:s2], $0x1, s23, s29, $0xb8;
	[tilespmem:$0x1E900] =	vst v63  }
.LBB2_4:
0x53: {  	s24 =	sshll.u32 s23, $0xC  }
0x54: {  	s17 =	sadd.s32 s24, s18  }
0x55: {  	s17 =	sshrl.u32 s17, $0x3  }
0x56: {  	s22 =	sadd.s32 s4, s17  }
0x57: {  	[tilespmem:s31], [sflag:$0x4] =	stream.linear.gather [hbm4b:s22+s3], $0x400, $0x38;
	[tilespmem:$0x1E900] =	vst v63  }
0x58: {  	s25 =	sadd.s32 s6, s17  }
0x59: {  	[tilespmem:s1], [sflag:$0x4] =	stream.linear.gather [hbm4b:s25+s3], $0x400, $0x38;
	[tilespmem:$0x1E900] =	vst v63  }
0x5a: {  	s17 =	sadd.s32 s5, s17  }
0x5b: {  	[tilespmem:s26], [sflag:$0x4] =	stream.linear.gather [hbm4b:s17+s3], $0x400, $0x38;
	[tilespmem:$0x1E900] =	vst v63  }
0x5c: {  	_ =	swait.ge [sflag:s30], $0x400  }
0x5d: {  	[sflag:s30] =	ssyncset.done $0x0  }
0x5e: {  	[sflag:s30] =	ssyncadd.s32 $0xFFFFFC00  }
0x5f: {  	_ =	swait.ge [sflag:s30], $0x400  }
0x60: {  	[sflag:s30] =	ssyncset.done $0x0  }
0x61: {  	[sflag:s30] =	ssyncadd.s32 $0xFFFFFC00  }
0x62: {  	_ =	swait.ge [sflag:s30], $0x400  }
0x63: {  	[sflag:s30] =	ssyncset.done $0x0  }
0x64: {  	[sflag:s30] =	ssyncadd.s32 $0xFFFFFC00  }
0x65: {  	[tilespmem:s7], [sflag:$0x6] =	stream.indirect.gather [spmem:s2], $0x1, s29, s29, $0xb8;
	[tilespmem:$0x1E900] =	vst v63  }
0x66: {  	_ =	swait.ge [sflag:s8], $0x400  }
0x67: {  	[sflag:s8] =	ssyncset.done $0x0  }
0x68: {  	s22 =	simm.s32 $0x1020;
	[sflag:s8] =	ssyncadd.s32 $0xFFFFFC00  }
0x69: {  	s25 =	simm.s32 $0x2020;
	v1 =	vld [tilespmem:s22+$0xFFFFFFE0]  }
0x6a: {  	s17 =	simm.s32 $0x3020;
	v2 =	vld [tilespmem:s25+$0xFFFFFFE0]  }
0x6b: {  	v3 =	vld [tilespmem:s17+$0xFFFFFFE0];
	_ =	sdelay $0x4  }
0x6c: {  	v2 =	vmul.f32 v2, v3;
	_ =	sdelay $0x1  }
0x6d: {  	[tilespmem:v1+s9+$0x0] =	vst.idx.add.f32.msk $0xffff, v2  }
0x6e: {  	v1 =	vld [tilespmem:s17+$0xFFFFFFF0]  }
0x6f: {  	v2 =	vld [tilespmem:s22+$0xFFFFFFF0]  }
0x70: {  	v3 =	vld [tilespmem:s25+$0xFFFFFFF0];
	_ =	sdelay $0x4  }
0x71: {  	v1 =	vmul.f32 v3, v1;
	_ =	sdelay $0x1  }
0x72: {  	[tilespmem:v2+s9+$0x0] =	vst.idx.add.f32.msk $0xffff, v1  }
0x73: {  	v1 =	vld [tilespmem:s22+$0x0]  }
0x74: {  	v2 =	vld [tilespmem:s25+$0x0]  }
0x75: {  	v3 =	vld [tilespmem:s17+$0x0];
	_ =	sdelay $0x4  }
0x76: {  	v2 =	vmul.f32 v2, v3;
	_ =	sdelay $0x1  }
0x77: {  	[tilespmem:v1+s9+$0x0] =	vst.idx.add.f32.msk $0xffff, v2  }
0x78: {  	v1 =	vld [tilespmem:s22+$0x10]  }
0x79: {  	v2 =	vld [tilespmem:s17+$0x10]  }
0x7a: {  	v3 =	vld [tilespmem:s25+$0x10];
	_ =	sdelay $0x2  }
0x7b: {  	s28 =	simm.s32 $0x0;
	s22 =	simm.s32 $0x1060  }
.LBB2_5:
0x7c: {  	s28 =	sadd.s32 $0x4, s28;
	s25 =	sadd.s32 $0x40, s25;
	s17 =	sadd.s32 $0x40, s17  }
0x7d: {  	p0 =	slt.u32 s28, $0x3C;
	v2 =	vmul.f32 v3, v2;
	_ =	sdelay $0x1  }
0x7e: {  	[tilespmem:v1+s9+$0x0] =	vst.idx.add.f32.msk $0xffff, v2  }
0x7f: {  	v1 =	vld [tilespmem:s22+$0xFFFFFFE0]  }
0x80: {  	v2 =	vld [tilespmem:s25+$0xFFFFFFE0]  }
0x81: {  	v3 =	vld [tilespmem:s17+$0xFFFFFFE0];
	_ =	sdelay $0x4  }
0x82: {  	v2 =	vmul.f32 v2, v3;
	_ =	sdelay $0x1  }
0x83: {  	[tilespmem:v1+s9+$0x0] =	vst.idx.add.f32.msk $0xffff, v2  }
0x84: {  	v1 =	vld [tilespmem:s17+$0xFFFFFFF0]  }
0x85: {  	v2 =	vld [tilespmem:s22+$0xFFFFFFF0]  }
0x86: {  	v3 =	vld [tilespmem:s25+$0xFFFFFFF0];
	_ =	sdelay $0x4  }
0x87: {  	v1 =	vmul.f32 v3, v1;
	_ =	sdelay $0x1  }
0x88: {  	[tilespmem:v2+s9+$0x0] =	vst.idx.add.f32.msk $0xffff, v1  }
0x89: {  	v1 =	vld [tilespmem:s22+$0x0]  }
0x8a: {  	v2 =	vld [tilespmem:s25+$0x0]  }
0x8b: {  	v3 =	vld [tilespmem:s17+$0x0];
	_ =	sdelay $0x4  }
0x8c: {  	v2 =	vmul.f32 v2, v3;
	_ =	sdelay $0x1  }
0x8d: {  	[tilespmem:v1+s9+$0x0] =	vst.idx.add.f32.msk $0xffff, v2  }
0x8e: {  	v1 =	vld [tilespmem:s22+$0x10]  }
.Ltmp1:
0x8f: {  	v2 =	vld [tilespmem:s17+$0x10];
	(pc) =	sbr.rel @p0 .LBB2_5-.Ltmp1, $2  }
0x90: {  	v3 =	vld [tilespmem:s25+$0x10];
	_ =	sdelay $0x2  }
0x91: {  	s22 =	sadd.s32 $0x40, s22  }
0x92: {  	_ = 	snop  }
0x93: {  	p0 =	seq.s32 s23, $0x30  }
0x94: {  	v2 =	vmul.f32 v3, v2;
	s17 =	sadd.s32 @!p0 s24, s19  }
0x95: {  	s17 =	sshrl.u32 @!p0 s17, $0x3  }
0x96: {  	s25 =	simm.s32 @!p0 $0x0;
	[tilespmem:v1+s9+$0x0] =	vst.idx.add.f32.msk $0xffff, v2;
	s22 =	sadd.s32 @!p0 s4, s17  }
0x97: {  	[tilespmem:s25], [sflag:$0x1] =	stream.linear.gather @!p0 [hbm4b:s22+s25], $0x400, $0x38;
	[tilespmem:$0x1E900] =	vst v63  }
0x98: {  	s28 =	simm.s32 @!p0 $0x2000;
	s22 =	sadd.s32 @!p0 s6, s17  }
0x99: {  	[tilespmem:s28], [sflag:$0x1] =	stream.linear.gather @!p0 [hbm4b:s22+s25], $0x400, $0x38;
	[tilespmem:$0x1E900] =	vst v63  }
0x9a: {  	s17 =	sadd.s32 @!p0 s5, s17;
	s22 =	simm.s32 @!p0 $0x1000  }
0x9b: {  	[tilespmem:s22], [sflag:$0x1] =	stream.linear.gather @!p0 [hbm4b:s17+s25], $0x400, $0x38;
	[tilespmem:$0x1E900] =	vst v63  }
0x9c: {  	_ =	swait.ge [sflag:s10], $0x400  }
0x9d: {  	[sflag:s10] =	ssyncset.done $0x0  }
0x9e: {  	[sflag:s10] =	ssyncadd.s32 $0xFFFFFC00  }
0x9f: {  	_ =	swait.ge [sflag:s10], $0x400  }
0xa0: {  	[sflag:s10] =	ssyncset.done $0x0  }
0xa1: {  	[sflag:s10] =	ssyncadd.s32 $0xFFFFFC00  }
0xa2: {  	_ =	swait.ge [sflag:s10], $0x400  }
0xa3: {  	[sflag:s10] =	ssyncset.done $0x0  }
0xa4: {  	[sflag:s10] =	ssyncadd.s32 $0xFFFFFC00  }
0xa5: {  	[tilespmem:s11], [sflag:$0x7] =	stream.indirect.gather [spmem:s2], $0x1, s0, s29, $0xb8;
	[tilespmem:$0x1E900] =	vst v63  }
0xa6: {  	_ =	swait.ge [sflag:s12], $0x400  }
0xa7: {  	[sflag:s12] =	ssyncset.done $0x0  }
0xa8: {  	s22 =	simm.s32 $0x1420;
	[sflag:s12] =	ssyncadd.s32 $0xFFFFFC00  }
0xa9: {  	s25 =	simm.s32 $0x2420;
	v1 =	vld [tilespmem:s22+$0xFFFFFFE0]  }
0xaa: {  	s17 =	simm.s32 $0x3420;
	v2 =	vld [tilespmem:s25+$0xFFFFFFE0]  }
0xab: {  	v3 =	vld [tilespmem:s17+$0xFFFFFFE0];
	_ =	sdelay $0x4  }
0xac: {  	v2 =	vmul.f32 v2, v3;
	_ =	sdelay $0x1  }
0xad: {  	[tilespmem:v1+s9+$0x0] =	vst.idx.add.f32.msk $0xffff, v2  }
0xae: {  	v1 =	vld [tilespmem:s17+$0xFFFFFFF0]  }
0xaf: {  	v2 =	vld [tilespmem:s22+$0xFFFFFFF0]  }
0xb0: {  	v3 =	vld [tilespmem:s25+$0xFFFFFFF0];
	_ =	sdelay $0x4  }
0xb1: {  	v1 =	vmul.f32 v3, v1;
	_ =	sdelay $0x1  }
0xb2: {  	[tilespmem:v2+s9+$0x0] =	vst.idx.add.f32.msk $0xffff, v1  }
0xb3: {  	v1 =	vld [tilespmem:s22+$0x0]  }
0xb4: {  	v2 =	vld [tilespmem:s25+$0x0]  }
0xb5: {  	v3 =	vld [tilespmem:s17+$0x0];
	_ =	sdelay $0x4  }
0xb6: {  	v2 =	vmul.f32 v2, v3;
	_ =	sdelay $0x1  }
0xb7: {  	[tilespmem:v1+s9+$0x0] =	vst.idx.add.f32.msk $0xffff, v2  }
0xb8: {  	v1 =	vld [tilespmem:s22+$0x10]  }
0xb9: {  	v2 =	vld [tilespmem:s17+$0x10]  }
0xba: {  	v3 =	vld [tilespmem:s25+$0x10];
	_ =	sdelay $0x2  }
0xbb: {  	s28 =	simm.s32 $0x0;
	s22 =	simm.s32 $0x1460  }
.LBB2_7:
0xbc: {  	s28 =	sadd.s32 $0x4, s28;
	s25 =	sadd.s32 $0x40, s25;
	s17 =	sadd.s32 $0x40, s17  }
0xbd: {  	p1 =	slt.u32 s28, $0x3C;
	v2 =	vmul.f32 v3, v2;
	_ =	sdelay $0x1  }
0xbe: {  	[tilespmem:v1+s9+$0x0] =	vst.idx.add.f32.msk $0xffff, v2  }
0xbf: {  	v1 =	vld [tilespmem:s22+$0xFFFFFFE0]  }
0xc0: {  	v2 =	vld [tilespmem:s25+$0xFFFFFFE0]  }
0xc1: {  	v3 =	vld [tilespmem:s17+$0xFFFFFFE0];
	_ =	sdelay $0x4  }
0xc2: {  	v2 =	vmul.f32 v2, v3;
	_ =	sdelay $0x1  }
0xc3: {  	[tilespmem:v1+s9+$0x0] =	vst.idx.add.f32.msk $0xffff, v2  }
0xc4: {  	v1 =	vld [tilespmem:s17+$0xFFFFFFF0]  }
0xc5: {  	v2 =	vld [tilespmem:s22+$0xFFFFFFF0]  }
0xc6: {  	v3 =	vld [tilespmem:s25+$0xFFFFFFF0];
	_ =	sdelay $0x4  }
0xc7: {  	v1 =	vmul.f32 v3, v1;
	_ =	sdelay $0x1  }
0xc8: {  	[tilespmem:v2+s9+$0x0] =	vst.idx.add.f32.msk $0xffff, v1  }
0xc9: {  	v1 =	vld [tilespmem:s22+$0x0]  }
0xca: {  	v2 =	vld [tilespmem:s25+$0x0]  }
0xcb: {  	v3 =	vld [tilespmem:s17+$0x0];
	_ =	sdelay $0x4  }
0xcc: {  	v2 =	vmul.f32 v2, v3;
	_ =	sdelay $0x1  }
0xcd: {  	[tilespmem:v1+s9+$0x0] =	vst.idx.add.f32.msk $0xffff, v2  }
0xce: {  	v1 =	vld [tilespmem:s22+$0x10]  }
.Ltmp2:
0xcf: {  	v2 =	vld [tilespmem:s17+$0x10];
	(pc) =	sbr.rel @p1 .LBB2_7-.Ltmp2, $2  }
0xd0: {  	v3 =	vld [tilespmem:s25+$0x10];
	_ =	sdelay $0x2  }
0xd1: {  	s22 =	sadd.s32 $0x40, s22  }
0xd2: {  	_ =	sdelay $0x1  }
0xd3: {  	s17 =	sadd.s32 @!p0 s24, s20;
	v2 =	vmul.f32 v3, v2  }
0xd4: {  	s17 =	sshrl.u32 @!p0 s17, $0x3  }
0xd5: {  	s25 =	simm.s32 @!p0 $0x0;
	s28 =	simm.s32 @!p0 $0x400;
	s22 =	sadd.s32 @!p0 s4, s17;
	[tilespmem:v1+s9+$0x0] =	vst.idx.add.f32.msk $0xffff, v2  }
0xd6: {  	[tilespmem:s28], [sflag:$0x2] =	stream.linear.gather @!p0 [hbm4b:s22+s25], $0x400, $0x38;
	[tilespmem:$0x1E900] =	vst v63  }
0xd7: {  	s22 =	sadd.s32 @!p0 s6, s17;
	s28 =	simm.s32 @!p0 $0x2400  }
0xd8: {  	[tilespmem:s28], [sflag:$0x2] =	stream.linear.gather @!p0 [hbm4b:s22+s25], $0x400, $0x38;
	[tilespmem:$0x1E900] =	vst v63  }
0xd9: {  	s17 =	sadd.s32 @!p0 s5, s17;
	s22 =	simm.s32 @!p0 $0x1400  }
0xda: {  	[tilespmem:s22], [sflag:$0x2] =	stream.linear.gather @!p0 [hbm4b:s17+s25], $0x400, $0x38;
	[tilespmem:$0x1E900] =	vst v63  }
0xdb: {  	_ =	swait.ge [sflag:s13], $0x400  }
0xdc: {  	[sflag:s13] =	ssyncset.done $0x0  }
0xdd: {  	[sflag:s13] =	ssyncadd.s32 $0xFFFFFC00  }
0xde: {  	_ =	swait.ge [sflag:s13], $0x400  }
0xdf: {  	[sflag:s13] =	ssyncset.done $0x0  }
0xe0: {  	[sflag:s13] =	ssyncadd.s32 $0xFFFFFC00  }
0xe1: {  	_ =	swait.ge [sflag:s13], $0x400  }
0xe2: {  	[sflag:s13] =	ssyncset.done $0x0  }
0xe3: {  	[sflag:s13] =	ssyncadd.s32 $0xFFFFFC00  }
0xe4: {  	[tilespmem:s14], [sflag:$0x8] =	stream.indirect.gather [spmem:s2], $0x1, s31, s29, $0xb8;
	[tilespmem:$0x1E900] =	vst v63  }
0xe5: {  	_ =	swait.ge [sflag:s15], $0x400  }
0xe6: {  	[sflag:s15] =	ssyncset.done $0x0  }
0xe7: {  	s22 =	simm.s32 $0x1820;
	[sflag:s15] =	ssyncadd.s32 $0xFFFFFC00  }
0xe8: {  	s25 =	simm.s32 $0x2820;
	v1 =	vld [tilespmem:s22+$0xFFFFFFE0]  }
0xe9: {  	s17 =	simm.s32 $0x3820;
	v2 =	vld [tilespmem:s25+$0xFFFFFFE0]  }
0xea: {  	v3 =	vld [tilespmem:s17+$0xFFFFFFE0];
	_ =	sdelay $0x4  }
0xeb: {  	v2 =	vmul.f32 v2, v3;
	_ =	sdelay $0x1  }
0xec: {  	[tilespmem:v1+s9+$0x0] =	vst.idx.add.f32.msk $0xffff, v2  }
0xed: {  	v1 =	vld [tilespmem:s17+$0xFFFFFFF0]  }
0xee: {  	v2 =	vld [tilespmem:s22+$0xFFFFFFF0]  }
0xef: {  	v3 =	vld [tilespmem:s25+$0xFFFFFFF0];
	_ =	sdelay $0x4  }
0xf0: {  	v1 =	vmul.f32 v3, v1;
	_ =	sdelay $0x1  }
0xf1: {  	[tilespmem:v2+s9+$0x0] =	vst.idx.add.f32.msk $0xffff, v1  }
0xf2: {  	v1 =	vld [tilespmem:s22+$0x0]  }
0xf3: {  	v2 =	vld [tilespmem:s25+$0x0]  }
0xf4: {  	v3 =	vld [tilespmem:s17+$0x0];
	_ =	sdelay $0x4  }
0xf5: {  	v2 =	vmul.f32 v2, v3;
	_ =	sdelay $0x1  }
0xf6: {  	[tilespmem:v1+s9+$0x0] =	vst.idx.add.f32.msk $0xffff, v2  }
0xf7: {  	v1 =	vld [tilespmem:s22+$0x10]  }
0xf8: {  	v2 =	vld [tilespmem:s17+$0x10]  }
0xf9: {  	v3 =	vld [tilespmem:s25+$0x10];
	_ =	sdelay $0x2  }
0xfa: {  	s28 =	simm.s32 $0x0;
	s22 =	simm.s32 $0x1860  }
.LBB2_9:
0xfb: {  	s28 =	sadd.s32 $0x4, s28;
	s25 =	sadd.s32 $0x40, s25;
	s17 =	sadd.s32 $0x40, s17  }
0xfc: {  	p1 =	slt.u32 s28, $0x3C;
	v2 =	vmul.f32 v3, v2;
	_ =	sdelay $0x1  }
0xfd: {  	[tilespmem:v1+s9+$0x0] =	vst.idx.add.f32.msk $0xffff, v2  }
0xfe: {  	v1 =	vld [tilespmem:s22+$0xFFFFFFE0]  }
0xff: {  	v2 =	vld [tilespmem:s25+$0xFFFFFFE0]  }
0x100: {  	v3 =	vld [tilespmem:s17+$0xFFFFFFE0];
	_ =	sdelay $0x4  }
0x101: {  	v2 =	vmul.f32 v2, v3;
	_ =	sdelay $0x1  }
0x102: {  	[tilespmem:v1+s9+$0x0] =	vst.idx.add.f32.msk $0xffff, v2  }
0x103: {  	v1 =	vld [tilespmem:s17+$0xFFFFFFF0]  }
0x104: {  	v2 =	vld [tilespmem:s22+$0xFFFFFFF0]  }
0x105: {  	v3 =	vld [tilespmem:s25+$0xFFFFFFF0];
	_ =	sdelay $0x4  }
0x106: {  	v1 =	vmul.f32 v3, v1;
	_ =	sdelay $0x1  }
0x107: {  	[tilespmem:v2+s9+$0x0] =	vst.idx.add.f32.msk $0xffff, v1  }
0x108: {  	v1 =	vld [tilespmem:s22+$0x0]  }
0x109: {  	v2 =	vld [tilespmem:s25+$0x0]  }
0x10a: {  	v3 =	vld [tilespmem:s17+$0x0];
	_ =	sdelay $0x4  }
0x10b: {  	v2 =	vmul.f32 v2, v3;
	_ =	sdelay $0x1  }
0x10c: {  	[tilespmem:v1+s9+$0x0] =	vst.idx.add.f32.msk $0xffff, v2  }
0x10d: {  	v1 =	vld [tilespmem:s22+$0x10]  }
.Ltmp3:
0x10e: {  	v2 =	vld [tilespmem:s17+$0x10];
	(pc) =	sbr.rel @p1 .LBB2_9-.Ltmp3, $2  }
0x10f: {  	v3 =	vld [tilespmem:s25+$0x10];
	_ =	sdelay $0x2  }
0x110: {  	s22 =	sadd.s32 $0x40, s22  }
0x111: {  	_ =	sdelay $0x1  }
0x112: {  	s17 =	sadd.s32 @!p0 s24, s21;
	v2 =	vmul.f32 v3, v2  }
0x113: {  	s17 =	sshrl.u32 @!p0 s17, $0x3  }
0x114: {  	s24 =	simm.s32 @!p0 $0x0;
	s25 =	simm.s32 @!p0 $0x800;
	s22 =	sadd.s32 @!p0 s4, s17;
	[tilespmem:v1+s9+$0x0] =	vst.idx.add.f32.msk $0xffff, v2  }
0x115: {  	[tilespmem:s25], [sflag:$0x3] =	stream.linear.gather @!p0 [hbm4b:s22+s24], $0x400, $0x38;
	[tilespmem:$0x1E900] =	vst v63  }
0x116: {  	s22 =	sadd.s32 @!p0 s6, s17;
	s25 =	simm.s32 @!p0 $0x2800  }
0x117: {  	[tilespmem:s25], [sflag:$0x3] =	stream.linear.gather @!p0 [hbm4b:s22+s24], $0x400, $0x38;
	[tilespmem:$0x1E900] =	vst v63  }
0x118: {  	s17 =	sadd.s32 @!p0 s5, s17;
	s22 =	simm.s32 @!p0 $0x1800  }
0x119: {  	[tilespmem:s22], [sflag:$0x3] =	stream.linear.gather @!p0 [hbm4b:s17+s24], $0x400, $0x38;
	[tilespmem:$0x1E900] =	vst v63  }
0x11a: {  	s17 =	simm.s32 @!p0 $0x1  }
0x11b: {  	_ =	swait.ge @!p0 [sflag:s17], $0x400  }
0x11c: {  	[sflag:s17] =	ssyncset.done @!p0 $0x0  }
0x11d: {  	[sflag:s17] =	ssyncadd.s32 @!p0 $0xFFFFFC00  }
0x11e: {  	_ =	swait.ge @!p0 [sflag:s17], $0x400  }
0x11f: {  	[sflag:s17] =	ssyncset.done @!p0 $0x0  }
0x120: {  	[sflag:s17] =	ssyncadd.s32 @!p0 $0xFFFFFC00  }
0x121: {  	_ =	swait.ge @!p0 [sflag:s17], $0x400  }
0x122: {  	[sflag:s17] =	ssyncset.done @!p0 $0x0  }
0x123: {  	s22 =	simm.s32 @!p0 $0x3000;
	[sflag:s17] =	ssyncadd.s32 @!p0 $0xFFFFFC00;
	s17 =	simm.s32 @!p0 $0x400  }
0x124: {  	[tilespmem:s22], [sflag:$0x5] =	stream.indirect.gather @!p0 [spmem:s2], $0x1, s24, s17, $0xb8;
	[tilespmem:$0x1E900] =	vst v63  }
0x125: {  	_ =	swait.ge [sflag:s16], $0x400  }
0x126: {  	[sflag:s16] =	ssyncset.done $0x0  }
0x127: {  	s28 =	simm.s32 $0x1C20;
	[sflag:s16] =	ssyncadd.s32 $0xFFFFFC00  }
0x128: {  	s24 =	simm.s32 $0x2C20;
	v1 =	vld [tilespmem:s28+$0xFFFFFFE0]  }
0x129: {  	s17 =	simm.s32 $0x3C20;
	v2 =	vld [tilespmem:s24+$0xFFFFFFE0]  }
0x12a: {  	v3 =	vld [tilespmem:s17+$0xFFFFFFE0];
	_ =	sdelay $0x4  }
0x12b: {  	v2 =	vmul.f32 v2, v3;
	_ =	sdelay $0x1  }
0x12c: {  	[tilespmem:v1+s9+$0x0] =	vst.idx.add.f32.msk $0xffff, v2  }
0x12d: {  	v1 =	vld [tilespmem:s17+$0xFFFFFFF0]  }
0x12e: {  	v2 =	vld [tilespmem:s28+$0xFFFFFFF0]  }
0x12f: {  	v3 =	vld [tilespmem:s24+$0xFFFFFFF0];
	_ =	sdelay $0x4  }
0x130: {  	v1 =	vmul.f32 v3, v1;
	_ =	sdelay $0x1  }
0x131: {  	[tilespmem:v2+s9+$0x0] =	vst.idx.add.f32.msk $0xffff, v1  }
0x132: {  	v1 =	vld [tilespmem:s28+$0x0]  }
0x133: {  	v2 =	vld [tilespmem:s24+$0x0]  }
0x134: {  	v3 =	vld [tilespmem:s17+$0x0];
	_ =	sdelay $0x4  }
0x135: {  	v2 =	vmul.f32 v2, v3;
	_ =	sdelay $0x1  }
0x136: {  	[tilespmem:v1+s9+$0x0] =	vst.idx.add.f32.msk $0xffff, v2  }
0x137: {  	v1 =	vld [tilespmem:s28+$0x10]  }
0x138: {  	v2 =	vld [tilespmem:s17+$0x10]  }
0x139: {  	v3 =	vld [tilespmem:s24+$0x10];
	_ =	sdelay $0x2  }
0x13a: {  	s25 =	simm.s32 $0x0;
	s22 =	simm.s32 $0x1C60  }
.LBB2_11:
0x13b: {  	s25 =	sadd.s32 $0x4, s25;
	s24 =	sadd.s32 $0x40, s24;
	s17 =	sadd.s32 $0x40, s17  }
0x13c: {  	p0 =	slt.u32 s25, $0x3C;
	v2 =	vmul.f32 v3, v2;
	_ =	sdelay $0x1  }
0x13d: {  	[tilespmem:v1+s9+$0x0] =	vst.idx.add.f32.msk $0xffff, v2  }
0x13e: {  	v1 =	vld [tilespmem:s22+$0xFFFFFFE0]  }
0x13f: {  	v2 =	vld [tilespmem:s24+$0xFFFFFFE0]  }
0x140: {  	v3 =	vld [tilespmem:s17+$0xFFFFFFE0];
	_ =	sdelay $0x4  }
0x141: {  	v2 =	vmul.f32 v2, v3;
	_ =	sdelay $0x1  }
0x142: {  	[tilespmem:v1+s9+$0x0] =	vst.idx.add.f32.msk $0xffff, v2  }
0x143: {  	v1 =	vld [tilespmem:s17+$0xFFFFFFF0]  }
0x144: {  	v2 =	vld [tilespmem:s22+$0xFFFFFFF0]  }
0x145: {  	v3 =	vld [tilespmem:s24+$0xFFFFFFF0];
	_ =	sdelay $0x4  }
0x146: {  	v1 =	vmul.f32 v3, v1;
	_ =	sdelay $0x1  }
0x147: {  	[tilespmem:v2+s9+$0x0] =	vst.idx.add.f32.msk $0xffff, v1  }
0x148: {  	v1 =	vld [tilespmem:s22+$0x0]  }
0x149: {  	v2 =	vld [tilespmem:s24+$0x0]  }
0x14a: {  	v3 =	vld [tilespmem:s17+$0x0];
	_ =	sdelay $0x4  }
0x14b: {  	v2 =	vmul.f32 v2, v3;
	_ =	sdelay $0x1  }
0x14c: {  	[tilespmem:v1+s9+$0x0] =	vst.idx.add.f32.msk $0xffff, v2  }
0x14d: {  	v1 =	vld [tilespmem:s22+$0x10]  }
.Ltmp4:
0x14e: {  	v2 =	vld [tilespmem:s17+$0x10];
	(pc) =	sbr.rel @p0 .LBB2_11-.Ltmp4, $2  }
0x14f: {  	v3 =	vld [tilespmem:s24+$0x10];
	_ =	sdelay $0x2  }
0x150: {  	s22 =	sadd.s32 $0x40, s22  }
0x151: {  	s23 =	sadd.s32 $0x1, s23  }
0x152: {  	p0 =	sne.s32 s23, $0x31  }
.Ltmp5:
0x153: {  	_ = 	snop;
	(pc) =	sbr.rel @p0 .LBB2_4-.Ltmp5, $3  }
0x154: {  	_ = 	snop  }
0x155: {  	v2 =	vmul.f32 v3, v2;
	_ =	sdelay $0x1  }
0x156: {  	[tilespmem:v1+s9+$0x0] =	vst.idx.add.f32.msk $0xffff, v2  }
0x157: {  	s17 =	rddreg [dreg:$0xe];
	s22 =	simm.s32 $0x80;
	s25 =	simm.s32 $0xA  }
0x158: {  	[hbm4b:s17+s22] =	stream.strided.scatter [tilespmem:s9], [sflag:$0xA], $0x19000, s29, s22, $0x38;
	[tilespmem:$0x1E900] =	vst v63  }
0x159: {  	_ =	swait.ge [sflag:s25], $0x19000  }
0x15a: {  	s23 =	rddreg [dreg:$0x11]  }
0x15b: {  	s28 =	rddreg [dreg:$0xf];
	s23 =	sadd.s32 $0x1, s23  }
0x15c: {  	p0 =	sne.s32 s23, s28  }
.Ltmp6:
0x15d: {  	_ = 	snop;
	(pc) =	sbr.rel @p0 .LBB2_1-.Ltmp6, $3  }
0x15e: {  	_ =	sdelay $0x1  }
0x15f: {  	[sflag:s25] =	ssyncset.done $0x0  }
0x160: {  	[sflag:s25] =	ssyncadd.s32 $0xFFFE7000  }
0x161: {  	_ =	sfence.sel $0x180000  }
0x162: {  	[bflag:$0x0] =	sbarrier.arrive $0xFFFF  }
0x163: {  	_ =	strace $0x9000004D  }
0x164: {  	s0 =	stileid.u32;
	[bflag:$0x2] =	sbarrier.arrive $0xFFFF  }
0x165: {  	p0 =	sne.s32 s0, $0x0;
	s0 =	rddreg [dreg:$0x2]  }
0x166: {  	s0 =	sadd.s32 @!p0 $0x100000, s0  }
0x167: {  	[sflag:s0] =	ssyncadd.tile.s32 @!p0 $0x1;
	_ =	shalt  }
.Lfunc_end2:
_tile_overlayer_lowered:
.L_overlay_start_2:
0x168: {  	(tag) =	ssettag $0x2  }
0x169: {  	s0 =	rddreg [dreg:$0x0];
	s2 =	stileid.u32  }
0x16a: {  	s1 =	rddreg [dreg:$0x1];
	p0 =	sne.s32 s2, $0x0  }
0x16b: {  	s3 =	rddreg [dreg:$0x2];
	[bflag:$0x3] =	sbarrier.arrive $0xFFFF;
	s2 =	simm.s32 @!p0 $0x1C0A  }
0x16c: {  	[timem:s3], [sflag:s2] =	dma.local @!p0 [hbm:s0], s1  }
0x16d: {  	s0 =	simm.s32 @!p0 $0xA  }
0x16e: {  	_ =	swait.ge @!p0 [sflag:s0], s1  }
0x16f: {  	s1 =	ssub.s32 @!p0 $0x0, s1;
	[sflag:s0] =	ssyncset.done @!p0 $0x0  }
0x170: {  	[sflag:s0] =	ssyncadd.s32 @!p0 s1  }
0x171: {  	[bflag:$0x3] =	sbarrier.arrive $0xFFFF  }
0x172: {  	_ =	shalt  }

// kernel: icapprox_update.11.cloned.1.call-start
scs
__scs_entry_jumppad:
0x0: {  	(pc) =	sbr.rel $0x88, $3  }
0x1: {  	(tag) =	ssettag $0x0;
	lr =	simm.s32 $0x1  }
0x2: {  	[smem:$0x3F9E] =	sst lr;
	_ =	strace $0xD0000000  }
0x3: {  	_ = 	snop  }
0x4: {  	_ = 	snop  }
0x5: {  	_ = 	snop  }
0x6: {  	_ = 	snop  }
0x7: {  	_ = 	snop  }
__scs_overlays_trampoline_lowered:
0x8: {  	[smem:$0x3FAD] =	sst s0  }
0x9: {  	[smem:$0x3FAE] =	sst s1  }
0xa: {  	[smem:$0x3FAF] =	sst s2  }
0xb: {  	[smem:$0x3FB0] =	sst s3  }
0xc: {  	[smem:$0x3FB1] =	sst s4  }
0xd: {  	[smem:$0x3FB2] =	sst s5  }
0xe: {  	[smem:$0x3FB3] =	sst s6  }
0xf: {  	[smem:$0x3FB4] =	sst s7  }
0x10: {  	[smem:$0x3FB5] =	sst s8  }
0x11: {  	[smem:$0x3FB6] =	sst s9;
	s0 =	simm.s32 @!p0 $0x0  }
0x12: {  	s1 =	sld [smem:$0x3F9C];
	s0 =	simm.s32 @p0 $0x1  }
0x13: {  	[smem:$0x3FB7] =	sst s0;
	s0 =	simm.s32 @!p1 $0x0  }
0x14: {  	s2 =	sld [smem:$0x3F9B];
	s0 =	simm.s32 @p1 $0x1  }
0x15: {  	[smem:$0x3FB8] =	sst s0;
	s0 =	simm.s32 @!p2 $0x0  }
0x16: {  	s3 =	sld [smem:$0x3FDB];
	s0 =	simm.s32 @p2 $0x1  }
0x17: {  	s4 =	simm.s32 $0x1BF5;
	[smem:$0x3FBA] =	sst s0  }
0x18: {  	s0 =	sld [smem:$0x3F9D];
	_ =	swait.ge [sflag:s4], $0x0  }
0x19: {  	s7 =	sld [smem:$0x3F9E]  }
0x1a: {  	s8 =	sadd.s32 $0xFFFFE003, lr  }
0x1b: {  	s9 =	sadd.s32 $0xFFFFFEF7, lr;
	s5 =	simm.s32 $0xFFFFFFFF;
	p2 =	slt.u32 s8, $0xFFFFF086  }
0x1c: {  	p1 =	slt.u32 s9, $0xF7A;
	s5 =	simm.s32 @!p2 $0x0  }
0x1d: {  	s5 =	simm.s32 @p1 $0x1;
	p0 =	seq.s32 s7, s2  }
0x1e: {  	s7 =	smul.u32 @!p0 $0xF7A, s2;
	p2 =	seq.s32 @!p0 s5, $0x0  }
0x1f: {  	s9 =	smul.u32 $0xF7A, s1;
	s8 =	simm.s32 @!p0 $0x1BF5;
	p2 =	por !p2, p0  }
0x20: {  	[sflag:s8] =	ssyncset.s32 @!p0 $0xFFFFF086;
	s6 =	sadd.s32 @!p0 s3, s7;
	s7 =	simm.s32 @!p0 $0x108  }
0x21: {  	s3 =	sadd.s32 s3, s9;
	s6 =	sadd.s32 @!p0 $0x88, s6;
	s7 =	simm.s32 @p2 $0x1082  }
0x22: {  	[simem:s7], [sflag:s8] =	dma.local @!p0 [hbm:s6], $0xF7A  }
0x23: {  	s9 =	sor.u32 $0xD0000000, s2;
	s6 =	simm.s32 $0x108;
	_ =	swait.ge @!p0 [sflag:s8], $0x0  }
0x24: {  	s3 =	sadd.s32 $0x88, s3;
	s6 =	simm.s32 @!p1 $0x1082;
	[sflag:s4] =	ssyncset.s32 $0xFFFFF086  }
0x25: {  	[simem:s6], [sflag:s4] =	dma.local [hbm:s3], $0xF7A  }
0x26: {  	[smem:$0x3F9E] =	sst s1;
	(tag) =	ssettag s2;
	_ =	strace s9  }
0x27: {  	s1 =	sld [smem:$0x3FAE]  }
0x28: {  	s2 =	sld [smem:$0x3FAF]  }
0x29: {  	s4 =	sld [smem:$0x3FB1]  }
0x2a: {  	p0 =	seq.s32 s5, $0x0;
	s5 =	sld [smem:$0x3FB2]  }
0x2b: {  	s6 =	sld [smem:$0x3FB3]  }
0x2c: {  	s7 =	sld [smem:$0x3FB4]  }
0x2d: {  	s3 =	simm.s32 $0x108;
	s8 =	sld [smem:$0x3FB5]  }
0x2e: {  	s3 =	simm.s32 @!p0 $0x1082;
	s9 =	sld [smem:$0x3FB6]  }
0x2f: {  	lr =	sadd.s32 s0, s3;
	s0 =	sld [smem:$0x3FAD]  }
0x30: {  	s3 =	sld [smem:$0x3FB0]  }
0x31: {  	[smem:$0x3FB9] =	sst s10  }
0x32: {  	s10 =	sld [smem:$0x3FB7];
	_ =	sdelay $0x3  }
0x33: {  	p0 =	seq.s32 s10, $0x1;
	s10 =	sld [smem:$0x3FB9];
	_ =	sdelay $0x3  }
0x34: {  	[smem:$0x3FB9] =	sst s10  }
0x35: {  	s10 =	sld [smem:$0x3FB8];
	_ =	sdelay $0x3  }
0x36: {  	p1 =	seq.s32 s10, $0x1;
	s10 =	sld [smem:$0x3FB9];
	_ =	sdelay $0x3  }
0x37: {  	[smem:$0x3FB9] =	sst s10  }
0x38: {  	s10 =	sld [smem:$0x3FBA]  }
0x39: {  	_ = 	snop;
	(pc) =	sbr.ind lr, $3  }
0x3a: {  	_ = 	snop  }
0x3b: {  	_ = 	snop  }
0x3c: {  	p2 =	seq.s32 s10, $0x1;
	s10 =	sld [smem:$0x3FB9]  }
0x3d: {  	_ =	shalt  }
0x3e: {  	_ =	shalt  }
0x3f: {  	_ =	shalt  }
0x40: {  	_ =	shalt  }
0x41: {  	_ =	shalt  }
0x42: {  	_ =	shalt  }
0x43: {  	_ =	shalt  }
0x44: {  	_ =	shalt  }
0x45: {  	_ =	shalt  }
0x46: {  	_ =	shalt  }
0x47: {  	_ =	shalt  }
0x48: {  	_ =	shalt  }
0x49: {  	_ =	shalt  }
0x4a: {  	_ =	shalt  }
0x4b: {  	_ =	shalt  }
0x4c: {  	_ =	shalt  }
0x4d: {  	_ =	shalt  }
0x4e: {  	_ =	shalt  }
0x4f: {  	_ =	shalt  }
0x50: {  	_ =	shalt  }
0x51: {  	_ =	shalt  }
0x52: {  	_ =	shalt  }
0x53: {  	_ =	shalt  }
0x54: {  	_ =	shalt  }
0x55: {  	_ =	shalt  }
0x56: {  	_ =	shalt  }
0x57: {  	_ =	shalt  }
0x58: {  	_ =	shalt  }
0x59: {  	_ =	shalt  }
0x5a: {  	_ =	shalt  }
0x5b: {  	_ =	shalt  }
0x5c: {  	_ =	shalt  }
0x5d: {  	_ =	shalt  }
0x5e: {  	_ =	shalt  }
0x5f: {  	_ =	shalt  }
0x60: {  	_ =	shalt  }
0x61: {  	_ =	shalt  }
0x62: {  	_ =	shalt  }
0x63: {  	_ =	shalt  }
0x64: {  	_ =	shalt  }
0x65: {  	_ =	shalt  }
0x66: {  	_ =	shalt  }
0x67: {  	_ =	shalt  }
0x68: {  	_ =	shalt  }
0x69: {  	_ =	shalt  }
0x6a: {  	_ =	shalt  }
0x6b: {  	_ =	shalt  }
0x6c: {  	_ =	shalt  }
0x6d: {  	_ =	shalt  }
0x6e: {  	_ =	shalt  }
0x6f: {  	_ =	shalt  }
0x70: {  	_ =	shalt  }
0x71: {  	_ =	shalt  }
0x72: {  	_ =	shalt  }
0x73: {  	_ =	shalt  }
0x74: {  	_ =	shalt  }
0x75: {  	_ =	shalt  }
0x76: {  	_ =	shalt  }
0x77: {  	_ =	shalt  }
0x78: {  	_ =	shalt  }
0x79: {  	_ =	shalt  }
0x7a: {  	_ =	shalt  }
0x7b: {  	_ =	shalt  }
0x7c: {  	_ =	shalt  }
0x7d: {  	_ =	shalt  }
0x7e: {  	_ =	shalt  }
0x7f: {  	_ =	shalt  }
0x80: {  	_ =	shalt  }
0x81: {  	_ =	shalt  }
0x82: {  	_ =	shalt  }
0x83: {  	_ =	shalt  }
0x84: {  	_ =	shalt  }
0x85: {  	_ =	shalt  }
0x86: {  	_ =	shalt  }
0x87: {  	_ =	shalt  }
.Lfunc_end0:
.L_simem_size_0:
called_computation.5_lowered:
.L_overlay_start_0:
0x88: {  	s2 =	sld [smem:$0x3FD9]  }
0x89: {  	s3 =	sld [smem:$0x3FFE];
	_ =	sdelay $0x1  }
0x8a: {  	s1 =	srdreg.scid  }
0x8b: {  	s0 =	sand.u32 $0x1, s1  }
0x8c: {  	s16 =	sshll.u32 s0, $0xA;
	s2 =	sadd.s32 s3, s2  }
0x8d: {  	s2 =	sadd.s32 s2, s16  }
0x8e: {  	[smem:$0x3FC5] =	sst s2  }
0x8f: {  	_ = 	snop  }
0x90: {  	(tm) =	ssettm $0x1  }
0x91: {  	s17 =	sld [smem:$0x3FFB];
	_ =	sdelay $0x3  }
0x92: {  	_ =	strace s17  }
0x93: {  	s2 =	sld [smem:$0x3FFC];
	_ =	sdelay $0x3  }
0x94: {  	_ =	strace s2  }
0x95: {  	s2 =	sld [smem:$0x3FFD];
	_ =	sdelay $0x3  }
0x96: {  	_ =	strace s2  }
0x97: {  	_ =	strace $0x8FFFFFFF  }
0x98: {  	s18 =	sld [smem:$0x3FDB];
	_ =	sdelay $0x1  }
0x99: {  	s19 =	simm.s32 $_scs_section_size  }
0x9a: {  	s4 =	simm.s32 $_size__tile_overlayer_lowered;
	s5 =	simm.s32 $_tile_overlayer_lowered  }
0x9b: {  	s22 =	simm.s32 $0x1BFF;
	s21 =	sshll.u32 s5, $0x1;
	s2 =	sadd.s32 s19, s18  }
0x9c: {  	s6 =	simm.s32 $0x0;
	s20 =	sshll.u32 s4, $0x1;
	s4 =	sadd.s32 s21, s2  }
0x9d: {  	[timem:s6], [sflag:s22] =	dma.local [hbm:s4], s20  }
0x9e: {  	_ =	swait.ge [sflag:s22], s20  }
0x9f: {  	s3 =	ssub.s32 $0x0, s20;
	[sflag:s22] =	ssyncset.done $0x0  }
0xa0: {  	[sflag:s22] =	ssyncadd.s32 s3;
	_ =	sdelay $0x1  }
0xa1: {  	s23 =	simm.s32 $0x1B8B  }
0xa2: {  	_ =	swait.ge [sflag:s23], $0x1  }
0xa3: {  	[sflag:s23] =	ssyncset.done $0x0  }
0xa4: {  	s25 =	simm.s32 $0x1B8E;
	s24 =	sld [smem:$0x3FFE];
	[sflag:s23] =	ssyncadd.s32 $0xFFFFFFFF  }
0xa5: {  	s26 =	simm.s32 $execute0_lowered;
	[smem:$0x3FD2] =	sst s25  }
0xa6: {  	s4 =	sshll.u32 s26, $0x1;
	_ =	strace $0x80000055;
	[dreg:$0x1] =	wrdreg $0xFFFFFFFF  }
0xa7: {  	s28 =	simm.s32 $_size_execute0_lowered;
	s2 =	sadd.s32 s2, s4;
	[dreg:$0x0] =	wrdreg $0x0  }
0xa8: {  	s4 =	sshll.u32 s28, $0x1;
	[dreg:$0x2] =	wrdreg s2  }
0xa9: {  	[dreg:$0x3] =	wrdreg s4  }
0xaa: {  	[dreg:$0x4] =	wrdreg $0xC0  }
0xab: {  	_ =	task [dreg:s6], $0x5FFFF  }
0xac: {  	[dreg:$0x1] =	wrdreg $0xFFFFFFFF  }
0xad: {  	[dreg:$0x0] =	wrdreg $0x60  }
0xae: {  	[dreg:$0x2] =	wrdreg s24  }
0xaf: {  	[dreg:$0x3] =	wrdreg $0x9  }
0xb0: {  	_ =	task.clear_ibuf [dreg:s6], $0x4FFFF;
	_ =	strace $0x90000055  }
0xb1: {  	s29 =	simm.s32 $0x9;
	_ =	strace $0x80000057  }
0xb2: {  	_ =	swait.ge [sflag:s29], $0x1  }
0xb3: {  	[sflag:s29] =	ssyncadd.s32 $0xFFFFFFFF  }
0xb4: {  	_ =	strace $0x90000057  }
0xb5: {  	_ =	sfence  }
0xb6: {  	s30 =	sld [smem:$0x0];
	_ =	sdelay $0x2  }
0xb7: {  	s31 =	sshll.u32 s1, $0xD;
	s1 =	sshrl.u32 s1, $0x2  }
0xb8: {  	s3 =	sand.u32 $0x4000, s31;
	s1 =	sadd.s32 s1, s30  }
0xb9: {  	s0 =	sor.u32 s3, s0;
	s1 =	sshll.u32 s1, $0x11  }
0xba: {  	s0 =	sor.u32 s1, s0  }
0xbb: {  	s0 =	sadd.s32 $0x8F2B, s0  }
0xbc: {  	[sflag:s0] =	ssyncadd.remote.s32 $0x1  }
0xbd: {  	_ =	sfence.sel $0xFFFF  }
0xbe: {  	[dreg:$0x0] =	wrdreg $0xFFFFFFFF;
	(pc) =	sbr.abs _section_cstart, $3  }
0xbf: {  	[dreg:$0x1] =	wrdreg $0xFFFFFFFF  }
0xc0: {  	_ =	task.clear_ibuf [dreg:s6], $0x2FFFF;
	_ =	strace $0x9FFFFFFF  }
0xc1: {  	(tm) =	ssettm $0x7FFFFFFF  }
tec
execute0_lowered:
.L_overlay_start_1:
0x0: {  	(tag) =	ssettag $0x1  }
0x1: {  	s1 =	srdreg.scid  }
0x2: {  	s0 =	stileid.u32;
	s4 =	rddreg [dreg:$0x0]  }
0x3: {  	s2 =	simm.s32 $0x0;
	s10 =	simm.s32 $0xC8000;
	s11 =	simm.s32 $0x1  }
0x4: {  	s12 =	simm.s32 $0x19C80;
	s3 =	sand.u32 $0x1, s1;
	s31 =	sshll.u32 s0, $0x1  }
0x5: {  	s13 =	simm.s32 $0x19000;
	s14 =	simm.s32 $0x1A900;
	s5 =	sor.u32 s3, s31  }
0x6: {  	s15 =	simm.s32 $0x0;
	s1 =	rddreg [dreg:$0x1];
	s6 =	smul.u32 $0xC80, s5  }
0x7: {  	[smem:$0x7FF] =	sst s2;
	s3 =	ssub.s32 $0x2, s3;
	s5 =	smul.u32 $0x190, s5  }
0x8: {  	_ =	strace $0x80000056;
	s7 =	sshrl.u32 s3, $0x1;
	s6 =	sadd.s32 s6, s4  }
0x9: {  	s9 =	ssub.s32 s3, s7;
	s8 =	sadd.s32 s5, s4;
	s3 =	sadd.s32 $0x2A00, s6  }
0xa: {  	s4 =	sadd.s32 $0x6CE00, s8;
	s5 =	sadd.s32 $0x66A00, s8;
	s6 =	sadd.s32 $0x69C00, s8  }
0xb: {  	s7 =	sadd.s32 $0x70000, s8;
	s8 =	smax.u32 s9, $0x1;
	s9 =	simm.s32 $0x6400  }
.LBB2_1:
0xc: {  	[tilespmem:s2], [sflag:$0x1] =	stream.strided.gather [hbm4b:s3+s9], $0x19000, s10, s9, $0x38;
	[tilespmem:$0x1B580] =	vst v63  }
0xd: {  	_ =	swait.ge [sflag:s11], $0x19000  }
0xe: {  	[sflag:s11] =	ssyncset.done $0x0  }
0xf: {  	[sflag:s11] =	ssyncadd.s32 $0xFFFE7000  }
0x10: {  	[tilespmem:s13], [sflag:$0x1] =	stream.linear.gather [hbm4b:s4+s2], $0xC80, $0x38;
	[tilespmem:$0x1B580] =	vst v63  }
0x11: {  	_ =	swait.ge [sflag:s11], $0xC80  }
0x12: {  	s16 =	sand.u32 $0x70, s2;
	s17 =	sand.u32 $0x7C00, s2;
	[sflag:s11] =	ssyncset.done $0x0  }
0x13: {  	s16 =	sor.u32 s16, s17;
	[sflag:s11] =	ssyncadd.s32 $0xFFFFF380  }
0x14: {  	v0 =	vld [tilespmem:s16+$0x0]  }
0x15: {  	v1 =	vld [tilespmem:s16+$0x80];
	_ =	sdelay $0x1  }
0x16: {  	v2 =	vld [tilespmem:s16+$0x100];
	_ =	sdelay $0x1  }
0x17: {  	v3 =	vld [tilespmem:s16+$0x180]  }
0x18: {  	v0 =	vadd.f32 v1, v0  }
0x19: {  	v32 =	vld [tilespmem:s16+$0x200]  }
0x1a: {  	v0 =	vadd.f32 v2, v0  }
0x1b: {  	v33 =	vld [tilespmem:s16+$0x280]  }
0x1c: {  	v0 =	vadd.f32 v3, v0  }
0x1d: {  	v34 =	vld [tilespmem:s16+$0x300]  }
0x1e: {  	v0 =	vadd.f32 v32, v0  }
0x1f: {  	v35 =	vld [tilespmem:s16+$0x380]  }
0x20: {  	v0 =	vadd.f32 v33, v0  }
0x21: {  	v36 =	vld [tilespmem:s16+$0x6400]  }
0x22: {  	v0 =	vadd.f32 v34, v0  }
0x23: {  	v37 =	vld [tilespmem:s16+$0x6480]  }
0x24: {  	v0 =	vadd.f32 v35, v0  }
0x25: {  	v38 =	vld [tilespmem:s16+$0x6500]  }
0x26: {  	v0 =	vadd.f32 v36, v0  }
0x27: {  	v39 =	vld [tilespmem:s16+$0x6580]  }
0x28: {  	v0 =	vadd.f32 v37, v0  }
0x29: {  	v40 =	vld [tilespmem:s16+$0x6600]  }
0x2a: {  	v0 =	vadd.f32 v38, v0  }
0x2b: {  	v41 =	vld [tilespmem:s16+$0x6680]  }
0x2c: {  	v0 =	vadd.f32 v39, v0  }
0x2d: {  	v42 =	vld [tilespmem:s16+$0x6700]  }
0x2e: {  	v0 =	vadd.f32 v40, v0  }
0x2f: {  	v43 =	vld [tilespmem:s16+$0x6780]  }
0x30: {  	v0 =	vadd.f32 v41, v0  }
0x31: {  	v44 =	vld [tilespmem:s16+$0xC800]  }
0x32: {  	v0 =	vadd.f32 v42, v0  }
0x33: {  	v45 =	vld [tilespmem:s16+$0xC880]  }
0x34: {  	v0 =	vadd.f32 v43, v0  }
0x35: {  	v46 =	vld [tilespmem:s16+$0xC900]  }
0x36: {  	v0 =	vadd.f32 v44, v0  }
0x37: {  	v47 =	vld [tilespmem:s16+$0xC980]  }
0x38: {  	v0 =	vadd.f32 v45, v0  }
0x39: {  	v48 =	vld [tilespmem:s16+$0xCA00]  }
0x3a: {  	v0 =	vadd.f32 v46, v0  }
0x3b: {  	v49 =	vld [tilespmem:s16+$0xCA80]  }
0x3c: {  	v0 =	vadd.f32 v47, v0  }
0x3d: {  	v50 =	vld [tilespmem:s16+$0xCB00]  }
0x3e: {  	v0 =	vadd.f32 v48, v0  }
0x3f: {  	v51 =	vld [tilespmem:s16+$0xCB80]  }
0x40: {  	v0 =	vadd.f32 v49, v0  }
0x41: {  	v52 =	vld [tilespmem:s16+$0x12C00]  }
0x42: {  	v0 =	vadd.f32 v50, v0  }
0x43: {  	v53 =	vld [tilespmem:s16+$0x12C80]  }
0x44: {  	v0 =	vadd.f32 v51, v0  }
0x45: {  	v54 =	vld [tilespmem:s16+$0x12D00]  }
0x46: {  	v0 =	vadd.f32 v52, v0  }
0x47: {  	v55 =	vld [tilespmem:s16+$0x12D80]  }
0x48: {  	v0 =	vadd.f32 v53, v0  }
0x49: {  	v56 =	vld [tilespmem:s16+$0x12E00]  }
0x4a: {  	v0 =	vadd.f32 v54, v0  }
0x4b: {  	v57 =	vld [tilespmem:s16+$0x12E80]  }
0x4c: {  	v0 =	vadd.f32 v55, v0  }
0x4d: {  	v58 =	vld [tilespmem:s16+$0x12F00]  }
0x4e: {  	v0 =	vadd.f32 v56, v0  }
0x4f: {  	v59 =	vld [tilespmem:s16+$0x12F80]  }
0x50: {  	v0 =	vadd.f32 v57, v0;
	_ =	sdelay $0x1  }
0x51: {  	v0 =	vadd.f32 v58, v0;
	_ =	sdelay $0x1  }
0x52: {  	v0 =	vadd.f32 v59, v0;
	_ =	sdelay $0x1  }
0x53: {  	v0 =	vsub.f32 $0.0e+00, v0;
	_ =	sdelay $0x1  }
0x54: {  	v0 =	vmul.f32 $1.442695020e+00, v0;
	_ =	sdelay $0x1  }
0x55: {  	(erf) = vpow2.f32 v0;
	_ =	sdelay $0x6  }
0x56: {  	v60 =	vld [tilespmem:s13+$0x0];
	_ =	sdelay $0x1  }
0x57: {  	v61 =	vpop (erf)  }
0x58: {  	v1 =	vsub.f32 $1.000000000e+00, v61;
	_ =	sdelay $0x1  }
0x59: {  	v1 =	vmul.f32 v1, v60;
	_ =	sdelay $0x1  }
0x5a: {  	v62 =	vsub.f32 $1.000000000e+00, v1;
	_ =	sdelay $0x1  }
0x5b: {  	v0 =	vmul.f32 v62, v60;
	_ =	sdelay $0x1  }
0x5c: {  	s30 =	simm.s32 $0x10;
	s19 =	simm.s32 $0x80;
	s20 =	simm.s32 $0x20;
	[tilespmem:s12+$0x0] =	vst v1;
	v63 =	vsub.f32 $1.000000000e+00, v0  }
0x5d: {  	s18 =	simm.s32 $0x19000;
	s31 =	sand.u32 $0x7C00, s19;
	s16 =	sand.u32 $0x70, s30;
	[tilespmem:s13+$0x0] =	vst v0  }
0x5e: {  	s17 =	simm.s32 $0x19C80;
	s21 =	sor.u32 s16, s31;
	s16 =	simm.s32 $0x1A900;
	[tilespmem:s14+$0x0] =	vst v63  }
.LBB2_2:
0x5f: {  	p0 =	sne.s32 s20, $0xC70;
	v0 =	vld [tilespmem:s21+$0x0]  }
0x60: {  	v1 =	vld [tilespmem:s21+$0x80]  }
0x61: {  	v2 =	vld [tilespmem:s21+$0x100]  }
0x62: {  	v3 =	vld [tilespmem:s21+$0x180]  }
0x63: {  	v4 =	vld [tilespmem:s21+$0x200]  }
0x64: {  	v5 =	vld [tilespmem:s21+$0x280]  }
0x65: {  	v0 =	vadd.f32 v1, v0;
	v1 =	vld [tilespmem:s21+$0x300]  }
0x66: {  	v6 =	vld [tilespmem:s21+$0x380]  }
0x67: {  	v0 =	vadd.f32 v2, v0;
	v2 =	vld [tilespmem:s21+$0x6400]  }
0x68: {  	v7 =	vld [tilespmem:s21+$0x6480]  }
0x69: {  	v0 =	vadd.f32 v3, v0;
	v3 =	vld [tilespmem:s21+$0x6500]  }
0x6a: {  	v8 =	vld [tilespmem:s21+$0x6580]  }
0x6b: {  	v0 =	vadd.f32 v4, v0;
	v4 =	vld [tilespmem:s21+$0x6600]  }
0x6c: {  	v9 =	vld [tilespmem:s21+$0x6680]  }
0x6d: {  	v0 =	vadd.f32 v5, v0;
	v5 =	vld [tilespmem:s21+$0x6700]  }
0x6e: {  	v10 =	vld [tilespmem:s21+$0x6780]  }
0x6f: {  	v0 =	vadd.f32 v1, v0;
	v1 =	vld [tilespmem:s21+$0xC800]  }
0x70: {  	v11 =	vld [tilespmem:s21+$0xC880]  }
0x71: {  	v0 =	vadd.f32 v6, v0;
	v6 =	vld [tilespmem:s21+$0xC900]  }
0x72: {  	v12 =	vld [tilespmem:s21+$0xC980]  }
0x73: {  	v0 =	vadd.f32 v2, v0;
	v2 =	vld [tilespmem:s21+$0xCA00]  }
0x74: {  	v13 =	vld [tilespmem:s21+$0xCA80]  }
0x75: {  	v0 =	vadd.f32 v7, v0;
	v7 =	vld [tilespmem:s21+$0xCB00]  }
0x76: {  	v14 =	vld [tilespmem:s21+$0xCB80]  }
0x77: {  	v0 =	vadd.f32 v3, v0;
	v3 =	vld [tilespmem:s21+$0x12C00]  }
0x78: {  	v15 =	vld [tilespmem:s21+$0x12C80]  }
0x79: {  	v0 =	vadd.f32 v8, v0;
	v8 =	vld [tilespmem:s21+$0x12D00]  }
0x7a: {  	v16 =	vld [tilespmem:s21+$0x12D80]  }
0x7b: {  	v0 =	vadd.f32 v4, v0;
	v4 =	vld [tilespmem:s21+$0x12E00]  }
0x7c: {  	v17 =	vld [tilespmem:s21+$0x12E80]  }
0x7d: {  	v0 =	vadd.f32 v9, v0;
	v9 =	vld [tilespmem:s21+$0x12F00]  }
0x7e: {  	s18 =	sadd.s32 $0x10, s18;
	v18 =	vld [tilespmem:s21+$0x12F80]  }
0x7f: {  	v0 =	vadd.f32 v5, v0;
	v5 =	vld [tilespmem:s18+$0x0];
	_ =	sdelay $0x1  }
0x80: {  	v0 =	vadd.f32 v10, v0;
	_ =	sdelay $0x1  }
0x81: {  	v0 =	vadd.f32 v1, v0;
	_ =	sdelay $0x1  }
0x82: {  	v0 =	vadd.f32 v11, v0;
	_ =	sdelay $0x1  }
0x83: {  	v0 =	vadd.f32 v6, v0;
	_ =	sdelay $0x1  }
0x84: {  	v0 =	vadd.f32 v12, v0;
	_ =	sdelay $0x1  }
0x85: {  	v0 =	vadd.f32 v2, v0;
	_ =	sdelay $0x1  }
0x86: {  	v0 =	vadd.f32 v13, v0;
	_ =	sdelay $0x1  }
0x87: {  	v0 =	vadd.f32 v7, v0;
	_ =	sdelay $0x1  }
0x88: {  	v0 =	vadd.f32 v14, v0;
	_ =	sdelay $0x1  }
0x89: {  	v0 =	vadd.f32 v3, v0;
	_ =	sdelay $0x1  }
0x8a: {  	v0 =	vadd.f32 v15, v0;
	_ =	sdelay $0x1  }
0x8b: {  	v0 =	vadd.f32 v8, v0;
	_ =	sdelay $0x1  }
0x8c: {  	v0 =	vadd.f32 v16, v0;
	_ =	sdelay $0x1  }
0x8d: {  	v0 =	vadd.f32 v4, v0;
	_ =	sdelay $0x1  }
0x8e: {  	v0 =	vadd.f32 v17, v0;
	_ =	sdelay $0x1  }
0x8f: {  	v0 =	vadd.f32 v9, v0;
	_ =	sdelay $0x1  }
0x90: {  	v0 =	vadd.f32 v18, v0;
	_ =	sdelay $0x1  }
0x91: {  	v0 =	vsub.f32 $0.0e+00, v0;
	_ =	sdelay $0x1  }
0x92: {  	v0 =	vmul.f32 $1.442695020e+00, v0;
	_ =	sdelay $0x1  }
0x93: {  	(erf) = vpow2.f32 v0;
	_ =	sdelay $0x8  }
0x94: {  	v0 =	vpop (erf)  }
0x95: {  	v0 =	vsub.f32 $1.000000000e+00, v0;
	_ =	sdelay $0x1  }
0x96: {  	v0 =	vmul.f32 v0, v5;
	_ =	sdelay $0x1  }
0x97: {  	v1 =	vsub.f32 $1.000000000e+00, v0;
	_ =	sdelay $0x1  }
.Ltmp0:
0x98: {  	v1 =	vmul.f32 v1, v5;
	(pc) =	sbr.rel @p0 .LBB2_2-.Ltmp0, $4  }
0x99: {  	s17 =	sadd.s32 $0x10, s17  }
0x9a: {  	s19 =	sadd.s32 $0x80, s19;
	[tilespmem:s17+$0x0] =	vst v0;
	v0 =	vsub.f32 $1.000000000e+00, v1  }
0x9b: {  	s16 =	sadd.s32 $0x10, s16;
	s22 =	sand.u32 $0x7C00, s19;
	s21 =	sand.u32 $0x70, s20;
	[tilespmem:s18+$0x0] =	vst v1  }
0x9c: {  	s20 =	sadd.s32 $0x10, s20;
	s21 =	sor.u32 s21, s22;
	[tilespmem:s16+$0x0] =	vst v0  }
0x9d: {  	v0 =	vld [tilespmem:s21+$0x0]  }
0x9e: {  	v1 =	vld [tilespmem:s21+$0x80];
	_ =	sdelay $0x1  }
0x9f: {  	v2 =	vld [tilespmem:s21+$0x100];
	_ =	sdelay $0x1  }
0xa0: {  	v3 =	vld [tilespmem:s21+$0x180]  }
0xa1: {  	v0 =	vadd.f32 v1, v0  }
0xa2: {  	v32 =	vld [tilespmem:s21+$0x200]  }
0xa3: {  	v0 =	vadd.f32 v2, v0  }
0xa4: {  	v33 =	vld [tilespmem:s21+$0x280]  }
0xa5: {  	v0 =	vadd.f32 v3, v0  }
0xa6: {  	v34 =	vld [tilespmem:s21+$0x300]  }
0xa7: {  	v0 =	vadd.f32 v32, v0  }
0xa8: {  	v35 =	vld [tilespmem:s21+$0x380]  }
0xa9: {  	v0 =	vadd.f32 v33, v0  }
0xaa: {  	v36 =	vld [tilespmem:s21+$0x6400]  }
0xab: {  	v0 =	vadd.f32 v34, v0  }
0xac: {  	v37 =	vld [tilespmem:s21+$0x6480]  }
0xad: {  	v0 =	vadd.f32 v35, v0  }
0xae: {  	v38 =	vld [tilespmem:s21+$0x6500]  }
0xaf: {  	v0 =	vadd.f32 v36, v0  }
0xb0: {  	v39 =	vld [tilespmem:s21+$0x6580]  }
0xb1: {  	v0 =	vadd.f32 v37, v0  }
0xb2: {  	v40 =	vld [tilespmem:s21+$0x6600]  }
0xb3: {  	v0 =	vadd.f32 v38, v0  }
0xb4: {  	v41 =	vld [tilespmem:s21+$0x6680]  }
0xb5: {  	v0 =	vadd.f32 v39, v0  }
0xb6: {  	v42 =	vld [tilespmem:s21+$0x6700]  }
0xb7: {  	v0 =	vadd.f32 v40, v0  }
0xb8: {  	v43 =	vld [tilespmem:s21+$0x6780]  }
0xb9: {  	v0 =	vadd.f32 v41, v0  }
0xba: {  	v44 =	vld [tilespmem:s21+$0xC800]  }
0xbb: {  	v0 =	vadd.f32 v42, v0  }
0xbc: {  	v45 =	vld [tilespmem:s21+$0xC880]  }
0xbd: {  	v0 =	vadd.f32 v43, v0  }
0xbe: {  	v46 =	vld [tilespmem:s21+$0xC900]  }
0xbf: {  	v0 =	vadd.f32 v44, v0  }
0xc0: {  	v47 =	vld [tilespmem:s21+$0xC980]  }
0xc1: {  	v0 =	vadd.f32 v45, v0  }
0xc2: {  	v48 =	vld [tilespmem:s21+$0xCA00]  }
0xc3: {  	v0 =	vadd.f32 v46, v0  }
0xc4: {  	v49 =	vld [tilespmem:s21+$0xCA80]  }
0xc5: {  	v0 =	vadd.f32 v47, v0  }
0xc6: {  	v50 =	vld [tilespmem:s21+$0xCB00]  }
0xc7: {  	v0 =	vadd.f32 v48, v0  }
0xc8: {  	v51 =	vld [tilespmem:s21+$0xCB80]  }
0xc9: {  	v0 =	vadd.f32 v49, v0  }
0xca: {  	v52 =	vld [tilespmem:s21+$0x12C00]  }
0xcb: {  	v0 =	vadd.f32 v50, v0  }
0xcc: {  	v53 =	vld [tilespmem:s21+$0x12C80]  }
0xcd: {  	v0 =	vadd.f32 v51, v0  }
0xce: {  	v54 =	vld [tilespmem:s21+$0x12D00]  }
0xcf: {  	v0 =	vadd.f32 v52, v0  }
0xd0: {  	v55 =	vld [tilespmem:s21+$0x12D80]  }
0xd1: {  	v0 =	vadd.f32 v53, v0  }
0xd2: {  	v56 =	vld [tilespmem:s21+$0x12E00]  }
0xd3: {  	v0 =	vadd.f32 v54, v0  }
0xd4: {  	v57 =	vld [tilespmem:s21+$0x12E80]  }
0xd5: {  	v0 =	vadd.f32 v55, v0  }
0xd6: {  	v58 =	vld [tilespmem:s21+$0x12F00]  }
0xd7: {  	v0 =	vadd.f32 v56, v0  }
0xd8: {  	v59 =	vld [tilespmem:s21+$0x12F80]  }
0xd9: {  	v0 =	vadd.f32 v57, v0;
	_ =	sdelay $0x1  }
0xda: {  	v0 =	vadd.f32 v58, v0;
	_ =	sdelay $0x1  }
0xdb: {  	v0 =	vadd.f32 v59, v0;
	_ =	sdelay $0x1  }
0xdc: {  	v0 =	vsub.f32 $0.0e+00, v0;
	_ =	sdelay $0x1  }
0xdd: {  	v0 =	vmul.f32 $1.442695020e+00, v0;
	_ =	sdelay $0x1  }
0xde: {  	(erf) = vpow2.f32 v0;
	_ =	sdelay $0x5  }
0xdf: {  	s18 =	sadd.s32 $0x10, s18  }
0xe0: {  	v60 =	vld [tilespmem:s18+$0x0];
	_ =	sdelay $0x1  }
0xe1: {  	v61 =	vpop (erf)  }
0xe2: {  	v1 =	vsub.f32 $1.000000000e+00, v61;
	_ =	sdelay $0x1  }
0xe3: {  	v1 =	vmul.f32 v1, v60;
	_ =	sdelay $0x1  }
0xe4: {  	v62 =	vsub.f32 $1.000000000e+00, v1;
	_ =	sdelay $0x1  }
0xe5: {  	v0 =	vmul.f32 v62, v60  }
0xe6: {  	s17 =	sadd.s32 $0x10, s17  }
0xe7: {  	[tilespmem:s17+$0x0] =	vst v1;
	v63 =	vsub.f32 $1.000000000e+00, v0  }
0xe8: {  	s16 =	sadd.s32 $0x10, s16;
	[tilespmem:s18+$0x0] =	vst v0  }
0xe9: {  	[tilespmem:s16+$0x0] =	vst v63  }
0xea: {  	[hbm4b:s5+s2] =	stream.linear.scatter [tilespmem:s12], [sflag:$0x1], $0xC80, $0x38;
	[tilespmem:$0x1B580] =	vst v63  }
0xeb: {  	_ =	swait.ge [sflag:s11], $0xC80  }
0xec: {  	[sflag:s11] =	ssyncset.done $0x0  }
0xed: {  	[sflag:s11] =	ssyncadd.s32 $0xFFFFF380  }
0xee: {  	[hbm4b:s6+s2] =	stream.linear.scatter [tilespmem:s13], [sflag:$0x1], $0xC80, $0x38;
	[tilespmem:$0x1B580] =	vst v63  }
0xef: {  	s15 =	sadd.s32 $0x1, s15;
	_ =	swait.ge [sflag:s11], $0xC80  }
0xf0: {  	p0 =	sne.s32 s15, s8;
	[sflag:s11] =	ssyncset.done $0x0  }
.Ltmp1:
0xf1: {  	[sflag:s11] =	ssyncadd.s32 $0xFFFFF380;
	(pc) =	sbr.rel @p0 .LBB2_1-.Ltmp1, $4  }
0xf2: {  	[hbm4b:s7+s2] =	stream.linear.scatter [tilespmem:s14], [sflag:$0x1], $0xC80, $0x38;
	[tilespmem:$0x1B580] =	vst v63  }
0xf3: {  	_ =	swait.ge [sflag:s11], $0xC80  }
0xf4: {  	[sflag:s11] =	ssyncset.done $0x0  }
0xf5: {  	[sflag:s11] =	ssyncadd.s32 $0xFFFFF380  }
0xf6: {  	_ =	sfence.sel $0x180000  }
0xf7: {  	[bflag:$0x0] =	sbarrier.arrive $0xFFFF  }
0xf8: {  	p0 =	sne.s32 s0, $0x0;
	_ =	strace $0x90000056  }
0xf9: {  	s0 =	sadd.s32 @!p0 $0x100000, s1;
	[bflag:$0x2] =	sbarrier.arrive $0xFFFF  }
0xfa: {  	[sflag:s0] =	ssyncadd.tile.s32 @!p0 $0x1;
	_ =	shalt  }
.Lfunc_end2:
_tile_overlayer_lowered:
.L_overlay_start_2:
0xfb: {  	(tag) =	ssettag $0x2  }
0xfc: {  	s0 =	rddreg [dreg:$0x0];
	s2 =	stileid.u32  }
0xfd: {  	s1 =	rddreg [dreg:$0x1];
	p0 =	sne.s32 s2, $0x0  }
0xfe: {  	s3 =	rddreg [dreg:$0x2];
	[bflag:$0x3] =	sbarrier.arrive $0xFFFF;
	s2 =	simm.s32 @!p0 $0x1C01  }
0xff: {  	[timem:s3], [sflag:s2] =	dma.local @!p0 [hbm:s0], s1  }
0x100: {  	s0 =	simm.s32 @!p0 $0x1  }
0x101: {  	_ =	swait.ge @!p0 [sflag:s0], s1  }
0x102: {  	s1 =	ssub.s32 @!p0 $0x0, s1;
	[sflag:s0] =	ssyncset.done @!p0 $0x0  }
0x103: {  	[sflag:s0] =	ssyncadd.s32 @!p0 s1  }
0x104: {  	[bflag:$0x3] =	sbarrier.arrive $0xFFFF  }
0x105: {  	_ =	shalt  }

// kernel: icapprox_update.5.cloned.1.call-start
scs
__scs_entry_jumppad:
0x0: {  	(pc) =	sbr.rel $0x88, $3  }
0x1: {  	(tag) =	ssettag $0x0;
	lr =	simm.s32 $0x1  }
0x2: {  	[smem:$0x3F9E] =	sst lr;
	_ =	strace $0xD0000000  }
0x3: {  	_ = 	snop  }
0x4: {  	_ = 	snop  }
0x5: {  	_ = 	snop  }
0x6: {  	_ = 	snop  }
0x7: {  	_ = 	snop  }
__scs_overlays_trampoline_lowered:
0x8: {  	[smem:$0x3FAD] =	sst s0  }
0x9: {  	[smem:$0x3FAE] =	sst s1  }
0xa: {  	[smem:$0x3FAF] =	sst s2  }
0xb: {  	[smem:$0x3FB0] =	sst s3  }
0xc: {  	[smem:$0x3FB1] =	sst s4  }
0xd: {  	[smem:$0x3FB2] =	sst s5  }
0xe: {  	[smem:$0x3FB3] =	sst s6  }
0xf: {  	[smem:$0x3FB4] =	sst s7  }
0x10: {  	[smem:$0x3FB5] =	sst s8  }
0x11: {  	[smem:$0x3FB6] =	sst s9;
	s0 =	simm.s32 @!p0 $0x0  }
0x12: {  	s1 =	sld [smem:$0x3F9C];
	s0 =	simm.s32 @p0 $0x1  }
0x13: {  	[smem:$0x3FB7] =	sst s0;
	s0 =	simm.s32 @!p1 $0x0  }
0x14: {  	s2 =	sld [smem:$0x3F9B];
	s0 =	simm.s32 @p1 $0x1  }
0x15: {  	[smem:$0x3FB8] =	sst s0;
	s0 =	simm.s32 @!p2 $0x0  }
0x16: {  	s3 =	sld [smem:$0x3FDB];
	s0 =	simm.s32 @p2 $0x1  }
0x17: {  	s4 =	simm.s32 $0x1BF5;
	[smem:$0x3FBA] =	sst s0  }
0x18: {  	s0 =	sld [smem:$0x3F9D];
	_ =	swait.ge [sflag:s4], $0x0  }
0x19: {  	s7 =	sld [smem:$0x3F9E]  }
0x1a: {  	s8 =	sadd.s32 $0xFFFFE003, lr  }
0x1b: {  	s9 =	sadd.s32 $0xFFFFFEF7, lr;
	s5 =	simm.s32 $0xFFFFFFFF;
	p2 =	slt.u32 s8, $0xFFFFF086  }
0x1c: {  	p1 =	slt.u32 s9, $0xF7A;
	s5 =	simm.s32 @!p2 $0x0  }
0x1d: {  	s5 =	simm.s32 @p1 $0x1;
	p0 =	seq.s32 s7, s2  }
0x1e: {  	s7 =	smul.u32 @!p0 $0xF7A, s2;
	p2 =	seq.s32 @!p0 s5, $0x0  }
0x1f: {  	s9 =	smul.u32 $0xF7A, s1;
	s8 =	simm.s32 @!p0 $0x1BF5;
	p2 =	por !p2, p0  }
0x20: {  	[sflag:s8] =	ssyncset.s32 @!p0 $0xFFFFF086;
	s6 =	sadd.s32 @!p0 s3, s7;
	s7 =	simm.s32 @!p0 $0x108  }
0x21: {  	s3 =	sadd.s32 s3, s9;
	s6 =	sadd.s32 @!p0 $0x88, s6;
	s7 =	simm.s32 @p2 $0x1082  }
0x22: {  	[simem:s7], [sflag:s8] =	dma.local @!p0 [hbm:s6], $0xF7A  }
0x23: {  	s9 =	sor.u32 $0xD0000000, s2;
	s6 =	simm.s32 $0x108;
	_ =	swait.ge @!p0 [sflag:s8], $0x0  }
0x24: {  	s3 =	sadd.s32 $0x88, s3;
	s6 =	simm.s32 @!p1 $0x1082;
	[sflag:s4] =	ssyncset.s32 $0xFFFFF086  }
0x25: {  	[simem:s6], [sflag:s4] =	dma.local [hbm:s3], $0xF7A  }
0x26: {  	[smem:$0x3F9E] =	sst s1;
	(tag) =	ssettag s2;
	_ =	strace s9  }
0x27: {  	s1 =	sld [smem:$0x3FAE]  }
0x28: {  	s2 =	sld [smem:$0x3FAF]  }
0x29: {  	s4 =	sld [smem:$0x3FB1]  }
0x2a: {  	p0 =	seq.s32 s5, $0x0;
	s5 =	sld [smem:$0x3FB2]  }
0x2b: {  	s6 =	sld [smem:$0x3FB3]  }
0x2c: {  	s7 =	sld [smem:$0x3FB4]  }
0x2d: {  	s3 =	simm.s32 $0x108;
	s8 =	sld [smem:$0x3FB5]  }
0x2e: {  	s3 =	simm.s32 @!p0 $0x1082;
	s9 =	sld [smem:$0x3FB6]  }
0x2f: {  	lr =	sadd.s32 s0, s3;
	s0 =	sld [smem:$0x3FAD]  }
0x30: {  	s3 =	sld [smem:$0x3FB0]  }
0x31: {  	[smem:$0x3FB9] =	sst s10  }
0x32: {  	s10 =	sld [smem:$0x3FB7];
	_ =	sdelay $0x3  }
0x33: {  	p0 =	seq.s32 s10, $0x1;
	s10 =	sld [smem:$0x3FB9];
	_ =	sdelay $0x3  }
0x34: {  	[smem:$0x3FB9] =	sst s10  }
0x35: {  	s10 =	sld [smem:$0x3FB8];
	_ =	sdelay $0x3  }
0x36: {  	p1 =	seq.s32 s10, $0x1;
	s10 =	sld [smem:$0x3FB9];
	_ =	sdelay $0x3  }
0x37: {  	[smem:$0x3FB9] =	sst s10  }
0x38: {  	s10 =	sld [smem:$0x3FBA]  }
0x39: {  	_ = 	snop;
	(pc) =	sbr.ind lr, $3  }
0x3a: {  	_ = 	snop  }
0x3b: {  	_ = 	snop  }
0x3c: {  	p2 =	seq.s32 s10, $0x1;
	s10 =	sld [smem:$0x3FB9]  }
0x3d: {  	_ =	shalt  }
0x3e: {  	_ =	shalt  }
0x3f: {  	_ =	shalt  }
0x40: {  	_ =	shalt  }
0x41: {  	_ =	shalt  }
0x42: {  	_ =	shalt  }
0x43: {  	_ =	shalt  }
0x44: {  	_ =	shalt  }
0x45: {  	_ =	shalt  }
0x46: {  	_ =	shalt  }
0x47: {  	_ =	shalt  }
0x48: {  	_ =	shalt  }
0x49: {  	_ =	shalt  }
0x4a: {  	_ =	shalt  }
0x4b: {  	_ =	shalt  }
0x4c: {  	_ =	shalt  }
0x4d: {  	_ =	shalt  }
0x4e: {  	_ =	shalt  }
0x4f: {  	_ =	shalt  }
0x50: {  	_ =	shalt  }
0x51: {  	_ =	shalt  }
0x52: {  	_ =	shalt  }
0x53: {  	_ =	shalt  }
0x54: {  	_ =	shalt  }
0x55: {  	_ =	shalt  }
0x56: {  	_ =	shalt  }
0x57: {  	_ =	shalt  }
0x58: {  	_ =	shalt  }
0x59: {  	_ =	shalt  }
0x5a: {  	_ =	shalt  }
0x5b: {  	_ =	shalt  }
0x5c: {  	_ =	shalt  }
0x5d: {  	_ =	shalt  }
0x5e: {  	_ =	shalt  }
0x5f: {  	_ =	shalt  }
0x60: {  	_ =	shalt  }
0x61: {  	_ =	shalt  }
0x62: {  	_ =	shalt  }
0x63: {  	_ =	shalt  }
0x64: {  	_ =	shalt  }
0x65: {  	_ =	shalt  }
0x66: {  	_ =	shalt  }
0x67: {  	_ =	shalt  }
0x68: {  	_ =	shalt  }
0x69: {  	_ =	shalt  }
0x6a: {  	_ =	shalt  }
0x6b: {  	_ =	shalt  }
0x6c: {  	_ =	shalt  }
0x6d: {  	_ =	shalt  }
0x6e: {  	_ =	shalt  }
0x6f: {  	_ =	shalt  }
0x70: {  	_ =	shalt  }
0x71: {  	_ =	shalt  }
0x72: {  	_ =	shalt  }
0x73: {  	_ =	shalt  }
0x74: {  	_ =	shalt  }
0x75: {  	_ =	shalt  }
0x76: {  	_ =	shalt  }
0x77: {  	_ =	shalt  }
0x78: {  	_ =	shalt  }
0x79: {  	_ =	shalt  }
0x7a: {  	_ =	shalt  }
0x7b: {  	_ =	shalt  }
0x7c: {  	_ =	shalt  }
0x7d: {  	_ =	shalt  }
0x7e: {  	_ =	shalt  }
0x7f: {  	_ =	shalt  }
0x80: {  	_ =	shalt  }
0x81: {  	_ =	shalt  }
0x82: {  	_ =	shalt  }
0x83: {  	_ =	shalt  }
0x84: {  	_ =	shalt  }
0x85: {  	_ =	shalt  }
0x86: {  	_ =	shalt  }
0x87: {  	_ =	shalt  }
.Lfunc_end0:
.L_simem_size_0:
called_computation.1_lowered:
.L_overlay_start_0:
0x88: {  	s2 =	sld [smem:$0x3FD9]  }
0x89: {  	s3 =	sld [smem:$0x3FFE];
	_ =	sdelay $0x1  }
0x8a: {  	s1 =	srdreg.scid  }
0x8b: {  	s0 =	sand.u32 $0x1, s1  }
0x8c: {  	s16 =	sshll.u32 s0, $0xA;
	s2 =	sadd.s32 s3, s2  }
0x8d: {  	s2 =	sadd.s32 s2, s16  }
0x8e: {  	[smem:$0x3FC5] =	sst s2  }
0x8f: {  	_ = 	snop  }
0x90: {  	(tm) =	ssettm $0x1  }
0x91: {  	s17 =	sld [smem:$0x3FFB];
	_ =	sdelay $0x3  }
0x92: {  	_ =	strace s17  }
0x93: {  	s2 =	sld [smem:$0x3FFC];
	_ =	sdelay $0x3  }
0x94: {  	_ =	strace s2  }
0x95: {  	s2 =	sld [smem:$0x3FFD];
	_ =	sdelay $0x3  }
0x96: {  	_ =	strace s2  }
0x97: {  	_ =	strace $0x8FFFFFFF  }
0x98: {  	s18 =	sld [smem:$0x3FDB];
	_ =	sdelay $0x1  }
0x99: {  	s19 =	simm.s32 $_scs_section_size  }
0x9a: {  	s4 =	simm.s32 $_size__tile_overlayer_lowered;
	s5 =	simm.s32 $_tile_overlayer_lowered  }
0x9b: {  	s22 =	simm.s32 $0x1BFF;
	s21 =	sshll.u32 s5, $0x1;
	s2 =	sadd.s32 s19, s18  }
0x9c: {  	s6 =	simm.s32 $0x0;
	s20 =	sshll.u32 s4, $0x1;
	s4 =	sadd.s32 s21, s2  }
0x9d: {  	[timem:s6], [sflag:s22] =	dma.local [hbm:s4], s20  }
0x9e: {  	_ =	swait.ge [sflag:s22], s20  }
0x9f: {  	s3 =	ssub.s32 $0x0, s20;
	[sflag:s22] =	ssyncset.done $0x0  }
0xa0: {  	[sflag:s22] =	ssyncadd.s32 s3;
	_ =	sdelay $0x1  }
0xa1: {  	s23 =	simm.s32 $0x1B8B  }
0xa2: {  	_ =	swait.ge [sflag:s23], $0x1  }
0xa3: {  	[sflag:s23] =	ssyncset.done $0x0  }
0xa4: {  	s25 =	simm.s32 $0x1B8E;
	s24 =	sld [smem:$0x3FFE];
	[sflag:s23] =	ssyncadd.s32 $0xFFFFFFFF  }
0xa5: {  	s26 =	simm.s32 $execute0_lowered;
	[smem:$0x3FD2] =	sst s25  }
0xa6: {  	s4 =	sshll.u32 s26, $0x1;
	_ =	strace $0x80000049;
	[dreg:$0x1] =	wrdreg $0xFFFFFFFF  }
0xa7: {  	s28 =	simm.s32 $_size_execute0_lowered;
	s2 =	sadd.s32 s2, s4;
	[dreg:$0x0] =	wrdreg $0x0  }
0xa8: {  	s4 =	sshll.u32 s28, $0x1;
	[dreg:$0x2] =	wrdreg s2  }
0xa9: {  	[dreg:$0x3] =	wrdreg s4  }
0xaa: {  	[dreg:$0x4] =	wrdreg $0xC0  }
0xab: {  	_ =	task [dreg:s6], $0x5FFFF  }
0xac: {  	[dreg:$0x1] =	wrdreg $0xFFFFFFFF  }
0xad: {  	[dreg:$0x0] =	wrdreg $0x60  }
0xae: {  	[dreg:$0x2] =	wrdreg s24  }
0xaf: {  	[dreg:$0x3] =	wrdreg $0x9  }
0xb0: {  	_ =	task.clear_ibuf [dreg:s6], $0x4FFFF;
	_ =	strace $0x90000049  }
0xb1: {  	s29 =	simm.s32 $0x9;
	_ =	strace $0x8000004B  }
0xb2: {  	_ =	swait.ge [sflag:s29], $0x1  }
0xb3: {  	[sflag:s29] =	ssyncadd.s32 $0xFFFFFFFF  }
0xb4: {  	_ =	strace $0x9000004B  }
0xb5: {  	_ =	sfence  }
0xb6: {  	s30 =	sld [smem:$0x0];
	_ =	sdelay $0x2  }
0xb7: {  	s31 =	sshll.u32 s1, $0xD;
	s1 =	sshrl.u32 s1, $0x2  }
0xb8: {  	s3 =	sand.u32 $0x4000, s31;
	s1 =	sadd.s32 s1, s30  }
0xb9: {  	s0 =	sor.u32 s3, s0;
	s1 =	sshll.u32 s1, $0x11  }
0xba: {  	s0 =	sor.u32 s1, s0  }
0xbb: {  	s0 =	sadd.s32 $0x8F2B, s0  }
0xbc: {  	[sflag:s0] =	ssyncadd.remote.s32 $0x1  }
0xbd: {  	_ =	sfence.sel $0xFFFF  }
0xbe: {  	[dreg:$0x0] =	wrdreg $0xFFFFFFFF;
	(pc) =	sbr.abs _section_cstart, $3  }
0xbf: {  	[dreg:$0x1] =	wrdreg $0xFFFFFFFF  }
0xc0: {  	_ =	task.clear_ibuf [dreg:s6], $0x2FFFF;
	_ =	strace $0x9FFFFFFF  }
0xc1: {  	(tm) =	ssettm $0x7FFFFFFF  }
tec
execute0_lowered:
.L_overlay_start_1:
0x0: {  	(tag) =	ssettag $0x1  }
0x1: {  	s1 =	srdreg.scid  }
0x2: {  	s0 =	stileid.u32;
	s4 =	rddreg [dreg:$0x0]  }
0x3: {  	s2 =	simm.s32 $0x0;
	s10 =	simm.s32 $0xC8000;
	s11 =	simm.s32 $0x1  }
0x4: {  	s12 =	simm.s32 $0x19C80;
	s3 =	sand.u32 $0x1, s1;
	s31 =	sshll.u32 s0, $0x1  }
0x5: {  	s13 =	simm.s32 $0x19000;
	s14 =	simm.s32 $0x1A900;
	s5 =	sor.u32 s3, s31  }
0x6: {  	s15 =	simm.s32 $0x0;
	s1 =	rddreg [dreg:$0x1];
	s6 =	smul.u32 $0xC80, s5  }
0x7: {  	[smem:$0x7FF] =	sst s2;
	s3 =	ssub.s32 $0x2, s3;
	s5 =	smul.u32 $0x190, s5  }
0x8: {  	_ =	strace $0x8000004A;
	s7 =	sshrl.u32 s3, $0x1;
	s6 =	sadd.s32 s6, s4  }
0x9: {  	s9 =	ssub.s32 s3, s7;
	s8 =	sadd.s32 s5, s4;
	s3 =	sadd.s32 $0x8E00, s6  }
0xa: {  	s4 =	sadd.s32 $0x5C00, s8;
	s5 =	sadd.s32 $0x6CE00, s8;
	s6 =	sadd.s32 $0x70000, s8  }
0xb: {  	s7 =	sadd.s32 $0x2A00, s8;
	s8 =	smax.u32 s9, $0x1;
	s9 =	simm.s32 $0x6400  }
.LBB2_1:
0xc: {  	[tilespmem:s2], [sflag:$0x1] =	stream.strided.gather [hbm4b:s3+s9], $0x19000, s10, s9, $0x38;
	[tilespmem:$0x1B580] =	vst v63  }
0xd: {  	_ =	swait.ge [sflag:s11], $0x19000  }
0xe: {  	[sflag:s11] =	ssyncset.done $0x0  }
0xf: {  	[sflag:s11] =	ssyncadd.s32 $0xFFFE7000  }
0x10: {  	[tilespmem:s13], [sflag:$0x1] =	stream.linear.gather [hbm4b:s4+s2], $0xC80, $0x38;
	[tilespmem:$0x1B580] =	vst v63  }
0x11: {  	_ =	swait.ge [sflag:s11], $0xC80  }
0x12: {  	s16 =	sand.u32 $0x70, s2;
	s17 =	sand.u32 $0x7C00, s2;
	[sflag:s11] =	ssyncset.done $0x0  }
0x13: {  	s16 =	sor.u32 s16, s17;
	[sflag:s11] =	ssyncadd.s32 $0xFFFFF380  }
0x14: {  	v0 =	vld [tilespmem:s16+$0x0]  }
0x15: {  	v1 =	vld [tilespmem:s16+$0x80];
	_ =	sdelay $0x1  }
0x16: {  	v2 =	vld [tilespmem:s16+$0x100];
	_ =	sdelay $0x1  }
0x17: {  	v3 =	vld [tilespmem:s16+$0x180]  }
0x18: {  	v0 =	vadd.f32 v1, v0  }
0x19: {  	v32 =	vld [tilespmem:s16+$0x200]  }
0x1a: {  	v0 =	vadd.f32 v2, v0  }
0x1b: {  	v33 =	vld [tilespmem:s16+$0x280]  }
0x1c: {  	v0 =	vadd.f32 v3, v0  }
0x1d: {  	v34 =	vld [tilespmem:s16+$0x300]  }
0x1e: {  	v0 =	vadd.f32 v32, v0  }
0x1f: {  	v35 =	vld [tilespmem:s16+$0x380]  }
0x20: {  	v0 =	vadd.f32 v33, v0  }
0x21: {  	v36 =	vld [tilespmem:s16+$0x6400]  }
0x22: {  	v0 =	vadd.f32 v34, v0  }
0x23: {  	v37 =	vld [tilespmem:s16+$0x6480]  }
0x24: {  	v0 =	vadd.f32 v35, v0  }
0x25: {  	v38 =	vld [tilespmem:s16+$0x6500]  }
0x26: {  	v0 =	vadd.f32 v36, v0  }
0x27: {  	v39 =	vld [tilespmem:s16+$0x6580]  }
0x28: {  	v0 =	vadd.f32 v37, v0  }
0x29: {  	v40 =	vld [tilespmem:s16+$0x6600]  }
0x2a: {  	v0 =	vadd.f32 v38, v0  }
0x2b: {  	v41 =	vld [tilespmem:s16+$0x6680]  }
0x2c: {  	v0 =	vadd.f32 v39, v0  }
0x2d: {  	v42 =	vld [tilespmem:s16+$0x6700]  }
0x2e: {  	v0 =	vadd.f32 v40, v0  }
0x2f: {  	v43 =	vld [tilespmem:s16+$0x6780]  }
0x30: {  	v0 =	vadd.f32 v41, v0  }
0x31: {  	v44 =	vld [tilespmem:s16+$0xC800]  }
0x32: {  	v0 =	vadd.f32 v42, v0  }
0x33: {  	v45 =	vld [tilespmem:s16+$0xC880]  }
0x34: {  	v0 =	vadd.f32 v43, v0  }
0x35: {  	v46 =	vld [tilespmem:s16+$0xC900]  }
0x36: {  	v0 =	vadd.f32 v44, v0  }
0x37: {  	v47 =	vld [tilespmem:s16+$0xC980]  }
0x38: {  	v0 =	vadd.f32 v45, v0  }
0x39: {  	v48 =	vld [tilespmem:s16+$0xCA00]  }
0x3a: {  	v0 =	vadd.f32 v46, v0  }
0x3b: {  	v49 =	vld [tilespmem:s16+$0xCA80]  }
0x3c: {  	v0 =	vadd.f32 v47, v0  }
0x3d: {  	v50 =	vld [tilespmem:s16+$0xCB00]  }
0x3e: {  	v0 =	vadd.f32 v48, v0  }
0x3f: {  	v51 =	vld [tilespmem:s16+$0xCB80]  }
0x40: {  	v0 =	vadd.f32 v49, v0  }
0x41: {  	v52 =	vld [tilespmem:s16+$0x12C00]  }
0x42: {  	v0 =	vadd.f32 v50, v0  }
0x43: {  	v53 =	vld [tilespmem:s16+$0x12C80]  }
0x44: {  	v0 =	vadd.f32 v51, v0  }
0x45: {  	v54 =	vld [tilespmem:s16+$0x12D00]  }
0x46: {  	v0 =	vadd.f32 v52, v0  }
0x47: {  	v55 =	vld [tilespmem:s16+$0x12D80]  }
0x48: {  	v0 =	vadd.f32 v53, v0  }
0x49: {  	v56 =	vld [tilespmem:s16+$0x12E00]  }
0x4a: {  	v0 =	vadd.f32 v54, v0  }
0x4b: {  	v57 =	vld [tilespmem:s16+$0x12E80]  }
0x4c: {  	v0 =	vadd.f32 v55, v0  }
0x4d: {  	v58 =	vld [tilespmem:s16+$0x12F00]  }
0x4e: {  	v0 =	vadd.f32 v56, v0  }
0x4f: {  	v59 =	vld [tilespmem:s16+$0x12F80]  }
0x50: {  	v0 =	vadd.f32 v57, v0;
	_ =	sdelay $0x1  }
0x51: {  	v0 =	vadd.f32 v58, v0;
	_ =	sdelay $0x1  }
0x52: {  	v0 =	vadd.f32 v59, v0;
	_ =	sdelay $0x1  }
0x53: {  	v0 =	vsub.f32 $0.0e+00, v0;
	_ =	sdelay $0x1  }
0x54: {  	v0 =	vmul.f32 $1.442695020e+00, v0;
	_ =	sdelay $0x1  }
0x55: {  	(erf) = vpow2.f32 v0;
	_ =	sdelay $0x6  }
0x56: {  	v60 =	vld [tilespmem:s13+$0x0];
	_ =	sdelay $0x1  }
0x57: {  	v61 =	vpop (erf)  }
0x58: {  	v1 =	vsub.f32 $1.000000000e+00, v61;
	_ =	sdelay $0x1  }
0x59: {  	v1 =	vmul.f32 v1, v60;
	_ =	sdelay $0x1  }
0x5a: {  	v62 =	vsub.f32 $1.000000000e+00, v1;
	_ =	sdelay $0x1  }
0x5b: {  	v0 =	vmul.f32 v62, v60;
	_ =	sdelay $0x1  }
0x5c: {  	s30 =	simm.s32 $0x10;
	s19 =	simm.s32 $0x80;
	s20 =	simm.s32 $0x20;
	[tilespmem:s12+$0x0] =	vst v1;
	v63 =	vsub.f32 $1.000000000e+00, v0  }
0x5d: {  	s18 =	simm.s32 $0x19000;
	s31 =	sand.u32 $0x7C00, s19;
	s16 =	sand.u32 $0x70, s30;
	[tilespmem:s13+$0x0] =	vst v0  }
0x5e: {  	s17 =	simm.s32 $0x19C80;
	s21 =	sor.u32 s16, s31;
	s16 =	simm.s32 $0x1A900;
	[tilespmem:s14+$0x0] =	vst v63  }
.LBB2_2:
0x5f: {  	p0 =	sne.s32 s20, $0xC70;
	v0 =	vld [tilespmem:s21+$0x0]  }
0x60: {  	v1 =	vld [tilespmem:s21+$0x80]  }
0x61: {  	v2 =	vld [tilespmem:s21+$0x100]  }
0x62: {  	v3 =	vld [tilespmem:s21+$0x180]  }
0x63: {  	v4 =	vld [tilespmem:s21+$0x200]  }
0x64: {  	v5 =	vld [tilespmem:s21+$0x280]  }
0x65: {  	v0 =	vadd.f32 v1, v0;
	v1 =	vld [tilespmem:s21+$0x300]  }
0x66: {  	v6 =	vld [tilespmem:s21+$0x380]  }
0x67: {  	v0 =	vadd.f32 v2, v0;
	v2 =	vld [tilespmem:s21+$0x6400]  }
0x68: {  	v7 =	vld [tilespmem:s21+$0x6480]  }
0x69: {  	v0 =	vadd.f32 v3, v0;
	v3 =	vld [tilespmem:s21+$0x6500]  }
0x6a: {  	v8 =	vld [tilespmem:s21+$0x6580]  }
0x6b: {  	v0 =	vadd.f32 v4, v0;
	v4 =	vld [tilespmem:s21+$0x6600]  }
0x6c: {  	v9 =	vld [tilespmem:s21+$0x6680]  }
0x6d: {  	v0 =	vadd.f32 v5, v0;
	v5 =	vld [tilespmem:s21+$0x6700]  }
0x6e: {  	v10 =	vld [tilespmem:s21+$0x6780]  }
0x6f: {  	v0 =	vadd.f32 v1, v0;
	v1 =	vld [tilespmem:s21+$0xC800]  }
0x70: {  	v11 =	vld [tilespmem:s21+$0xC880]  }
0x71: {  	v0 =	vadd.f32 v6, v0;
	v6 =	vld [tilespmem:s21+$0xC900]  }
0x72: {  	v12 =	vld [tilespmem:s21+$0xC980]  }
0x73: {  	v0 =	vadd.f32 v2, v0;
	v2 =	vld [tilespmem:s21+$0xCA00]  }
0x74: {  	v13 =	vld [tilespmem:s21+$0xCA80]  }
0x75: {  	v0 =	vadd.f32 v7, v0;
	v7 =	vld [tilespmem:s21+$0xCB00]  }
0x76: {  	v14 =	vld [tilespmem:s21+$0xCB80]  }
0x77: {  	v0 =	vadd.f32 v3, v0;
	v3 =	vld [tilespmem:s21+$0x12C00]  }
0x78: {  	v15 =	vld [tilespmem:s21+$0x12C80]  }
0x79: {  	v0 =	vadd.f32 v8, v0;
	v8 =	vld [tilespmem:s21+$0x12D00]  }
0x7a: {  	v16 =	vld [tilespmem:s21+$0x12D80]  }
0x7b: {  	v0 =	vadd.f32 v4, v0;
	v4 =	vld [tilespmem:s21+$0x12E00]  }
0x7c: {  	v17 =	vld [tilespmem:s21+$0x12E80]  }
0x7d: {  	v0 =	vadd.f32 v9, v0;
	v9 =	vld [tilespmem:s21+$0x12F00]  }
0x7e: {  	s18 =	sadd.s32 $0x10, s18;
	v18 =	vld [tilespmem:s21+$0x12F80]  }
0x7f: {  	v0 =	vadd.f32 v5, v0;
	v5 =	vld [tilespmem:s18+$0x0];
	_ =	sdelay $0x1  }
0x80: {  	v0 =	vadd.f32 v10, v0;
	_ =	sdelay $0x1  }
0x81: {  	v0 =	vadd.f32 v1, v0;
	_ =	sdelay $0x1  }
0x82: {  	v0 =	vadd.f32 v11, v0;
	_ =	sdelay $0x1  }
0x83: {  	v0 =	vadd.f32 v6, v0;
	_ =	sdelay $0x1  }
0x84: {  	v0 =	vadd.f32 v12, v0;
	_ =	sdelay $0x1  }
0x85: {  	v0 =	vadd.f32 v2, v0;
	_ =	sdelay $0x1  }
0x86: {  	v0 =	vadd.f32 v13, v0;
	_ =	sdelay $0x1  }
0x87: {  	v0 =	vadd.f32 v7, v0;
	_ =	sdelay $0x1  }
0x88: {  	v0 =	vadd.f32 v14, v0;
	_ =	sdelay $0x1  }
0x89: {  	v0 =	vadd.f32 v3, v0;
	_ =	sdelay $0x1  }
0x8a: {  	v0 =	vadd.f32 v15, v0;
	_ =	sdelay $0x1  }
0x8b: {  	v0 =	vadd.f32 v8, v0;
	_ =	sdelay $0x1  }
0x8c: {  	v0 =	vadd.f32 v16, v0;
	_ =	sdelay $0x1  }
0x8d: {  	v0 =	vadd.f32 v4, v0;
	_ =	sdelay $0x1  }
0x8e: {  	v0 =	vadd.f32 v17, v0;
	_ =	sdelay $0x1  }
0x8f: {  	v0 =	vadd.f32 v9, v0;
	_ =	sdelay $0x1  }
0x90: {  	v0 =	vadd.f32 v18, v0;
	_ =	sdelay $0x1  }
0x91: {  	v0 =	vsub.f32 $0.0e+00, v0;
	_ =	sdelay $0x1  }
0x92: {  	v0 =	vmul.f32 $1.442695020e+00, v0;
	_ =	sdelay $0x1  }
0x93: {  	(erf) = vpow2.f32 v0;
	_ =	sdelay $0x8  }
0x94: {  	v0 =	vpop (erf)  }
0x95: {  	v0 =	vsub.f32 $1.000000000e+00, v0;
	_ =	sdelay $0x1  }
0x96: {  	v0 =	vmul.f32 v0, v5;
	_ =	sdelay $0x1  }
0x97: {  	v1 =	vsub.f32 $1.000000000e+00, v0;
	_ =	sdelay $0x1  }
.Ltmp0:
0x98: {  	v1 =	vmul.f32 v1, v5;
	(pc) =	sbr.rel @p0 .LBB2_2-.Ltmp0, $4  }
0x99: {  	s17 =	sadd.s32 $0x10, s17  }
0x9a: {  	s19 =	sadd.s32 $0x80, s19;
	[tilespmem:s17+$0x0] =	vst v0;
	v0 =	vsub.f32 $1.000000000e+00, v1  }
0x9b: {  	s16 =	sadd.s32 $0x10, s16;
	s22 =	sand.u32 $0x7C00, s19;
	s21 =	sand.u32 $0x70, s20;
	[tilespmem:s18+$0x0] =	vst v1  }
0x9c: {  	s20 =	sadd.s32 $0x10, s20;
	s21 =	sor.u32 s21, s22;
	[tilespmem:s16+$0x0] =	vst v0  }
0x9d: {  	v0 =	vld [tilespmem:s21+$0x0]  }
0x9e: {  	v1 =	vld [tilespmem:s21+$0x80];
	_ =	sdelay $0x1  }
0x9f: {  	v2 =	vld [tilespmem:s21+$0x100];
	_ =	sdelay $0x1  }
0xa0: {  	v3 =	vld [tilespmem:s21+$0x180]  }
0xa1: {  	v0 =	vadd.f32 v1, v0  }
0xa2: {  	v32 =	vld [tilespmem:s21+$0x200]  }
0xa3: {  	v0 =	vadd.f32 v2, v0  }
0xa4: {  	v33 =	vld [tilespmem:s21+$0x280]  }
0xa5: {  	v0 =	vadd.f32 v3, v0  }
0xa6: {  	v34 =	vld [tilespmem:s21+$0x300]  }
0xa7: {  	v0 =	vadd.f32 v32, v0  }
0xa8: {  	v35 =	vld [tilespmem:s21+$0x380]  }
0xa9: {  	v0 =	vadd.f32 v33, v0  }
0xaa: {  	v36 =	vld [tilespmem:s21+$0x6400]  }
0xab: {  	v0 =	vadd.f32 v34, v0  }
0xac: {  	v37 =	vld [tilespmem:s21+$0x6480]  }
0xad: {  	v0 =	vadd.f32 v35, v0  }
0xae: {  	v38 =	vld [tilespmem:s21+$0x6500]  }
0xaf: {  	v0 =	vadd.f32 v36, v0  }
0xb0: {  	v39 =	vld [tilespmem:s21+$0x6580]  }
0xb1: {  	v0 =	vadd.f32 v37, v0  }
0xb2: {  	v40 =	vld [tilespmem:s21+$0x6600]  }
0xb3: {  	v0 =	vadd.f32 v38, v0  }
0xb4: {  	v41 =	vld [tilespmem:s21+$0x6680]  }
0xb5: {  	v0 =	vadd.f32 v39, v0  }
0xb6: {  	v42 =	vld [tilespmem:s21+$0x6700]  }
0xb7: {  	v0 =	vadd.f32 v40, v0  }
0xb8: {  	v43 =	vld [tilespmem:s21+$0x6780]  }
0xb9: {  	v0 =	vadd.f32 v41, v0  }
0xba: {  	v44 =	vld [tilespmem:s21+$0xC800]  }
0xbb: {  	v0 =	vadd.f32 v42, v0  }
0xbc: {  	v45 =	vld [tilespmem:s21+$0xC880]  }
0xbd: {  	v0 =	vadd.f32 v43, v0  }
0xbe: {  	v46 =	vld [tilespmem:s21+$0xC900]  }
0xbf: {  	v0 =	vadd.f32 v44, v0  }
0xc0: {  	v47 =	vld [tilespmem:s21+$0xC980]  }
0xc1: {  	v0 =	vadd.f32 v45, v0  }
0xc2: {  	v48 =	vld [tilespmem:s21+$0xCA00]  }
0xc3: {  	v0 =	vadd.f32 v46, v0  }
0xc4: {  	v49 =	vld [tilespmem:s21+$0xCA80]  }
0xc5: {  	v0 =	vadd.f32 v47, v0  }
0xc6: {  	v50 =	vld [tilespmem:s21+$0xCB00]  }
0xc7: {  	v0 =	vadd.f32 v48, v0  }
0xc8: {  	v51 =	vld [tilespmem:s21+$0xCB80]  }
0xc9: {  	v0 =	vadd.f32 v49, v0  }
0xca: {  	v52 =	vld [tilespmem:s21+$0x12C00]  }
0xcb: {  	v0 =	vadd.f32 v50, v0  }
0xcc: {  	v53 =	vld [tilespmem:s21+$0x12C80]  }
0xcd: {  	v0 =	vadd.f32 v51, v0  }
0xce: {  	v54 =	vld [tilespmem:s21+$0x12D00]  }
0xcf: {  	v0 =	vadd.f32 v52, v0  }
0xd0: {  	v55 =	vld [tilespmem:s21+$0x12D80]  }
0xd1: {  	v0 =	vadd.f32 v53, v0  }
0xd2: {  	v56 =	vld [tilespmem:s21+$0x12E00]  }
0xd3: {  	v0 =	vadd.f32 v54, v0  }
0xd4: {  	v57 =	vld [tilespmem:s21+$0x12E80]  }
0xd5: {  	v0 =	vadd.f32 v55, v0  }
0xd6: {  	v58 =	vld [tilespmem:s21+$0x12F00]  }
0xd7: {  	v0 =	vadd.f32 v56, v0  }
0xd8: {  	v59 =	vld [tilespmem:s21+$0x12F80]  }
0xd9: {  	v0 =	vadd.f32 v57, v0;
	_ =	sdelay $0x1  }
0xda: {  	v0 =	vadd.f32 v58, v0;
	_ =	sdelay $0x1  }
0xdb: {  	v0 =	vadd.f32 v59, v0;
	_ =	sdelay $0x1  }
0xdc: {  	v0 =	vsub.f32 $0.0e+00, v0;
	_ =	sdelay $0x1  }
0xdd: {  	v0 =	vmul.f32 $1.442695020e+00, v0;
	_ =	sdelay $0x1  }
0xde: {  	(erf) = vpow2.f32 v0;
	_ =	sdelay $0x5  }
0xdf: {  	s18 =	sadd.s32 $0x10, s18  }
0xe0: {  	v60 =	vld [tilespmem:s18+$0x0];
	_ =	sdelay $0x1  }
0xe1: {  	v61 =	vpop (erf)  }
0xe2: {  	v1 =	vsub.f32 $1.000000000e+00, v61;
	_ =	sdelay $0x1  }
0xe3: {  	v1 =	vmul.f32 v1, v60;
	_ =	sdelay $0x1  }
0xe4: {  	v62 =	vsub.f32 $1.000000000e+00, v1;
	_ =	sdelay $0x1  }
0xe5: {  	v0 =	vmul.f32 v62, v60  }
0xe6: {  	s17 =	sadd.s32 $0x10, s17  }
0xe7: {  	[tilespmem:s17+$0x0] =	vst v1;
	v63 =	vsub.f32 $1.000000000e+00, v0  }
0xe8: {  	s16 =	sadd.s32 $0x10, s16;
	[tilespmem:s18+$0x0] =	vst v0  }
0xe9: {  	[tilespmem:s16+$0x0] =	vst v63  }
0xea: {  	[hbm4b:s5+s2] =	stream.linear.scatter [tilespmem:s12], [sflag:$0x1], $0xC80, $0x38;
	[tilespmem:$0x1B580] =	vst v63  }
0xeb: {  	_ =	swait.ge [sflag:s11], $0xC80  }
0xec: {  	[sflag:s11] =	ssyncset.done $0x0  }
0xed: {  	[sflag:s11] =	ssyncadd.s32 $0xFFFFF380  }
0xee: {  	[hbm4b:s6+s2] =	stream.linear.scatter [tilespmem:s13], [sflag:$0x1], $0xC80, $0x38;
	[tilespmem:$0x1B580] =	vst v63  }
0xef: {  	s15 =	sadd.s32 $0x1, s15;
	_ =	swait.ge [sflag:s11], $0xC80  }
0xf0: {  	p0 =	sne.s32 s15, s8;
	[sflag:s11] =	ssyncset.done $0x0  }
.Ltmp1:
0xf1: {  	[sflag:s11] =	ssyncadd.s32 $0xFFFFF380;
	(pc) =	sbr.rel @p0 .LBB2_1-.Ltmp1, $4  }
0xf2: {  	[hbm4b:s7+s2] =	stream.linear.scatter [tilespmem:s14], [sflag:$0x1], $0xC80, $0x38;
	[tilespmem:$0x1B580] =	vst v63  }
0xf3: {  	_ =	swait.ge [sflag:s11], $0xC80  }
0xf4: {  	[sflag:s11] =	ssyncset.done $0x0  }
0xf5: {  	[sflag:s11] =	ssyncadd.s32 $0xFFFFF380  }
0xf6: {  	_ =	sfence.sel $0x180000  }
0xf7: {  	[bflag:$0x0] =	sbarrier.arrive $0xFFFF  }
0xf8: {  	p0 =	sne.s32 s0, $0x0;
	_ =	strace $0x9000004A  }
0xf9: {  	s0 =	sadd.s32 @!p0 $0x100000, s1;
	[bflag:$0x2] =	sbarrier.arrive $0xFFFF  }
0xfa: {  	[sflag:s0] =	ssyncadd.tile.s32 @!p0 $0x1;
	_ =	shalt  }
.Lfunc_end2:
_tile_overlayer_lowered:
.L_overlay_start_2:
0xfb: {  	(tag) =	ssettag $0x2  }
0xfc: {  	s0 =	rddreg [dreg:$0x0];
	s2 =	stileid.u32  }
0xfd: {  	s1 =	rddreg [dreg:$0x1];
	p0 =	sne.s32 s2, $0x0  }
0xfe: {  	s3 =	rddreg [dreg:$0x2];
	[bflag:$0x3] =	sbarrier.arrive $0xFFFF;
	s2 =	simm.s32 @!p0 $0x1C01  }
0xff: {  	[timem:s3], [sflag:s2] =	dma.local @!p0 [hbm:s0], s1  }
0x100: {  	s0 =	simm.s32 @!p0 $0x1  }
0x101: {  	_ =	swait.ge @!p0 [sflag:s0], s1  }
0x102: {  	s1 =	ssub.s32 @!p0 $0x0, s1;
	[sflag:s0] =	ssyncset.done @!p0 $0x0  }
0x103: {  	[sflag:s0] =	ssyncadd.s32 @!p0 s1  }
0x104: {  	[bflag:$0x3] =	sbarrier.arrive $0xFFFF  }
0x105: {  	_ =	shalt  }

// kernel: icapprox_update.8.cloned.1.call-start
scs
__scs_entry_jumppad:
0x0: {  	(pc) =	sbr.rel $0x88, $3  }
0x1: {  	(tag) =	ssettag $0x0;
	lr =	simm.s32 $0x1  }
0x2: {  	[smem:$0x3F9E] =	sst lr;
	_ =	strace $0xD0000000  }
0x3: {  	_ = 	snop  }
0x4: {  	_ = 	snop  }
0x5: {  	_ = 	snop  }
0x6: {  	_ = 	snop  }
0x7: {  	_ = 	snop  }
__scs_overlays_trampoline_lowered:
0x8: {  	[smem:$0x3FAD] =	sst s0  }
0x9: {  	[smem:$0x3FAE] =	sst s1  }
0xa: {  	[smem:$0x3FAF] =	sst s2  }
0xb: {  	[smem:$0x3FB0] =	sst s3  }
0xc: {  	[smem:$0x3FB1] =	sst s4  }
0xd: {  	[smem:$0x3FB2] =	sst s5  }
0xe: {  	[smem:$0x3FB3] =	sst s6  }
0xf: {  	[smem:$0x3FB4] =	sst s7  }
0x10: {  	[smem:$0x3FB5] =	sst s8  }
0x11: {  	[smem:$0x3FB6] =	sst s9;
	s0 =	simm.s32 @!p0 $0x0  }
0x12: {  	s1 =	sld [smem:$0x3F9C];
	s0 =	simm.s32 @p0 $0x1  }
0x13: {  	[smem:$0x3FB7] =	sst s0;
	s0 =	simm.s32 @!p1 $0x0  }
0x14: {  	s2 =	sld [smem:$0x3F9B];
	s0 =	simm.s32 @p1 $0x1  }
0x15: {  	[smem:$0x3FB8] =	sst s0;
	s0 =	simm.s32 @!p2 $0x0  }
0x16: {  	s3 =	sld [smem:$0x3FDB];
	s0 =	simm.s32 @p2 $0x1  }
0x17: {  	s4 =	simm.s32 $0x1BF5;
	[smem:$0x3FBA] =	sst s0  }
0x18: {  	s0 =	sld [smem:$0x3F9D];
	_ =	swait.ge [sflag:s4], $0x0  }
0x19: {  	s7 =	sld [smem:$0x3F9E]  }
0x1a: {  	s8 =	sadd.s32 $0xFFFFE003, lr  }
0x1b: {  	s9 =	sadd.s32 $0xFFFFFEF7, lr;
	s5 =	simm.s32 $0xFFFFFFFF;
	p2 =	slt.u32 s8, $0xFFFFF086  }
0x1c: {  	p1 =	slt.u32 s9, $0xF7A;
	s5 =	simm.s32 @!p2 $0x0  }
0x1d: {  	s5 =	simm.s32 @p1 $0x1;
	p0 =	seq.s32 s7, s2  }
0x1e: {  	s7 =	smul.u32 @!p0 $0xF7A, s2;
	p2 =	seq.s32 @!p0 s5, $0x0  }
0x1f: {  	s9 =	smul.u32 $0xF7A, s1;
	s8 =	simm.s32 @!p0 $0x1BF5;
	p2 =	por !p2, p0  }
0x20: {  	[sflag:s8] =	ssyncset.s32 @!p0 $0xFFFFF086;
	s6 =	sadd.s32 @!p0 s3, s7;
	s7 =	simm.s32 @!p0 $0x108  }
0x21: {  	s3 =	sadd.s32 s3, s9;
	s6 =	sadd.s32 @!p0 $0x88, s6;
	s7 =	simm.s32 @p2 $0x1082  }
0x22: {  	[simem:s7], [sflag:s8] =	dma.local @!p0 [hbm:s6], $0xF7A  }
0x23: {  	s9 =	sor.u32 $0xD0000000, s2;
	s6 =	simm.s32 $0x108;
	_ =	swait.ge @!p0 [sflag:s8], $0x0  }
0x24: {  	s3 =	sadd.s32 $0x88, s3;
	s6 =	simm.s32 @!p1 $0x1082;
	[sflag:s4] =	ssyncset.s32 $0xFFFFF086  }
0x25: {  	[simem:s6], [sflag:s4] =	dma.local [hbm:s3], $0xF7A  }
0x26: {  	[smem:$0x3F9E] =	sst s1;
	(tag) =	ssettag s2;
	_ =	strace s9  }
0x27: {  	s1 =	sld [smem:$0x3FAE]  }
0x28: {  	s2 =	sld [smem:$0x3FAF]  }
0x29: {  	s4 =	sld [smem:$0x3FB1]  }
0x2a: {  	p0 =	seq.s32 s5, $0x0;
	s5 =	sld [smem:$0x3FB2]  }
0x2b: {  	s6 =	sld [smem:$0x3FB3]  }
0x2c: {  	s7 =	sld [smem:$0x3FB4]  }
0x2d: {  	s3 =	simm.s32 $0x108;
	s8 =	sld [smem:$0x3FB5]  }
0x2e: {  	s3 =	simm.s32 @!p0 $0x1082;
	s9 =	sld [smem:$0x3FB6]  }
0x2f: {  	lr =	sadd.s32 s0, s3;
	s0 =	sld [smem:$0x3FAD]  }
0x30: {  	s3 =	sld [smem:$0x3FB0]  }
0x31: {  	[smem:$0x3FB9] =	sst s10  }
0x32: {  	s10 =	sld [smem:$0x3FB7];
	_ =	sdelay $0x3  }
0x33: {  	p0 =	seq.s32 s10, $0x1;
	s10 =	sld [smem:$0x3FB9];
	_ =	sdelay $0x3  }
0x34: {  	[smem:$0x3FB9] =	sst s10  }
0x35: {  	s10 =	sld [smem:$0x3FB8];
	_ =	sdelay $0x3  }
0x36: {  	p1 =	seq.s32 s10, $0x1;
	s10 =	sld [smem:$0x3FB9];
	_ =	sdelay $0x3  }
0x37: {  	[smem:$0x3FB9] =	sst s10  }
0x38: {  	s10 =	sld [smem:$0x3FBA]  }
0x39: {  	_ = 	snop;
	(pc) =	sbr.ind lr, $3  }
0x3a: {  	_ = 	snop  }
0x3b: {  	_ = 	snop  }
0x3c: {  	p2 =	seq.s32 s10, $0x1;
	s10 =	sld [smem:$0x3FB9]  }
0x3d: {  	_ =	shalt  }
0x3e: {  	_ =	shalt  }
0x3f: {  	_ =	shalt  }
0x40: {  	_ =	shalt  }
0x41: {  	_ =	shalt  }
0x42: {  	_ =	shalt  }
0x43: {  	_ =	shalt  }
0x44: {  	_ =	shalt  }
0x45: {  	_ =	shalt  }
0x46: {  	_ =	shalt  }
0x47: {  	_ =	shalt  }
0x48: {  	_ =	shalt  }
0x49: {  	_ =	shalt  }
0x4a: {  	_ =	shalt  }
0x4b: {  	_ =	shalt  }
0x4c: {  	_ =	shalt  }
0x4d: {  	_ =	shalt  }
0x4e: {  	_ =	shalt  }
0x4f: {  	_ =	shalt  }
0x50: {  	_ =	shalt  }
0x51: {  	_ =	shalt  }
0x52: {  	_ =	shalt  }
0x53: {  	_ =	shalt  }
0x54: {  	_ =	shalt  }
0x55: {  	_ =	shalt  }
0x56: {  	_ =	shalt  }
0x57: {  	_ =	shalt  }
0x58: {  	_ =	shalt  }
0x59: {  	_ =	shalt  }
0x5a: {  	_ =	shalt  }
0x5b: {  	_ =	shalt  }
0x5c: {  	_ =	shalt  }
0x5d: {  	_ =	shalt  }
0x5e: {  	_ =	shalt  }
0x5f: {  	_ =	shalt  }
0x60: {  	_ =	shalt  }
0x61: {  	_ =	shalt  }
0x62: {  	_ =	shalt  }
0x63: {  	_ =	shalt  }
0x64: {  	_ =	shalt  }
0x65: {  	_ =	shalt  }
0x66: {  	_ =	shalt  }
0x67: {  	_ =	shalt  }
0x68: {  	_ =	shalt  }
0x69: {  	_ =	shalt  }
0x6a: {  	_ =	shalt  }
0x6b: {  	_ =	shalt  }
0x6c: {  	_ =	shalt  }
0x6d: {  	_ =	shalt  }
0x6e: {  	_ =	shalt  }
0x6f: {  	_ =	shalt  }
0x70: {  	_ =	shalt  }
0x71: {  	_ =	shalt  }
0x72: {  	_ =	shalt  }
0x73: {  	_ =	shalt  }
0x74: {  	_ =	shalt  }
0x75: {  	_ =	shalt  }
0x76: {  	_ =	shalt  }
0x77: {  	_ =	shalt  }
0x78: {  	_ =	shalt  }
0x79: {  	_ =	shalt  }
0x7a: {  	_ =	shalt  }
0x7b: {  	_ =	shalt  }
0x7c: {  	_ =	shalt  }
0x7d: {  	_ =	shalt  }
0x7e: {  	_ =	shalt  }
0x7f: {  	_ =	shalt  }
0x80: {  	_ =	shalt  }
0x81: {  	_ =	shalt  }
0x82: {  	_ =	shalt  }
0x83: {  	_ =	shalt  }
0x84: {  	_ =	shalt  }
0x85: {  	_ =	shalt  }
0x86: {  	_ =	shalt  }
0x87: {  	_ =	shalt  }
.Lfunc_end0:
.L_simem_size_0:
called_computation.3_lowered:
.L_overlay_start_0:
0x88: {  	s2 =	sld [smem:$0x3FD9]  }
0x89: {  	s3 =	sld [smem:$0x3FFE];
	_ =	sdelay $0x1  }
0x8a: {  	s1 =	srdreg.scid  }
0x8b: {  	s0 =	sand.u32 $0x1, s1  }
0x8c: {  	s16 =	sshll.u32 s0, $0xA;
	s2 =	sadd.s32 s3, s2  }
0x8d: {  	s2 =	sadd.s32 s2, s16  }
0x8e: {  	[smem:$0x3FC5] =	sst s2  }
0x8f: {  	_ = 	snop  }
0x90: {  	(tm) =	ssettm $0x1  }
0x91: {  	s17 =	sld [smem:$0x3FFB];
	_ =	sdelay $0x3  }
0x92: {  	_ =	strace s17  }
0x93: {  	s2 =	sld [smem:$0x3FFC];
	_ =	sdelay $0x3  }
0x94: {  	_ =	strace s2  }
0x95: {  	s2 =	sld [smem:$0x3FFD];
	_ =	sdelay $0x3  }
0x96: {  	_ =	strace s2  }
0x97: {  	_ =	strace $0x8FFFFFFF  }
0x98: {  	s18 =	sld [smem:$0x3FDB];
	_ =	sdelay $0x1  }
0x99: {  	s19 =	simm.s32 $_scs_section_size  }
0x9a: {  	s4 =	simm.s32 $_size__tile_overlayer_lowered;
	s5 =	simm.s32 $_tile_overlayer_lowered  }
0x9b: {  	s22 =	simm.s32 $0x1BFF;
	s21 =	sshll.u32 s5, $0x1;
	s2 =	sadd.s32 s19, s18  }
0x9c: {  	s6 =	simm.s32 $0x0;
	s20 =	sshll.u32 s4, $0x1;
	s4 =	sadd.s32 s21, s2  }
0x9d: {  	[timem:s6], [sflag:s22] =	dma.local [hbm:s4], s20  }
0x9e: {  	_ =	swait.ge [sflag:s22], s20  }
0x9f: {  	s3 =	ssub.s32 $0x0, s20;
	[sflag:s22] =	ssyncset.done $0x0  }
0xa0: {  	[sflag:s22] =	ssyncadd.s32 s3;
	_ =	sdelay $0x1  }
0xa1: {  	s23 =	simm.s32 $0x1B8B  }
0xa2: {  	_ =	swait.ge [sflag:s23], $0x1  }
0xa3: {  	[sflag:s23] =	ssyncset.done $0x0  }
0xa4: {  	s25 =	simm.s32 $0x1B8E;
	s24 =	sld [smem:$0x3FFE];
	[sflag:s23] =	ssyncadd.s32 $0xFFFFFFFF  }
0xa5: {  	s26 =	simm.s32 $execute0_lowered;
	[smem:$0x3FD2] =	sst s25  }
0xa6: {  	s4 =	sshll.u32 s26, $0x1;
	_ =	strace $0x8000004F;
	[dreg:$0x1] =	wrdreg $0xFFFFFFFF  }
0xa7: {  	s28 =	simm.s32 $_size_execute0_lowered;
	s2 =	sadd.s32 s2, s4;
	[dreg:$0x0] =	wrdreg $0x0  }
0xa8: {  	s4 =	sshll.u32 s28, $0x1;
	[dreg:$0x2] =	wrdreg s2  }
0xa9: {  	[dreg:$0x3] =	wrdreg s4  }
0xaa: {  	[dreg:$0x4] =	wrdreg $0xC0  }
0xab: {  	_ =	task [dreg:s6], $0x5FFFF  }
0xac: {  	[dreg:$0x1] =	wrdreg $0xFFFFFFFF  }
0xad: {  	[dreg:$0x0] =	wrdreg $0x60  }
0xae: {  	[dreg:$0x2] =	wrdreg s24  }
0xaf: {  	[dreg:$0x3] =	wrdreg $0x9  }
0xb0: {  	_ =	task.clear_ibuf [dreg:s6], $0x4FFFF;
	_ =	strace $0x9000004F  }
0xb1: {  	s29 =	simm.s32 $0x9;
	_ =	strace $0x80000051  }
0xb2: {  	_ =	swait.ge [sflag:s29], $0x1  }
0xb3: {  	[sflag:s29] =	ssyncadd.s32 $0xFFFFFFFF  }
0xb4: {  	_ =	strace $0x90000051  }
0xb5: {  	_ =	sfence  }
0xb6: {  	s30 =	sld [smem:$0x0];
	_ =	sdelay $0x2  }
0xb7: {  	s31 =	sshll.u32 s1, $0xD;
	s1 =	sshrl.u32 s1, $0x2  }
0xb8: {  	s3 =	sand.u32 $0x4000, s31;
	s1 =	sadd.s32 s1, s30  }
0xb9: {  	s0 =	sor.u32 s3, s0;
	s1 =	sshll.u32 s1, $0x11  }
0xba: {  	s0 =	sor.u32 s1, s0  }
0xbb: {  	s0 =	sadd.s32 $0x8F2B, s0  }
0xbc: {  	[sflag:s0] =	ssyncadd.remote.s32 $0x1  }
0xbd: {  	_ =	sfence.sel $0xFFFF  }
0xbe: {  	[dreg:$0x0] =	wrdreg $0xFFFFFFFF;
	(pc) =	sbr.abs _section_cstart, $3  }
0xbf: {  	[dreg:$0x1] =	wrdreg $0xFFFFFFFF  }
0xc0: {  	_ =	task.clear_ibuf [dreg:s6], $0x2FFFF;
	_ =	strace $0x9FFFFFFF  }
0xc1: {  	(tm) =	ssettm $0x7FFFFFFF  }
tec
execute0_lowered:
.L_overlay_start_1:
0x0: {  	(tag) =	ssettag $0x1  }
0x1: {  	s1 =	srdreg.scid  }
0x2: {  	s0 =	stileid.u32;
	s4 =	rddreg [dreg:$0x0]  }
0x3: {  	s2 =	simm.s32 $0x0;
	s10 =	simm.s32 $0xC8000;
	s11 =	simm.s32 $0x1  }
0x4: {  	s12 =	simm.s32 $0x19C80;
	s3 =	sand.u32 $0x1, s1;
	s31 =	sshll.u32 s0, $0x1  }
0x5: {  	s13 =	simm.s32 $0x19000;
	s14 =	simm.s32 $0x1A900;
	s5 =	sor.u32 s3, s31  }
0x6: {  	s15 =	simm.s32 $0x0;
	s1 =	rddreg [dreg:$0x1];
	s6 =	smul.u32 $0xC80, s5  }
0x7: {  	[smem:$0x7FF] =	sst s2;
	s3 =	ssub.s32 $0x2, s3;
	s5 =	smul.u32 $0x190, s5  }
0x8: {  	_ =	strace $0x80000050;
	s7 =	sshrl.u32 s3, $0x1;
	s6 =	sadd.s32 s6, s4  }
0x9: {  	s9 =	ssub.s32 s3, s7;
	s8 =	sadd.s32 s5, s4;
	s3 =	sadd.s32 $0x2A00, s6  }
0xa: {  	s4 =	sadd.s32 $0x70000, s8;
	s5 =	sadd.s32 $0x69C00, s8;
	s6 =	sadd.s32 $0x6CE00, s8  }
0xb: {  	s7 =	sadd.s32 $0x66A00, s8;
	s8 =	smax.u32 s9, $0x1;
	s9 =	simm.s32 $0x6400  }
.LBB2_1:
0xc: {  	[tilespmem:s2], [sflag:$0x1] =	stream.strided.gather [hbm4b:s3+s9], $0x19000, s10, s9, $0x38;
	[tilespmem:$0x1B580] =	vst v63  }
0xd: {  	_ =	swait.ge [sflag:s11], $0x19000  }
0xe: {  	[sflag:s11] =	ssyncset.done $0x0  }
0xf: {  	[sflag:s11] =	ssyncadd.s32 $0xFFFE7000  }
0x10: {  	[tilespmem:s13], [sflag:$0x1] =	stream.linear.gather [hbm4b:s4+s2], $0xC80, $0x38;
	[tilespmem:$0x1B580] =	vst v63  }
0x11: {  	_ =	swait.ge [sflag:s11], $0xC80  }
0x12: {  	s16 =	sand.u32 $0x70, s2;
	s17 =	sand.u32 $0x7C00, s2;
	[sflag:s11] =	ssyncset.done $0x0  }
0x13: {  	s16 =	sor.u32 s16, s17;
	[sflag:s11] =	ssyncadd.s32 $0xFFFFF380  }
0x14: {  	v0 =	vld [tilespmem:s16+$0x0]  }
0x15: {  	v1 =	vld [tilespmem:s16+$0x80];
	_ =	sdelay $0x1  }
0x16: {  	v2 =	vld [tilespmem:s16+$0x100];
	_ =	sdelay $0x1  }
0x17: {  	v3 =	vld [tilespmem:s16+$0x180]  }
0x18: {  	v0 =	vadd.f32 v1, v0  }
0x19: {  	v32 =	vld [tilespmem:s16+$0x200]  }
0x1a: {  	v0 =	vadd.f32 v2, v0  }
0x1b: {  	v33 =	vld [tilespmem:s16+$0x280]  }
0x1c: {  	v0 =	vadd.f32 v3, v0  }
0x1d: {  	v34 =	vld [tilespmem:s16+$0x300]  }
0x1e: {  	v0 =	vadd.f32 v32, v0  }
0x1f: {  	v35 =	vld [tilespmem:s16+$0x380]  }
0x20: {  	v0 =	vadd.f32 v33, v0  }
0x21: {  	v36 =	vld [tilespmem:s16+$0x6400]  }
0x22: {  	v0 =	vadd.f32 v34, v0  }
0x23: {  	v37 =	vld [tilespmem:s16+$0x6480]  }
0x24: {  	v0 =	vadd.f32 v35, v0  }
0x25: {  	v38 =	vld [tilespmem:s16+$0x6500]  }
0x26: {  	v0 =	vadd.f32 v36, v0  }
0x27: {  	v39 =	vld [tilespmem:s16+$0x6580]  }
0x28: {  	v0 =	vadd.f32 v37, v0  }
0x29: {  	v40 =	vld [tilespmem:s16+$0x6600]  }
0x2a: {  	v0 =	vadd.f32 v38, v0  }
0x2b: {  	v41 =	vld [tilespmem:s16+$0x6680]  }
0x2c: {  	v0 =	vadd.f32 v39, v0  }
0x2d: {  	v42 =	vld [tilespmem:s16+$0x6700]  }
0x2e: {  	v0 =	vadd.f32 v40, v0  }
0x2f: {  	v43 =	vld [tilespmem:s16+$0x6780]  }
0x30: {  	v0 =	vadd.f32 v41, v0  }
0x31: {  	v44 =	vld [tilespmem:s16+$0xC800]  }
0x32: {  	v0 =	vadd.f32 v42, v0  }
0x33: {  	v45 =	vld [tilespmem:s16+$0xC880]  }
0x34: {  	v0 =	vadd.f32 v43, v0  }
0x35: {  	v46 =	vld [tilespmem:s16+$0xC900]  }
0x36: {  	v0 =	vadd.f32 v44, v0  }
0x37: {  	v47 =	vld [tilespmem:s16+$0xC980]  }
0x38: {  	v0 =	vadd.f32 v45, v0  }
0x39: {  	v48 =	vld [tilespmem:s16+$0xCA00]  }
0x3a: {  	v0 =	vadd.f32 v46, v0  }
0x3b: {  	v49 =	vld [tilespmem:s16+$0xCA80]  }
0x3c: {  	v0 =	vadd.f32 v47, v0  }
0x3d: {  	v50 =	vld [tilespmem:s16+$0xCB00]  }
0x3e: {  	v0 =	vadd.f32 v48, v0  }
0x3f: {  	v51 =	vld [tilespmem:s16+$0xCB80]  }
0x40: {  	v0 =	vadd.f32 v49, v0  }
0x41: {  	v52 =	vld [tilespmem:s16+$0x12C00]  }
0x42: {  	v0 =	vadd.f32 v50, v0  }
0x43: {  	v53 =	vld [tilespmem:s16+$0x12C80]  }
0x44: {  	v0 =	vadd.f32 v51, v0  }
0x45: {  	v54 =	vld [tilespmem:s16+$0x12D00]  }
0x46: {  	v0 =	vadd.f32 v52, v0  }
0x47: {  	v55 =	vld [tilespmem:s16+$0x12D80]  }
0x48: {  	v0 =	vadd.f32 v53, v0  }
0x49: {  	v56 =	vld [tilespmem:s16+$0x12E00]  }
0x4a: {  	v0 =	vadd.f32 v54, v0  }
0x4b: {  	v57 =	vld [tilespmem:s16+$0x12E80]  }
0x4c: {  	v0 =	vadd.f32 v55, v0  }
0x4d: {  	v58 =	vld [tilespmem:s16+$0x12F00]  }
0x4e: {  	v0 =	vadd.f32 v56, v0  }
0x4f: {  	v59 =	vld [tilespmem:s16+$0x12F80]  }
0x50: {  	v0 =	vadd.f32 v57, v0;
	_ =	sdelay $0x1  }
0x51: {  	v0 =	vadd.f32 v58, v0;
	_ =	sdelay $0x1  }
0x52: {  	v0 =	vadd.f32 v59, v0;
	_ =	sdelay $0x1  }
0x53: {  	v0 =	vsub.f32 $0.0e+00, v0;
	_ =	sdelay $0x1  }
0x54: {  	v0 =	vmul.f32 $1.442695020e+00, v0;
	_ =	sdelay $0x1  }
0x55: {  	(erf) = vpow2.f32 v0;
	_ =	sdelay $0x6  }
0x56: {  	v60 =	vld [tilespmem:s13+$0x0];
	_ =	sdelay $0x1  }
0x57: {  	v61 =	vpop (erf)  }
0x58: {  	v1 =	vsub.f32 $1.000000000e+00, v61;
	_ =	sdelay $0x1  }
0x59: {  	v1 =	vmul.f32 v1, v60;
	_ =	sdelay $0x1  }
0x5a: {  	v62 =	vsub.f32 $1.000000000e+00, v1;
	_ =	sdelay $0x1  }
0x5b: {  	v0 =	vmul.f32 v62, v60;
	_ =	sdelay $0x1  }
0x5c: {  	s30 =	simm.s32 $0x10;
	s19 =	simm.s32 $0x80;
	s20 =	simm.s32 $0x20;
	[tilespmem:s12+$0x0] =	vst v1;
	v63 =	vsub.f32 $1.000000000e+00, v0  }
0x5d: {  	s18 =	simm.s32 $0x19000;
	s31 =	sand.u32 $0x7C00, s19;
	s16 =	sand.u32 $0x70, s30;
	[tilespmem:s13+$0x0] =	vst v0  }
0x5e: {  	s17 =	simm.s32 $0x19C80;
	s21 =	sor.u32 s16, s31;
	s16 =	simm.s32 $0x1A900;
	[tilespmem:s14+$0x0] =	vst v63  }
.LBB2_2:
0x5f: {  	p0 =	sne.s32 s20, $0xC70;
	v0 =	vld [tilespmem:s21+$0x0]  }
0x60: {  	v1 =	vld [tilespmem:s21+$0x80]  }
0x61: {  	v2 =	vld [tilespmem:s21+$0x100]  }
0x62: {  	v3 =	vld [tilespmem:s21+$0x180]  }
0x63: {  	v4 =	vld [tilespmem:s21+$0x200]  }
0x64: {  	v5 =	vld [tilespmem:s21+$0x280]  }
0x65: {  	v0 =	vadd.f32 v1, v0;
	v1 =	vld [tilespmem:s21+$0x300]  }
0x66: {  	v6 =	vld [tilespmem:s21+$0x380]  }
0x67: {  	v0 =	vadd.f32 v2, v0;
	v2 =	vld [tilespmem:s21+$0x6400]  }
0x68: {  	v7 =	vld [tilespmem:s21+$0x6480]  }
0x69: {  	v0 =	vadd.f32 v3, v0;
	v3 =	vld [tilespmem:s21+$0x6500]  }
0x6a: {  	v8 =	vld [tilespmem:s21+$0x6580]  }
0x6b: {  	v0 =	vadd.f32 v4, v0;
	v4 =	vld [tilespmem:s21+$0x6600]  }
0x6c: {  	v9 =	vld [tilespmem:s21+$0x6680]  }
0x6d: {  	v0 =	vadd.f32 v5, v0;
	v5 =	vld [tilespmem:s21+$0x6700]  }
0x6e: {  	v10 =	vld [tilespmem:s21+$0x6780]  }
0x6f: {  	v0 =	vadd.f32 v1, v0;
	v1 =	vld [tilespmem:s21+$0xC800]  }
0x70: {  	v11 =	vld [tilespmem:s21+$0xC880]  }
0x71: {  	v0 =	vadd.f32 v6, v0;
	v6 =	vld [tilespmem:s21+$0xC900]  }
0x72: {  	v12 =	vld [tilespmem:s21+$0xC980]  }
0x73: {  	v0 =	vadd.f32 v2, v0;
	v2 =	vld [tilespmem:s21+$0xCA00]  }
0x74: {  	v13 =	vld [tilespmem:s21+$0xCA80]  }
0x75: {  	v0 =	vadd.f32 v7, v0;
	v7 =	vld [tilespmem:s21+$0xCB00]  }
0x76: {  	v14 =	vld [tilespmem:s21+$0xCB80]  }
0x77: {  	v0 =	vadd.f32 v3, v0;
	v3 =	vld [tilespmem:s21+$0x12C00]  }
0x78: {  	v15 =	vld [tilespmem:s21+$0x12C80]  }
0x79: {  	v0 =	vadd.f32 v8, v0;
	v8 =	vld [tilespmem:s21+$0x12D00]  }
0x7a: {  	v16 =	vld [tilespmem:s21+$0x12D80]  }
0x7b: {  	v0 =	vadd.f32 v4, v0;
	v4 =	vld [tilespmem:s21+$0x12E00]  }
0x7c: {  	v17 =	vld [tilespmem:s21+$0x12E80]  }
0x7d: {  	v0 =	vadd.f32 v9, v0;
	v9 =	vld [tilespmem:s21+$0x12F00]  }
0x7e: {  	s18 =	sadd.s32 $0x10, s18;
	v18 =	vld [tilespmem:s21+$0x12F80]  }
0x7f: {  	v0 =	vadd.f32 v5, v0;
	v5 =	vld [tilespmem:s18+$0x0];
	_ =	sdelay $0x1  }
0x80: {  	v0 =	vadd.f32 v10, v0;
	_ =	sdelay $0x1  }
0x81: {  	v0 =	vadd.f32 v1, v0;
	_ =	sdelay $0x1  }
0x82: {  	v0 =	vadd.f32 v11, v0;
	_ =	sdelay $0x1  }
0x83: {  	v0 =	vadd.f32 v6, v0;
	_ =	sdelay $0x1  }
0x84: {  	v0 =	vadd.f32 v12, v0;
	_ =	sdelay $0x1  }
0x85: {  	v0 =	vadd.f32 v2, v0;
	_ =	sdelay $0x1  }
0x86: {  	v0 =	vadd.f32 v13, v0;
	_ =	sdelay $0x1  }
0x87: {  	v0 =	vadd.f32 v7, v0;
	_ =	sdelay $0x1  }
0x88: {  	v0 =	vadd.f32 v14, v0;
	_ =	sdelay $0x1  }
0x89: {  	v0 =	vadd.f32 v3, v0;
	_ =	sdelay $0x1  }
0x8a: {  	v0 =	vadd.f32 v15, v0;
	_ =	sdelay $0x1  }
0x8b: {  	v0 =	vadd.f32 v8, v0;
	_ =	sdelay $0x1  }
0x8c: {  	v0 =	vadd.f32 v16, v0;
	_ =	sdelay $0x1  }
0x8d: {  	v0 =	vadd.f32 v4, v0;
	_ =	sdelay $0x1  }
0x8e: {  	v0 =	vadd.f32 v17, v0;
	_ =	sdelay $0x1  }
0x8f: {  	v0 =	vadd.f32 v9, v0;
	_ =	sdelay $0x1  }
0x90: {  	v0 =	vadd.f32 v18, v0;
	_ =	sdelay $0x1  }
0x91: {  	v0 =	vsub.f32 $0.0e+00, v0;
	_ =	sdelay $0x1  }
0x92: {  	v0 =	vmul.f32 $1.442695020e+00, v0;
	_ =	sdelay $0x1  }
0x93: {  	(erf) = vpow2.f32 v0;
	_ =	sdelay $0x8  }
0x94: {  	v0 =	vpop (erf)  }
0x95: {  	v0 =	vsub.f32 $1.000000000e+00, v0;
	_ =	sdelay $0x1  }
0x96: {  	v0 =	vmul.f32 v0, v5;
	_ =	sdelay $0x1  }
0x97: {  	v1 =	vsub.f32 $1.000000000e+00, v0;
	_ =	sdelay $0x1  }
.Ltmp0:
0x98: {  	v1 =	vmul.f32 v1, v5;
	(pc) =	sbr.rel @p0 .LBB2_2-.Ltmp0, $4  }
0x99: {  	s17 =	sadd.s32 $0x10, s17  }
0x9a: {  	s19 =	sadd.s32 $0x80, s19;
	[tilespmem:s17+$0x0] =	vst v0;
	v0 =	vsub.f32 $1.000000000e+00, v1  }
0x9b: {  	s16 =	sadd.s32 $0x10, s16;
	s22 =	sand.u32 $0x7C00, s19;
	s21 =	sand.u32 $0x70, s20;
	[tilespmem:s18+$0x0] =	vst v1  }
0x9c: {  	s20 =	sadd.s32 $0x10, s20;
	s21 =	sor.u32 s21, s22;
	[tilespmem:s16+$0x0] =	vst v0  }
0x9d: {  	v0 =	vld [tilespmem:s21+$0x0]  }
0x9e: {  	v1 =	vld [tilespmem:s21+$0x80];
	_ =	sdelay $0x1  }
0x9f: {  	v2 =	vld [tilespmem:s21+$0x100];
	_ =	sdelay $0x1  }
0xa0: {  	v3 =	vld [tilespmem:s21+$0x180]  }
0xa1: {  	v0 =	vadd.f32 v1, v0  }
0xa2: {  	v32 =	vld [tilespmem:s21+$0x200]  }
0xa3: {  	v0 =	vadd.f32 v2, v0  }
0xa4: {  	v33 =	vld [tilespmem:s21+$0x280]  }
0xa5: {  	v0 =	vadd.f32 v3, v0  }
0xa6: {  	v34 =	vld [tilespmem:s21+$0x300]  }
0xa7: {  	v0 =	vadd.f32 v32, v0  }
0xa8: {  	v35 =	vld [tilespmem:s21+$0x380]  }
0xa9: {  	v0 =	vadd.f32 v33, v0  }
0xaa: {  	v36 =	vld [tilespmem:s21+$0x6400]  }
0xab: {  	v0 =	vadd.f32 v34, v0  }
0xac: {  	v37 =	vld [tilespmem:s21+$0x6480]  }
0xad: {  	v0 =	vadd.f32 v35, v0  }
0xae: {  	v38 =	vld [tilespmem:s21+$0x6500]  }
0xaf: {  	v0 =	vadd.f32 v36, v0  }
0xb0: {  	v39 =	vld [tilespmem:s21+$0x6580]  }
0xb1: {  	v0 =	vadd.f32 v37, v0  }
0xb2: {  	v40 =	vld [tilespmem:s21+$0x6600]  }
0xb3: {  	v0 =	vadd.f32 v38, v0  }
0xb4: {  	v41 =	vld [tilespmem:s21+$0x6680]  }
0xb5: {  	v0 =	vadd.f32 v39, v0  }
0xb6: {  	v42 =	vld [tilespmem:s21+$0x6700]  }
0xb7: {  	v0 =	vadd.f32 v40, v0  }
0xb8: {  	v43 =	vld [tilespmem:s21+$0x6780]  }
0xb9: {  	v0 =	vadd.f32 v41, v0  }
0xba: {  	v44 =	vld [tilespmem:s21+$0xC800]  }
0xbb: {  	v0 =	vadd.f32 v42, v0  }
0xbc: {  	v45 =	vld [tilespmem:s21+$0xC880]  }
0xbd: {  	v0 =	vadd.f32 v43, v0  }
0xbe: {  	v46 =	vld [tilespmem:s21+$0xC900]  }
0xbf: {  	v0 =	vadd.f32 v44, v0  }
0xc0: {  	v47 =	vld [tilespmem:s21+$0xC980]  }
0xc1: {  	v0 =	vadd.f32 v45, v0  }
0xc2: {  	v48 =	vld [tilespmem:s21+$0xCA00]  }
0xc3: {  	v0 =	vadd.f32 v46, v0  }
0xc4: {  	v49 =	vld [tilespmem:s21+$0xCA80]  }
0xc5: {  	v0 =	vadd.f32 v47, v0  }
0xc6: {  	v50 =	vld [tilespmem:s21+$0xCB00]  }
0xc7: {  	v0 =	vadd.f32 v48, v0  }
0xc8: {  	v51 =	vld [tilespmem:s21+$0xCB80]  }
0xc9: {  	v0 =	vadd.f32 v49, v0  }
0xca: {  	v52 =	vld [tilespmem:s21+$0x12C00]  }
0xcb: {  	v0 =	vadd.f32 v50, v0  }
0xcc: {  	v53 =	vld [tilespmem:s21+$0x12C80]  }
0xcd: {  	v0 =	vadd.f32 v51, v0  }
0xce: {  	v54 =	vld [tilespmem:s21+$0x12D00]  }
0xcf: {  	v0 =	vadd.f32 v52, v0  }
0xd0: {  	v55 =	vld [tilespmem:s21+$0x12D80]  }
0xd1: {  	v0 =	vadd.f32 v53, v0  }
0xd2: {  	v56 =	vld [tilespmem:s21+$0x12E00]  }
0xd3: {  	v0 =	vadd.f32 v54, v0  }
0xd4: {  	v57 =	vld [tilespmem:s21+$0x12E80]  }
0xd5: {  	v0 =	vadd.f32 v55, v0  }
0xd6: {  	v58 =	vld [tilespmem:s21+$0x12F00]  }
0xd7: {  	v0 =	vadd.f32 v56, v0  }
0xd8: {  	v59 =	vld [tilespmem:s21+$0x12F80]  }
0xd9: {  	v0 =	vadd.f32 v57, v0;
	_ =	sdelay $0x1  }
0xda: {  	v0 =	vadd.f32 v58, v0;
	_ =	sdelay $0x1  }
0xdb: {  	v0 =	vadd.f32 v59, v0;
	_ =	sdelay $0x1  }
0xdc: {  	v0 =	vsub.f32 $0.0e+00, v0;
	_ =	sdelay $0x1  }
0xdd: {  	v0 =	vmul.f32 $1.442695020e+00, v0;
	_ =	sdelay $0x1  }
0xde: {  	(erf) = vpow2.f32 v0;
	_ =	sdelay $0x5  }
0xdf: {  	s18 =	sadd.s32 $0x10, s18  }
0xe0: {  	v60 =	vld [tilespmem:s18+$0x0];
	_ =	sdelay $0x1  }
0xe1: {  	v61 =	vpop (erf)  }
0xe2: {  	v1 =	vsub.f32 $1.000000000e+00, v61;
	_ =	sdelay $0x1  }
0xe3: {  	v1 =	vmul.f32 v1, v60;
	_ =	sdelay $0x1  }
0xe4: {  	v62 =	vsub.f32 $1.000000000e+00, v1;
	_ =	sdelay $0x1  }
0xe5: {  	v0 =	vmul.f32 v62, v60  }
0xe6: {  	s17 =	sadd.s32 $0x10, s17  }
0xe7: {  	[tilespmem:s17+$0x0] =	vst v1;
	v63 =	vsub.f32 $1.000000000e+00, v0  }
0xe8: {  	s16 =	sadd.s32 $0x10, s16;
	[tilespmem:s18+$0x0] =	vst v0  }
0xe9: {  	[tilespmem:s16+$0x0] =	vst v63  }
0xea: {  	[hbm4b:s5+s2] =	stream.linear.scatter [tilespmem:s12], [sflag:$0x1], $0xC80, $0x38;
	[tilespmem:$0x1B580] =	vst v63  }
0xeb: {  	_ =	swait.ge [sflag:s11], $0xC80  }
0xec: {  	[sflag:s11] =	ssyncset.done $0x0  }
0xed: {  	[sflag:s11] =	ssyncadd.s32 $0xFFFFF380  }
0xee: {  	[hbm4b:s6+s2] =	stream.linear.scatter [tilespmem:s13], [sflag:$0x1], $0xC80, $0x38;
	[tilespmem:$0x1B580] =	vst v63  }
0xef: {  	s15 =	sadd.s32 $0x1, s15;
	_ =	swait.ge [sflag:s11], $0xC80  }
0xf0: {  	p0 =	sne.s32 s15, s8;
	[sflag:s11] =	ssyncset.done $0x0  }
.Ltmp1:
0xf1: {  	[sflag:s11] =	ssyncadd.s32 $0xFFFFF380;
	(pc) =	sbr.rel @p0 .LBB2_1-.Ltmp1, $4  }
0xf2: {  	[hbm4b:s7+s2] =	stream.linear.scatter [tilespmem:s14], [sflag:$0x1], $0xC80, $0x38;
	[tilespmem:$0x1B580] =	vst v63  }
0xf3: {  	_ =	swait.ge [sflag:s11], $0xC80  }
0xf4: {  	[sflag:s11] =	ssyncset.done $0x0  }
0xf5: {  	[sflag:s11] =	ssyncadd.s32 $0xFFFFF380  }
0xf6: {  	_ =	sfence.sel $0x180000  }
0xf7: {  	[bflag:$0x0] =	sbarrier.arrive $0xFFFF  }
0xf8: {  	p0 =	sne.s32 s0, $0x0;
	_ =	strace $0x90000050  }
0xf9: {  	s0 =	sadd.s32 @!p0 $0x100000, s1;
	[bflag:$0x2] =	sbarrier.arrive $0xFFFF  }
0xfa: {  	[sflag:s0] =	ssyncadd.tile.s32 @!p0 $0x1;
	_ =	shalt  }
.Lfunc_end2:
_tile_overlayer_lowered:
.L_overlay_start_2:
0xfb: {  	(tag) =	ssettag $0x2  }
0xfc: {  	s0 =	rddreg [dreg:$0x0];
	s2 =	stileid.u32  }
0xfd: {  	s1 =	rddreg [dreg:$0x1];
	p0 =	sne.s32 s2, $0x0  }
0xfe: {  	s3 =	rddreg [dreg:$0x2];
	[bflag:$0x3] =	sbarrier.arrive $0xFFFF;
	s2 =	simm.s32 @!p0 $0x1C01  }
0xff: {  	[timem:s3], [sflag:s2] =	dma.local @!p0 [hbm:s0], s1  }
0x100: {  	s0 =	simm.s32 @!p0 $0x1  }
0x101: {  	_ =	swait.ge @!p0 [sflag:s0], s1  }
0x102: {  	s1 =	ssub.s32 @!p0 $0x0, s1;
	[sflag:s0] =	ssyncset.done @!p0 $0x0  }
0x103: {  	[sflag:s0] =	ssyncadd.s32 @!p0 s1  }
0x104: {  	[bflag:$0x3] =	sbarrier.arrive $0xFFFF  }
0x105: {  	_ =	shalt  }

</sc_bundles>
